<compile_context>
chip_gen: v7x
topology: tpu7x:2x2x1
jax: 0.10.2.dev20260603
libtpu: 0.0.44.dev20260713+nightly
codegen_flags: <defaults>
</compile_context>

<pallas_src>
import functools

import jax
import jax.numpy as jnp
from jax import lax
from jax.experimental import pallas as pl
from jax.experimental.pallas import tpu as pltpu
from jax.experimental.pallas import tpu_sc as plsc

NC = 2
NS = 16
NTILES = NC * NS
LANES = 16
CHUNK = 128
DEGW = 16
ZROWS = 64


def _sc_mesh():
    return plsc.VectorSubcoreMesh(
        core_axis_name="c", subcore_axis_name="s", num_cores=NC, num_subcores=NS
    )


def _make_deg_kernel(n_pad, cpt):
    rows_per_tile = n_pad // NS

    @functools.partial(
        pl.kernel,
        out_type=jax.ShapeDtypeStruct((NC, n_pad, DEGW), jnp.float32),
        mesh=_sc_mesh(),
        scratch_types=[
            pltpu.VMEM((cpt, CHUNK), jnp.int32),
            pltpu.VMEM((CHUNK, DEGW), jnp.float32),
            pltpu.VMEM((ZROWS, DEGW), jnp.float32),
            pltpu.VMEM_SHARED((n_pad, DEGW), jnp.float32),
        ],
    )
    def deg_kernel(row_hbm, out_hbm, idxb, onesb, zb, accum):
        cid = lax.axis_index("c")
        sid = lax.axis_index("s")
        wid = cid * NS + sid
        lane = lax.iota(jnp.int32, LANES)
        onevec = jnp.where(lane == 0, 1.0, 0.0).astype(jnp.float32)
        zvec = jnp.zeros((LANES,), jnp.float32)

        def fill_ones(r, carry):
            onesb[r, :] = onevec
            return carry

        lax.fori_loop(0, CHUNK, fill_ones, 0)

        def fill_z(r, carry):
            zb[r, :] = zvec
            return carry

        lax.fori_loop(0, ZROWS, fill_z, 0)

        def zero_accum(j, carry):
            pltpu.sync_copy(zb, accum.at[pl.ds(sid * rows_per_tile + j * ZROWS, ZROWS)])
            return carry

        lax.fori_loop(0, rows_per_tile // ZROWS, zero_accum, 0)
        plsc.subcore_barrier()

        pltpu.sync_copy(row_hbm.at[pl.ds(wid * cpt, cpt)], idxb)

        def step(j, carry):
            pltpu.sync_copy(onesb, accum.at[idxb.at[j]], add=True)
            return carry

        lax.fori_loop(0, cpt, step, 0)
        plsc.subcore_barrier()
        pltpu.sync_copy(
            accum.at[pl.ds(sid * rows_per_tile, rows_per_tile)],
            out_hbm.at[cid, pl.ds(sid * rows_per_tile, rows_per_tile)],
        )

    return deg_kernel


NBUF = 2
SPC = 8


def _make_agg_kernel(n, d, n_pad, cpt0, cpt1):
    rows_per_tile = n_pad // NS
    cpt_max = max(cpt0, cpt1)
    assert cpt0 % (2 * SPC) == 0 and cpt1 % (2 * SPC) == 0
    assert rows_per_tile % CHUNK == 0

    @functools.partial(
        pl.kernel,
        out_type=jax.ShapeDtypeStruct((NC, n_pad, d), jnp.float32),
        mesh=_sc_mesh(),
        scratch_types=[
            pltpu.VMEM((2, SPC, CHUNK), jnp.int32),
            pltpu.VMEM((2, SPC, CHUNK), jnp.int32),
            pltpu.VMEM((NBUF, CHUNK, d), jnp.float32),
            pltpu.VMEM_SHARED((n_pad, d), jnp.float32),
            pltpu.SemaphoreType.DMA((NBUF,)),
            pltpu.SemaphoreType.DMA((2,)),
        ],
    )
    def agg_kernel(g_hbm, col_hbm, row_hbm, out_hbm, cib, rib, gbuf, accum,
                   semg, semi):
        cid = lax.axis_index("c")
        sid = lax.axis_index("s")
        zvec = jnp.zeros((LANES,), jnp.float32)

        def fill_z(r, carry):
            for cc in range(d // LANES):
                gbuf[0, r, pl.ds(cc * LANES, LANES)] = zvec
            return carry

        lax.fori_loop(0, CHUNK, fill_z, 0)

        def zero_accum(j, carry):
            pltpu.sync_copy(
                gbuf.at[0], accum.at[pl.ds(sid * rows_per_tile + j * CHUNK, CHUNK)]
            )
            return carry

        lax.fori_loop(0, rows_per_tile // CHUNK, zero_accum, 0)
        plsc.subcore_barrier()

        def run_pipeline(nouter, chunk_base):
            def load_stripe(buf, s):
                base = chunk_base + s * SPC
                pltpu.async_copy(col_hbm.at[pl.ds(base, SPC)], cib.at[buf], semi.at[buf])
                pltpu.async_copy(row_hbm.at[pl.ds(base, SPC)], rib.at[buf], semi.at[buf])

            def wait_stripe(buf):
                pltpu.make_async_copy(col_hbm.at[pl.ds(0, SPC)], cib.at[buf], semi.at[buf]).wait()
                pltpu.make_async_copy(row_hbm.at[pl.ds(0, SPC)], rib.at[buf], semi.at[buf]).wait()

            def start_gather(p, r, b):
                pltpu.async_copy(g_hbm.at[cib.at[p, r]], gbuf.at[b], semg.at[b])

            def wait_gather(b):
                pltpu.make_async_copy(g_hbm.at[cib.at[0, 0]], gbuf.at[b], semg.at[b]).wait()

            load_stripe(0, 0)
            wait_stripe(0)
            load_stripe(1, 1)
            start_gather(0, 0, 0)
            start_gather(0, 1, 1)

            def outer(o, carry):
                for k in range(2 * SPC):
                    b = k % 2
                    p, r = k // SPC, k % SPC
                    wait_gather(b)
                    pltpu.sync_copy(gbuf.at[b], accum.at[rib.at[p, r]], add=True)
                    if k == SPC - 1:
                        @pl.when(o + 1 < nouter)
                        def _():
                            load_stripe(0, 2 * (o + 1))

                    kk = k + 2
                    if kk < SPC:
                        start_gather(0, kk, b)
                    elif kk == SPC:
                        wait_stripe(1)
                        start_gather(1, 0, b)
                    elif kk < 2 * SPC:
                        start_gather(1, kk - SPC, b)
                    else:
                        @pl.when(o + 1 < nouter)
                        def _():
                            if kk == 2 * SPC:
                                wait_stripe(0)
                            start_gather(0, kk - 2 * SPC, b)

                @pl.when(o + 1 < nouter)
                def _():
                    load_stripe(1, 2 * (o + 1) + 1)

                return carry

            lax.fori_loop(0, nouter, outer, 0)

        if cpt0 > 0:
            @pl.when(cid == 0)
            def _():
                run_pipeline(cpt0 // (2 * SPC), sid * cpt0)

        if cpt1 > 0:
            @pl.when(cid == 1)
            def _():
                run_pipeline(cpt1 // (2 * SPC), NS * cpt0 + sid * cpt1)

        plsc.subcore_barrier()
        pltpu.sync_copy(
            accum.at[pl.ds(sid * rows_per_tile, rows_per_tile)],
            out_hbm.at[cid, pl.ds(sid * rows_per_tile, rows_per_tile)],
        )

    return agg_kernel


def _dinv(degp_ref):
    return lax.rsqrt(degp_ref[0, :, 0:1] + degp_ref[1, :, 0:1] + 1.0)


def _elu(t):
    return jnp.where(t > 0, t, jnp.exp(t) - 1.0)


def _tc1_body(x_ref, w_ref, degp_ref, o_ref):
    h = jnp.dot(x_ref[...], w_ref[...], preferred_element_type=jnp.float32)
    o_ref[...] = h * _dinv(degp_ref)


def _tc2_body(s_ref, g_ref, degp_ref, b_ref, w_ref, o_ref):
    dinv = _dinv(degp_ref)
    t = dinv * (s_ref[0] + s_ref[1] + g_ref[...]) + b_ref[...]
    h2 = jnp.dot(_elu(t), w_ref[...], preferred_element_type=jnp.float32)
    o_ref[...] = h2 * dinv


def _tc3_body(s_ref, g_ref, degp_ref, b_ref, o_ref):
    t = _dinv(degp_ref) * (s_ref[0] + s_ref[1] + g_ref[...]) + b_ref[...]
    o_ref[...] = _elu(t)


def _run_tc1(x, w, degp, bm):
    n, d = x.shape
    return pl.pallas_call(
        _tc1_body,
        grid=(n // bm,),
        in_specs=[
            pl.BlockSpec((bm, d), lambda i: (i, 0)),
            pl.BlockSpec((d, d), lambda i: (0, 0)),
            pl.BlockSpec((NC, bm, DEGW), lambda i: (0, i, 0)),
        ],
        out_specs=pl.BlockSpec((bm, d), lambda i: (i, 0)),
        out_shape=jax.ShapeDtypeStruct((n, d), jnp.float32),
    )(x, w, degp)


def _run_tc2(s, g, degp, b, w, bm):
    n, d = g.shape
    return pl.pallas_call(
        _tc2_body,
        grid=(n // bm,),
        in_specs=[
            pl.BlockSpec((NC, bm, d), lambda i: (0, i, 0)),
            pl.BlockSpec((bm, d), lambda i: (i, 0)),
            pl.BlockSpec((NC, bm, DEGW), lambda i: (0, i, 0)),
            pl.BlockSpec((1, d), lambda i: (0, 0)),
            pl.BlockSpec((d, d), lambda i: (0, 0)),
        ],
        out_specs=pl.BlockSpec((bm, d), lambda i: (i, 0)),
        out_shape=jax.ShapeDtypeStruct((n, d), jnp.float32),
    )(s, g, degp, b, w)


def _run_tc3(s, g, degp, b, bm):
    n, d = g.shape
    return pl.pallas_call(
        _tc3_body,
        grid=(n // bm,),
        in_specs=[
            pl.BlockSpec((NC, bm, d), lambda i: (0, i, 0)),
            pl.BlockSpec((bm, d), lambda i: (i, 0)),
            pl.BlockSpec((NC, bm, DEGW), lambda i: (0, i, 0)),
            pl.BlockSpec((1, d), lambda i: (0, 0)),
        ],
        out_specs=pl.BlockSpec((bm, d), lambda i: (i, 0)),
        out_shape=jax.ShapeDtypeStruct((n, d), jnp.float32),
    )(s, g, degp, b)


def kernel(x, W1, b1, W2, b2, edge_index):
    n, d = x.shape
    e = edge_index.shape[1]
    col = edge_index[0]
    row = edge_index[1]

    cpt_sum = -(-e // (NS * CHUNK))
    cpt_sum = -(-cpt_sum // 32) * 32
    cpt0 = cpt_sum
    cpt1 = cpt_sum - cpt0
    e_pad = cpt_sum * CHUNK * NS
    pad = e_pad - e
    align = NS * ZROWS
    n_pad = -(-n // align) * align
    dummy = n + (jnp.arange(pad, dtype=jnp.int32) % (n_pad - n))
    col_p = jnp.concatenate([col, jnp.zeros((pad,), jnp.int32)]).reshape(-1, CHUNK)
    row_p = jnp.concatenate([row, dummy]).reshape(-1, CHUNK)

    degp = _make_deg_kernel(n_pad, cpt_sum // NC)(row_p)
    agg = _make_agg_kernel(n, d, n_pad, cpt0, cpt1)

    bm = 1000
    b1r = b1.reshape(1, d)
    b2r = b2.reshape(1, d)

    g1 = _run_tc1(x, W1, degp, bm)
    s1 = agg(g1, col_p, row_p)
    g2 = _run_tc2(s1, g1, degp, b1r, W2, bm)
    s2 = agg(g2, col_p, row_p)
    return _run_tc3(s2, g2, degp, b2r, bm)

# --- scband reference (transcript-rebuilt; emitter-appended) ---
"""Pipeline reference for scband-mpgnnencoder-77369540870568 (READ-ONLY COPY).

The authoritative reference and input builder live on the scoring server;
editing this copy changes nothing except your own understanding.
"""

import jax, jax.numpy as jnp
import numpy as np

N = 10000
E = 320000
D = 128


def setup_inputs(seed: int = 0) -> dict:
    key = jax.random.key(seed)
    k1, k2, k3, k4, k5, k6 = jax.random.split(key, 6)
    x = jax.random.normal(k1, (N, D), dtype=jnp.float32)
    edge_index = jax.random.randint(k2, (2, E), 0, N, dtype=jnp.int32)
    # GCNConv weights (glorot-like) and biases (zeros-like init, use small normal for nontrivial grads)
    scale1 = float(np.sqrt(6.0 / (D + D)))
    W1 = jax.random.uniform(k3, (D, D), minval=-scale1, maxval=scale1, dtype=jnp.float32)
    b1 = jnp.zeros((D,), dtype=jnp.float32)
    W2 = jax.random.uniform(k4, (D, D), minval=-scale1, maxval=scale1, dtype=jnp.float32)
    b2 = jnp.zeros((D,), dtype=jnp.float32)
    return {"x": x, "W1": W1, "b1": b1, "W2": W2, "b2": b2, "edge_index": edge_index}


def _gcn_layer(h_in, W, b, row, col, n_nodes):
    # GCNConv semantics with SparseTensor adj: x' = D^-1/2 (A + I) D^-1/2 (x W) + b
    h = h_in @ W
    loop = jnp.arange(n_nodes, dtype=row.dtype)
    row_f = jnp.concatenate([row, loop])  # dst
    col_f = jnp.concatenate([col, loop])  # src
    w = jnp.ones(row_f.shape[0], dtype=h.dtype)
    deg = jax.ops.segment_sum(w, row_f, num_segments=n_nodes)
    d_inv_sqrt = jnp.where(deg > 0, jax.lax.rsqrt(jnp.maximum(deg, 1e-12)), 0.0)
    norm = d_inv_sqrt[row_f] * d_inv_sqrt[col_f]
    msg = h[col_f] * norm[:, None]  # gather (memory bound)
    out = jax.ops.segment_sum(msg, row_f, num_segments=n_nodes)  # scatter-add
    return out + b


def reference(x, W1, b1, W2, b2, edge_index):
    # dropout p=0.0 -> identity; norm=False -> Identity BN; activation=elu
    row = edge_index[1]  # dst
    col = edge_index[0]  # src
    h = _gcn_layer(x, W1, b1, row, col, x.shape[0])
    h = jax.nn.elu(h)
    h = _gcn_layer(h, W2, b2, row, col, x.shape[0])
    h = jax.nn.elu(h)
    return h

if __name__ == "__main__":
    import jax
    _d = setup_inputs()
    print(jax.jit(kernel)(*tuple(_d.values())))

</pallas_src>

<mosaic_0001>
#map = affine_map<(d0, d1) -> (0, 0)>
#map1 = affine_map<(d0, d1) -> (0, 0, 0)>
module attributes {stable_mosaic.version = 14 : i64} {
  func.func @agg_kernel(%arg0: i32, %arg1: i32, %arg2: memref<10000x128xf32, #tpu.memory_space<hbm>>, %arg3: memref<2560x128xi32, #tpu.memory_space<hbm>>, %arg4: memref<2560x128xi32, #tpu.memory_space<hbm>>, %arg5: memref<2x10240x128xf32, #tpu.memory_space<hbm>>, %arg6: memref<2x8x128xi32, #tpu.memory_space<vmem>>, %arg7: memref<2x8x128xi32, #tpu.memory_space<vmem>>, %arg8: memref<2x128x128xf32, #tpu.memory_space<vmem>>, %arg9: memref<10240x128xf32, #tpu.memory_space<vmem_shared>>, %arg10: memref<2x!tpu.dma_semaphore, #tpu.memory_space<semaphore_mem>>, %arg11: memref<2x!tpu.dma_semaphore, #tpu.memory_space<semaphore_mem>>) attributes {dimension_semantics = [#tpu.dimension_semantics<core_parallel>, #tpu.dimension_semantics<subcore_parallel>], iteration_bounds = array<i64: 2, 16>, scalar_prefetch = 0 : i64, scratch_operands = 6 : i64, tpu.core_type = #tpu.core_type<sc_vector_subcore>, window_params = [{transform_indices = #map}, {transform_indices = #map}, {transform_indices = #map}, {transform_indices = #map1}]} {
    %broadcast_in_dim3A = arith.constant 0.000000e+00 : f32
    %broadcast_in_dim3A_0 = vector.broadcast %broadcast_in_dim3A : f32 to vector<16xf32>
    %scan3A = arith.constant 0 : i32
    %scan3A_1 = arith.constant 0 : i32
    %scan3A_2 = arith.constant 128 : i32
    %scan3A_3 = arith.addi %scan3A_1, %scan3A_2 : i32
    %scan3A_4 = arith.constant 1 : i32
    scf.for %scan3A_18 = %scan3A_1 to %scan3A_3 step %scan3A_4  : i32 {
      %swap3A = arith.constant 0 : i32
      %swap3A_19 = arith.index_cast %swap3A : i32 to index
      %swap3A_20 = arith.index_cast %scan3A_18 : i32 to index
      %swap3A_21 = arith.constant 0 : index
      %swap3A_22 = tpu.vector_load %arg8[%swap3A_19, %swap3A_20, %swap3A_21] {strides = array<i32>} : memref<2x128x128xf32, #tpu.memory_space<vmem>>, vector<1x1x16xf32>,
      %swap3A_23 = vector.shape_cast %swap3A_22 : vector<1x1x16xf32> to vector<16xf32>
      %swap3A_24 = vector.shape_cast %broadcast_in_dim3A_0 : vector<16xf32> to vector<1x1x16xf32>
      tpu.vector_store %arg8[%swap3A_19, %swap3A_20, %swap3A_21], %swap3A_24 {strides = array<i32>} : memref<2x128x128xf32, #tpu.memory_space<vmem>>, vector<1x1x16xf32>,
      %swap3A_25 = arith.constant 0 : i32
      %swap3A_26 = arith.index_cast %swap3A_25 : i32 to index
      %swap3A_27 = arith.index_cast %scan3A_18 : i32 to index
      %swap3A_28 = arith.constant 16 : index
      %swap3A_29 = tpu.vector_load %arg8[%swap3A_26, %swap3A_27, %swap3A_28] {strides = array<i32>} : memref<2x128x128xf32, #tpu.memory_space<vmem>>, vector<1x1x16xf32>,
      %swap3A_30 = vector.shape_cast %swap3A_29 : vector<1x1x16xf32> to vector<16xf32>
      %swap3A_31 = vector.shape_cast %broadcast_in_dim3A_0 : vector<16xf32> to vector<1x1x16xf32>
      tpu.vector_store %arg8[%swap3A_26, %swap3A_27, %swap3A_28], %swap3A_31 {strides = array<i32>} : memref<2x128x128xf32, #tpu.memory_space<vmem>>, vector<1x1x16xf32>,
      %swap3A_32 = arith.constant 0 : i32
      %swap3A_33 = arith.index_cast %swap3A_32 : i32 to index
      %swap3A_34 = arith.index_cast %scan3A_18 : i32 to index
      %swap3A_35 = arith.constant 32 : index
      %swap3A_36 = tpu.vector_load %arg8[%swap3A_33, %swap3A_34, %swap3A_35] {strides = array<i32>} : memref<2x128x128xf32, #tpu.memory_space<vmem>>, vector<1x1x16xf32>,
      %swap3A_37 = vector.shape_cast %swap3A_36 : vector<1x1x16xf32> to vector<16xf32>
      %swap3A_38 = vector.shape_cast %broadcast_in_dim3A_0 : vector<16xf32> to vector<1x1x16xf32>
      tpu.vector_store %arg8[%swap3A_33, %swap3A_34, %swap3A_35], %swap3A_38 {strides = array<i32>} : memref<2x128x128xf32, #tpu.memory_space<vmem>>, vector<1x1x16xf32>,
      %swap3A_39 = arith.constant 0 : i32
      %swap3A_40 = arith.index_cast %swap3A_39 : i32 to index
      %swap3A_41 = arith.index_cast %scan3A_18 : i32 to index
      %swap3A_42 = arith.constant 48 : index
      %swap3A_43 = tpu.vector_load %arg8[%swap3A_40, %swap3A_41, %swap3A_42] {strides = array<i32>} : memref<2x128x128xf32, #tpu.memory_space<vmem>>, vector<1x1x16xf32>,
      %swap3A_44 = vector.shape_cast %swap3A_43 : vector<1x1x16xf32> to vector<16xf32>
      %swap3A_45 = vector.shape_cast %broadcast_in_dim3A_0 : vector<16xf32> to vector<1x1x16xf32>
      tpu.vector_store %arg8[%swap3A_40, %swap3A_41, %swap3A_42], %swap3A_45 {strides = array<i32>} : memref<2x128x128xf32, #tpu.memory_space<vmem>>, vector<1x1x16xf32>,
      %swap3A_46 = arith.constant 0 : i32
      %swap3A_47 = arith.index_cast %swap3A_46 : i32 to index
      %swap3A_48 = arith.index_cast %scan3A_18 : i32 to index
      %swap3A_49 = arith.constant 64 : index
      %swap3A_50 = tpu.vector_load %arg8[%swap3A_47, %swap3A_48, %swap3A_49] {strides = array<i32>} : memref<2x128x128xf32, #tpu.memory_space<vmem>>, vector<1x1x16xf32>,
      %swap3A_51 = vector.shape_cast %swap3A_50 : vector<1x1x16xf32> to vector<16xf32>
      %swap3A_52 = vector.shape_cast %broadcast_in_dim3A_0 : vector<16xf32> to vector<1x1x16xf32>
      tpu.vector_store %arg8[%swap3A_47, %swap3A_48, %swap3A_49], %swap3A_52 {strides = array<i32>} : memref<2x128x128xf32, #tpu.memory_space<vmem>>, vector<1x1x16xf32>,
      %swap3A_53 = arith.constant 0 : i32
      %swap3A_54 = arith.index_cast %swap3A_53 : i32 to index
      %swap3A_55 = arith.index_cast %scan3A_18 : i32 to index
      %swap3A_56 = arith.constant 80 : index
      %swap3A_57 = tpu.vector_load %arg8[%swap3A_54, %swap3A_55, %swap3A_56] {strides = array<i32>} : memref<2x128x128xf32, #tpu.memory_space<vmem>>, vector<1x1x16xf32>,
      %swap3A_58 = vector.shape_cast %swap3A_57 : vector<1x1x16xf32> to vector<16xf32>
      %swap3A_59 = vector.shape_cast %broadcast_in_dim3A_0 : vector<16xf32> to vector<1x1x16xf32>
      tpu.vector_store %arg8[%swap3A_54, %swap3A_55, %swap3A_56], %swap3A_59 {strides = array<i32>} : memref<2x128x128xf32, #tpu.memory_space<vmem>>, vector<1x1x16xf32>,
      %swap3A_60 = arith.constant 0 : i32
      %swap3A_61 = arith.index_cast %swap3A_60 : i32 to index
      %swap3A_62 = arith.index_cast %scan3A_18 : i32 to index
      %swap3A_63 = arith.constant 96 : index
      %swap3A_64 = tpu.vector_load %arg8[%swap3A_61, %swap3A_62, %swap3A_63] {strides = array<i32>} : memref<2x128x128xf32, #tpu.memory_space<vmem>>, vector<1x1x16xf32>,
      %swap3A_65 = vector.shape_cast %swap3A_64 : vector<1x1x16xf32> to vector<16xf32>
      %swap3A_66 = vector.shape_cast %broadcast_in_dim3A_0 : vector<16xf32> to vector<1x1x16xf32>
      tpu.vector_store %arg8[%swap3A_61, %swap3A_62, %swap3A_63], %swap3A_66 {strides = array<i32>} : memref<2x128x128xf32, #tpu.memory_space<vmem>>, vector<1x1x16xf32>,
      %swap3A_67 = arith.constant 0 : i32
      %swap3A_68 = arith.index_cast %swap3A_67 : i32 to index
      %swap3A_69 = arith.index_cast %scan3A_18 : i32 to index
      %swap3A_70 = arith.constant 112 : index
      %swap3A_71 = tpu.vector_load %arg8[%swap3A_68, %swap3A_69, %swap3A_70] {strides = array<i32>} : memref<2x128x128xf32, #tpu.memory_space<vmem>>, vector<1x1x16xf32>,
      %swap3A_72 = vector.shape_cast %swap3A_71 : vector<1x1x16xf32> to vector<16xf32>
      %swap3A_73 = vector.shape_cast %broadcast_in_dim3A_0 : vector<16xf32> to vector<1x1x16xf32>
      tpu.vector_store %arg8[%swap3A_68, %swap3A_69, %swap3A_70], %swap3A_73 {strides = array<i32>} : memref<2x128x128xf32, #tpu.memory_space<vmem>>, vector<1x1x16xf32>,
    }
    %scan3A_5 = arith.constant 128 : i32
    %scan3A_6 = arith.constant 0 : i32
    %scan3A_7 = arith.constant 0 : i32
    %scan3A_8 = arith.constant 5 : i32
    %scan3A_9 = arith.addi %scan3A_7, %scan3A_8 : i32
    %scan3A_10 = arith.constant 1 : i32
    scf.for %scan3A_18 = %scan3A_7 to %scan3A_9 step %scan3A_10  : i32 {
      %mul3A_19 = arith.constant 640 : i32
      %mul3A_20 = arith.muli %arg1, %mul3A_19 : i32
      %mul3A_21 = arith.constant 128 : i32
      %mul3A_22 = arith.muli %scan3A_18, %mul3A_21 : i32
      %add3A = arith.addi %mul3A_20, %mul3A_22 : i32
      %run_scoped3A = arith.constant 0 : i32
      "tpu.region"() ({
        %run_scoped3A_23 = tpu.sem_alloc : memref<!tpu.dma_semaphore, #tpu.memory_space<semaphore_mem>>
        %dma_start3A = arith.constant 0 : i32
        %dma_start3A_24 = arith.constant 0 : i32
        %dma_start3A_25 = tpu.memref_slice %arg8[%run_scoped3A, %dma_start3A, %dma_start3A_24] : memref<2x128x128xf32, #tpu.memory_space<vmem>> -> memref<1x128x128xf32, #tpu.memory_space<vmem>>
        %dma_start3A_26 = tpu.memref_squeeze %dma_start3A_25 : memref<1x128x128xf32, #tpu.memory_space<vmem>> -> memref<128x128xf32, #tpu.memory_space<vmem>>
        %dma_start3A_27 = arith.constant 0 : i32
        %dma_start3A_28 = tpu.memref_slice %arg9[%add3A, %dma_start3A_27] : memref<10240x128xf32, #tpu.memory_space<vmem_shared>> -> memref<128x128xf32, #tpu.memory_space<vmem_shared>>
        %dma_start3A_29 = arith.constant 0 : i32
        %dma_start3A_30 = tpu.memref_slice %arg9[%add3A, %dma_start3A_29] : memref<10240x128xf32, #tpu.memory_space<vmem_shared>> -> memref<128x128xf32, #tpu.memory_space<vmem_shared>>
        %dma_start3A_31 = arith.constant 0 : i32
        %dma_start3A_32 = arith.constant 0 : i32
        %dma_start3A_33 = tpu.memref_slice %arg8[%run_scoped3A, %dma_start3A_31, %dma_start3A_32] : memref<2x128x128xf32, #tpu.memory_space<vmem>> -> memref<1x128x128xf32, #tpu.memory_space<vmem>>
        %dma_start3A_34 = tpu.memref_squeeze %dma_start3A_33 : memref<1x128x128xf32, #tpu.memory_space<vmem>> -> memref<128x128xf32, #tpu.memory_space<vmem>>
        tpu.enqueue_dma source(%dma_start3A_34 : memref<128x128xf32, #tpu.memory_space<vmem>>) target(%dma_start3A_30 : memref<128x128xf32, #tpu.memory_space<vmem_shared>>) target_semaphore(%run_scoped3A_23 : memref<!tpu.dma_semaphore, #tpu.memory_space<semaphore_mem>>)
        %dma_wait3A = arith.constant 0 : i32
        %dma_wait3A_35 = arith.constant 0 : i32
        %dma_wait3A_36 = tpu.memref_slice %arg8[%run_scoped3A, %dma_wait3A, %dma_wait3A_35] : memref<2x128x128xf32, #tpu.memory_space<vmem>> -> memref<1x128x128xf32, #tpu.memory_space<vmem>>
        %dma_wait3A_37 = tpu.memref_squeeze %dma_wait3A_36 : memref<1x128x128xf32, #tpu.memory_space<vmem>> -> memref<128x128xf32, #tpu.memory_space<vmem>>
        %dma_wait3A_38 = arith.constant 0 : i32
        %dma_wait3A_39 = tpu.memref_slice %arg9[%add3A, %dma_wait3A_38] : memref<10240x128xf32, #tpu.memory_space<vmem_shared>> -> memref<128x128xf32, #tpu.memory_space<vmem_shared>>
        %dma_wait3A_40 = arith.constant 0 : i32
        %dma_wait3A_41 = tpu.memref_slice %arg9[%add3A, %dma_wait3A_40] : memref<10240x128xf32, #tpu.memory_space<vmem_shared>> -> memref<128x128xf32, #tpu.memory_space<vmem_shared>>
        %dma_wait3A_42 = arith.constant 0 : i32
        %dma_wait3A_43 = arith.constant 0 : i32
        %dma_wait3A_44 = tpu.memref_slice %arg8[%run_scoped3A, %dma_wait3A_42, %dma_wait3A_43] : memref<2x128x128xf32, #tpu.memory_space<vmem>> -> memref<1x128x128xf32, #tpu.memory_space<vmem>>
        %dma_wait3A_45 = tpu.memref_squeeze %dma_wait3A_44 : memref<1x128x128xf32, #tpu.memory_space<vmem>> -> memref<128x128xf32, #tpu.memory_space<vmem>>
        tpu.wait_dma2 semaphore(%run_scoped3A_23 : memref<!tpu.dma_semaphore, #tpu.memory_space<semaphore_mem>>) src(%dma_wait3A_45 : memref<128x128xf32, #tpu.memory_space<vmem>>) dst(%dma_wait3A_41 : memref<128x128xf32, #tpu.memory_space<vmem_shared>>)
        tpu.yield
      }) : () -> ()
    }
    %scan3A_11 = arith.constant 5 : i32
    %barrier3A = arith.constant 0 : index
    tpu.barrier barrier_id(%barrier3A)
    %eq3A = arith.constant 0 : i32
    %eq3A_12 = arith.cmpi eq, %arg0, %eq3A : i32
    %convert_element_type3A = arith.extui %eq3A_12 : i1 to i32
    %cond3A = arith.constant 0 : i32
    %cond3A_13 = arith.cmpi ne, %convert_element_type3A, %cond3A : i32
    scf.if %cond3A_13 {
      %mul3A_18 = arith.constant 160 : i32
      %mul3A_19 = arith.muli %arg1, %mul3A_18 : i32
      %add3A = arith.constant 0 : i32
      %add3A_20 = arith.addi %mul3A_19, %add3A : i32
      %dma_start3A = arith.constant 0 : i32
      %dma_start3A_21 = arith.constant 0 : i32
      %dma_start3A_22 = arith.constant 0 : i32
      %dma_start3A_23 = arith.constant 0 : i32
      %dma_start3A_24 = tpu.memref_slice %arg6[%dma_start3A, %dma_start3A_22, %dma_start3A_23] : memref<2x8x128xi32, #tpu.memory_space<vmem>> -> memref<1x8x128xi32, #tpu.memory_space<vmem>>
      %dma_start3A_25 = tpu.memref_squeeze %dma_start3A_24 : memref<1x8x128xi32, #tpu.memory_space<vmem>> -> memref<8x128xi32, #tpu.memory_space<vmem>>
      %dma_start3A_26 = arith.constant 0 : i32
      %dma_start3A_27 = tpu.memref_slice %arg3[%add3A_20, %dma_start3A_26] : memref<2560x128xi32, #tpu.memory_space<hbm>> -> memref<8x128xi32, #tpu.memory_space<hbm>>
      %dma_start3A_28 = tpu.memref_slice %arg11[%dma_start3A_21] : memref<2x!tpu.dma_semaphore, #tpu.memory_space<semaphore_mem>> -> memref<1x!tpu.dma_semaphore, #tpu.memory_space<semaphore_mem>>
      %dma_start3A_29 = tpu.memref_squeeze %dma_start3A_28 : memref<1x!tpu.dma_semaphore, #tpu.memory_space<semaphore_mem>> -> memref<!tpu.dma_semaphore, #tpu.memory_space<semaphore_mem>>
      %dma_start3A_30 = arith.constant 0 : i32
      %dma_start3A_31 = arith.constant 0 : i32
      %dma_start3A_32 = tpu.memref_slice %arg6[%dma_start3A, %dma_start3A_30, %dma_start3A_31] : memref<2x8x128xi32, #tpu.memory_space<vmem>> -> memref<1x8x128xi32, #tpu.memory_space<vmem>>
      %dma_start3A_33 = tpu.memref_squeeze %dma_start3A_32 : memref<1x8x128xi32, #tpu.memory_space<vmem>> -> memref<8x128xi32, #tpu.memory_space<vmem>>
      %dma_start3A_34 = arith.constant 0 : i32
      %dma_start3A_35 = tpu.memref_slice %arg3[%add3A_20, %dma_start3A_34] : memref<2560x128xi32, #tpu.memory_space<hbm>> -> memref<8x128xi32, #tpu.memory_space<hbm>>
      tpu.enqueue_dma source(%dma_start3A_35 : memref<8x128xi32, #tpu.memory_space<hbm>>) target(%dma_start3A_33 : memref<8x128xi32, #tpu.memory_space<vmem>>) target_semaphore(%dma_start3A_29 : memref<!tpu.dma_semaphore, #tpu.memory_space<semaphore_mem>>)
      %dma_start3A_36 = arith.constant 0 : i32
      %dma_start3A_37 = arith.constant 0 : i32
      %dma_start3A_38 = arith.constant 0 : i32
      %dma_start3A_39 = arith.constant 0 : i32
      %dma_start3A_40 = tpu.memref_slice %arg7[%dma_start3A_36, %dma_start3A_38, %dma_start3A_39] : memref<2x8x128xi32, #tpu.memory_space<vmem>> -> memref<1x8x128xi32, #tpu.memory_space<vmem>>
      %dma_start3A_41 = tpu.memref_squeeze %dma_start3A_40 : memref<1x8x128xi32, #tpu.memory_space<vmem>> -> memref<8x128xi32, #tpu.memory_space<vmem>>
      %dma_start3A_42 = arith.constant 0 : i32
      %dma_start3A_43 = tpu.memref_slice %arg4[%add3A_20, %dma_start3A_42] : memref<2560x128xi32, #tpu.memory_space<hbm>> -> memref<8x128xi32, #tpu.memory_space<hbm>>
      %dma_start3A_44 = tpu.memref_slice %arg11[%dma_start3A_37] : memref<2x!tpu.dma_semaphore, #tpu.memory_space<semaphore_mem>> -> memref<1x!tpu.dma_semaphore, #tpu.memory_space<semaphore_mem>>
      %dma_start3A_45 = tpu.memref_squeeze %dma_start3A_44 : memref<1x!tpu.dma_semaphore, #tpu.memory_space<semaphore_mem>> -> memref<!tpu.dma_semaphore, #tpu.memory_space<semaphore_mem>>
      %dma_start3A_46 = arith.constant 0 : i32
      %dma_start3A_47 = arith.constant 0 : i32
      %dma_start3A_48 = tpu.memref_slice %arg7[%dma_start3A_36, %dma_start3A_46, %dma_start3A_47] : memref<2x8x128xi32, #tpu.memory_space<vmem>> -> memref<1x8x128xi32, #tpu.memory_space<vmem>>
      %dma_start3A_49 = tpu.memref_squeeze %dma_start3A_48 : memref<1x8x128xi32, #tpu.memory_space<vmem>> -> memref<8x128xi32, #tpu.memory_space<vmem>>
      %dma_start3A_50 = arith.constant 0 : i32
      %dma_start3A_51 = tpu.memref_slice %arg4[%add3A_20, %dma_start3A_50] : memref<2560x128xi32, #tpu.memory_space<hbm>> -> memref<8x128xi32, #tpu.memory_space<hbm>>
      tpu.enqueue_dma source(%dma_start3A_51 : memref<8x128xi32, #tpu.memory_space<hbm>>) target(%dma_start3A_49 : memref<8x128xi32, #tpu.memory_space<vmem>>) target_semaphore(%dma_start3A_45 : memref<!tpu.dma_semaphore, #tpu.memory_space<semaphore_mem>>)
      %dma_wait3A = arith.constant 0 : i32
      %dma_wait3A_52 = arith.constant 0 : i32
      %dma_wait3A_53 = arith.constant 0 : i32
      %dma_wait3A_54 = arith.constant 0 : i32
      %dma_wait3A_55 = tpu.memref_slice %arg6[%dma_wait3A, %dma_wait3A_53, %dma_wait3A_54] : memref<2x8x128xi32, #tpu.memory_space<vmem>> -> memref<1x8x128xi32, #tpu.memory_space<vmem>>
      %dma_wait3A_56 = tpu.memref_squeeze %dma_wait3A_55 : memref<1x8x128xi32, #tpu.memory_space<vmem>> -> memref<8x128xi32, #tpu.memory_space<vmem>>
      %dma_wait3A_57 = arith.constant 0 : i32
      %dma_wait3A_58 = arith.constant 0 : i32
      %dma_wait3A_59 = tpu.memref_slice %arg3[%dma_wait3A_57, %dma_wait3A_58] : memref<2560x128xi32, #tpu.memory_space<hbm>> -> memref<8x128xi32, #tpu.memory_space<hbm>>
      %dma_wait3A_60 = tpu.memref_slice %arg11[%dma_wait3A_52] : memref<2x!tpu.dma_semaphore, #tpu.memory_space<semaphore_mem>> -> memref<1x!tpu.dma_semaphore, #tpu.memory_space<semaphore_mem>>
      %dma_wait3A_61 = tpu.memref_squeeze %dma_wait3A_60 : memref<1x!tpu.dma_semaphore, #tpu.memory_space<semaphore_mem>> -> memref<!tpu.dma_semaphore, #tpu.memory_space<semaphore_mem>>
      %dma_wait3A_62 = arith.constant 0 : i32
      %dma_wait3A_63 = arith.constant 0 : i32
      %dma_wait3A_64 = tpu.memref_slice %arg6[%dma_wait3A, %dma_wait3A_62, %dma_wait3A_63] : memref<2x8x128xi32, #tpu.memory_space<vmem>> -> memref<1x8x128xi32, #tpu.memory_space<vmem>>
      %dma_wait3A_65 = tpu.memref_squeeze %dma_wait3A_64 : memref<1x8x128xi32, #tpu.memory_space<vmem>> -> memref<8x128xi32, #tpu.memory_space<vmem>>
      %dma_wait3A_66 = arith.constant 0 : i32
      %dma_wait3A_67 = arith.constant 0 : i32
      %dma_wait3A_68 = tpu.memref_slice %arg3[%dma_wait3A_66, %dma_wait3A_67] : memref<2560x128xi32, #tpu.memory_space<hbm>> -> memref<8x128xi32, #tpu.memory_space<hbm>>
      tpu.wait_dma2 semaphore(%dma_wait3A_61 : memref<!tpu.dma_semaphore, #tpu.memory_space<semaphore_mem>>) src(%dma_wait3A_68 : memref<8x128xi32, #tpu.memory_space<hbm>>) dst(%dma_wait3A_65 : memref<8x128xi32, #tpu.memory_space<vmem>>)
      %dma_wait3A_69 = arith.constant 0 : i32
      %dma_wait3A_70 = arith.constant 0 : i32
      %dma_wait3A_71 = arith.constant 0 : i32
      %dma_wait3A_72 = arith.constant 0 : i32
      %dma_wait3A_73 = tpu.memref_slice %arg7[%dma_wait3A_69, %dma_wait3A_71, %dma_wait3A_72] : memref<2x8x128xi32, #tpu.memory_space<vmem>> -> memref<1x8x128xi32, #tpu.memory_space<vmem>>
      %dma_wait3A_74 = tpu.memref_squeeze %dma_wait3A_73 : memref<1x8x128xi32, #tpu.memory_space<vmem>> -> memref<8x128xi32, #tpu.memory_space<vmem>>
      %dma_wait3A_75 = arith.constant 0 : i32
      %dma_wait3A_76 = arith.constant 0 : i32
      %dma_wait3A_77 = tpu.memref_slice %arg4[%dma_wait3A_75, %dma_wait3A_76] : memref<2560x128xi32, #tpu.memory_space<hbm>> -> memref<8x128xi32, #tpu.memory_space<hbm>>
      %dma_wait3A_78 = tpu.memref_slice %arg11[%dma_wait3A_70] : memref<2x!tpu.dma_semaphore, #tpu.memory_space<semaphore_mem>> -> memref<1x!tpu.dma_semaphore, #tpu.memory_space<semaphore_mem>>
      %dma_wait3A_79 = tpu.memref_squeeze %dma_wait3A_78 : memref<1x!tpu.dma_semaphore, #tpu.memory_space<semaphore_mem>> -> memref<!tpu.dma_semaphore, #tpu.memory_space<semaphore_mem>>
      %dma_wait3A_80 = arith.constant 0 : i32
      %dma_wait3A_81 = arith.constant 0 : i32
      %dma_wait3A_82 = tpu.memref_slice %arg7[%dma_wait3A_69, %dma_wait3A_80, %dma_wait3A_81] : memref<2x8x128xi32, #tpu.memory_space<vmem>> -> memref<1x8x128xi32, #tpu.memory_space<vmem>>
      %dma_wait3A_83 = tpu.memref_squeeze %dma_wait3A_82 : memref<1x8x128xi32, #tpu.memory_space<vmem>> -> memref<8x128xi32, #tpu.memory_space<vmem>>
      %dma_wait3A_84 = arith.constant 0 : i32
      %dma_wait3A_85 = arith.constant 0 : i32
      %dma_wait3A_86 = tpu.memref_slice %arg4[%dma_wait3A_84, %dma_wait3A_85] : memref<2560x128xi32, #tpu.memory_space<hbm>> -> memref<8x128xi32, #tpu.memory_space<hbm>>
      tpu.wait_dma2 semaphore(%dma_wait3A_79 : memref<!tpu.dma_semaphore, #tpu.memory_space<semaphore_mem>>) src(%dma_wait3A_86 : memref<8x128xi32, #tpu.memory_space<hbm>>) dst(%dma_wait3A_83 : memref<8x128xi32, #tpu.memory_space<vmem>>)
      %add3A_87 = arith.constant 8 : i32
      %add3A_88 = arith.addi %mul3A_19, %add3A_87 : i32
      %dma_start3A_89 = arith.constant 1 : i32
      %dma_start3A_90 = arith.constant 1 : i32
      %dma_start3A_91 = arith.constant 0 : i32
      %dma_start3A_92 = arith.constant 0 : i32
      %dma_start3A_93 = tpu.memref_slice %arg6[%dma_start3A_89, %dma_start3A_91, %dma_start3A_92] : memref<2x8x128xi32, #tpu.memory_space<vmem>> -> memref<1x8x128xi32, #tpu.memory_space<vmem>>
      %dma_start3A_94 = tpu.memref_squeeze %dma_start3A_93 : memref<1x8x128xi32, #tpu.memory_space<vmem>> -> memref<8x128xi32, #tpu.memory_space<vmem>>
      %dma_start3A_95 = arith.constant 0 : i32
      %dma_start3A_96 = tpu.memref_slice %arg3[%add3A_88, %dma_start3A_95] : memref<2560x128xi32, #tpu.memory_space<hbm>> -> memref<8x128xi32, #tpu.memory_space<hbm>>
      %dma_start3A_97 = tpu.memref_slice %arg11[%dma_start3A_90] : memref<2x!tpu.dma_semaphore, #tpu.memory_space<semaphore_mem>> -> memref<1x!tpu.dma_semaphore, #tpu.memory_space<semaphore_mem>>
      %dma_start3A_98 = tpu.memref_squeeze %dma_start3A_97 : memref<1x!tpu.dma_semaphore, #tpu.memory_space<semaphore_mem>> -> memref<!tpu.dma_semaphore, #tpu.memory_space<semaphore_mem>>
      %dma_start3A_99 = arith.constant 0 : i32
      %dma_start3A_100 = arith.constant 0 : i32
      %dma_start3A_101 = tpu.memref_slice %arg6[%dma_start3A_89, %dma_start3A_99, %dma_start3A_100] : memref<2x8x128xi32, #tpu.memory_space<vmem>> -> memref<1x8x128xi32, #tpu.memory_space<vmem>>
      %dma_start3A_102 = tpu.memref_squeeze %dma_start3A_101 : memref<1x8x128xi32, #tpu.memory_space<vmem>> -> memref<8x128xi32, #tpu.memory_space<vmem>>
      %dma_start3A_103 = arith.constant 0 : i32
      %dma_start3A_104 = tpu.memref_slice %arg3[%add3A_88, %dma_start3A_103] : memref<2560x128xi32, #tpu.memory_space<hbm>> -> memref<8x128xi32, #tpu.memory_space<hbm>>
      tpu.enqueue_dma source(%dma_start3A_104 : memref<8x128xi32, #tpu.memory_space<hbm>>) target(%dma_start3A_102 : memref<8x128xi32, #tpu.memory_space<vmem>>) target_semaphore(%dma_start3A_98 : memref<!tpu.dma_semaphore, #tpu.memory_space<semaphore_mem>>)
      %dma_start3A_105 = arith.constant 1 : i32
      %dma_start3A_106 = arith.constant 1 : i32
      %dma_start3A_107 = arith.constant 0 : i32
      %dma_start3A_108 = arith.constant 0 : i32
      %dma_start3A_109 = tpu.memref_slice %arg7[%dma_start3A_105, %dma_start3A_107, %dma_start3A_108] : memref<2x8x128xi32, #tpu.memory_space<vmem>> -> memref<1x8x128xi32, #tpu.memory_space<vmem>>
      %dma_start3A_110 = tpu.memref_squeeze %dma_start3A_109 : memref<1x8x128xi32, #tpu.memory_space<vmem>> -> memref<8x128xi32, #tpu.memory_space<vmem>>
      %dma_start3A_111 = arith.constant 0 : i32
      %dma_start3A_112 = tpu.memref_slice %arg4[%add3A_88, %dma_start3A_111] : memref<2560x128xi32, #tpu.memory_space<hbm>> -> memref<8x128xi32, #tpu.memory_space<hbm>>
      %dma_start3A_113 = tpu.memref_slice %arg11[%dma_start3A_106] : memref<2x!tpu.dma_semaphore, #tpu.memory_space<semaphore_mem>> -> memref<1x!tpu.dma_semaphore, #tpu.memory_space<semaphore_mem>>
      %dma_start3A_114 = tpu.memref_squeeze %dma_start3A_113 : memref<1x!tpu.dma_semaphore, #tpu.memory_space<semaphore_mem>> -> memref<!tpu.dma_semaphore, #tpu.memory_space<semaphore_mem>>
      %dma_start3A_115 = arith.constant 0 : i32
      %dma_start3A_116 = arith.constant 0 : i32
      %dma_start3A_117 = tpu.memref_slice %arg7[%dma_start3A_105, %dma_start3A_115, %dma_start3A_116] : memref<2x8x128xi32, #tpu.memory_space<vmem>> -> memref<1x8x128xi32, #tpu.memory_space<vmem>>
      %dma_start3A_118 = tpu.memref_squeeze %dma_start3A_117 : memref<1x8x128xi32, #tpu.memory_space<vmem>> -> memref<8x128xi32, #tpu.memory_space<vmem>>
      %dma_start3A_119 = arith.constant 0 : i32
      %dma_start3A_120 = tpu.memref_slice %arg4[%add3A_88, %dma_start3A_119] : memref<2560x128xi32, #tpu.memory_space<hbm>> -> memref<8x128xi32, #tpu.memory_space<hbm>>
      tpu.enqueue_dma source(%dma_start3A_120 : memref<8x128xi32, #tpu.memory_space<hbm>>) target(%dma_start3A_118 : memref<8x128xi32, #tpu.memory_space<vmem>>) target_semaphore(%dma_start3A_114 : memref<!tpu.dma_semaphore, #tpu.memory_space<semaphore_mem>>)
      %dma_start3A_121 = arith.constant 0 : i32
      %dma_start3A_122 = arith.constant 0 : i32
      %dma_start3A_123 = arith.constant 0 : i32
      %dma_start3A_124 = arith.constant 0 : i32
      %dma_start3A_125 = arith.constant 0 : i32
      %dma_start3A_126 = arith.constant 0 : i32
      %dma_start3A_127 = tpu.memref_slice %arg8[%dma_start3A_123, %dma_start3A_125, %dma_start3A_126] : memref<2x128x128xf32, #tpu.memory_space<vmem>> -> memref<1x128x128xf32, #tpu.memory_space<vmem>>
      %dma_start3A_128 = tpu.memref_squeeze %dma_start3A_127 : memref<1x128x128xf32, #tpu.memory_space<vmem>> -> memref<128x128xf32, #tpu.memory_space<vmem>>
      %dma_start3A_129 = arith.constant 0 : i32
      %dma_start3A_130 = tpu.memref_slice %arg6[%dma_start3A_121, %dma_start3A_122, %dma_start3A_129] : memref<2x8x128xi32, #tpu.memory_space<vmem>> -> memref<1x1x128xi32, #tpu.memory_space<vmem>>
      %dma_start3A_131 = tpu.memref_squeeze %dma_start3A_130 : memref<1x1x128xi32, #tpu.memory_space<vmem>> -> memref<128xi32, #tpu.memory_space<vmem>>
      %dma_start3A_132 = arith.constant 0 : i32
      %dma_start3A_133 = arith.constant 0 : i32
      %dma_start3A_134 = tpu.memref_slice %arg2[%dma_start3A_132, %dma_start3A_133] : memref<10000x128xf32, #tpu.memory_space<hbm>> -> memref<10000x128xf32, #tpu.memory_space<hbm>>
      %dma_start3A_135 = tpu.memref_slice %arg10[%dma_start3A_124] : memref<2x!tpu.dma_semaphore, #tpu.memory_space<semaphore_mem>> -> memref<1x!tpu.dma_semaphore, #tpu.memory_space<semaphore_mem>>
      %dma_start3A_136 = tpu.memref_squeeze %dma_start3A_135 : memref<1x!tpu.dma_semaphore, #tpu.memory_space<semaphore_mem>> -> memref<!tpu.dma_semaphore, #tpu.memory_space<semaphore_mem>>
      tpu.enqueue_indirect_dma source(%dma_start3A_134 : memref<10000x128xf32, #tpu.memory_space<hbm>>) target(%dma_start3A_128 : memref<128x128xf32, #tpu.memory_space<vmem>>) offsets(%dma_start3A_131 : memref<128xi32, #tpu.memory_space<vmem>>) semaphore(%dma_start3A_136 : memref<!tpu.dma_semaphore, #tpu.memory_space<semaphore_mem>>)
      %dma_start3A_137 = arith.constant 0 : i32
      %dma_start3A_138 = arith.constant 1 : i32
      %dma_start3A_139 = arith.constant 1 : i32
      %dma_start3A_140 = arith.constant 1 : i32
      %dma_start3A_141 = arith.constant 0 : i32
      %dma_start3A_142 = arith.constant 0 : i32
      %dma_start3A_143 = tpu.memref_slice %arg8[%dma_start3A_139, %dma_start3A_141, %dma_start3A_142] : memref<2x128x128xf32, #tpu.memory_space<vmem>> -> memref<1x128x128xf32, #tpu.memory_space<vmem>>
      %dma_start3A_144 = tpu.memref_squeeze %dma_start3A_143 : memref<1x128x128xf32, #tpu.memory_space<vmem>> -> memref<128x128xf32, #tpu.memory_space<vmem>>
      %dma_start3A_145 = arith.constant 0 : i32
      %dma_start3A_146 = tpu.memref_slice %arg6[%dma_start3A_137, %dma_start3A_138, %dma_start3A_145] : memref<2x8x128xi32, #tpu.memory_space<vmem>> -> memref<1x1x128xi32, #tpu.memory_space<vmem>>
      %dma_start3A_147 = tpu.memref_squeeze %dma_start3A_146 : memref<1x1x128xi32, #tpu.memory_space<vmem>> -> memref<128xi32, #tpu.memory_space<vmem>>
      %dma_start3A_148 = arith.constant 0 : i32
      %dma_start3A_149 = arith.constant 0 : i32
      %dma_start3A_150 = tpu.memref_slice %arg2[%dma_start3A_148, %dma_start3A_149] : memref<10000x128xf32, #tpu.memory_space<hbm>> -> memref<10000x128xf32, #tpu.memory_space<hbm>>
      %dma_start3A_151 = tpu.memref_slice %arg10[%dma_start3A_140] : memref<2x!tpu.dma_semaphore, #tpu.memory_space<semaphore_mem>> -> memref<1x!tpu.dma_semaphore, #tpu.memory_space<semaphore_mem>>
      %dma_start3A_152 = tpu.memref_squeeze %dma_start3A_151 : memref<1x!tpu.dma_semaphore, #tpu.memory_space<semaphore_mem>> -> memref<!tpu.dma_semaphore, #tpu.memory_space<semaphore_mem>>
      tpu.enqueue_indirect_dma source(%dma_start3A_150 : memref<10000x128xf32, #tpu.memory_space<hbm>>) target(%dma_start3A_144 : memref<128x128xf32, #tpu.memory_space<vmem>>) offsets(%dma_start3A_147 : memref<128xi32, #tpu.memory_space<vmem>>) semaphore(%dma_start3A_152 : memref<!tpu.dma_semaphore, #tpu.memory_space<semaphore_mem>>)
      %scan3A_153 = arith.constant 0 : i32
      %scan3A_154 = arith.constant 0 : i32
      %scan3A_155 = arith.constant 10 : i32
      %scan3A_156 = arith.addi %scan3A_154, %scan3A_155 : i32
      %scan3A_157 = arith.constant 1 : i32
      scf.for %scan3A_159 = %scan3A_154 to %scan3A_156 step %scan3A_157  : i32 {
        %dma_wait3A_160 = arith.constant 0 : i32
        %dma_wait3A_161 = arith.constant 0 : i32
        %dma_wait3A_162 = arith.constant 0 : i32
        %dma_wait3A_163 = arith.constant 0 : i32
        %dma_wait3A_164 = arith.constant 0 : i32
        %dma_wait3A_165 = arith.constant 0 : i32
        %dma_wait3A_166 = tpu.memref_slice %arg8[%dma_wait3A_162, %dma_wait3A_164, %dma_wait3A_165] : memref<2x128x128xf32, #tpu.memory_space<vmem>> -> memref<1x128x128xf32, #tpu.memory_space<vmem>>
        %dma_wait3A_167 = tpu.memref_squeeze %dma_wait3A_166 : memref<1x128x128xf32, #tpu.memory_space<vmem>> -> memref<128x128xf32, #tpu.memory_space<vmem>>
        %dma_wait3A_168 = arith.constant 0 : i32
        %dma_wait3A_169 = tpu.memref_slice %arg6[%dma_wait3A_160, %dma_wait3A_161, %dma_wait3A_168] : memref<2x8x128xi32, #tpu.memory_space<vmem>> -> memref<1x1x128xi32, #tpu.memory_space<vmem>>
        %dma_wait3A_170 = tpu.memref_squeeze %dma_wait3A_169 : memref<1x1x128xi32, #tpu.memory_space<vmem>> -> memref<128xi32, #tpu.memory_space<vmem>>
        %dma_wait3A_171 = arith.constant 0 : i32
        %dma_wait3A_172 = arith.constant 0 : i32
        %dma_wait3A_173 = tpu.memref_slice %arg2[%dma_wait3A_171, %dma_wait3A_172] : memref<10000x128xf32, #tpu.memory_space<hbm>> -> memref<10000x128xf32, #tpu.memory_space<hbm>>
        %dma_wait3A_174 = tpu.memref_slice %arg10[%dma_wait3A_163] : memref<2x!tpu.dma_semaphore, #tpu.memory_space<semaphore_mem>> -> memref<1x!tpu.dma_semaphore, #tpu.memory_space<semaphore_mem>>
        %dma_wait3A_175 = tpu.memref_squeeze %dma_wait3A_174 : memref<1x!tpu.dma_semaphore, #tpu.memory_space<semaphore_mem>> -> memref<!tpu.dma_semaphore, #tpu.memory_space<semaphore_mem>>
        tpu.wait_indirect_dma semaphore(%dma_wait3A_175 : memref<!tpu.dma_semaphore, #tpu.memory_space<semaphore_mem>>) src(%dma_wait3A_173 : memref<10000x128xf32, #tpu.memory_space<hbm>>) dst(%dma_wait3A_167 : memref<128x128xf32, #tpu.memory_space<vmem>>)
        %run_scoped3A = arith.constant 0 : i32
        %run_scoped3A_176 = arith.constant 0 : i32
        %run_scoped3A_177 = arith.constant 0 : i32
        "tpu.region"() ({
          %run_scoped3A_750 = tpu.sem_alloc : memref<!tpu.dma_semaphore, #tpu.memory_space<semaphore_mem>>
          %dma_start3A_751 = arith.constant 0 : i32
          %dma_start3A_752 = arith.constant 0 : i32
          %dma_start3A_753 = tpu.memref_slice %arg8[%run_scoped3A, %dma_start3A_751, %dma_start3A_752] : memref<2x128x128xf32, #tpu.memory_space<vmem>> -> memref<1x128x128xf32, #tpu.memory_space<vmem>>
          %dma_start3A_754 = tpu.memref_squeeze %dma_start3A_753 : memref<1x128x128xf32, #tpu.memory_space<vmem>> -> memref<128x128xf32, #tpu.memory_space<vmem>>
          %dma_start3A_755 = arith.constant 0 : i32
          %dma_start3A_756 = tpu.memref_slice %arg7[%run_scoped3A_176, %run_scoped3A_177, %dma_start3A_755] : memref<2x8x128xi32, #tpu.memory_space<vmem>> -> memref<1x1x128xi32, #tpu.memory_space<vmem>>
          %dma_start3A_757 = tpu.memref_squeeze %dma_start3A_756 : memref<1x1x128xi32, #tpu.memory_space<vmem>> -> memref<128xi32, #tpu.memory_space<vmem>>
          %dma_start3A_758 = arith.constant 0 : i32
          %dma_start3A_759 = arith.constant 0 : i32
          %dma_start3A_760 = tpu.memref_slice %arg9[%dma_start3A_758, %dma_start3A_759] : memref<10240x128xf32, #tpu.memory_space<vmem_shared>> -> memref<10240x128xf32, #tpu.memory_space<vmem_shared>>
          tpu.enqueue_indirect_dma source(%dma_start3A_754 : memref<128x128xf32, #tpu.memory_space<vmem>>) target(%dma_start3A_760 : memref<10240x128xf32, #tpu.memory_space<vmem_shared>>) offsets(%dma_start3A_757 : memref<128xi32, #tpu.memory_space<vmem>>) semaphore(%run_scoped3A_750 : memref<!tpu.dma_semaphore, #tpu.memory_space<semaphore_mem>>) {add = true}
          %dma_wait3A_761 = arith.constant 0 : i32
          %dma_wait3A_762 = arith.constant 0 : i32
          %dma_wait3A_763 = tpu.memref_slice %arg8[%run_scoped3A, %dma_wait3A_761, %dma_wait3A_762] : memref<2x128x128xf32, #tpu.memory_space<vmem>> -> memref<1x128x128xf32, #tpu.memory_space<vmem>>
          %dma_wait3A_764 = tpu.memref_squeeze %dma_wait3A_763 : memref<1x128x128xf32, #tpu.memory_space<vmem>> -> memref<128x128xf32, #tpu.memory_space<vmem>>
          %dma_wait3A_765 = arith.constant 0 : i32
          %dma_wait3A_766 = tpu.memref_slice %arg7[%run_scoped3A_176, %run_scoped3A_177, %dma_wait3A_765] : memref<2x8x128xi32, #tpu.memory_space<vmem>> -> memref<1x1x128xi32, #tpu.memory_space<vmem>>
          %dma_wait3A_767 = tpu.memref_squeeze %dma_wait3A_766 : memref<1x1x128xi32, #tpu.memory_space<vmem>> -> memref<128xi32, #tpu.memory_space<vmem>>
          %dma_wait3A_768 = arith.constant 0 : i32
          %dma_wait3A_769 = arith.constant 0 : i32
          %dma_wait3A_770 = tpu.memref_slice %arg9[%dma_wait3A_768, %dma_wait3A_769] : memref<10240x128xf32, #tpu.memory_space<vmem_shared>> -> memref<10240x128xf32, #tpu.memory_space<vmem_shared>>
          tpu.wait_indirect_dma semaphore(%run_scoped3A_750 : memref<!tpu.dma_semaphore, #tpu.memory_space<semaphore_mem>>) src(%dma_wait3A_764 : memref<128x128xf32, #tpu.memory_space<vmem>>) dst(%dma_wait3A_770 : memref<10240x128xf32, #tpu.memory_space<vmem_shared>>)
          tpu.yield
        }) : () -> ()
        %dma_start3A_178 = arith.constant 0 : i32
        %dma_start3A_179 = arith.constant 2 : i32
        %dma_start3A_180 = arith.constant 0 : i32
        %dma_start3A_181 = arith.constant 0 : i32
        %dma_start3A_182 = arith.constant 0 : i32
        %dma_start3A_183 = arith.constant 0 : i32
        %dma_start3A_184 = tpu.memref_slice %arg8[%dma_start3A_180, %dma_start3A_182, %dma_start3A_183] : memref<2x128x128xf32, #tpu.memory_space<vmem>> -> memref<1x128x128xf32, #tpu.memory_space<vmem>>
        %dma_start3A_185 = tpu.memref_squeeze %dma_start3A_184 : memref<1x128x128xf32, #tpu.memory_space<vmem>> -> memref<128x128xf32, #tpu.memory_space<vmem>>
        %dma_start3A_186 = arith.constant 0 : i32
        %dma_start3A_187 = tpu.memref_slice %arg6[%dma_start3A_178, %dma_start3A_179, %dma_start3A_186] : memref<2x8x128xi32, #tpu.memory_space<vmem>> -> memref<1x1x128xi32, #tpu.memory_space<vmem>>
        %dma_start3A_188 = tpu.memref_squeeze %dma_start3A_187 : memref<1x1x128xi32, #tpu.memory_space<vmem>> -> memref<128xi32, #tpu.memory_space<vmem>>
        %dma_start3A_189 = arith.constant 0 : i32
        %dma_start3A_190 = arith.constant 0 : i32
        %dma_start3A_191 = tpu.memref_slice %arg2[%dma_start3A_189, %dma_start3A_190] : memref<10000x128xf32, #tpu.memory_space<hbm>> -> memref<10000x128xf32, #tpu.memory_space<hbm>>
        %dma_start3A_192 = tpu.memref_slice %arg10[%dma_start3A_181] : memref<2x!tpu.dma_semaphore, #tpu.memory_space<semaphore_mem>> -> memref<1x!tpu.dma_semaphore, #tpu.memory_space<semaphore_mem>>
        %dma_start3A_193 = tpu.memref_squeeze %dma_start3A_192 : memref<1x!tpu.dma_semaphore, #tpu.memory_space<semaphore_mem>> -> memref<!tpu.dma_semaphore, #tpu.memory_space<semaphore_mem>>
        tpu.enqueue_indirect_dma source(%dma_start3A_191 : memref<10000x128xf32, #tpu.memory_space<hbm>>) target(%dma_start3A_185 : memref<128x128xf32, #tpu.memory_space<vmem>>) offsets(%dma_start3A_188 : memref<128xi32, #tpu.memory_space<vmem>>) semaphore(%dma_start3A_193 : memref<!tpu.dma_semaphore, #tpu.memory_space<semaphore_mem>>)
        %dma_wait3A_194 = arith.constant 0 : i32
        %dma_wait3A_195 = arith.constant 0 : i32
        %dma_wait3A_196 = arith.constant 1 : i32
        %dma_wait3A_197 = arith.constant 1 : i32
        %dma_wait3A_198 = arith.constant 0 : i32
        %dma_wait3A_199 = arith.constant 0 : i32
        %dma_wait3A_200 = tpu.memref_slice %arg8[%dma_wait3A_196, %dma_wait3A_198, %dma_wait3A_199] : memref<2x128x128xf32, #tpu.memory_space<vmem>> -> memref<1x128x128xf32, #tpu.memory_space<vmem>>
        %dma_wait3A_201 = tpu.memref_squeeze %dma_wait3A_200 : memref<1x128x128xf32, #tpu.memory_space<vmem>> -> memref<128x128xf32, #tpu.memory_space<vmem>>
        %dma_wait3A_202 = arith.constant 0 : i32
        %dma_wait3A_203 = tpu.memref_slice %arg6[%dma_wait3A_194, %dma_wait3A_195, %dma_wait3A_202] : memref<2x8x128xi32, #tpu.memory_space<vmem>> -> memref<1x1x128xi32, #tpu.memory_space<vmem>>
        %dma_wait3A_204 = tpu.memref_squeeze %dma_wait3A_203 : memref<1x1x128xi32, #tpu.memory_space<vmem>> -> memref<128xi32, #tpu.memory_space<vmem>>
        %dma_wait3A_205 = arith.constant 0 : i32
        %dma_wait3A_206 = arith.constant 0 : i32
        %dma_wait3A_207 = tpu.memref_slice %arg2[%dma_wait3A_205, %dma_wait3A_206] : memref<10000x128xf32, #tpu.memory_space<hbm>> -> memref<10000x128xf32, #tpu.memory_space<hbm>>
        %dma_wait3A_208 = tpu.memref_slice %arg10[%dma_wait3A_197] : memref<2x!tpu.dma_semaphore, #tpu.memory_space<semaphore_mem>> -> memref<1x!tpu.dma_semaphore, #tpu.memory_space<semaphore_mem>>
        %dma_wait3A_209 = tpu.memref_squeeze %dma_wait3A_208 : memref<1x!tpu.dma_semaphore, #tpu.memory_space<semaphore_mem>> -> memref<!tpu.dma_semaphore, #tpu.memory_space<semaphore_mem>>
        tpu.wait_indirect_dma semaphore(%dma_wait3A_209 : memref<!tpu.dma_semaphore, #tpu.memory_space<semaphore_mem>>) src(%dma_wait3A_207 : memref<10000x128xf32, #tpu.memory_space<hbm>>) dst(%dma_wait3A_201 : memref<128x128xf32, #tpu.memory_space<vmem>>)
        %run_scoped3A_210 = arith.constant 1 : i32
        %run_scoped3A_211 = arith.constant 0 : i32
        %run_scoped3A_212 = arith.constant 1 : i32
        "tpu.region"() ({
          %run_scoped3A_750 = tpu.sem_alloc : memref<!tpu.dma_semaphore, #tpu.memory_space<semaphore_mem>>
          %dma_start3A_751 = arith.constant 0 : i32
          %dma_start3A_752 = arith.constant 0 : i32
          %dma_start3A_753 = tpu.memref_slice %arg8[%run_scoped3A_210, %dma_start3A_751, %dma_start3A_752] : memref<2x128x128xf32, #tpu.memory_space<vmem>> -> memref<1x128x128xf32, #tpu.memory_space<vmem>>
          %dma_start3A_754 = tpu.memref_squeeze %dma_start3A_753 : memref<1x128x128xf32, #tpu.memory_space<vmem>> -> memref<128x128xf32, #tpu.memory_space<vmem>>
          %dma_start3A_755 = arith.constant 0 : i32
          %dma_start3A_756 = tpu.memref_slice %arg7[%run_scoped3A_211, %run_scoped3A_212, %dma_start3A_755] : memref<2x8x128xi32, #tpu.memory_space<vmem>> -> memref<1x1x128xi32, #tpu.memory_space<vmem>>
          %dma_start3A_757 = tpu.memref_squeeze %dma_start3A_756 : memref<1x1x128xi32, #tpu.memory_space<vmem>> -> memref<128xi32, #tpu.memory_space<vmem>>
          %dma_start3A_758 = arith.constant 0 : i32
          %dma_start3A_759 = arith.constant 0 : i32
          %dma_start3A_760 = tpu.memref_slice %arg9[%dma_start3A_758, %dma_start3A_759] : memref<10240x128xf32, #tpu.memory_space<vmem_shared>> -> memref<10240x128xf32, #tpu.memory_space<vmem_shared>>
          tpu.enqueue_indirect_dma source(%dma_start3A_754 : memref<128x128xf32, #tpu.memory_space<vmem>>) target(%dma_start3A_760 : memref<10240x128xf32, #tpu.memory_space<vmem_shared>>) offsets(%dma_start3A_757 : memref<128xi32, #tpu.memory_space<vmem>>) semaphore(%run_scoped3A_750 : memref<!tpu.dma_semaphore, #tpu.memory_space<semaphore_mem>>) {add = true}
          %dma_wait3A_761 = arith.constant 0 : i32
          %dma_wait3A_762 = arith.constant 0 : i32
          %dma_wait3A_763 = tpu.memref_slice %arg8[%run_scoped3A_210, %dma_wait3A_761, %dma_wait3A_762] : memref<2x128x128xf32, #tpu.memory_space<vmem>> -> memref<1x128x128xf32, #tpu.memory_space<vmem>>
          %dma_wait3A_764 = tpu.memref_squeeze %dma_wait3A_763 : memref<1x128x128xf32, #tpu.memory_space<vmem>> -> memref<128x128xf32, #tpu.memory_space<vmem>>
          %dma_wait3A_765 = arith.constant 0 : i32
          %dma_wait3A_766 = tpu.memref_slice %arg7[%run_scoped3A_211, %run_scoped3A_212, %dma_wait3A_765] : memref<2x8x128xi32, #tpu.memory_space<vmem>> -> memref<1x1x128xi32, #tpu.memory_space<vmem>>
          %dma_wait3A_767 = tpu.memref_squeeze %dma_wait3A_766 : memref<1x1x128xi32, #tpu.memory_space<vmem>> -> memref<128xi32, #tpu.memory_space<vmem>>
          %dma_wait3A_768 = arith.constant 0 : i32
          %dma_wait3A_769 = arith.constant 0 : i32
          %dma_wait3A_770 = tpu.memref_slice %arg9[%dma_wait3A_768, %dma_wait3A_769] : memref<10240x128xf32, #tpu.memory_space<vmem_shared>> -> memref<10240x128xf32, #tpu.memory_space<vmem_shared>>
          tpu.wait_indirect_dma semaphore(%run_scoped3A_750 : memref<!tpu.dma_semaphore, #tpu.memory_space<semaphore_mem>>) src(%dma_wait3A_764 : memref<128x128xf32, #tpu.memory_space<vmem>>) dst(%dma_wait3A_770 : memref<10240x128xf32, #tpu.memory_space<vmem_shared>>)
          tpu.yield
        }) : () -> ()
        %dma_start3A_213 = arith.constant 0 : i32
        %dma_start3A_214 = arith.constant 3 : i32
        %dma_start3A_215 = arith.constant 1 : i32
        %dma_start3A_216 = arith.constant 1 : i32
        %dma_start3A_217 = arith.constant 0 : i32
        %dma_start3A_218 = arith.constant 0 : i32
        %dma_start3A_219 = tpu.memref_slice %arg8[%dma_start3A_215, %dma_start3A_217, %dma_start3A_218] : memref<2x128x128xf32, #tpu.memory_space<vmem>> -> memref<1x128x128xf32, #tpu.memory_space<vmem>>
        %dma_start3A_220 = tpu.memref_squeeze %dma_start3A_219 : memref<1x128x128xf32, #tpu.memory_space<vmem>> -> memref<128x128xf32, #tpu.memory_space<vmem>>
        %dma_start3A_221 = arith.constant 0 : i32
        %dma_start3A_222 = tpu.memref_slice %arg6[%dma_start3A_213, %dma_start3A_214, %dma_start3A_221] : memref<2x8x128xi32, #tpu.memory_space<vmem>> -> memref<1x1x128xi32, #tpu.memory_space<vmem>>
        %dma_start3A_223 = tpu.memref_squeeze %dma_start3A_222 : memref<1x1x128xi32, #tpu.memory_space<vmem>> -> memref<128xi32, #tpu.memory_space<vmem>>
        %dma_start3A_224 = arith.constant 0 : i32
        %dma_start3A_225 = arith.constant 0 : i32
        %dma_start3A_226 = tpu.memref_slice %arg2[%dma_start3A_224, %dma_start3A_225] : memref<10000x128xf32, #tpu.memory_space<hbm>> -> memref<10000x128xf32, #tpu.memory_space<hbm>>
        %dma_start3A_227 = tpu.memref_slice %arg10[%dma_start3A_216] : memref<2x!tpu.dma_semaphore, #tpu.memory_space<semaphore_mem>> -> memref<1x!tpu.dma_semaphore, #tpu.memory_space<semaphore_mem>>
        %dma_start3A_228 = tpu.memref_squeeze %dma_start3A_227 : memref<1x!tpu.dma_semaphore, #tpu.memory_space<semaphore_mem>> -> memref<!tpu.dma_semaphore, #tpu.memory_space<semaphore_mem>>
        tpu.enqueue_indirect_dma source(%dma_start3A_226 : memref<10000x128xf32, #tpu.memory_space<hbm>>) target(%dma_start3A_220 : memref<128x128xf32, #tpu.memory_space<vmem>>) offsets(%dma_start3A_223 : memref<128xi32, #tpu.memory_space<vmem>>) semaphore(%dma_start3A_228 : memref<!tpu.dma_semaphore, #tpu.memory_space<semaphore_mem>>)
        %dma_wait3A_229 = arith.constant 0 : i32
        %dma_wait3A_230 = arith.constant 0 : i32
        %dma_wait3A_231 = arith.constant 0 : i32
        %dma_wait3A_232 = arith.constant 0 : i32
        %dma_wait3A_233 = arith.constant 0 : i32
        %dma_wait3A_234 = arith.constant 0 : i32
        %dma_wait3A_235 = tpu.memref_slice %arg8[%dma_wait3A_231, %dma_wait3A_233, %dma_wait3A_234] : memref<2x128x128xf32, #tpu.memory_space<vmem>> -> memref<1x128x128xf32, #tpu.memory_space<vmem>>
        %dma_wait3A_236 = tpu.memref_squeeze %dma_wait3A_235 : memref<1x128x128xf32, #tpu.memory_space<vmem>> -> memref<128x128xf32, #tpu.memory_space<vmem>>
        %dma_wait3A_237 = arith.constant 0 : i32
        %dma_wait3A_238 = tpu.memref_slice %arg6[%dma_wait3A_229, %dma_wait3A_230, %dma_wait3A_237] : memref<2x8x128xi32, #tpu.memory_space<vmem>> -> memref<1x1x128xi32, #tpu.memory_space<vmem>>
        %dma_wait3A_239 = tpu.memref_squeeze %dma_wait3A_238 : memref<1x1x128xi32, #tpu.memory_space<vmem>> -> memref<128xi32, #tpu.memory_space<vmem>>
        %dma_wait3A_240 = arith.constant 0 : i32
        %dma_wait3A_241 = arith.constant 0 : i32
        %dma_wait3A_242 = tpu.memref_slice %arg2[%dma_wait3A_240, %dma_wait3A_241] : memref<10000x128xf32, #tpu.memory_space<hbm>> -> memref<10000x128xf32, #tpu.memory_space<hbm>>
        %dma_wait3A_243 = tpu.memref_slice %arg10[%dma_wait3A_232] : memref<2x!tpu.dma_semaphore, #tpu.memory_space<semaphore_mem>> -> memref<1x!tpu.dma_semaphore, #tpu.memory_space<semaphore_mem>>
        %dma_wait3A_244 = tpu.memref_squeeze %dma_wait3A_243 : memref<1x!tpu.dma_semaphore, #tpu.memory_space<semaphore_mem>> -> memref<!tpu.dma_semaphore, #tpu.memory_space<semaphore_mem>>
        tpu.wait_indirect_dma semaphore(%dma_wait3A_244 : memref<!tpu.dma_semaphore, #tpu.memory_space<semaphore_mem>>) src(%dma_wait3A_242 : memref<10000x128xf32, #tpu.memory_space<hbm>>) dst(%dma_wait3A_236 : memref<128x128xf32, #tpu.memory_space<vmem>>)
        %run_scoped3A_245 = arith.constant 0 : i32
        %run_scoped3A_246 = arith.constant 0 : i32
        %run_scoped3A_247 = arith.constant 2 : i32
        "tpu.region"() ({
          %run_scoped3A_750 = tpu.sem_alloc : memref<!tpu.dma_semaphore, #tpu.memory_space<semaphore_mem>>
          %dma_start3A_751 = arith.constant 0 : i32
          %dma_start3A_752 = arith.constant 0 : i32
          %dma_start3A_753 = tpu.memref_slice %arg8[%run_scoped3A_245, %dma_start3A_751, %dma_start3A_752] : memref<2x128x128xf32, #tpu.memory_space<vmem>> -> memref<1x128x128xf32, #tpu.memory_space<vmem>>
          %dma_start3A_754 = tpu.memref_squeeze %dma_start3A_753 : memref<1x128x128xf32, #tpu.memory_space<vmem>> -> memref<128x128xf32, #tpu.memory_space<vmem>>
          %dma_start3A_755 = arith.constant 0 : i32
          %dma_start3A_756 = tpu.memref_slice %arg7[%run_scoped3A_246, %run_scoped3A_247, %dma_start3A_755] : memref<2x8x128xi32, #tpu.memory_space<vmem>> -> memref<1x1x128xi32, #tpu.memory_space<vmem>>
          %dma_start3A_757 = tpu.memref_squeeze %dma_start3A_756 : memref<1x1x128xi32, #tpu.memory_space<vmem>> -> memref<128xi32, #tpu.memory_space<vmem>>
          %dma_start3A_758 = arith.constant 0 : i32
          %dma_start3A_759 = arith.constant 0 : i32
          %dma_start3A_760 = tpu.memref_slice %arg9[%dma_start3A_758, %dma_start3A_759] : memref<10240x128xf32, #tpu.memory_space<vmem_shared>> -> memref<10240x128xf32, #tpu.memory_space<vmem_shared>>
          tpu.enqueue_indirect_dma source(%dma_start3A_754 : memref<128x128xf32, #tpu.memory_space<vmem>>) target(%dma_start3A_760 : memref<10240x128xf32, #tpu.memory_space<vmem_shared>>) offsets(%dma_start3A_757 : memref<128xi32, #tpu.memory_space<vmem>>) semaphore(%run_scoped3A_750 : memref<!tpu.dma_semaphore, #tpu.memory_space<semaphore_mem>>) {add = true}
          %dma_wait3A_761 = arith.constant 0 : i32
          %dma_wait3A_762 = arith.constant 0 : i32
          %dma_wait3A_763 = tpu.memref_slice %arg8[%run_scoped3A_245, %dma_wait3A_761, %dma_wait3A_762] : memref<2x128x128xf32, #tpu.memory_space<vmem>> -> memref<1x128x128xf32, #tpu.memory_space<vmem>>
          %dma_wait3A_764 = tpu.memref_squeeze %dma_wait3A_763 : memref<1x128x128xf32, #tpu.memory_space<vmem>> -> memref<128x128xf32, #tpu.memory_space<vmem>>
          %dma_wait3A_765 = arith.constant 0 : i32
          %dma_wait3A_766 = tpu.memref_slice %arg7[%run_scoped3A_246, %run_scoped3A_247, %dma_wait3A_765] : memref<2x8x128xi32, #tpu.memory_space<vmem>> -> memref<1x1x128xi32, #tpu.memory_space<vmem>>
          %dma_wait3A_767 = tpu.memref_squeeze %dma_wait3A_766 : memref<1x1x128xi32, #tpu.memory_space<vmem>> -> memref<128xi32, #tpu.memory_space<vmem>>
          %dma_wait3A_768 = arith.constant 0 : i32
          %dma_wait3A_769 = arith.constant 0 : i32
          %dma_wait3A_770 = tpu.memref_slice %arg9[%dma_wait3A_768, %dma_wait3A_769] : memref<10240x128xf32, #tpu.memory_space<vmem_shared>> -> memref<10240x128xf32, #tpu.memory_space<vmem_shared>>
          tpu.wait_indirect_dma semaphore(%run_scoped3A_750 : memref<!tpu.dma_semaphore, #tpu.memory_space<semaphore_mem>>) src(%dma_wait3A_764 : memref<128x128xf32, #tpu.memory_space<vmem>>) dst(%dma_wait3A_770 : memref<10240x128xf32, #tpu.memory_space<vmem_shared>>)
          tpu.yield
        }) : () -> ()
        %dma_start3A_248 = arith.constant 0 : i32
        %dma_start3A_249 = arith.constant 4 : i32
        %dma_start3A_250 = arith.constant 0 : i32
        %dma_start3A_251 = arith.constant 0 : i32
        %dma_start3A_252 = arith.constant 0 : i32
        %dma_start3A_253 = arith.constant 0 : i32
        %dma_start3A_254 = tpu.memref_slice %arg8[%dma_start3A_250, %dma_start3A_252, %dma_start3A_253] : memref<2x128x128xf32, #tpu.memory_space<vmem>> -> memref<1x128x128xf32, #tpu.memory_space<vmem>>
        %dma_start3A_255 = tpu.memref_squeeze %dma_start3A_254 : memref<1x128x128xf32, #tpu.memory_space<vmem>> -> memref<128x128xf32, #tpu.memory_space<vmem>>
        %dma_start3A_256 = arith.constant 0 : i32
        %dma_start3A_257 = tpu.memref_slice %arg6[%dma_start3A_248, %dma_start3A_249, %dma_start3A_256] : memref<2x8x128xi32, #tpu.memory_space<vmem>> -> memref<1x1x128xi32, #tpu.memory_space<vmem>>
        %dma_start3A_258 = tpu.memref_squeeze %dma_start3A_257 : memref<1x1x128xi32, #tpu.memory_space<vmem>> -> memref<128xi32, #tpu.memory_space<vmem>>
        %dma_start3A_259 = arith.constant 0 : i32
        %dma_start3A_260 = arith.constant 0 : i32
        %dma_start3A_261 = tpu.memref_slice %arg2[%dma_start3A_259, %dma_start3A_260] : memref<10000x128xf32, #tpu.memory_space<hbm>> -> memref<10000x128xf32, #tpu.memory_space<hbm>>
        %dma_start3A_262 = tpu.memref_slice %arg10[%dma_start3A_251] : memref<2x!tpu.dma_semaphore, #tpu.memory_space<semaphore_mem>> -> memref<1x!tpu.dma_semaphore, #tpu.memory_space<semaphore_mem>>
        %dma_start3A_263 = tpu.memref_squeeze %dma_start3A_262 : memref<1x!tpu.dma_semaphore, #tpu.memory_space<semaphore_mem>> -> memref<!tpu.dma_semaphore, #tpu.memory_space<semaphore_mem>>
        tpu.enqueue_indirect_dma source(%dma_start3A_261 : memref<10000x128xf32, #tpu.memory_space<hbm>>) target(%dma_start3A_255 : memref<128x128xf32, #tpu.memory_space<vmem>>) offsets(%dma_start3A_258 : memref<128xi32, #tpu.memory_space<vmem>>) semaphore(%dma_start3A_263 : memref<!tpu.dma_semaphore, #tpu.memory_space<semaphore_mem>>)
        %dma_wait3A_264 = arith.constant 0 : i32
        %dma_wait3A_265 = arith.constant 0 : i32
        %dma_wait3A_266 = arith.constant 1 : i32
        %dma_wait3A_267 = arith.constant 1 : i32
        %dma_wait3A_268 = arith.constant 0 : i32
        %dma_wait3A_269 = arith.constant 0 : i32
        %dma_wait3A_270 = tpu.memref_slice %arg8[%dma_wait3A_266, %dma_wait3A_268, %dma_wait3A_269] : memref<2x128x128xf32, #tpu.memory_space<vmem>> -> memref<1x128x128xf32, #tpu.memory_space<vmem>>
        %dma_wait3A_271 = tpu.memref_squeeze %dma_wait3A_270 : memref<1x128x128xf32, #tpu.memory_space<vmem>> -> memref<128x128xf32, #tpu.memory_space<vmem>>
        %dma_wait3A_272 = arith.constant 0 : i32
        %dma_wait3A_273 = tpu.memref_slice %arg6[%dma_wait3A_264, %dma_wait3A_265, %dma_wait3A_272] : memref<2x8x128xi32, #tpu.memory_space<vmem>> -> memref<1x1x128xi32, #tpu.memory_space<vmem>>
        %dma_wait3A_274 = tpu.memref_squeeze %dma_wait3A_273 : memref<1x1x128xi32, #tpu.memory_space<vmem>> -> memref<128xi32, #tpu.memory_space<vmem>>
        %dma_wait3A_275 = arith.constant 0 : i32
        %dma_wait3A_276 = arith.constant 0 : i32
        %dma_wait3A_277 = tpu.memref_slice %arg2[%dma_wait3A_275, %dma_wait3A_276] : memref<10000x128xf32, #tpu.memory_space<hbm>> -> memref<10000x128xf32, #tpu.memory_space<hbm>>
        %dma_wait3A_278 = tpu.memref_slice %arg10[%dma_wait3A_267] : memref<2x!tpu.dma_semaphore, #tpu.memory_space<semaphore_mem>> -> memref<1x!tpu.dma_semaphore, #tpu.memory_space<semaphore_mem>>
        %dma_wait3A_279 = tpu.memref_squeeze %dma_wait3A_278 : memref<1x!tpu.dma_semaphore, #tpu.memory_space<semaphore_mem>> -> memref<!tpu.dma_semaphore, #tpu.memory_space<semaphore_mem>>
        tpu.wait_indirect_dma semaphore(%dma_wait3A_279 : memref<!tpu.dma_semaphore, #tpu.memory_space<semaphore_mem>>) src(%dma_wait3A_277 : memref<10000x128xf32, #tpu.memory_space<hbm>>) dst(%dma_wait3A_271 : memref<128x128xf32, #tpu.memory_space<vmem>>)
        %run_scoped3A_280 = arith.constant 1 : i32
        %run_scoped3A_281 = arith.constant 0 : i32
        %run_scoped3A_282 = arith.constant 3 : i32
        "tpu.region"() ({
          %run_scoped3A_750 = tpu.sem_alloc : memref<!tpu.dma_semaphore, #tpu.memory_space<semaphore_mem>>
          %dma_start3A_751 = arith.constant 0 : i32
          %dma_start3A_752 = arith.constant 0 : i32
          %dma_start3A_753 = tpu.memref_slice %arg8[%run_scoped3A_280, %dma_start3A_751, %dma_start3A_752] : memref<2x128x128xf32, #tpu.memory_space<vmem>> -> memref<1x128x128xf32, #tpu.memory_space<vmem>>
          %dma_start3A_754 = tpu.memref_squeeze %dma_start3A_753 : memref<1x128x128xf32, #tpu.memory_space<vmem>> -> memref<128x128xf32, #tpu.memory_space<vmem>>
          %dma_start3A_755 = arith.constant 0 : i32
          %dma_start3A_756 = tpu.memref_slice %arg7[%run_scoped3A_281, %run_scoped3A_282, %dma_start3A_755] : memref<2x8x128xi32, #tpu.memory_space<vmem>> -> memref<1x1x128xi32, #tpu.memory_space<vmem>>
          %dma_start3A_757 = tpu.memref_squeeze %dma_start3A_756 : memref<1x1x128xi32, #tpu.memory_space<vmem>> -> memref<128xi32, #tpu.memory_space<vmem>>
          %dma_start3A_758 = arith.constant 0 : i32
          %dma_start3A_759 = arith.constant 0 : i32
          %dma_start3A_760 = tpu.memref_slice %arg9[%dma_start3A_758, %dma_start3A_759] : memref<10240x128xf32, #tpu.memory_space<vmem_shared>> -> memref<10240x128xf32, #tpu.memory_space<vmem_shared>>
          tpu.enqueue_indirect_dma source(%dma_start3A_754 : memref<128x128xf32, #tpu.memory_space<vmem>>) target(%dma_start3A_760 : memref<10240x128xf32, #tpu.memory_space<vmem_shared>>) offsets(%dma_start3A_757 : memref<128xi32, #tpu.memory_space<vmem>>) semaphore(%run_scoped3A_750 : memref<!tpu.dma_semaphore, #tpu.memory_space<semaphore_mem>>) {add = true}
          %dma_wait3A_761 = arith.constant 0 : i32
          %dma_wait3A_762 = arith.constant 0 : i32
          %dma_wait3A_763 = tpu.memref_slice %arg8[%run_scoped3A_280, %dma_wait3A_761, %dma_wait3A_762] : memref<2x128x128xf32, #tpu.memory_space<vmem>> -> memref<1x128x128xf32, #tpu.memory_space<vmem>>
          %dma_wait3A_764 = tpu.memref_squeeze %dma_wait3A_763 : memref<1x128x128xf32, #tpu.memory_space<vmem>> -> memref<128x128xf32, #tpu.memory_space<vmem>>
          %dma_wait3A_765 = arith.constant 0 : i32
          %dma_wait3A_766 = tpu.memref_slice %arg7[%run_scoped3A_281, %run_scoped3A_282, %dma_wait3A_765] : memref<2x8x128xi32, #tpu.memory_space<vmem>> -> memref<1x1x128xi32, #tpu.memory_space<vmem>>
          %dma_wait3A_767 = tpu.memref_squeeze %dma_wait3A_766 : memref<1x1x128xi32, #tpu.memory_space<vmem>> -> memref<128xi32, #tpu.memory_space<vmem>>
          %dma_wait3A_768 = arith.constant 0 : i32
          %dma_wait3A_769 = arith.constant 0 : i32
          %dma_wait3A_770 = tpu.memref_slice %arg9[%dma_wait3A_768, %dma_wait3A_769] : memref<10240x128xf32, #tpu.memory_space<vmem_shared>> -> memref<10240x128xf32, #tpu.memory_space<vmem_shared>>
          tpu.wait_indirect_dma semaphore(%run_scoped3A_750 : memref<!tpu.dma_semaphore, #tpu.memory_space<semaphore_mem>>) src(%dma_wait3A_764 : memref<128x128xf32, #tpu.memory_space<vmem>>) dst(%dma_wait3A_770 : memref<10240x128xf32, #tpu.memory_space<vmem_shared>>)
          tpu.yield
        }) : () -> ()
        %dma_start3A_283 = arith.constant 0 : i32
        %dma_start3A_284 = arith.constant 5 : i32
        %dma_start3A_285 = arith.constant 1 : i32
        %dma_start3A_286 = arith.constant 1 : i32
        %dma_start3A_287 = arith.constant 0 : i32
        %dma_start3A_288 = arith.constant 0 : i32
        %dma_start3A_289 = tpu.memref_slice %arg8[%dma_start3A_285, %dma_start3A_287, %dma_start3A_288] : memref<2x128x128xf32, #tpu.memory_space<vmem>> -> memref<1x128x128xf32, #tpu.memory_space<vmem>>
        %dma_start3A_290 = tpu.memref_squeeze %dma_start3A_289 : memref<1x128x128xf32, #tpu.memory_space<vmem>> -> memref<128x128xf32, #tpu.memory_space<vmem>>
        %dma_start3A_291 = arith.constant 0 : i32
        %dma_start3A_292 = tpu.memref_slice %arg6[%dma_start3A_283, %dma_start3A_284, %dma_start3A_291] : memref<2x8x128xi32, #tpu.memory_space<vmem>> -> memref<1x1x128xi32, #tpu.memory_space<vmem>>
        %dma_start3A_293 = tpu.memref_squeeze %dma_start3A_292 : memref<1x1x128xi32, #tpu.memory_space<vmem>> -> memref<128xi32, #tpu.memory_space<vmem>>
        %dma_start3A_294 = arith.constant 0 : i32
        %dma_start3A_295 = arith.constant 0 : i32
        %dma_start3A_296 = tpu.memref_slice %arg2[%dma_start3A_294, %dma_start3A_295] : memref<10000x128xf32, #tpu.memory_space<hbm>> -> memref<10000x128xf32, #tpu.memory_space<hbm>>
        %dma_start3A_297 = tpu.memref_slice %arg10[%dma_start3A_286] : memref<2x!tpu.dma_semaphore, #tpu.memory_space<semaphore_mem>> -> memref<1x!tpu.dma_semaphore, #tpu.memory_space<semaphore_mem>>
        %dma_start3A_298 = tpu.memref_squeeze %dma_start3A_297 : memref<1x!tpu.dma_semaphore, #tpu.memory_space<semaphore_mem>> -> memref<!tpu.dma_semaphore, #tpu.memory_space<semaphore_mem>>
        tpu.enqueue_indirect_dma source(%dma_start3A_296 : memref<10000x128xf32, #tpu.memory_space<hbm>>) target(%dma_start3A_290 : memref<128x128xf32, #tpu.memory_space<vmem>>) offsets(%dma_start3A_293 : memref<128xi32, #tpu.memory_space<vmem>>) semaphore(%dma_start3A_298 : memref<!tpu.dma_semaphore, #tpu.memory_space<semaphore_mem>>)
        %dma_wait3A_299 = arith.constant 0 : i32
        %dma_wait3A_300 = arith.constant 0 : i32
        %dma_wait3A_301 = arith.constant 0 : i32
        %dma_wait3A_302 = arith.constant 0 : i32
        %dma_wait3A_303 = arith.constant 0 : i32
        %dma_wait3A_304 = arith.constant 0 : i32
        %dma_wait3A_305 = tpu.memref_slice %arg8[%dma_wait3A_301, %dma_wait3A_303, %dma_wait3A_304] : memref<2x128x128xf32, #tpu.memory_space<vmem>> -> memref<1x128x128xf32, #tpu.memory_space<vmem>>
        %dma_wait3A_306 = tpu.memref_squeeze %dma_wait3A_305 : memref<1x128x128xf32, #tpu.memory_space<vmem>> -> memref<128x128xf32, #tpu.memory_space<vmem>>
        %dma_wait3A_307 = arith.constant 0 : i32
        %dma_wait3A_308 = tpu.memref_slice %arg6[%dma_wait3A_299, %dma_wait3A_300, %dma_wait3A_307] : memref<2x8x128xi32, #tpu.memory_space<vmem>> -> memref<1x1x128xi32, #tpu.memory_space<vmem>>
        %dma_wait3A_309 = tpu.memref_squeeze %dma_wait3A_308 : memref<1x1x128xi32, #tpu.memory_space<vmem>> -> memref<128xi32, #tpu.memory_space<vmem>>
        %dma_wait3A_310 = arith.constant 0 : i32
        %dma_wait3A_311 = arith.constant 0 : i32
        %dma_wait3A_312 = tpu.memref_slice %arg2[%dma_wait3A_310, %dma_wait3A_311] : memref<10000x128xf32, #tpu.memory_space<hbm>> -> memref<10000x128xf32, #tpu.memory_space<hbm>>
        %dma_wait3A_313 = tpu.memref_slice %arg10[%dma_wait3A_302] : memref<2x!tpu.dma_semaphore, #tpu.memory_space<semaphore_mem>> -> memref<1x!tpu.dma_semaphore, #tpu.memory_space<semaphore_mem>>
        %dma_wait3A_314 = tpu.memref_squeeze %dma_wait3A_313 : memref<1x!tpu.dma_semaphore, #tpu.memory_space<semaphore_mem>> -> memref<!tpu.dma_semaphore, #tpu.memory_space<semaphore_mem>>
        tpu.wait_indirect_dma semaphore(%dma_wait3A_314 : memref<!tpu.dma_semaphore, #tpu.memory_space<semaphore_mem>>) src(%dma_wait3A_312 : memref<10000x128xf32, #tpu.memory_space<hbm>>) dst(%dma_wait3A_306 : memref<128x128xf32, #tpu.memory_space<vmem>>)
        %run_scoped3A_315 = arith.constant 0 : i32
        %run_scoped3A_316 = arith.constant 0 : i32
        %run_scoped3A_317 = arith.constant 4 : i32
        "tpu.region"() ({
          %run_scoped3A_750 = tpu.sem_alloc : memref<!tpu.dma_semaphore, #tpu.memory_space<semaphore_mem>>
          %dma_start3A_751 = arith.constant 0 : i32
          %dma_start3A_752 = arith.constant 0 : i32
          %dma_start3A_753 = tpu.memref_slice %arg8[%run_scoped3A_315, %dma_start3A_751, %dma_start3A_752] : memref<2x128x128xf32, #tpu.memory_space<vmem>> -> memref<1x128x128xf32, #tpu.memory_space<vmem>>
          %dma_start3A_754 = tpu.memref_squeeze %dma_start3A_753 : memref<1x128x128xf32, #tpu.memory_space<vmem>> -> memref<128x128xf32, #tpu.memory_space<vmem>>
          %dma_start3A_755 = arith.constant 0 : i32
          %dma_start3A_756 = tpu.memref_slice %arg7[%run_scoped3A_316, %run_scoped3A_317, %dma_start3A_755] : memref<2x8x128xi32, #tpu.memory_space<vmem>> -> memref<1x1x128xi32, #tpu.memory_space<vmem>>
          %dma_start3A_757 = tpu.memref_squeeze %dma_start3A_756 : memref<1x1x128xi32, #tpu.memory_space<vmem>> -> memref<128xi32, #tpu.memory_space<vmem>>
          %dma_start3A_758 = arith.constant 0 : i32
          %dma_start3A_759 = arith.constant 0 : i32
          %dma_start3A_760 = tpu.memref_slice %arg9[%dma_start3A_758, %dma_start3A_759] : memref<10240x128xf32, #tpu.memory_space<vmem_shared>> -> memref<10240x128xf32, #tpu.memory_space<vmem_shared>>
          tpu.enqueue_indirect_dma source(%dma_start3A_754 : memref<128x128xf32, #tpu.memory_space<vmem>>) target(%dma_start3A_760 : memref<10240x128xf32, #tpu.memory_space<vmem_shared>>) offsets(%dma_start3A_757 : memref<128xi32, #tpu.memory_space<vmem>>) semaphore(%run_scoped3A_750 : memref<!tpu.dma_semaphore, #tpu.memory_space<semaphore_mem>>) {add = true}
          %dma_wait3A_761 = arith.constant 0 : i32
          %dma_wait3A_762 = arith.constant 0 : i32
          %dma_wait3A_763 = tpu.memref_slice %arg8[%run_scoped3A_315, %dma_wait3A_761, %dma_wait3A_762] : memref<2x128x128xf32, #tpu.memory_space<vmem>> -> memref<1x128x128xf32, #tpu.memory_space<vmem>>
          %dma_wait3A_764 = tpu.memref_squeeze %dma_wait3A_763 : memref<1x128x128xf32, #tpu.memory_space<vmem>> -> memref<128x128xf32, #tpu.memory_space<vmem>>
          %dma_wait3A_765 = arith.constant 0 : i32
          %dma_wait3A_766 = tpu.memref_slice %arg7[%run_scoped3A_316, %run_scoped3A_317, %dma_wait3A_765] : memref<2x8x128xi32, #tpu.memory_space<vmem>> -> memref<1x1x128xi32, #tpu.memory_space<vmem>>
          %dma_wait3A_767 = tpu.memref_squeeze %dma_wait3A_766 : memref<1x1x128xi32, #tpu.memory_space<vmem>> -> memref<128xi32, #tpu.memory_space<vmem>>
          %dma_wait3A_768 = arith.constant 0 : i32
          %dma_wait3A_769 = arith.constant 0 : i32
          %dma_wait3A_770 = tpu.memref_slice %arg9[%dma_wait3A_768, %dma_wait3A_769] : memref<10240x128xf32, #tpu.memory_space<vmem_shared>> -> memref<10240x128xf32, #tpu.memory_space<vmem_shared>>
          tpu.wait_indirect_dma semaphore(%run_scoped3A_750 : memref<!tpu.dma_semaphore, #tpu.memory_space<semaphore_mem>>) src(%dma_wait3A_764 : memref<128x128xf32, #tpu.memory_space<vmem>>) dst(%dma_wait3A_770 : memref<10240x128xf32, #tpu.memory_space<vmem_shared>>)
          tpu.yield
        }) : () -> ()
        %dma_start3A_318 = arith.constant 0 : i32
        %dma_start3A_319 = arith.constant 6 : i32
        %dma_start3A_320 = arith.constant 0 : i32
        %dma_start3A_321 = arith.constant 0 : i32
        %dma_start3A_322 = arith.constant 0 : i32
        %dma_start3A_323 = arith.constant 0 : i32
        %dma_start3A_324 = tpu.memref_slice %arg8[%dma_start3A_320, %dma_start3A_322, %dma_start3A_323] : memref<2x128x128xf32, #tpu.memory_space<vmem>> -> memref<1x128x128xf32, #tpu.memory_space<vmem>>
        %dma_start3A_325 = tpu.memref_squeeze %dma_start3A_324 : memref<1x128x128xf32, #tpu.memory_space<vmem>> -> memref<128x128xf32, #tpu.memory_space<vmem>>
        %dma_start3A_326 = arith.constant 0 : i32
        %dma_start3A_327 = tpu.memref_slice %arg6[%dma_start3A_318, %dma_start3A_319, %dma_start3A_326] : memref<2x8x128xi32, #tpu.memory_space<vmem>> -> memref<1x1x128xi32, #tpu.memory_space<vmem>>
        %dma_start3A_328 = tpu.memref_squeeze %dma_start3A_327 : memref<1x1x128xi32, #tpu.memory_space<vmem>> -> memref<128xi32, #tpu.memory_space<vmem>>
        %dma_start3A_329 = arith.constant 0 : i32
        %dma_start3A_330 = arith.constant 0 : i32
        %dma_start3A_331 = tpu.memref_slice %arg2[%dma_start3A_329, %dma_start3A_330] : memref<10000x128xf32, #tpu.memory_space<hbm>> -> memref<10000x128xf32, #tpu.memory_space<hbm>>
        %dma_start3A_332 = tpu.memref_slice %arg10[%dma_start3A_321] : memref<2x!tpu.dma_semaphore, #tpu.memory_space<semaphore_mem>> -> memref<1x!tpu.dma_semaphore, #tpu.memory_space<semaphore_mem>>
        %dma_start3A_333 = tpu.memref_squeeze %dma_start3A_332 : memref<1x!tpu.dma_semaphore, #tpu.memory_space<semaphore_mem>> -> memref<!tpu.dma_semaphore, #tpu.memory_space<semaphore_mem>>
        tpu.enqueue_indirect_dma source(%dma_start3A_331 : memref<10000x128xf32, #tpu.memory_space<hbm>>) target(%dma_start3A_325 : memref<128x128xf32, #tpu.memory_space<vmem>>) offsets(%dma_start3A_328 : memref<128xi32, #tpu.memory_space<vmem>>) semaphore(%dma_start3A_333 : memref<!tpu.dma_semaphore, #tpu.memory_space<semaphore_mem>>)
        %dma_wait3A_334 = arith.constant 0 : i32
        %dma_wait3A_335 = arith.constant 0 : i32
        %dma_wait3A_336 = arith.constant 1 : i32
        %dma_wait3A_337 = arith.constant 1 : i32
        %dma_wait3A_338 = arith.constant 0 : i32
        %dma_wait3A_339 = arith.constant 0 : i32
        %dma_wait3A_340 = tpu.memref_slice %arg8[%dma_wait3A_336, %dma_wait3A_338, %dma_wait3A_339] : memref<2x128x128xf32, #tpu.memory_space<vmem>> -> memref<1x128x128xf32, #tpu.memory_space<vmem>>
        %dma_wait3A_341 = tpu.memref_squeeze %dma_wait3A_340 : memref<1x128x128xf32, #tpu.memory_space<vmem>> -> memref<128x128xf32, #tpu.memory_space<vmem>>
        %dma_wait3A_342 = arith.constant 0 : i32
        %dma_wait3A_343 = tpu.memref_slice %arg6[%dma_wait3A_334, %dma_wait3A_335, %dma_wait3A_342] : memref<2x8x128xi32, #tpu.memory_space<vmem>> -> memref<1x1x128xi32, #tpu.memory_space<vmem>>
        %dma_wait3A_344 = tpu.memref_squeeze %dma_wait3A_343 : memref<1x1x128xi32, #tpu.memory_space<vmem>> -> memref<128xi32, #tpu.memory_space<vmem>>
        %dma_wait3A_345 = arith.constant 0 : i32
        %dma_wait3A_346 = arith.constant 0 : i32
        %dma_wait3A_347 = tpu.memref_slice %arg2[%dma_wait3A_345, %dma_wait3A_346] : memref<10000x128xf32, #tpu.memory_space<hbm>> -> memref<10000x128xf32, #tpu.memory_space<hbm>>
        %dma_wait3A_348 = tpu.memref_slice %arg10[%dma_wait3A_337] : memref<2x!tpu.dma_semaphore, #tpu.memory_space<semaphore_mem>> -> memref<1x!tpu.dma_semaphore, #tpu.memory_space<semaphore_mem>>
        %dma_wait3A_349 = tpu.memref_squeeze %dma_wait3A_348 : memref<1x!tpu.dma_semaphore, #tpu.memory_space<semaphore_mem>> -> memref<!tpu.dma_semaphore, #tpu.memory_space<semaphore_mem>>
        tpu.wait_indirect_dma semaphore(%dma_wait3A_349 : memref<!tpu.dma_semaphore, #tpu.memory_space<semaphore_mem>>) src(%dma_wait3A_347 : memref<10000x128xf32, #tpu.memory_space<hbm>>) dst(%dma_wait3A_341 : memref<128x128xf32, #tpu.memory_space<vmem>>)
        %run_scoped3A_350 = arith.constant 1 : i32
        %run_scoped3A_351 = arith.constant 0 : i32
        %run_scoped3A_352 = arith.constant 5 : i32
        "tpu.region"() ({
          %run_scoped3A_750 = tpu.sem_alloc : memref<!tpu.dma_semaphore, #tpu.memory_space<semaphore_mem>>
          %dma_start3A_751 = arith.constant 0 : i32
          %dma_start3A_752 = arith.constant 0 : i32
          %dma_start3A_753 = tpu.memref_slice %arg8[%run_scoped3A_350, %dma_start3A_751, %dma_start3A_752] : memref<2x128x128xf32, #tpu.memory_space<vmem>> -> memref<1x128x128xf32, #tpu.memory_space<vmem>>
          %dma_start3A_754 = tpu.memref_squeeze %dma_start3A_753 : memref<1x128x128xf32, #tpu.memory_space<vmem>> -> memref<128x128xf32, #tpu.memory_space<vmem>>
          %dma_start3A_755 = arith.constant 0 : i32
          %dma_start3A_756 = tpu.memref_slice %arg7[%run_scoped3A_351, %run_scoped3A_352, %dma_start3A_755] : memref<2x8x128xi32, #tpu.memory_space<vmem>> -> memref<1x1x128xi32, #tpu.memory_space<vmem>>
          %dma_start3A_757 = tpu.memref_squeeze %dma_start3A_756 : memref<1x1x128xi32, #tpu.memory_space<vmem>> -> memref<128xi32, #tpu.memory_space<vmem>>
          %dma_start3A_758 = arith.constant 0 : i32
          %dma_start3A_759 = arith.constant 0 : i32
          %dma_start3A_760 = tpu.memref_slice %arg9[%dma_start3A_758, %dma_start3A_759] : memref<10240x128xf32, #tpu.memory_space<vmem_shared>> -> memref<10240x128xf32, #tpu.memory_space<vmem_shared>>
          tpu.enqueue_indirect_dma source(%dma_start3A_754 : memref<128x128xf32, #tpu.memory_space<vmem>>) target(%dma_start3A_760 : memref<10240x128xf32, #tpu.memory_space<vmem_shared>>) offsets(%dma_start3A_757 : memref<128xi32, #tpu.memory_space<vmem>>) semaphore(%run_scoped3A_750 : memref<!tpu.dma_semaphore, #tpu.memory_space<semaphore_mem>>) {add = true}
          %dma_wait3A_761 = arith.constant 0 : i32
          %dma_wait3A_762 = arith.constant 0 : i32
          %dma_wait3A_763 = tpu.memref_slice %arg8[%run_scoped3A_350, %dma_wait3A_761, %dma_wait3A_762] : memref<2x128x128xf32, #tpu.memory_space<vmem>> -> memref<1x128x128xf32, #tpu.memory_space<vmem>>
          %dma_wait3A_764 = tpu.memref_squeeze %dma_wait3A_763 : memref<1x128x128xf32, #tpu.memory_space<vmem>> -> memref<128x128xf32, #tpu.memory_space<vmem>>
          %dma_wait3A_765 = arith.constant 0 : i32
          %dma_wait3A_766 = tpu.memref_slice %arg7[%run_scoped3A_351, %run_scoped3A_352, %dma_wait3A_765] : memref<2x8x128xi32, #tpu.memory_space<vmem>> -> memref<1x1x128xi32, #tpu.memory_space<vmem>>
          %dma_wait3A_767 = tpu.memref_squeeze %dma_wait3A_766 : memref<1x1x128xi32, #tpu.memory_space<vmem>> -> memref<128xi32, #tpu.memory_space<vmem>>
          %dma_wait3A_768 = arith.constant 0 : i32
          %dma_wait3A_769 = arith.constant 0 : i32
          %dma_wait3A_770 = tpu.memref_slice %arg9[%dma_wait3A_768, %dma_wait3A_769] : memref<10240x128xf32, #tpu.memory_space<vmem_shared>> -> memref<10240x128xf32, #tpu.memory_space<vmem_shared>>
          tpu.wait_indirect_dma semaphore(%run_scoped3A_750 : memref<!tpu.dma_semaphore, #tpu.memory_space<semaphore_mem>>) src(%dma_wait3A_764 : memref<128x128xf32, #tpu.memory_space<vmem>>) dst(%dma_wait3A_770 : memref<10240x128xf32, #tpu.memory_space<vmem_shared>>)
          tpu.yield
        }) : () -> ()
        %dma_start3A_353 = arith.constant 0 : i32
        %dma_start3A_354 = arith.constant 7 : i32
        %dma_start3A_355 = arith.constant 1 : i32
        %dma_start3A_356 = arith.constant 1 : i32
        %dma_start3A_357 = arith.constant 0 : i32
        %dma_start3A_358 = arith.constant 0 : i32
        %dma_start3A_359 = tpu.memref_slice %arg8[%dma_start3A_355, %dma_start3A_357, %dma_start3A_358] : memref<2x128x128xf32, #tpu.memory_space<vmem>> -> memref<1x128x128xf32, #tpu.memory_space<vmem>>
        %dma_start3A_360 = tpu.memref_squeeze %dma_start3A_359 : memref<1x128x128xf32, #tpu.memory_space<vmem>> -> memref<128x128xf32, #tpu.memory_space<vmem>>
        %dma_start3A_361 = arith.constant 0 : i32
        %dma_start3A_362 = tpu.memref_slice %arg6[%dma_start3A_353, %dma_start3A_354, %dma_start3A_361] : memref<2x8x128xi32, #tpu.memory_space<vmem>> -> memref<1x1x128xi32, #tpu.memory_space<vmem>>
        %dma_start3A_363 = tpu.memref_squeeze %dma_start3A_362 : memref<1x1x128xi32, #tpu.memory_space<vmem>> -> memref<128xi32, #tpu.memory_space<vmem>>
        %dma_start3A_364 = arith.constant 0 : i32
        %dma_start3A_365 = arith.constant 0 : i32
        %dma_start3A_366 = tpu.memref_slice %arg2[%dma_start3A_364, %dma_start3A_365] : memref<10000x128xf32, #tpu.memory_space<hbm>> -> memref<10000x128xf32, #tpu.memory_space<hbm>>
        %dma_start3A_367 = tpu.memref_slice %arg10[%dma_start3A_356] : memref<2x!tpu.dma_semaphore, #tpu.memory_space<semaphore_mem>> -> memref<1x!tpu.dma_semaphore, #tpu.memory_space<semaphore_mem>>
        %dma_start3A_368 = tpu.memref_squeeze %dma_start3A_367 : memref<1x!tpu.dma_semaphore, #tpu.memory_space<semaphore_mem>> -> memref<!tpu.dma_semaphore, #tpu.memory_space<semaphore_mem>>
        tpu.enqueue_indirect_dma source(%dma_start3A_366 : memref<10000x128xf32, #tpu.memory_space<hbm>>) target(%dma_start3A_360 : memref<128x128xf32, #tpu.memory_space<vmem>>) offsets(%dma_start3A_363 : memref<128xi32, #tpu.memory_space<vmem>>) semaphore(%dma_start3A_368 : memref<!tpu.dma_semaphore, #tpu.memory_space<semaphore_mem>>)
        %dma_wait3A_369 = arith.constant 0 : i32
        %dma_wait3A_370 = arith.constant 0 : i32
        %dma_wait3A_371 = arith.constant 0 : i32
        %dma_wait3A_372 = arith.constant 0 : i32
        %dma_wait3A_373 = arith.constant 0 : i32
        %dma_wait3A_374 = arith.constant 0 : i32
        %dma_wait3A_375 = tpu.memref_slice %arg8[%dma_wait3A_371, %dma_wait3A_373, %dma_wait3A_374] : memref<2x128x128xf32, #tpu.memory_space<vmem>> -> memref<1x128x128xf32, #tpu.memory_space<vmem>>
        %dma_wait3A_376 = tpu.memref_squeeze %dma_wait3A_375 : memref<1x128x128xf32, #tpu.memory_space<vmem>> -> memref<128x128xf32, #tpu.memory_space<vmem>>
        %dma_wait3A_377 = arith.constant 0 : i32
        %dma_wait3A_378 = tpu.memref_slice %arg6[%dma_wait3A_369, %dma_wait3A_370, %dma_wait3A_377] : memref<2x8x128xi32, #tpu.memory_space<vmem>> -> memref<1x1x128xi32, #tpu.memory_space<vmem>>
        %dma_wait3A_379 = tpu.memref_squeeze %dma_wait3A_378 : memref<1x1x128xi32, #tpu.memory_space<vmem>> -> memref<128xi32, #tpu.memory_space<vmem>>
        %dma_wait3A_380 = arith.constant 0 : i32
        %dma_wait3A_381 = arith.constant 0 : i32
        %dma_wait3A_382 = tpu.memref_slice %arg2[%dma_wait3A_380, %dma_wait3A_381] : memref<10000x128xf32, #tpu.memory_space<hbm>> -> memref<10000x128xf32, #tpu.memory_space<hbm>>
        %dma_wait3A_383 = tpu.memref_slice %arg10[%dma_wait3A_372] : memref<2x!tpu.dma_semaphore, #tpu.memory_space<semaphore_mem>> -> memref<1x!tpu.dma_semaphore, #tpu.memory_space<semaphore_mem>>
        %dma_wait3A_384 = tpu.memref_squeeze %dma_wait3A_383 : memref<1x!tpu.dma_semaphore, #tpu.memory_space<semaphore_mem>> -> memref<!tpu.dma_semaphore, #tpu.memory_space<semaphore_mem>>
        tpu.wait_indirect_dma semaphore(%dma_wait3A_384 : memref<!tpu.dma_semaphore, #tpu.memory_space<semaphore_mem>>) src(%dma_wait3A_382 : memref<10000x128xf32, #tpu.memory_space<hbm>>) dst(%dma_wait3A_376 : memref<128x128xf32, #tpu.memory_space<vmem>>)
        %run_scoped3A_385 = arith.constant 0 : i32
        %run_scoped3A_386 = arith.constant 0 : i32
        %run_scoped3A_387 = arith.constant 6 : i32
        "tpu.region"() ({
          %run_scoped3A_750 = tpu.sem_alloc : memref<!tpu.dma_semaphore, #tpu.memory_space<semaphore_mem>>
          %dma_start3A_751 = arith.constant 0 : i32
          %dma_start3A_752 = arith.constant 0 : i32
          %dma_start3A_753 = tpu.memref_slice %arg8[%run_scoped3A_385, %dma_start3A_751, %dma_start3A_752] : memref<2x128x128xf32, #tpu.memory_space<vmem>> -> memref<1x128x128xf32, #tpu.memory_space<vmem>>
          %dma_start3A_754 = tpu.memref_squeeze %dma_start3A_753 : memref<1x128x128xf32, #tpu.memory_space<vmem>> -> memref<128x128xf32, #tpu.memory_space<vmem>>
          %dma_start3A_755 = arith.constant 0 : i32
          %dma_start3A_756 = tpu.memref_slice %arg7[%run_scoped3A_386, %run_scoped3A_387, %dma_start3A_755] : memref<2x8x128xi32, #tpu.memory_space<vmem>> -> memref<1x1x128xi32, #tpu.memory_space<vmem>>
          %dma_start3A_757 = tpu.memref_squeeze %dma_start3A_756 : memref<1x1x128xi32, #tpu.memory_space<vmem>> -> memref<128xi32, #tpu.memory_space<vmem>>
          %dma_start3A_758 = arith.constant 0 : i32
          %dma_start3A_759 = arith.constant 0 : i32
          %dma_start3A_760 = tpu.memref_slice %arg9[%dma_start3A_758, %dma_start3A_759] : memref<10240x128xf32, #tpu.memory_space<vmem_shared>> -> memref<10240x128xf32, #tpu.memory_space<vmem_shared>>
          tpu.enqueue_indirect_dma source(%dma_start3A_754 : memref<128x128xf32, #tpu.memory_space<vmem>>) target(%dma_start3A_760 : memref<10240x128xf32, #tpu.memory_space<vmem_shared>>) offsets(%dma_start3A_757 : memref<128xi32, #tpu.memory_space<vmem>>) semaphore(%run_scoped3A_750 : memref<!tpu.dma_semaphore, #tpu.memory_space<semaphore_mem>>) {add = true}
          %dma_wait3A_761 = arith.constant 0 : i32
          %dma_wait3A_762 = arith.constant 0 : i32
          %dma_wait3A_763 = tpu.memref_slice %arg8[%run_scoped3A_385, %dma_wait3A_761, %dma_wait3A_762] : memref<2x128x128xf32, #tpu.memory_space<vmem>> -> memref<1x128x128xf32, #tpu.memory_space<vmem>>
          %dma_wait3A_764 = tpu.memref_squeeze %dma_wait3A_763 : memref<1x128x128xf32, #tpu.memory_space<vmem>> -> memref<128x128xf32, #tpu.memory_space<vmem>>
          %dma_wait3A_765 = arith.constant 0 : i32
          %dma_wait3A_766 = tpu.memref_slice %arg7[%run_scoped3A_386, %run_scoped3A_387, %dma_wait3A_765] : memref<2x8x128xi32, #tpu.memory_space<vmem>> -> memref<1x1x128xi32, #tpu.memory_space<vmem>>
          %dma_wait3A_767 = tpu.memref_squeeze %dma_wait3A_766 : memref<1x1x128xi32, #tpu.memory_space<vmem>> -> memref<128xi32, #tpu.memory_space<vmem>>
          %dma_wait3A_768 = arith.constant 0 : i32
          %dma_wait3A_769 = arith.constant 0 : i32
          %dma_wait3A_770 = tpu.memref_slice %arg9[%dma_wait3A_768, %dma_wait3A_769] : memref<10240x128xf32, #tpu.memory_space<vmem_shared>> -> memref<10240x128xf32, #tpu.memory_space<vmem_shared>>
          tpu.wait_indirect_dma semaphore(%run_scoped3A_750 : memref<!tpu.dma_semaphore, #tpu.memory_space<semaphore_mem>>) src(%dma_wait3A_764 : memref<128x128xf32, #tpu.memory_space<vmem>>) dst(%dma_wait3A_770 : memref<10240x128xf32, #tpu.memory_space<vmem_shared>>)
          tpu.yield
        }) : () -> ()
        %dma_wait3A_388 = arith.constant 1 : i32
        %dma_wait3A_389 = arith.constant 1 : i32
        %dma_wait3A_390 = arith.constant 0 : i32
        %dma_wait3A_391 = arith.constant 0 : i32
        %dma_wait3A_392 = tpu.memref_slice %arg6[%dma_wait3A_388, %dma_wait3A_390, %dma_wait3A_391] : memref<2x8x128xi32, #tpu.memory_space<vmem>> -> memref<1x8x128xi32, #tpu.memory_space<vmem>>
        %dma_wait3A_393 = tpu.memref_squeeze %dma_wait3A_392 : memref<1x8x128xi32, #tpu.memory_space<vmem>> -> memref<8x128xi32, #tpu.memory_space<vmem>>
        %dma_wait3A_394 = arith.constant 0 : i32
        %dma_wait3A_395 = arith.constant 0 : i32
        %dma_wait3A_396 = tpu.memref_slice %arg3[%dma_wait3A_394, %dma_wait3A_395] : memref<2560x128xi32, #tpu.memory_space<hbm>> -> memref<8x128xi32, #tpu.memory_space<hbm>>
        %dma_wait3A_397 = tpu.memref_slice %arg11[%dma_wait3A_389] : memref<2x!tpu.dma_semaphore, #tpu.memory_space<semaphore_mem>> -> memref<1x!tpu.dma_semaphore, #tpu.memory_space<semaphore_mem>>
        %dma_wait3A_398 = tpu.memref_squeeze %dma_wait3A_397 : memref<1x!tpu.dma_semaphore, #tpu.memory_space<semaphore_mem>> -> memref<!tpu.dma_semaphore, #tpu.memory_space<semaphore_mem>>
        %dma_wait3A_399 = arith.constant 0 : i32
        %dma_wait3A_400 = arith.constant 0 : i32
        %dma_wait3A_401 = tpu.memref_slice %arg6[%dma_wait3A_388, %dma_wait3A_399, %dma_wait3A_400] : memref<2x8x128xi32, #tpu.memory_space<vmem>> -> memref<1x8x128xi32, #tpu.memory_space<vmem>>
        %dma_wait3A_402 = tpu.memref_squeeze %dma_wait3A_401 : memref<1x8x128xi32, #tpu.memory_space<vmem>> -> memref<8x128xi32, #tpu.memory_space<vmem>>
        %dma_wait3A_403 = arith.constant 0 : i32
        %dma_wait3A_404 = arith.constant 0 : i32
        %dma_wait3A_405 = tpu.memref_slice %arg3[%dma_wait3A_403, %dma_wait3A_404] : memref<2560x128xi32, #tpu.memory_space<hbm>> -> memref<8x128xi32, #tpu.memory_space<hbm>>
        tpu.wait_dma2 semaphore(%dma_wait3A_398 : memref<!tpu.dma_semaphore, #tpu.memory_space<semaphore_mem>>) src(%dma_wait3A_405 : memref<8x128xi32, #tpu.memory_space<hbm>>) dst(%dma_wait3A_402 : memref<8x128xi32, #tpu.memory_space<vmem>>)
        %dma_wait3A_406 = arith.constant 1 : i32
        %dma_wait3A_407 = arith.constant 1 : i32
        %dma_wait3A_408 = arith.constant 0 : i32
        %dma_wait3A_409 = arith.constant 0 : i32
        %dma_wait3A_410 = tpu.memref_slice %arg7[%dma_wait3A_406, %dma_wait3A_408, %dma_wait3A_409] : memref<2x8x128xi32, #tpu.memory_space<vmem>> -> memref<1x8x128xi32, #tpu.memory_space<vmem>>
        %dma_wait3A_411 = tpu.memref_squeeze %dma_wait3A_410 : memref<1x8x128xi32, #tpu.memory_space<vmem>> -> memref<8x128xi32, #tpu.memory_space<vmem>>
        %dma_wait3A_412 = arith.constant 0 : i32
        %dma_wait3A_413 = arith.constant 0 : i32
        %dma_wait3A_414 = tpu.memref_slice %arg4[%dma_wait3A_412, %dma_wait3A_413] : memref<2560x128xi32, #tpu.memory_space<hbm>> -> memref<8x128xi32, #tpu.memory_space<hbm>>
        %dma_wait3A_415 = tpu.memref_slice %arg11[%dma_wait3A_407] : memref<2x!tpu.dma_semaphore, #tpu.memory_space<semaphore_mem>> -> memref<1x!tpu.dma_semaphore, #tpu.memory_space<semaphore_mem>>
        %dma_wait3A_416 = tpu.memref_squeeze %dma_wait3A_415 : memref<1x!tpu.dma_semaphore, #tpu.memory_space<semaphore_mem>> -> memref<!tpu.dma_semaphore, #tpu.memory_space<semaphore_mem>>
        %dma_wait3A_417 = arith.constant 0 : i32
        %dma_wait3A_418 = arith.constant 0 : i32
        %dma_wait3A_419 = tpu.memref_slice %arg7[%dma_wait3A_406, %dma_wait3A_417, %dma_wait3A_418] : memref<2x8x128xi32, #tpu.memory_space<vmem>> -> memref<1x8x128xi32, #tpu.memory_space<vmem>>
        %dma_wait3A_420 = tpu.memref_squeeze %dma_wait3A_419 : memref<1x8x128xi32, #tpu.memory_space<vmem>> -> memref<8x128xi32, #tpu.memory_space<vmem>>
        %dma_wait3A_421 = arith.constant 0 : i32
        %dma_wait3A_422 = arith.constant 0 : i32
        %dma_wait3A_423 = tpu.memref_slice %arg4[%dma_wait3A_421, %dma_wait3A_422] : memref<2560x128xi32, #tpu.memory_space<hbm>> -> memref<8x128xi32, #tpu.memory_space<hbm>>
        tpu.wait_dma2 semaphore(%dma_wait3A_416 : memref<!tpu.dma_semaphore, #tpu.memory_space<semaphore_mem>>) src(%dma_wait3A_423 : memref<8x128xi32, #tpu.memory_space<hbm>>) dst(%dma_wait3A_420 : memref<8x128xi32, #tpu.memory_space<vmem>>)
        %dma_start3A_424 = arith.constant 1 : i32
        %dma_start3A_425 = arith.constant 0 : i32
        %dma_start3A_426 = arith.constant 0 : i32
        %dma_start3A_427 = arith.constant 0 : i32
        %dma_start3A_428 = arith.constant 0 : i32
        %dma_start3A_429 = arith.constant 0 : i32
        %dma_start3A_430 = tpu.memref_slice %arg8[%dma_start3A_426, %dma_start3A_428, %dma_start3A_429] : memref<2x128x128xf32, #tpu.memory_space<vmem>> -> memref<1x128x128xf32, #tpu.memory_space<vmem>>
        %dma_start3A_431 = tpu.memref_squeeze %dma_start3A_430 : memref<1x128x128xf32, #tpu.memory_space<vmem>> -> memref<128x128xf32, #tpu.memory_space<vmem>>
        %dma_start3A_432 = arith.constant 0 : i32
        %dma_start3A_433 = tpu.memref_slice %arg6[%dma_start3A_424, %dma_start3A_425, %dma_start3A_432] : memref<2x8x128xi32, #tpu.memory_space<vmem>> -> memref<1x1x128xi32, #tpu.memory_space<vmem>>
        %dma_start3A_434 = tpu.memref_squeeze %dma_start3A_433 : memref<1x1x128xi32, #tpu.memory_space<vmem>> -> memref<128xi32, #tpu.memory_space<vmem>>
        %dma_start3A_435 = arith.constant 0 : i32
        %dma_start3A_436 = arith.constant 0 : i32
        %dma_start3A_437 = tpu.memref_slice %arg2[%dma_start3A_435, %dma_start3A_436] : memref<10000x128xf32, #tpu.memory_space<hbm>> -> memref<10000x128xf32, #tpu.memory_space<hbm>>
        %dma_start3A_438 = tpu.memref_slice %arg10[%dma_start3A_427] : memref<2x!tpu.dma_semaphore, #tpu.memory_space<semaphore_mem>> -> memref<1x!tpu.dma_semaphore, #tpu.memory_space<semaphore_mem>>
        %dma_start3A_439 = tpu.memref_squeeze %dma_start3A_438 : memref<1x!tpu.dma_semaphore, #tpu.memory_space<semaphore_mem>> -> memref<!tpu.dma_semaphore, #tpu.memory_space<semaphore_mem>>
        tpu.enqueue_indirect_dma source(%dma_start3A_437 : memref<10000x128xf32, #tpu.memory_space<hbm>>) target(%dma_start3A_431 : memref<128x128xf32, #tpu.memory_space<vmem>>) offsets(%dma_start3A_434 : memref<128xi32, #tpu.memory_space<vmem>>) semaphore(%dma_start3A_439 : memref<!tpu.dma_semaphore, #tpu.memory_space<semaphore_mem>>)
        %dma_wait3A_440 = arith.constant 0 : i32
        %dma_wait3A_441 = arith.constant 0 : i32
        %dma_wait3A_442 = arith.constant 1 : i32
        %dma_wait3A_443 = arith.constant 1 : i32
        %dma_wait3A_444 = arith.constant 0 : i32
        %dma_wait3A_445 = arith.constant 0 : i32
        %dma_wait3A_446 = tpu.memref_slice %arg8[%dma_wait3A_442, %dma_wait3A_444, %dma_wait3A_445] : memref<2x128x128xf32, #tpu.memory_space<vmem>> -> memref<1x128x128xf32, #tpu.memory_space<vmem>>
        %dma_wait3A_447 = tpu.memref_squeeze %dma_wait3A_446 : memref<1x128x128xf32, #tpu.memory_space<vmem>> -> memref<128x128xf32, #tpu.memory_space<vmem>>
        %dma_wait3A_448 = arith.constant 0 : i32
        %dma_wait3A_449 = tpu.memref_slice %arg6[%dma_wait3A_440, %dma_wait3A_441, %dma_wait3A_448] : memref<2x8x128xi32, #tpu.memory_space<vmem>> -> memref<1x1x128xi32, #tpu.memory_space<vmem>>
        %dma_wait3A_450 = tpu.memref_squeeze %dma_wait3A_449 : memref<1x1x128xi32, #tpu.memory_space<vmem>> -> memref<128xi32, #tpu.memory_space<vmem>>
        %dma_wait3A_451 = arith.constant 0 : i32
        %dma_wait3A_452 = arith.constant 0 : i32
        %dma_wait3A_453 = tpu.memref_slice %arg2[%dma_wait3A_451, %dma_wait3A_452] : memref<10000x128xf32, #tpu.memory_space<hbm>> -> memref<10000x128xf32, #tpu.memory_space<hbm>>
        %dma_wait3A_454 = tpu.memref_slice %arg10[%dma_wait3A_443] : memref<2x!tpu.dma_semaphore, #tpu.memory_space<semaphore_mem>> -> memref<1x!tpu.dma_semaphore, #tpu.memory_space<semaphore_mem>>
        %dma_wait3A_455 = tpu.memref_squeeze %dma_wait3A_454 : memref<1x!tpu.dma_semaphore, #tpu.memory_space<semaphore_mem>> -> memref<!tpu.dma_semaphore, #tpu.memory_space<semaphore_mem>>
        tpu.wait_indirect_dma semaphore(%dma_wait3A_455 : memref<!tpu.dma_semaphore, #tpu.memory_space<semaphore_mem>>) src(%dma_wait3A_453 : memref<10000x128xf32, #tpu.memory_space<hbm>>) dst(%dma_wait3A_447 : memref<128x128xf32, #tpu.memory_space<vmem>>)
        %run_scoped3A_456 = arith.constant 1 : i32
        %run_scoped3A_457 = arith.constant 0 : i32
        %run_scoped3A_458 = arith.constant 7 : i32
        "tpu.region"() ({
          %run_scoped3A_750 = tpu.sem_alloc : memref<!tpu.dma_semaphore, #tpu.memory_space<semaphore_mem>>
          %dma_start3A_751 = arith.constant 0 : i32
          %dma_start3A_752 = arith.constant 0 : i32
          %dma_start3A_753 = tpu.memref_slice %arg8[%run_scoped3A_456, %dma_start3A_751, %dma_start3A_752] : memref<2x128x128xf32, #tpu.memory_space<vmem>> -> memref<1x128x128xf32, #tpu.memory_space<vmem>>
          %dma_start3A_754 = tpu.memref_squeeze %dma_start3A_753 : memref<1x128x128xf32, #tpu.memory_space<vmem>> -> memref<128x128xf32, #tpu.memory_space<vmem>>
          %dma_start3A_755 = arith.constant 0 : i32
          %dma_start3A_756 = tpu.memref_slice %arg7[%run_scoped3A_457, %run_scoped3A_458, %dma_start3A_755] : memref<2x8x128xi32, #tpu.memory_space<vmem>> -> memref<1x1x128xi32, #tpu.memory_space<vmem>>
          %dma_start3A_757 = tpu.memref_squeeze %dma_start3A_756 : memref<1x1x128xi32, #tpu.memory_space<vmem>> -> memref<128xi32, #tpu.memory_space<vmem>>
          %dma_start3A_758 = arith.constant 0 : i32
          %dma_start3A_759 = arith.constant 0 : i32
          %dma_start3A_760 = tpu.memref_slice %arg9[%dma_start3A_758, %dma_start3A_759] : memref<10240x128xf32, #tpu.memory_space<vmem_shared>> -> memref<10240x128xf32, #tpu.memory_space<vmem_shared>>
          tpu.enqueue_indirect_dma source(%dma_start3A_754 : memref<128x128xf32, #tpu.memory_space<vmem>>) target(%dma_start3A_760 : memref<10240x128xf32, #tpu.memory_space<vmem_shared>>) offsets(%dma_start3A_757 : memref<128xi32, #tpu.memory_space<vmem>>) semaphore(%run_scoped3A_750 : memref<!tpu.dma_semaphore, #tpu.memory_space<semaphore_mem>>) {add = true}
          %dma_wait3A_761 = arith.constant 0 : i32
          %dma_wait3A_762 = arith.constant 0 : i32
          %dma_wait3A_763 = tpu.memref_slice %arg8[%run_scoped3A_456, %dma_wait3A_761, %dma_wait3A_762] : memref<2x128x128xf32, #tpu.memory_space<vmem>> -> memref<1x128x128xf32, #tpu.memory_space<vmem>>
          %dma_wait3A_764 = tpu.memref_squeeze %dma_wait3A_763 : memref<1x128x128xf32, #tpu.memory_space<vmem>> -> memref<128x128xf32, #tpu.memory_space<vmem>>
          %dma_wait3A_765 = arith.constant 0 : i32
          %dma_wait3A_766 = tpu.memref_slice %arg7[%run_scoped3A_457, %run_scoped3A_458, %dma_wait3A_765] : memref<2x8x128xi32, #tpu.memory_space<vmem>> -> memref<1x1x128xi32, #tpu.memory_space<vmem>>
          %dma_wait3A_767 = tpu.memref_squeeze %dma_wait3A_766 : memref<1x1x128xi32, #tpu.memory_space<vmem>> -> memref<128xi32, #tpu.memory_space<vmem>>
          %dma_wait3A_768 = arith.constant 0 : i32
          %dma_wait3A_769 = arith.constant 0 : i32
          %dma_wait3A_770 = tpu.memref_slice %arg9[%dma_wait3A_768, %dma_wait3A_769] : memref<10240x128xf32, #tpu.memory_space<vmem_shared>> -> memref<10240x128xf32, #tpu.memory_space<vmem_shared>>
          tpu.wait_indirect_dma semaphore(%run_scoped3A_750 : memref<!tpu.dma_semaphore, #tpu.memory_space<semaphore_mem>>) src(%dma_wait3A_764 : memref<128x128xf32, #tpu.memory_space<vmem>>) dst(%dma_wait3A_770 : memref<10240x128xf32, #tpu.memory_space<vmem_shared>>)
          tpu.yield
        }) : () -> ()
        %add3A_459 = arith.constant 1 : i32
        %add3A_460 = arith.addi %scan3A_159, %add3A_459 : i32
        %lt3A = arith.constant 10 : i32
        %lt3A_461 = arith.cmpi slt, %add3A_460, %lt3A : i32
        %convert_element_type3A_462 = arith.extui %lt3A_461 : i1 to i32
        %cond3A_463 = arith.constant 0 : i32
        %cond3A_464 = arith.cmpi ne, %convert_element_type3A_462, %cond3A_463 : i32
        scf.if %cond3A_464 {
          %add3A_750 = arith.constant 1 : i32
          %add3A_751 = arith.addi %scan3A_159, %add3A_750 : i32
          %mul3A_752 = arith.constant 2 : i32
          %mul3A_753 = arith.muli %mul3A_752, %add3A_751 : i32
          %mul3A_754 = arith.constant 8 : i32
          %mul3A_755 = arith.muli %mul3A_753, %mul3A_754 : i32
          %add3A_756 = arith.addi %mul3A_19, %mul3A_755 : i32
          %dma_start3A_757 = arith.constant 0 : i32
          %dma_start3A_758 = arith.constant 0 : i32
          %dma_start3A_759 = arith.constant 0 : i32
          %dma_start3A_760 = arith.constant 0 : i32
          %dma_start3A_761 = tpu.memref_slice %arg6[%dma_start3A_757, %dma_start3A_759, %dma_start3A_760] : memref<2x8x128xi32, #tpu.memory_space<vmem>> -> memref<1x8x128xi32, #tpu.memory_space<vmem>>
          %dma_start3A_762 = tpu.memref_squeeze %dma_start3A_761 : memref<1x8x128xi32, #tpu.memory_space<vmem>> -> memref<8x128xi32, #tpu.memory_space<vmem>>
          %dma_start3A_763 = arith.constant 0 : i32
          %dma_start3A_764 = tpu.memref_slice %arg3[%add3A_756, %dma_start3A_763] : memref<2560x128xi32, #tpu.memory_space<hbm>> -> memref<8x128xi32, #tpu.memory_space<hbm>>
          %dma_start3A_765 = tpu.memref_slice %arg11[%dma_start3A_758] : memref<2x!tpu.dma_semaphore, #tpu.memory_space<semaphore_mem>> -> memref<1x!tpu.dma_semaphore, #tpu.memory_space<semaphore_mem>>
          %dma_start3A_766 = tpu.memref_squeeze %dma_start3A_765 : memref<1x!tpu.dma_semaphore, #tpu.memory_space<semaphore_mem>> -> memref<!tpu.dma_semaphore, #tpu.memory_space<semaphore_mem>>
          %dma_start3A_767 = arith.constant 0 : i32
          %dma_start3A_768 = arith.constant 0 : i32
          %dma_start3A_769 = tpu.memref_slice %arg6[%dma_start3A_757, %dma_start3A_767, %dma_start3A_768] : memref<2x8x128xi32, #tpu.memory_space<vmem>> -> memref<1x8x128xi32, #tpu.memory_space<vmem>>
          %dma_start3A_770 = tpu.memref_squeeze %dma_start3A_769 : memref<1x8x128xi32, #tpu.memory_space<vmem>> -> memref<8x128xi32, #tpu.memory_space<vmem>>
          %dma_start3A_771 = arith.constant 0 : i32
          %dma_start3A_772 = tpu.memref_slice %arg3[%add3A_756, %dma_start3A_771] : memref<2560x128xi32, #tpu.memory_space<hbm>> -> memref<8x128xi32, #tpu.memory_space<hbm>>
          tpu.enqueue_dma source(%dma_start3A_772 : memref<8x128xi32, #tpu.memory_space<hbm>>) target(%dma_start3A_770 : memref<8x128xi32, #tpu.memory_space<vmem>>) target_semaphore(%dma_start3A_766 : memref<!tpu.dma_semaphore, #tpu.memory_space<semaphore_mem>>)
          %dma_start3A_773 = arith.constant 0 : i32
          %dma_start3A_774 = arith.constant 0 : i32
          %dma_start3A_775 = arith.constant 0 : i32
          %dma_start3A_776 = arith.constant 0 : i32
          %dma_start3A_777 = tpu.memref_slice %arg7[%dma_start3A_773, %dma_start3A_775, %dma_start3A_776] : memref<2x8x128xi32, #tpu.memory_space<vmem>> -> memref<1x8x128xi32, #tpu.memory_space<vmem>>
          %dma_start3A_778 = tpu.memref_squeeze %dma_start3A_777 : memref<1x8x128xi32, #tpu.memory_space<vmem>> -> memref<8x128xi32, #tpu.memory_space<vmem>>
          %dma_start3A_779 = arith.constant 0 : i32
          %dma_start3A_780 = tpu.memref_slice %arg4[%add3A_756, %dma_start3A_779] : memref<2560x128xi32, #tpu.memory_space<hbm>> -> memref<8x128xi32, #tpu.memory_space<hbm>>
          %dma_start3A_781 = tpu.memref_slice %arg11[%dma_start3A_774] : memref<2x!tpu.dma_semaphore, #tpu.memory_space<semaphore_mem>> -> memref<1x!tpu.dma_semaphore, #tpu.memory_space<semaphore_mem>>
          %dma_start3A_782 = tpu.memref_squeeze %dma_start3A_781 : memref<1x!tpu.dma_semaphore, #tpu.memory_space<semaphore_mem>> -> memref<!tpu.dma_semaphore, #tpu.memory_space<semaphore_mem>>
          %dma_start3A_783 = arith.constant 0 : i32
          %dma_start3A_784 = arith.constant 0 : i32
          %dma_start3A_785 = tpu.memref_slice %arg7[%dma_start3A_773, %dma_start3A_783, %dma_start3A_784] : memref<2x8x128xi32, #tpu.memory_space<vmem>> -> memref<1x8x128xi32, #tpu.memory_space<vmem>>
          %dma_start3A_786 = tpu.memref_squeeze %dma_start3A_785 : memref<1x8x128xi32, #tpu.memory_space<vmem>> -> memref<8x128xi32, #tpu.memory_space<vmem>>
          %dma_start3A_787 = arith.constant 0 : i32
          %dma_start3A_788 = tpu.memref_slice %arg4[%add3A_756, %dma_start3A_787] : memref<2560x128xi32, #tpu.memory_space<hbm>> -> memref<8x128xi32, #tpu.memory_space<hbm>>
          tpu.enqueue_dma source(%dma_start3A_788 : memref<8x128xi32, #tpu.memory_space<hbm>>) target(%dma_start3A_786 : memref<8x128xi32, #tpu.memory_space<vmem>>) target_semaphore(%dma_start3A_782 : memref<!tpu.dma_semaphore, #tpu.memory_space<semaphore_mem>>)
        } else {
        }
        %dma_start3A_465 = arith.constant 1 : i32
        %dma_start3A_466 = arith.constant 1 : i32
        %dma_start3A_467 = arith.constant 1 : i32
        %dma_start3A_468 = arith.constant 1 : i32
        %dma_start3A_469 = arith.constant 0 : i32
        %dma_start3A_470 = arith.constant 0 : i32
        %dma_start3A_471 = tpu.memref_slice %arg8[%dma_start3A_467, %dma_start3A_469, %dma_start3A_470] : memref<2x128x128xf32, #tpu.memory_space<vmem>> -> memref<1x128x128xf32, #tpu.memory_space<vmem>>
        %dma_start3A_472 = tpu.memref_squeeze %dma_start3A_471 : memref<1x128x128xf32, #tpu.memory_space<vmem>> -> memref<128x128xf32, #tpu.memory_space<vmem>>
        %dma_start3A_473 = arith.constant 0 : i32
        %dma_start3A_474 = tpu.memref_slice %arg6[%dma_start3A_465, %dma_start3A_466, %dma_start3A_473] : memref<2x8x128xi32, #tpu.memory_space<vmem>> -> memref<1x1x128xi32, #tpu.memory_space<vmem>>
        %dma_start3A_475 = tpu.memref_squeeze %dma_start3A_474 : memref<1x1x128xi32, #tpu.memory_space<vmem>> -> memref<128xi32, #tpu.memory_space<vmem>>
        %dma_start3A_476 = arith.constant 0 : i32
        %dma_start3A_477 = arith.constant 0 : i32
        %dma_start3A_478 = tpu.memref_slice %arg2[%dma_start3A_476, %dma_start3A_477] : memref<10000x128xf32, #tpu.memory_space<hbm>> -> memref<10000x128xf32, #tpu.memory_space<hbm>>
        %dma_start3A_479 = tpu.memref_slice %arg10[%dma_start3A_468] : memref<2x!tpu.dma_semaphore, #tpu.memory_space<semaphore_mem>> -> memref<1x!tpu.dma_semaphore, #tpu.memory_space<semaphore_mem>>
        %dma_start3A_480 = tpu.memref_squeeze %dma_start3A_479 : memref<1x!tpu.dma_semaphore, #tpu.memory_space<semaphore_mem>> -> memref<!tpu.dma_semaphore, #tpu.memory_space<semaphore_mem>>
        tpu.enqueue_indirect_dma source(%dma_start3A_478 : memref<10000x128xf32, #tpu.memory_space<hbm>>) target(%dma_start3A_472 : memref<128x128xf32, #tpu.memory_space<vmem>>) offsets(%dma_start3A_475 : memref<128xi32, #tpu.memory_space<vmem>>) semaphore(%dma_start3A_480 : memref<!tpu.dma_semaphore, #tpu.memory_space<semaphore_mem>>)
        %dma_wait3A_481 = arith.constant 0 : i32
        %dma_wait3A_482 = arith.constant 0 : i32
        %dma_wait3A_483 = arith.constant 0 : i32
        %dma_wait3A_484 = arith.constant 0 : i32
        %dma_wait3A_485 = arith.constant 0 : i32
        %dma_wait3A_486 = arith.constant 0 : i32
        %dma_wait3A_487 = tpu.memref_slice %arg8[%dma_wait3A_483, %dma_wait3A_485, %dma_wait3A_486] : memref<2x128x128xf32, #tpu.memory_space<vmem>> -> memref<1x128x128xf32, #tpu.memory_space<vmem>>
        %dma_wait3A_488 = tpu.memref_squeeze %dma_wait3A_487 : memref<1x128x128xf32, #tpu.memory_space<vmem>> -> memref<128x128xf32, #tpu.memory_space<vmem>>
        %dma_wait3A_489 = arith.constant 0 : i32
        %dma_wait3A_490 = tpu.memref_slice %arg6[%dma_wait3A_481, %dma_wait3A_482, %dma_wait3A_489] : memref<2x8x128xi32, #tpu.memory_space<vmem>> -> memref<1x1x128xi32, #tpu.memory_space<vmem>>
        %dma_wait3A_491 = tpu.memref_squeeze %dma_wait3A_490 : memref<1x1x128xi32, #tpu.memory_space<vmem>> -> memref<128xi32, #tpu.memory_space<vmem>>
        %dma_wait3A_492 = arith.constant 0 : i32
        %dma_wait3A_493 = arith.constant 0 : i32
        %dma_wait3A_494 = tpu.memref_slice %arg2[%dma_wait3A_492, %dma_wait3A_493] : memref<10000x128xf32, #tpu.memory_space<hbm>> -> memref<10000x128xf32, #tpu.memory_space<hbm>>
        %dma_wait3A_495 = tpu.memref_slice %arg10[%dma_wait3A_484] : memref<2x!tpu.dma_semaphore, #tpu.memory_space<semaphore_mem>> -> memref<1x!tpu.dma_semaphore, #tpu.memory_space<semaphore_mem>>
        %dma_wait3A_496 = tpu.memref_squeeze %dma_wait3A_495 : memref<1x!tpu.dma_semaphore, #tpu.memory_space<semaphore_mem>> -> memref<!tpu.dma_semaphore, #tpu.memory_space<semaphore_mem>>
        tpu.wait_indirect_dma semaphore(%dma_wait3A_496 : memref<!tpu.dma_semaphore, #tpu.memory_space<semaphore_mem>>) src(%dma_wait3A_494 : memref<10000x128xf32, #tpu.memory_space<hbm>>) dst(%dma_wait3A_488 : memref<128x128xf32, #tpu.memory_space<vmem>>)
        %run_scoped3A_497 = arith.constant 0 : i32
        %run_scoped3A_498 = arith.constant 1 : i32
        %run_scoped3A_499 = arith.constant 0 : i32
        "tpu.region"() ({
          %run_scoped3A_750 = tpu.sem_alloc : memref<!tpu.dma_semaphore, #tpu.memory_space<semaphore_mem>>
          %dma_start3A_751 = arith.constant 0 : i32
          %dma_start3A_752 = arith.constant 0 : i32
          %dma_start3A_753 = tpu.memref_slice %arg8[%run_scoped3A_497, %dma_start3A_751, %dma_start3A_752] : memref<2x128x128xf32, #tpu.memory_space<vmem>> -> memref<1x128x128xf32, #tpu.memory_space<vmem>>
          %dma_start3A_754 = tpu.memref_squeeze %dma_start3A_753 : memref<1x128x128xf32, #tpu.memory_space<vmem>> -> memref<128x128xf32, #tpu.memory_space<vmem>>
          %dma_start3A_755 = arith.constant 0 : i32
          %dma_start3A_756 = tpu.memref_slice %arg7[%run_scoped3A_498, %run_scoped3A_499, %dma_start3A_755] : memref<2x8x128xi32, #tpu.memory_space<vmem>> -> memref<1x1x128xi32, #tpu.memory_space<vmem>>
          %dma_start3A_757 = tpu.memref_squeeze %dma_start3A_756 : memref<1x1x128xi32, #tpu.memory_space<vmem>> -> memref<128xi32, #tpu.memory_space<vmem>>
          %dma_start3A_758 = arith.constant 0 : i32
          %dma_start3A_759 = arith.constant 0 : i32
          %dma_start3A_760 = tpu.memref_slice %arg9[%dma_start3A_758, %dma_start3A_759] : memref<10240x128xf32, #tpu.memory_space<vmem_shared>> -> memref<10240x128xf32, #tpu.memory_space<vmem_shared>>
          tpu.enqueue_indirect_dma source(%dma_start3A_754 : memref<128x128xf32, #tpu.memory_space<vmem>>) target(%dma_start3A_760 : memref<10240x128xf32, #tpu.memory_space<vmem_shared>>) offsets(%dma_start3A_757 : memref<128xi32, #tpu.memory_space<vmem>>) semaphore(%run_scoped3A_750 : memref<!tpu.dma_semaphore, #tpu.memory_space<semaphore_mem>>) {add = true}
          %dma_wait3A_761 = arith.constant 0 : i32
          %dma_wait3A_762 = arith.constant 0 : i32
          %dma_wait3A_763 = tpu.memref_slice %arg8[%run_scoped3A_497, %dma_wait3A_761, %dma_wait3A_762] : memref<2x128x128xf32, #tpu.memory_space<vmem>> -> memref<1x128x128xf32, #tpu.memory_space<vmem>>
          %dma_wait3A_764 = tpu.memref_squeeze %dma_wait3A_763 : memref<1x128x128xf32, #tpu.memory_space<vmem>> -> memref<128x128xf32, #tpu.memory_space<vmem>>
          %dma_wait3A_765 = arith.constant 0 : i32
          %dma_wait3A_766 = tpu.memref_slice %arg7[%run_scoped3A_498, %run_scoped3A_499, %dma_wait3A_765] : memref<2x8x128xi32, #tpu.memory_space<vmem>> -> memref<1x1x128xi32, #tpu.memory_space<vmem>>
          %dma_wait3A_767 = tpu.memref_squeeze %dma_wait3A_766 : memref<1x1x128xi32, #tpu.memory_space<vmem>> -> memref<128xi32, #tpu.memory_space<vmem>>
          %dma_wait3A_768 = arith.constant 0 : i32
          %dma_wait3A_769 = arith.constant 0 : i32
          %dma_wait3A_770 = tpu.memref_slice %arg9[%dma_wait3A_768, %dma_wait3A_769] : memref<10240x128xf32, #tpu.memory_space<vmem_shared>> -> memref<10240x128xf32, #tpu.memory_space<vmem_shared>>
          tpu.wait_indirect_dma semaphore(%run_scoped3A_750 : memref<!tpu.dma_semaphore, #tpu.memory_space<semaphore_mem>>) src(%dma_wait3A_764 : memref<128x128xf32, #tpu.memory_space<vmem>>) dst(%dma_wait3A_770 : memref<10240x128xf32, #tpu.memory_space<vmem_shared>>)
          tpu.yield
        }) : () -> ()
        %dma_start3A_500 = arith.constant 1 : i32
        %dma_start3A_501 = arith.constant 2 : i32
        %dma_start3A_502 = arith.constant 0 : i32
        %dma_start3A_503 = arith.constant 0 : i32
        %dma_start3A_504 = arith.constant 0 : i32
        %dma_start3A_505 = arith.constant 0 : i32
        %dma_start3A_506 = tpu.memref_slice %arg8[%dma_start3A_502, %dma_start3A_504, %dma_start3A_505] : memref<2x128x128xf32, #tpu.memory_space<vmem>> -> memref<1x128x128xf32, #tpu.memory_space<vmem>>
        %dma_start3A_507 = tpu.memref_squeeze %dma_start3A_506 : memref<1x128x128xf32, #tpu.memory_space<vmem>> -> memref<128x128xf32, #tpu.memory_space<vmem>>
        %dma_start3A_508 = arith.constant 0 : i32
        %dma_start3A_509 = tpu.memref_slice %arg6[%dma_start3A_500, %dma_start3A_501, %dma_start3A_508] : memref<2x8x128xi32, #tpu.memory_space<vmem>> -> memref<1x1x128xi32, #tpu.memory_space<vmem>>
        %dma_start3A_510 = tpu.memref_squeeze %dma_start3A_509 : memref<1x1x128xi32, #tpu.memory_space<vmem>> -> memref<128xi32, #tpu.memory_space<vmem>>
        %dma_start3A_511 = arith.constant 0 : i32
        %dma_start3A_512 = arith.constant 0 : i32
        %dma_start3A_513 = tpu.memref_slice %arg2[%dma_start3A_511, %dma_start3A_512] : memref<10000x128xf32, #tpu.memory_space<hbm>> -> memref<10000x128xf32, #tpu.memory_space<hbm>>
        %dma_start3A_514 = tpu.memref_slice %arg10[%dma_start3A_503] : memref<2x!tpu.dma_semaphore, #tpu.memory_space<semaphore_mem>> -> memref<1x!tpu.dma_semaphore, #tpu.memory_space<semaphore_mem>>
        %dma_start3A_515 = tpu.memref_squeeze %dma_start3A_514 : memref<1x!tpu.dma_semaphore, #tpu.memory_space<semaphore_mem>> -> memref<!tpu.dma_semaphore, #tpu.memory_space<semaphore_mem>>
        tpu.enqueue_indirect_dma source(%dma_start3A_513 : memref<10000x128xf32, #tpu.memory_space<hbm>>) target(%dma_start3A_507 : memref<128x128xf32, #tpu.memory_space<vmem>>) offsets(%dma_start3A_510 : memref<128xi32, #tpu.memory_space<vmem>>) semaphore(%dma_start3A_515 : memref<!tpu.dma_semaphore, #tpu.memory_space<semaphore_mem>>)
        %dma_wait3A_516 = arith.constant 0 : i32
        %dma_wait3A_517 = arith.constant 0 : i32
        %dma_wait3A_518 = arith.constant 1 : i32
        %dma_wait3A_519 = arith.constant 1 : i32
        %dma_wait3A_520 = arith.constant 0 : i32
        %dma_wait3A_521 = arith.constant 0 : i32
        %dma_wait3A_522 = tpu.memref_slice %arg8[%dma_wait3A_518, %dma_wait3A_520, %dma_wait3A_521] : memref<2x128x128xf32, #tpu.memory_space<vmem>> -> memref<1x128x128xf32, #tpu.memory_space<vmem>>
        %dma_wait3A_523 = tpu.memref_squeeze %dma_wait3A_522 : memref<1x128x128xf32, #tpu.memory_space<vmem>> -> memref<128x128xf32, #tpu.memory_space<vmem>>
        %dma_wait3A_524 = arith.constant 0 : i32
        %dma_wait3A_525 = tpu.memref_slice %arg6[%dma_wait3A_516, %dma_wait3A_517, %dma_wait3A_524] : memref<2x8x128xi32, #tpu.memory_space<vmem>> -> memref<1x1x128xi32, #tpu.memory_space<vmem>>
        %dma_wait3A_526 = tpu.memref_squeeze %dma_wait3A_525 : memref<1x1x128xi32, #tpu.memory_space<vmem>> -> memref<128xi32, #tpu.memory_space<vmem>>
        %dma_wait3A_527 = arith.constant 0 : i32
        %dma_wait3A_528 = arith.constant 0 : i32
        %dma_wait3A_529 = tpu.memref_slice %arg2[%dma_wait3A_527, %dma_wait3A_528] : memref<10000x128xf32, #tpu.memory_space<hbm>> -> memref<10000x128xf32, #tpu.memory_space<hbm>>
        %dma_wait3A_530 = tpu.memref_slice %arg10[%dma_wait3A_519] : memref<2x!tpu.dma_semaphore, #tpu.memory_space<semaphore_mem>> -> memref<1x!tpu.dma_semaphore, #tpu.memory_space<semaphore_mem>>
        %dma_wait3A_531 = tpu.memref_squeeze %dma_wait3A_530 : memref<1x!tpu.dma_semaphore, #tpu.memory_space<semaphore_mem>> -> memref<!tpu.dma_semaphore, #tpu.memory_space<semaphore_mem>>
        tpu.wait_indirect_dma semaphore(%dma_wait3A_531 : memref<!tpu.dma_semaphore, #tpu.memory_space<semaphore_mem>>) src(%dma_wait3A_529 : memref<10000x128xf32, #tpu.memory_space<hbm>>) dst(%dma_wait3A_523 : memref<128x128xf32, #tpu.memory_space<vmem>>)
        %run_scoped3A_532 = arith.constant 1 : i32
        %run_scoped3A_533 = arith.constant 1 : i32
        %run_scoped3A_534 = arith.constant 1 : i32
        "tpu.region"() ({
          %run_scoped3A_750 = tpu.sem_alloc : memref<!tpu.dma_semaphore, #tpu.memory_space<semaphore_mem>>
          %dma_start3A_751 = arith.constant 0 : i32
          %dma_start3A_752 = arith.constant 0 : i32
          %dma_start3A_753 = tpu.memref_slice %arg8[%run_scoped3A_532, %dma_start3A_751, %dma_start3A_752] : memref<2x128x128xf32, #tpu.memory_space<vmem>> -> memref<1x128x128xf32, #tpu.memory_space<vmem>>
          %dma_start3A_754 = tpu.memref_squeeze %dma_start3A_753 : memref<1x128x128xf32, #tpu.memory_space<vmem>> -> memref<128x128xf32, #tpu.memory_space<vmem>>
          %dma_start3A_755 = arith.constant 0 : i32
          %dma_start3A_756 = tpu.memref_slice %arg7[%run_scoped3A_533, %run_scoped3A_534, %dma_start3A_755] : memref<2x8x128xi32, #tpu.memory_space<vmem>> -> memref<1x1x128xi32, #tpu.memory_space<vmem>>
          %dma_start3A_757 = tpu.memref_squeeze %dma_start3A_756 : memref<1x1x128xi32, #tpu.memory_space<vmem>> -> memref<128xi32, #tpu.memory_space<vmem>>
          %dma_start3A_758 = arith.constant 0 : i32
          %dma_start3A_759 = arith.constant 0 : i32
          %dma_start3A_760 = tpu.memref_slice %arg9[%dma_start3A_758, %dma_start3A_759] : memref<10240x128xf32, #tpu.memory_space<vmem_shared>> -> memref<10240x128xf32, #tpu.memory_space<vmem_shared>>
          tpu.enqueue_indirect_dma source(%dma_start3A_754 : memref<128x128xf32, #tpu.memory_space<vmem>>) target(%dma_start3A_760 : memref<10240x128xf32, #tpu.memory_space<vmem_shared>>) offsets(%dma_start3A_757 : memref<128xi32, #tpu.memory_space<vmem>>) semaphore(%run_scoped3A_750 : memref<!tpu.dma_semaphore, #tpu.memory_space<semaphore_mem>>) {add = true}
          %dma_wait3A_761 = arith.constant 0 : i32
          %dma_wait3A_762 = arith.constant 0 : i32
          %dma_wait3A_763 = tpu.memref_slice %arg8[%run_scoped3A_532, %dma_wait3A_761, %dma_wait3A_762] : memref<2x128x128xf32, #tpu.memory_space<vmem>> -> memref<1x128x128xf32, #tpu.memory_space<vmem>>
          %dma_wait3A_764 = tpu.memref_squeeze %dma_wait3A_763 : memref<1x128x128xf32, #tpu.memory_space<vmem>> -> memref<128x128xf32, #tpu.memory_space<vmem>>
          %dma_wait3A_765 = arith.constant 0 : i32
          %dma_wait3A_766 = tpu.memref_slice %arg7[%run_scoped3A_533, %run_scoped3A_534, %dma_wait3A_765] : memref<2x8x128xi32, #tpu.memory_space<vmem>> -> memref<1x1x128xi32, #tpu.memory_space<vmem>>
          %dma_wait3A_767 = tpu.memref_squeeze %dma_wait3A_766 : memref<1x1x128xi32, #tpu.memory_space<vmem>> -> memref<128xi32, #tpu.memory_space<vmem>>
          %dma_wait3A_768 = arith.constant 0 : i32
          %dma_wait3A_769 = arith.constant 0 : i32
          %dma_wait3A_770 = tpu.memref_slice %arg9[%dma_wait3A_768, %dma_wait3A_769] : memref<10240x128xf32, #tpu.memory_space<vmem_shared>> -> memref<10240x128xf32, #tpu.memory_space<vmem_shared>>
          tpu.wait_indirect_dma semaphore(%run_scoped3A_750 : memref<!tpu.dma_semaphore, #tpu.memory_space<semaphore_mem>>) src(%dma_wait3A_764 : memref<128x128xf32, #tpu.memory_space<vmem>>) dst(%dma_wait3A_770 : memref<10240x128xf32, #tpu.memory_space<vmem_shared>>)
          tpu.yield
        }) : () -> ()
        %dma_start3A_535 = arith.constant 1 : i32
        %dma_start3A_536 = arith.constant 3 : i32
        %dma_start3A_537 = arith.constant 1 : i32
        %dma_start3A_538 = arith.constant 1 : i32
        %dma_start3A_539 = arith.constant 0 : i32
        %dma_start3A_540 = arith.constant 0 : i32
        %dma_start3A_541 = tpu.memref_slice %arg8[%dma_start3A_537, %dma_start3A_539, %dma_start3A_540] : memref<2x128x128xf32, #tpu.memory_space<vmem>> -> memref<1x128x128xf32, #tpu.memory_space<vmem>>
        %dma_start3A_542 = tpu.memref_squeeze %dma_start3A_541 : memref<1x128x128xf32, #tpu.memory_space<vmem>> -> memref<128x128xf32, #tpu.memory_space<vmem>>
        %dma_start3A_543 = arith.constant 0 : i32
        %dma_start3A_544 = tpu.memref_slice %arg6[%dma_start3A_535, %dma_start3A_536, %dma_start3A_543] : memref<2x8x128xi32, #tpu.memory_space<vmem>> -> memref<1x1x128xi32, #tpu.memory_space<vmem>>
        %dma_start3A_545 = tpu.memref_squeeze %dma_start3A_544 : memref<1x1x128xi32, #tpu.memory_space<vmem>> -> memref<128xi32, #tpu.memory_space<vmem>>
        %dma_start3A_546 = arith.constant 0 : i32
        %dma_start3A_547 = arith.constant 0 : i32
        %dma_start3A_548 = tpu.memref_slice %arg2[%dma_start3A_546, %dma_start3A_547] : memref<10000x128xf32, #tpu.memory_space<hbm>> -> memref<10000x128xf32, #tpu.memory_space<hbm>>
        %dma_start3A_549 = tpu.memref_slice %arg10[%dma_start3A_538] : memref<2x!tpu.dma_semaphore, #tpu.memory_space<semaphore_mem>> -> memref<1x!tpu.dma_semaphore, #tpu.memory_space<semaphore_mem>>
        %dma_start3A_550 = tpu.memref_squeeze %dma_start3A_549 : memref<1x!tpu.dma_semaphore, #tpu.memory_space<semaphore_mem>> -> memref<!tpu.dma_semaphore, #tpu.memory_space<semaphore_mem>>
        tpu.enqueue_indirect_dma source(%dma_start3A_548 : memref<10000x128xf32, #tpu.memory_space<hbm>>) target(%dma_start3A_542 : memref<128x128xf32, #tpu.memory_space<vmem>>) offsets(%dma_start3A_545 : memref<128xi32, #tpu.memory_space<vmem>>) semaphore(%dma_start3A_550 : memref<!tpu.dma_semaphore, #tpu.memory_space<semaphore_mem>>)
        %dma_wait3A_551 = arith.constant 0 : i32
        %dma_wait3A_552 = arith.constant 0 : i32
        %dma_wait3A_553 = arith.constant 0 : i32
        %dma_wait3A_554 = arith.constant 0 : i32
        %dma_wait3A_555 = arith.constant 0 : i32
        %dma_wait3A_556 = arith.constant 0 : i32
        %dma_wait3A_557 = tpu.memref_slice %arg8[%dma_wait3A_553, %dma_wait3A_555, %dma_wait3A_556] : memref<2x128x128xf32, #tpu.memory_space<vmem>> -> memref<1x128x128xf32, #tpu.memory_space<vmem>>
        %dma_wait3A_558 = tpu.memref_squeeze %dma_wait3A_557 : memref<1x128x128xf32, #tpu.memory_space<vmem>> -> memref<128x128xf32, #tpu.memory_space<vmem>>
        %dma_wait3A_559 = arith.constant 0 : i32
        %dma_wait3A_560 = tpu.memref_slice %arg6[%dma_wait3A_551, %dma_wait3A_552, %dma_wait3A_559] : memref<2x8x128xi32, #tpu.memory_space<vmem>> -> memref<1x1x128xi32, #tpu.memory_space<vmem>>
        %dma_wait3A_561 = tpu.memref_squeeze %dma_wait3A_560 : memref<1x1x128xi32, #tpu.memory_space<vmem>> -> memref<128xi32, #tpu.memory_space<vmem>>
        %dma_wait3A_562 = arith.constant 0 : i32
        %dma_wait3A_563 = arith.constant 0 : i32
        %dma_wait3A_564 = tpu.memref_slice %arg2[%dma_wait3A_562, %dma_wait3A_563] : memref<10000x128xf32, #tpu.memory_space<hbm>> -> memref<10000x128xf32, #tpu.memory_space<hbm>>
        %dma_wait3A_565 = tpu.memref_slice %arg10[%dma_wait3A_554] : memref<2x!tpu.dma_semaphore, #tpu.memory_space<semaphore_mem>> -> memref<1x!tpu.dma_semaphore, #tpu.memory_space<semaphore_mem>>
        %dma_wait3A_566 = tpu.memref_squeeze %dma_wait3A_565 : memref<1x!tpu.dma_semaphore, #tpu.memory_space<semaphore_mem>> -> memref<!tpu.dma_semaphore, #tpu.memory_space<semaphore_mem>>
        tpu.wait_indirect_dma semaphore(%dma_wait3A_566 : memref<!tpu.dma_semaphore, #tpu.memory_space<semaphore_mem>>) src(%dma_wait3A_564 : memref<10000x128xf32, #tpu.memory_space<hbm>>) dst(%dma_wait3A_558 : memref<128x128xf32, #tpu.memory_space<vmem>>)
        %run_scoped3A_567 = arith.constant 0 : i32
        %run_scoped3A_568 = arith.constant 1 : i32
        %run_scoped3A_569 = arith.constant 2 : i32
        "tpu.region"() ({
          %run_scoped3A_750 = tpu.sem_alloc : memref<!tpu.dma_semaphore, #tpu.memory_space<semaphore_mem>>
          %dma_start3A_751 = arith.constant 0 : i32
          %dma_start3A_752 = arith.constant 0 : i32
          %dma_start3A_753 = tpu.memref_slice %arg8[%run_scoped3A_567, %dma_start3A_751, %dma_start3A_752] : memref<2x128x128xf32, #tpu.memory_space<vmem>> -> memref<1x128x128xf32, #tpu.memory_space<vmem>>
          %dma_start3A_754 = tpu.memref_squeeze %dma_start3A_753 : memref<1x128x128xf32, #tpu.memory_space<vmem>> -> memref<128x128xf32, #tpu.memory_space<vmem>>
          %dma_start3A_755 = arith.constant 0 : i32
          %dma_start3A_756 = tpu.memref_slice %arg7[%run_scoped3A_568, %run_scoped3A_569, %dma_start3A_755] : memref<2x8x128xi32, #tpu.memory_space<vmem>> -> memref<1x1x128xi32, #tpu.memory_space<vmem>>
          %dma_start3A_757 = tpu.memref_squeeze %dma_start3A_756 : memref<1x1x128xi32, #tpu.memory_space<vmem>> -> memref<128xi32, #tpu.memory_space<vmem>>
          %dma_start3A_758 = arith.constant 0 : i32
          %dma_start3A_759 = arith.constant 0 : i32
          %dma_start3A_760 = tpu.memref_slice %arg9[%dma_start3A_758, %dma_start3A_759] : memref<10240x128xf32, #tpu.memory_space<vmem_shared>> -> memref<10240x128xf32, #tpu.memory_space<vmem_shared>>
          tpu.enqueue_indirect_dma source(%dma_start3A_754 : memref<128x128xf32, #tpu.memory_space<vmem>>) target(%dma_start3A_760 : memref<10240x128xf32, #tpu.memory_space<vmem_shared>>) offsets(%dma_start3A_757 : memref<128xi32, #tpu.memory_space<vmem>>) semaphore(%run_scoped3A_750 : memref<!tpu.dma_semaphore, #tpu.memory_space<semaphore_mem>>) {add = true}
          %dma_wait3A_761 = arith.constant 0 : i32
          %dma_wait3A_762 = arith.constant 0 : i32
          %dma_wait3A_763 = tpu.memref_slice %arg8[%run_scoped3A_567, %dma_wait3A_761, %dma_wait3A_762] : memref<2x128x128xf32, #tpu.memory_space<vmem>> -> memref<1x128x128xf32, #tpu.memory_space<vmem>>
          %dma_wait3A_764 = tpu.memref_squeeze %dma_wait3A_763 : memref<1x128x128xf32, #tpu.memory_space<vmem>> -> memref<128x128xf32, #tpu.memory_space<vmem>>
          %dma_wait3A_765 = arith.constant 0 : i32
          %dma_wait3A_766 = tpu.memref_slice %arg7[%run_scoped3A_568, %run_scoped3A_569, %dma_wait3A_765] : memref<2x8x128xi32, #tpu.memory_space<vmem>> -> memref<1x1x128xi32, #tpu.memory_space<vmem>>
          %dma_wait3A_767 = tpu.memref_squeeze %dma_wait3A_766 : memref<1x1x128xi32, #tpu.memory_space<vmem>> -> memref<128xi32, #tpu.memory_space<vmem>>
          %dma_wait3A_768 = arith.constant 0 : i32
          %dma_wait3A_769 = arith.constant 0 : i32
          %dma_wait3A_770 = tpu.memref_slice %arg9[%dma_wait3A_768, %dma_wait3A_769] : memref<10240x128xf32, #tpu.memory_space<vmem_shared>> -> memref<10240x128xf32, #tpu.memory_space<vmem_shared>>
          tpu.wait_indirect_dma semaphore(%run_scoped3A_750 : memref<!tpu.dma_semaphore, #tpu.memory_space<semaphore_mem>>) src(%dma_wait3A_764 : memref<128x128xf32, #tpu.memory_space<vmem>>) dst(%dma_wait3A_770 : memref<10240x128xf32, #tpu.memory_space<vmem_shared>>)
          tpu.yield
        }) : () -> ()
        %dma_start3A_570 = arith.constant 1 : i32
        %dma_start3A_571 = arith.constant 4 : i32
        %dma_start3A_572 = arith.constant 0 : i32
        %dma_start3A_573 = arith.constant 0 : i32
        %dma_start3A_574 = arith.constant 0 : i32
        %dma_start3A_575 = arith.constant 0 : i32
        %dma_start3A_576 = tpu.memref_slice %arg8[%dma_start3A_572, %dma_start3A_574, %dma_start3A_575] : memref<2x128x128xf32, #tpu.memory_space<vmem>> -> memref<1x128x128xf32, #tpu.memory_space<vmem>>
        %dma_start3A_577 = tpu.memref_squeeze %dma_start3A_576 : memref<1x128x128xf32, #tpu.memory_space<vmem>> -> memref<128x128xf32, #tpu.memory_space<vmem>>
        %dma_start3A_578 = arith.constant 0 : i32
        %dma_start3A_579 = tpu.memref_slice %arg6[%dma_start3A_570, %dma_start3A_571, %dma_start3A_578] : memref<2x8x128xi32, #tpu.memory_space<vmem>> -> memref<1x1x128xi32, #tpu.memory_space<vmem>>
        %dma_start3A_580 = tpu.memref_squeeze %dma_start3A_579 : memref<1x1x128xi32, #tpu.memory_space<vmem>> -> memref<128xi32, #tpu.memory_space<vmem>>
        %dma_start3A_581 = arith.constant 0 : i32
        %dma_start3A_582 = arith.constant 0 : i32
        %dma_start3A_583 = tpu.memref_slice %arg2[%dma_start3A_581, %dma_start3A_582] : memref<10000x128xf32, #tpu.memory_space<hbm>> -> memref<10000x128xf32, #tpu.memory_space<hbm>>
        %dma_start3A_584 = tpu.memref_slice %arg10[%dma_start3A_573] : memref<2x!tpu.dma_semaphore, #tpu.memory_space<semaphore_mem>> -> memref<1x!tpu.dma_semaphore, #tpu.memory_space<semaphore_mem>>
        %dma_start3A_585 = tpu.memref_squeeze %dma_start3A_584 : memref<1x!tpu.dma_semaphore, #tpu.memory_space<semaphore_mem>> -> memref<!tpu.dma_semaphore, #tpu.memory_space<semaphore_mem>>
        tpu.enqueue_indirect_dma source(%dma_start3A_583 : memref<10000x128xf32, #tpu.memory_space<hbm>>) target(%dma_start3A_577 : memref<128x128xf32, #tpu.memory_space<vmem>>) offsets(%dma_start3A_580 : memref<128xi32, #tpu.memory_space<vmem>>) semaphore(%dma_start3A_585 : memref<!tpu.dma_semaphore, #tpu.memory_space<semaphore_mem>>)
        %dma_wait3A_586 = arith.constant 0 : i32
        %dma_wait3A_587 = arith.constant 0 : i32
        %dma_wait3A_588 = arith.constant 1 : i32
        %dma_wait3A_589 = arith.constant 1 : i32
        %dma_wait3A_590 = arith.constant 0 : i32
        %dma_wait3A_591 = arith.constant 0 : i32
        %dma_wait3A_592 = tpu.memref_slice %arg8[%dma_wait3A_588, %dma_wait3A_590, %dma_wait3A_591] : memref<2x128x128xf32, #tpu.memory_space<vmem>> -> memref<1x128x128xf32, #tpu.memory_space<vmem>>
        %dma_wait3A_593 = tpu.memref_squeeze %dma_wait3A_592 : memref<1x128x128xf32, #tpu.memory_space<vmem>> -> memref<128x128xf32, #tpu.memory_space<vmem>>
        %dma_wait3A_594 = arith.constant 0 : i32
        %dma_wait3A_595 = tpu.memref_slice %arg6[%dma_wait3A_586, %dma_wait3A_587, %dma_wait3A_594] : memref<2x8x128xi32, #tpu.memory_space<vmem>> -> memref<1x1x128xi32, #tpu.memory_space<vmem>>
        %dma_wait3A_596 = tpu.memref_squeeze %dma_wait3A_595 : memref<1x1x128xi32, #tpu.memory_space<vmem>> -> memref<128xi32, #tpu.memory_space<vmem>>
        %dma_wait3A_597 = arith.constant 0 : i32
        %dma_wait3A_598 = arith.constant 0 : i32
        %dma_wait3A_599 = tpu.memref_slice %arg2[%dma_wait3A_597, %dma_wait3A_598] : memref<10000x128xf32, #tpu.memory_space<hbm>> -> memref<10000x128xf32, #tpu.memory_space<hbm>>
        %dma_wait3A_600 = tpu.memref_slice %arg10[%dma_wait3A_589] : memref<2x!tpu.dma_semaphore, #tpu.memory_space<semaphore_mem>> -> memref<1x!tpu.dma_semaphore, #tpu.memory_space<semaphore_mem>>
        %dma_wait3A_601 = tpu.memref_squeeze %dma_wait3A_600 : memref<1x!tpu.dma_semaphore, #tpu.memory_space<semaphore_mem>> -> memref<!tpu.dma_semaphore, #tpu.memory_space<semaphore_mem>>
        tpu.wait_indirect_dma semaphore(%dma_wait3A_601 : memref<!tpu.dma_semaphore, #tpu.memory_space<semaphore_mem>>) src(%dma_wait3A_599 : memref<10000x128xf32, #tpu.memory_space<hbm>>) dst(%dma_wait3A_593 : memref<128x128xf32, #tpu.memory_space<vmem>>)
        %run_scoped3A_602 = arith.constant 1 : i32
        %run_scoped3A_603 = arith.constant 1 : i32
        %run_scoped3A_604 = arith.constant 3 : i32
        "tpu.region"() ({
          %run_scoped3A_750 = tpu.sem_alloc : memref<!tpu.dma_semaphore, #tpu.memory_space<semaphore_mem>>
          %dma_start3A_751 = arith.constant 0 : i32
          %dma_start3A_752 = arith.constant 0 : i32
          %dma_start3A_753 = tpu.memref_slice %arg8[%run_scoped3A_602, %dma_start3A_751, %dma_start3A_752] : memref<2x128x128xf32, #tpu.memory_space<vmem>> -> memref<1x128x128xf32, #tpu.memory_space<vmem>>
          %dma_start3A_754 = tpu.memref_squeeze %dma_start3A_753 : memref<1x128x128xf32, #tpu.memory_space<vmem>> -> memref<128x128xf32, #tpu.memory_space<vmem>>
          %dma_start3A_755 = arith.constant 0 : i32
          %dma_start3A_756 = tpu.memref_slice %arg7[%run_scoped3A_603, %run_scoped3A_604, %dma_start3A_755] : memref<2x8x128xi32, #tpu.memory_space<vmem>> -> memref<1x1x128xi32, #tpu.memory_space<vmem>>
          %dma_start3A_757 = tpu.memref_squeeze %dma_start3A_756 : memref<1x1x128xi32, #tpu.memory_space<vmem>> -> memref<128xi32, #tpu.memory_space<vmem>>
          %dma_start3A_758 = arith.constant 0 : i32
          %dma_start3A_759 = arith.constant 0 : i32
          %dma_start3A_760 = tpu.memref_slice %arg9[%dma_start3A_758, %dma_start3A_759] : memref<10240x128xf32, #tpu.memory_space<vmem_shared>> -> memref<10240x128xf32, #tpu.memory_space<vmem_shared>>
          tpu.enqueue_indirect_dma source(%dma_start3A_754 : memref<128x128xf32, #tpu.memory_space<vmem>>) target(%dma_start3A_760 : memref<10240x128xf32, #tpu.memory_space<vmem_shared>>) offsets(%dma_start3A_757 : memref<128xi32, #tpu.memory_space<vmem>>) semaphore(%run_scoped3A_750 : memref<!tpu.dma_semaphore, #tpu.memory_space<semaphore_mem>>) {add = true}
          %dma_wait3A_761 = arith.constant 0 : i32
          %dma_wait3A_762 = arith.constant 0 : i32
          %dma_wait3A_763 = tpu.memref_slice %arg8[%run_scoped3A_602, %dma_wait3A_761, %dma_wait3A_762] : memref<2x128x128xf32, #tpu.memory_space<vmem>> -> memref<1x128x128xf32, #tpu.memory_space<vmem>>
          %dma_wait3A_764 = tpu.memref_squeeze %dma_wait3A_763 : memref<1x128x128xf32, #tpu.memory_space<vmem>> -> memref<128x128xf32, #tpu.memory_space<vmem>>
          %dma_wait3A_765 = arith.constant 0 : i32
          %dma_wait3A_766 = tpu.memref_slice %arg7[%run_scoped3A_603, %run_scoped3A_604, %dma_wait3A_765] : memref<2x8x128xi32, #tpu.memory_space<vmem>> -> memref<1x1x128xi32, #tpu.memory_space<vmem>>
          %dma_wait3A_767 = tpu.memref_squeeze %dma_wait3A_766 : memref<1x1x128xi32, #tpu.memory_space<vmem>> -> memref<128xi32, #tpu.memory_space<vmem>>
          %dma_wait3A_768 = arith.constant 0 : i32
          %dma_wait3A_769 = arith.constant 0 : i32
          %dma_wait3A_770 = tpu.memref_slice %arg9[%dma_wait3A_768, %dma_wait3A_769] : memref<10240x128xf32, #tpu.memory_space<vmem_shared>> -> memref<10240x128xf32, #tpu.memory_space<vmem_shared>>
          tpu.wait_indirect_dma semaphore(%run_scoped3A_750 : memref<!tpu.dma_semaphore, #tpu.memory_space<semaphore_mem>>) src(%dma_wait3A_764 : memref<128x128xf32, #tpu.memory_space<vmem>>) dst(%dma_wait3A_770 : memref<10240x128xf32, #tpu.memory_space<vmem_shared>>)
          tpu.yield
        }) : () -> ()
        %dma_start3A_605 = arith.constant 1 : i32
        %dma_start3A_606 = arith.constant 5 : i32
        %dma_start3A_607 = arith.constant 1 : i32
        %dma_start3A_608 = arith.constant 1 : i32
        %dma_start3A_609 = arith.constant 0 : i32
        %dma_start3A_610 = arith.constant 0 : i32
        %dma_start3A_611 = tpu.memref_slice %arg8[%dma_start3A_607, %dma_start3A_609, %dma_start3A_610] : memref<2x128x128xf32, #tpu.memory_space<vmem>> -> memref<1x128x128xf32, #tpu.memory_space<vmem>>
        %dma_start3A_612 = tpu.memref_squeeze %dma_start3A_611 : memref<1x128x128xf32, #tpu.memory_space<vmem>> -> memref<128x128xf32, #tpu.memory_space<vmem>>
        %dma_start3A_613 = arith.constant 0 : i32
        %dma_start3A_614 = tpu.memref_slice %arg6[%dma_start3A_605, %dma_start3A_606, %dma_start3A_613] : memref<2x8x128xi32, #tpu.memory_space<vmem>> -> memref<1x1x128xi32, #tpu.memory_space<vmem>>
        %dma_start3A_615 = tpu.memref_squeeze %dma_start3A_614 : memref<1x1x128xi32, #tpu.memory_space<vmem>> -> memref<128xi32, #tpu.memory_space<vmem>>
        %dma_start3A_616 = arith.constant 0 : i32
        %dma_start3A_617 = arith.constant 0 : i32
        %dma_start3A_618 = tpu.memref_slice %arg2[%dma_start3A_616, %dma_start3A_617] : memref<10000x128xf32, #tpu.memory_space<hbm>> -> memref<10000x128xf32, #tpu.memory_space<hbm>>
        %dma_start3A_619 = tpu.memref_slice %arg10[%dma_start3A_608] : memref<2x!tpu.dma_semaphore, #tpu.memory_space<semaphore_mem>> -> memref<1x!tpu.dma_semaphore, #tpu.memory_space<semaphore_mem>>
        %dma_start3A_620 = tpu.memref_squeeze %dma_start3A_619 : memref<1x!tpu.dma_semaphore, #tpu.memory_space<semaphore_mem>> -> memref<!tpu.dma_semaphore, #tpu.memory_space<semaphore_mem>>
        tpu.enqueue_indirect_dma source(%dma_start3A_618 : memref<10000x128xf32, #tpu.memory_space<hbm>>) target(%dma_start3A_612 : memref<128x128xf32, #tpu.memory_space<vmem>>) offsets(%dma_start3A_615 : memref<128xi32, #tpu.memory_space<vmem>>) semaphore(%dma_start3A_620 : memref<!tpu.dma_semaphore, #tpu.memory_space<semaphore_mem>>)
        %dma_wait3A_621 = arith.constant 0 : i32
        %dma_wait3A_622 = arith.constant 0 : i32
        %dma_wait3A_623 = arith.constant 0 : i32
        %dma_wait3A_624 = arith.constant 0 : i32
        %dma_wait3A_625 = arith.constant 0 : i32
        %dma_wait3A_626 = arith.constant 0 : i32
        %dma_wait3A_627 = tpu.memref_slice %arg8[%dma_wait3A_623, %dma_wait3A_625, %dma_wait3A_626] : memref<2x128x128xf32, #tpu.memory_space<vmem>> -> memref<1x128x128xf32, #tpu.memory_space<vmem>>
        %dma_wait3A_628 = tpu.memref_squeeze %dma_wait3A_627 : memref<1x128x128xf32, #tpu.memory_space<vmem>> -> memref<128x128xf32, #tpu.memory_space<vmem>>
        %dma_wait3A_629 = arith.constant 0 : i32
        %dma_wait3A_630 = tpu.memref_slice %arg6[%dma_wait3A_621, %dma_wait3A_622, %dma_wait3A_629] : memref<2x8x128xi32, #tpu.memory_space<vmem>> -> memref<1x1x128xi32, #tpu.memory_space<vmem>>
        %dma_wait3A_631 = tpu.memref_squeeze %dma_wait3A_630 : memref<1x1x128xi32, #tpu.memory_space<vmem>> -> memref<128xi32, #tpu.memory_space<vmem>>
        %dma_wait3A_632 = arith.constant 0 : i32
        %dma_wait3A_633 = arith.constant 0 : i32
        %dma_wait3A_634 = tpu.memref_slice %arg2[%dma_wait3A_632, %dma_wait3A_633] : memref<10000x128xf32, #tpu.memory_space<hbm>> -> memref<10000x128xf32, #tpu.memory_space<hbm>>
        %dma_wait3A_635 = tpu.memref_slice %arg10[%dma_wait3A_624] : memref<2x!tpu.dma_semaphore, #tpu.memory_space<semaphore_mem>> -> memref<1x!tpu.dma_semaphore, #tpu.memory_space<semaphore_mem>>
        %dma_wait3A_636 = tpu.memref_squeeze %dma_wait3A_635 : memref<1x!tpu.dma_semaphore, #tpu.memory_space<semaphore_mem>> -> memref<!tpu.dma_semaphore, #tpu.memory_space<semaphore_mem>>
        tpu.wait_indirect_dma semaphore(%dma_wait3A_636 : memref<!tpu.dma_semaphore, #tpu.memory_space<semaphore_mem>>) src(%dma_wait3A_634 : memref<10000x128xf32, #tpu.memory_space<hbm>>) dst(%dma_wait3A_628 : memref<128x128xf32, #tpu.memory_space<vmem>>)
        %run_scoped3A_637 = arith.constant 0 : i32
        %run_scoped3A_638 = arith.constant 1 : i32
        %run_scoped3A_639 = arith.constant 4 : i32
        "tpu.region"() ({
          %run_scoped3A_750 = tpu.sem_alloc : memref<!tpu.dma_semaphore, #tpu.memory_space<semaphore_mem>>
          %dma_start3A_751 = arith.constant 0 : i32
          %dma_start3A_752 = arith.constant 0 : i32
          %dma_start3A_753 = tpu.memref_slice %arg8[%run_scoped3A_637, %dma_start3A_751, %dma_start3A_752] : memref<2x128x128xf32, #tpu.memory_space<vmem>> -> memref<1x128x128xf32, #tpu.memory_space<vmem>>
          %dma_start3A_754 = tpu.memref_squeeze %dma_start3A_753 : memref<1x128x128xf32, #tpu.memory_space<vmem>> -> memref<128x128xf32, #tpu.memory_space<vmem>>
          %dma_start3A_755 = arith.constant 0 : i32
          %dma_start3A_756 = tpu.memref_slice %arg7[%run_scoped3A_638, %run_scoped3A_639, %dma_start3A_755] : memref<2x8x128xi32, #tpu.memory_space<vmem>> -> memref<1x1x128xi32, #tpu.memory_space<vmem>>
          %dma_start3A_757 = tpu.memref_squeeze %dma_start3A_756 : memref<1x1x128xi32, #tpu.memory_space<vmem>> -> memref<128xi32, #tpu.memory_space<vmem>>
          %dma_start3A_758 = arith.constant 0 : i32
          %dma_start3A_759 = arith.constant 0 : i32
          %dma_start3A_760 = tpu.memref_slice %arg9[%dma_start3A_758, %dma_start3A_759] : memref<10240x128xf32, #tpu.memory_space<vmem_shared>> -> memref<10240x128xf32, #tpu.memory_space<vmem_shared>>
          tpu.enqueue_indirect_dma source(%dma_start3A_754 : memref<128x128xf32, #tpu.memory_space<vmem>>) target(%dma_start3A_760 : memref<10240x128xf32, #tpu.memory_space<vmem_shared>>) offsets(%dma_start3A_757 : memref<128xi32, #tpu.memory_space<vmem>>) semaphore(%run_scoped3A_750 : memref<!tpu.dma_semaphore, #tpu.memory_space<semaphore_mem>>) {add = true}
          %dma_wait3A_761 = arith.constant 0 : i32
          %dma_wait3A_762 = arith.constant 0 : i32
          %dma_wait3A_763 = tpu.memref_slice %arg8[%run_scoped3A_637, %dma_wait3A_761, %dma_wait3A_762] : memref<2x128x128xf32, #tpu.memory_space<vmem>> -> memref<1x128x128xf32, #tpu.memory_space<vmem>>
          %dma_wait3A_764 = tpu.memref_squeeze %dma_wait3A_763 : memref<1x128x128xf32, #tpu.memory_space<vmem>> -> memref<128x128xf32, #tpu.memory_space<vmem>>
          %dma_wait3A_765 = arith.constant 0 : i32
          %dma_wait3A_766 = tpu.memref_slice %arg7[%run_scoped3A_638, %run_scoped3A_639, %dma_wait3A_765] : memref<2x8x128xi32, #tpu.memory_space<vmem>> -> memref<1x1x128xi32, #tpu.memory_space<vmem>>
          %dma_wait3A_767 = tpu.memref_squeeze %dma_wait3A_766 : memref<1x1x128xi32, #tpu.memory_space<vmem>> -> memref<128xi32, #tpu.memory_space<vmem>>
          %dma_wait3A_768 = arith.constant 0 : i32
          %dma_wait3A_769 = arith.constant 0 : i32
          %dma_wait3A_770 = tpu.memref_slice %arg9[%dma_wait3A_768, %dma_wait3A_769] : memref<10240x128xf32, #tpu.memory_space<vmem_shared>> -> memref<10240x128xf32, #tpu.memory_space<vmem_shared>>
          tpu.wait_indirect_dma semaphore(%run_scoped3A_750 : memref<!tpu.dma_semaphore, #tpu.memory_space<semaphore_mem>>) src(%dma_wait3A_764 : memref<128x128xf32, #tpu.memory_space<vmem>>) dst(%dma_wait3A_770 : memref<10240x128xf32, #tpu.memory_space<vmem_shared>>)
          tpu.yield
        }) : () -> ()
        %dma_start3A_640 = arith.constant 1 : i32
        %dma_start3A_641 = arith.constant 6 : i32
        %dma_start3A_642 = arith.constant 0 : i32
        %dma_start3A_643 = arith.constant 0 : i32
        %dma_start3A_644 = arith.constant 0 : i32
        %dma_start3A_645 = arith.constant 0 : i32
        %dma_start3A_646 = tpu.memref_slice %arg8[%dma_start3A_642, %dma_start3A_644, %dma_start3A_645] : memref<2x128x128xf32, #tpu.memory_space<vmem>> -> memref<1x128x128xf32, #tpu.memory_space<vmem>>
        %dma_start3A_647 = tpu.memref_squeeze %dma_start3A_646 : memref<1x128x128xf32, #tpu.memory_space<vmem>> -> memref<128x128xf32, #tpu.memory_space<vmem>>
        %dma_start3A_648 = arith.constant 0 : i32
        %dma_start3A_649 = tpu.memref_slice %arg6[%dma_start3A_640, %dma_start3A_641, %dma_start3A_648] : memref<2x8x128xi32, #tpu.memory_space<vmem>> -> memref<1x1x128xi32, #tpu.memory_space<vmem>>
        %dma_start3A_650 = tpu.memref_squeeze %dma_start3A_649 : memref<1x1x128xi32, #tpu.memory_space<vmem>> -> memref<128xi32, #tpu.memory_space<vmem>>
        %dma_start3A_651 = arith.constant 0 : i32
        %dma_start3A_652 = arith.constant 0 : i32
        %dma_start3A_653 = tpu.memref_slice %arg2[%dma_start3A_651, %dma_start3A_652] : memref<10000x128xf32, #tpu.memory_space<hbm>> -> memref<10000x128xf32, #tpu.memory_space<hbm>>
        %dma_start3A_654 = tpu.memref_slice %arg10[%dma_start3A_643] : memref<2x!tpu.dma_semaphore, #tpu.memory_space<semaphore_mem>> -> memref<1x!tpu.dma_semaphore, #tpu.memory_space<semaphore_mem>>
        %dma_start3A_655 = tpu.memref_squeeze %dma_start3A_654 : memref<1x!tpu.dma_semaphore, #tpu.memory_space<semaphore_mem>> -> memref<!tpu.dma_semaphore, #tpu.memory_space<semaphore_mem>>
        tpu.enqueue_indirect_dma source(%dma_start3A_653 : memref<10000x128xf32, #tpu.memory_space<hbm>>) target(%dma_start3A_647 : memref<128x128xf32, #tpu.memory_space<vmem>>) offsets(%dma_start3A_650 : memref<128xi32, #tpu.memory_space<vmem>>) semaphore(%dma_start3A_655 : memref<!tpu.dma_semaphore, #tpu.memory_space<semaphore_mem>>)
        %dma_wait3A_656 = arith.constant 0 : i32
        %dma_wait3A_657 = arith.constant 0 : i32
        %dma_wait3A_658 = arith.constant 1 : i32
        %dma_wait3A_659 = arith.constant 1 : i32
        %dma_wait3A_660 = arith.constant 0 : i32
        %dma_wait3A_661 = arith.constant 0 : i32
        %dma_wait3A_662 = tpu.memref_slice %arg8[%dma_wait3A_658, %dma_wait3A_660, %dma_wait3A_661] : memref<2x128x128xf32, #tpu.memory_space<vmem>> -> memref<1x128x128xf32, #tpu.memory_space<vmem>>
        %dma_wait3A_663 = tpu.memref_squeeze %dma_wait3A_662 : memref<1x128x128xf32, #tpu.memory_space<vmem>> -> memref<128x128xf32, #tpu.memory_space<vmem>>
        %dma_wait3A_664 = arith.constant 0 : i32
        %dma_wait3A_665 = tpu.memref_slice %arg6[%dma_wait3A_656, %dma_wait3A_657, %dma_wait3A_664] : memref<2x8x128xi32, #tpu.memory_space<vmem>> -> memref<1x1x128xi32, #tpu.memory_space<vmem>>
        %dma_wait3A_666 = tpu.memref_squeeze %dma_wait3A_665 : memref<1x1x128xi32, #tpu.memory_space<vmem>> -> memref<128xi32, #tpu.memory_space<vmem>>
        %dma_wait3A_667 = arith.constant 0 : i32
        %dma_wait3A_668 = arith.constant 0 : i32
        %dma_wait3A_669 = tpu.memref_slice %arg2[%dma_wait3A_667, %dma_wait3A_668] : memref<10000x128xf32, #tpu.memory_space<hbm>> -> memref<10000x128xf32, #tpu.memory_space<hbm>>
        %dma_wait3A_670 = tpu.memref_slice %arg10[%dma_wait3A_659] : memref<2x!tpu.dma_semaphore, #tpu.memory_space<semaphore_mem>> -> memref<1x!tpu.dma_semaphore, #tpu.memory_space<semaphore_mem>>
        %dma_wait3A_671 = tpu.memref_squeeze %dma_wait3A_670 : memref<1x!tpu.dma_semaphore, #tpu.memory_space<semaphore_mem>> -> memref<!tpu.dma_semaphore, #tpu.memory_space<semaphore_mem>>
        tpu.wait_indirect_dma semaphore(%dma_wait3A_671 : memref<!tpu.dma_semaphore, #tpu.memory_space<semaphore_mem>>) src(%dma_wait3A_669 : memref<10000x128xf32, #tpu.memory_space<hbm>>) dst(%dma_wait3A_663 : memref<128x128xf32, #tpu.memory_space<vmem>>)
        %run_scoped3A_672 = arith.constant 1 : i32
        %run_scoped3A_673 = arith.constant 1 : i32
        %run_scoped3A_674 = arith.constant 5 : i32
        "tpu.region"() ({
          %run_scoped3A_750 = tpu.sem_alloc : memref<!tpu.dma_semaphore, #tpu.memory_space<semaphore_mem>>
          %dma_start3A_751 = arith.constant 0 : i32
          %dma_start3A_752 = arith.constant 0 : i32
          %dma_start3A_753 = tpu.memref_slice %arg8[%run_scoped3A_672, %dma_start3A_751, %dma_start3A_752] : memref<2x128x128xf32, #tpu.memory_space<vmem>> -> memref<1x128x128xf32, #tpu.memory_space<vmem>>
          %dma_start3A_754 = tpu.memref_squeeze %dma_start3A_753 : memref<1x128x128xf32, #tpu.memory_space<vmem>> -> memref<128x128xf32, #tpu.memory_space<vmem>>
          %dma_start3A_755 = arith.constant 0 : i32
          %dma_start3A_756 = tpu.memref_slice %arg7[%run_scoped3A_673, %run_scoped3A_674, %dma_start3A_755] : memref<2x8x128xi32, #tpu.memory_space<vmem>> -> memref<1x1x128xi32, #tpu.memory_space<vmem>>
          %dma_start3A_757 = tpu.memref_squeeze %dma_start3A_756 : memref<1x1x128xi32, #tpu.memory_space<vmem>> -> memref<128xi32, #tpu.memory_space<vmem>>
          %dma_start3A_758 = arith.constant 0 : i32
          %dma_start3A_759 = arith.constant 0 : i32
          %dma_start3A_760 = tpu.memref_slice %arg9[%dma_start3A_758, %dma_start3A_759] : memref<10240x128xf32, #tpu.memory_space<vmem_shared>> -> memref<10240x128xf32, #tpu.memory_space<vmem_shared>>
          tpu.enqueue_indirect_dma source(%dma_start3A_754 : memref<128x128xf32, #tpu.memory_space<vmem>>) target(%dma_start3A_760 : memref<10240x128xf32, #tpu.memory_space<vmem_shared>>) offsets(%dma_start3A_757 : memref<128xi32, #tpu.memory_space<vmem>>) semaphore(%run_scoped3A_750 : memref<!tpu.dma_semaphore, #tpu.memory_space<semaphore_mem>>) {add = true}
          %dma_wait3A_761 = arith.constant 0 : i32
          %dma_wait3A_762 = arith.constant 0 : i32
          %dma_wait3A_763 = tpu.memref_slice %arg8[%run_scoped3A_672, %dma_wait3A_761, %dma_wait3A_762] : memref<2x128x128xf32, #tpu.memory_space<vmem>> -> memref<1x128x128xf32, #tpu.memory_space<vmem>>
          %dma_wait3A_764 = tpu.memref_squeeze %dma_wait3A_763 : memref<1x128x128xf32, #tpu.memory_space<vmem>> -> memref<128x128xf32, #tpu.memory_space<vmem>>
          %dma_wait3A_765 = arith.constant 0 : i32
          %dma_wait3A_766 = tpu.memref_slice %arg7[%run_scoped3A_673, %run_scoped3A_674, %dma_wait3A_765] : memref<2x8x128xi32, #tpu.memory_space<vmem>> -> memref<1x1x128xi32, #tpu.memory_space<vmem>>
          %dma_wait3A_767 = tpu.memref_squeeze %dma_wait3A_766 : memref<1x1x128xi32, #tpu.memory_space<vmem>> -> memref<128xi32, #tpu.memory_space<vmem>>
          %dma_wait3A_768 = arith.constant 0 : i32
          %dma_wait3A_769 = arith.constant 0 : i32
          %dma_wait3A_770 = tpu.memref_slice %arg9[%dma_wait3A_768, %dma_wait3A_769] : memref<10240x128xf32, #tpu.memory_space<vmem_shared>> -> memref<10240x128xf32, #tpu.memory_space<vmem_shared>>
          tpu.wait_indirect_dma semaphore(%run_scoped3A_750 : memref<!tpu.dma_semaphore, #tpu.memory_space<semaphore_mem>>) src(%dma_wait3A_764 : memref<128x128xf32, #tpu.memory_space<vmem>>) dst(%dma_wait3A_770 : memref<10240x128xf32, #tpu.memory_space<vmem_shared>>)
          tpu.yield
        }) : () -> ()
        %dma_start3A_675 = arith.constant 1 : i32
        %dma_start3A_676 = arith.constant 7 : i32
        %dma_start3A_677 = arith.constant 1 : i32
        %dma_start3A_678 = arith.constant 1 : i32
        %dma_start3A_679 = arith.constant 0 : i32
        %dma_start3A_680 = arith.constant 0 : i32
        %dma_start3A_681 = tpu.memref_slice %arg8[%dma_start3A_677, %dma_start3A_679, %dma_start3A_680] : memref<2x128x128xf32, #tpu.memory_space<vmem>> -> memref<1x128x128xf32, #tpu.memory_space<vmem>>
        %dma_start3A_682 = tpu.memref_squeeze %dma_start3A_681 : memref<1x128x128xf32, #tpu.memory_space<vmem>> -> memref<128x128xf32, #tpu.memory_space<vmem>>
        %dma_start3A_683 = arith.constant 0 : i32
        %dma_start3A_684 = tpu.memref_slice %arg6[%dma_start3A_675, %dma_start3A_676, %dma_start3A_683] : memref<2x8x128xi32, #tpu.memory_space<vmem>> -> memref<1x1x128xi32, #tpu.memory_space<vmem>>
        %dma_start3A_685 = tpu.memref_squeeze %dma_start3A_684 : memref<1x1x128xi32, #tpu.memory_space<vmem>> -> memref<128xi32, #tpu.memory_space<vmem>>
        %dma_start3A_686 = arith.constant 0 : i32
        %dma_start3A_687 = arith.constant 0 : i32
        %dma_start3A_688 = tpu.memref_slice %arg2[%dma_start3A_686, %dma_start3A_687] : memref<10000x128xf32, #tpu.memory_space<hbm>> -> memref<10000x128xf32, #tpu.memory_space<hbm>>
        %dma_start3A_689 = tpu.memref_slice %arg10[%dma_start3A_678] : memref<2x!tpu.dma_semaphore, #tpu.memory_space<semaphore_mem>> -> memref<1x!tpu.dma_semaphore, #tpu.memory_space<semaphore_mem>>
        %dma_start3A_690 = tpu.memref_squeeze %dma_start3A_689 : memref<1x!tpu.dma_semaphore, #tpu.memory_space<semaphore_mem>> -> memref<!tpu.dma_semaphore, #tpu.memory_space<semaphore_mem>>
        tpu.enqueue_indirect_dma source(%dma_start3A_688 : memref<10000x128xf32, #tpu.memory_space<hbm>>) target(%dma_start3A_682 : memref<128x128xf32, #tpu.memory_space<vmem>>) offsets(%dma_start3A_685 : memref<128xi32, #tpu.memory_space<vmem>>) semaphore(%dma_start3A_690 : memref<!tpu.dma_semaphore, #tpu.memory_space<semaphore_mem>>)
        %dma_wait3A_691 = arith.constant 0 : i32
        %dma_wait3A_692 = arith.constant 0 : i32
        %dma_wait3A_693 = arith.constant 0 : i32
        %dma_wait3A_694 = arith.constant 0 : i32
        %dma_wait3A_695 = arith.constant 0 : i32
        %dma_wait3A_696 = arith.constant 0 : i32
        %dma_wait3A_697 = tpu.memref_slice %arg8[%dma_wait3A_693, %dma_wait3A_695, %dma_wait3A_696] : memref<2x128x128xf32, #tpu.memory_space<vmem>> -> memref<1x128x128xf32, #tpu.memory_space<vmem>>
        %dma_wait3A_698 = tpu.memref_squeeze %dma_wait3A_697 : memref<1x128x128xf32, #tpu.memory_space<vmem>> -> memref<128x128xf32, #tpu.memory_space<vmem>>
        %dma_wait3A_699 = arith.constant 0 : i32
        %dma_wait3A_700 = tpu.memref_slice %arg6[%dma_wait3A_691, %dma_wait3A_692, %dma_wait3A_699] : memref<2x8x128xi32, #tpu.memory_space<vmem>> -> memref<1x1x128xi32, #tpu.memory_space<vmem>>
        %dma_wait3A_701 = tpu.memref_squeeze %dma_wait3A_700 : memref<1x1x128xi32, #tpu.memory_space<vmem>> -> memref<128xi32, #tpu.memory_space<vmem>>
        %dma_wait3A_702 = arith.constant 0 : i32
        %dma_wait3A_703 = arith.constant 0 : i32
        %dma_wait3A_704 = tpu.memref_slice %arg2[%dma_wait3A_702, %dma_wait3A_703] : memref<10000x128xf32, #tpu.memory_space<hbm>> -> memref<10000x128xf32, #tpu.memory_space<hbm>>
        %dma_wait3A_705 = tpu.memref_slice %arg10[%dma_wait3A_694] : memref<2x!tpu.dma_semaphore, #tpu.memory_space<semaphore_mem>> -> memref<1x!tpu.dma_semaphore, #tpu.memory_space<semaphore_mem>>
        %dma_wait3A_706 = tpu.memref_squeeze %dma_wait3A_705 : memref<1x!tpu.dma_semaphore, #tpu.memory_space<semaphore_mem>> -> memref<!tpu.dma_semaphore, #tpu.memory_space<semaphore_mem>>
        tpu.wait_indirect_dma semaphore(%dma_wait3A_706 : memref<!tpu.dma_semaphore, #tpu.memory_space<semaphore_mem>>) src(%dma_wait3A_704 : memref<10000x128xf32, #tpu.memory_space<hbm>>) dst(%dma_wait3A_698 : memref<128x128xf32, #tpu.memory_space<vmem>>)
        %run_scoped3A_707 = arith.constant 0 : i32
        %run_scoped3A_708 = arith.constant 1 : i32
        %run_scoped3A_709 = arith.constant 6 : i32
        "tpu.region"() ({
          %run_scoped3A_750 = tpu.sem_alloc : memref<!tpu.dma_semaphore, #tpu.memory_space<semaphore_mem>>
          %dma_start3A_751 = arith.constant 0 : i32
          %dma_start3A_752 = arith.constant 0 : i32
          %dma_start3A_753 = tpu.memref_slice %arg8[%run_scoped3A_707, %dma_start3A_751, %dma_start3A_752] : memref<2x128x128xf32, #tpu.memory_space<vmem>> -> memref<1x128x128xf32, #tpu.memory_space<vmem>>
          %dma_start3A_754 = tpu.memref_squeeze %dma_start3A_753 : memref<1x128x128xf32, #tpu.memory_space<vmem>> -> memref<128x128xf32, #tpu.memory_space<vmem>>
          %dma_start3A_755 = arith.constant 0 : i32
          %dma_start3A_756 = tpu.memref_slice %arg7[%run_scoped3A_708, %run_scoped3A_709, %dma_start3A_755] : memref<2x8x128xi32, #tpu.memory_space<vmem>> -> memref<1x1x128xi32, #tpu.memory_space<vmem>>
          %dma_start3A_757 = tpu.memref_squeeze %dma_start3A_756 : memref<1x1x128xi32, #tpu.memory_space<vmem>> -> memref<128xi32, #tpu.memory_space<vmem>>
          %dma_start3A_758 = arith.constant 0 : i32
          %dma_start3A_759 = arith.constant 0 : i32
          %dma_start3A_760 = tpu.memref_slice %arg9[%dma_start3A_758, %dma_start3A_759] : memref<10240x128xf32, #tpu.memory_space<vmem_shared>> -> memref<10240x128xf32, #tpu.memory_space<vmem_shared>>
          tpu.enqueue_indirect_dma source(%dma_start3A_754 : memref<128x128xf32, #tpu.memory_space<vmem>>) target(%dma_start3A_760 : memref<10240x128xf32, #tpu.memory_space<vmem_shared>>) offsets(%dma_start3A_757 : memref<128xi32, #tpu.memory_space<vmem>>) semaphore(%run_scoped3A_750 : memref<!tpu.dma_semaphore, #tpu.memory_space<semaphore_mem>>) {add = true}
          %dma_wait3A_761 = arith.constant 0 : i32
          %dma_wait3A_762 = arith.constant 0 : i32
          %dma_wait3A_763 = tpu.memref_slice %arg8[%run_scoped3A_707, %dma_wait3A_761, %dma_wait3A_762] : memref<2x128x128xf32, #tpu.memory_space<vmem>> -> memref<1x128x128xf32, #tpu.memory_space<vmem>>
          %dma_wait3A_764 = tpu.memref_squeeze %dma_wait3A_763 : memref<1x128x128xf32, #tpu.memory_space<vmem>> -> memref<128x128xf32, #tpu.memory_space<vmem>>
          %dma_wait3A_765 = arith.constant 0 : i32
          %dma_wait3A_766 = tpu.memref_slice %arg7[%run_scoped3A_708, %run_scoped3A_709, %dma_wait3A_765] : memref<2x8x128xi32, #tpu.memory_space<vmem>> -> memref<1x1x128xi32, #tpu.memory_space<vmem>>
          %dma_wait3A_767 = tpu.memref_squeeze %dma_wait3A_766 : memref<1x1x128xi32, #tpu.memory_space<vmem>> -> memref<128xi32, #tpu.memory_space<vmem>>
          %dma_wait3A_768 = arith.constant 0 : i32
          %dma_wait3A_769 = arith.constant 0 : i32
          %dma_wait3A_770 = tpu.memref_slice %arg9[%dma_wait3A_768, %dma_wait3A_769] : memref<10240x128xf32, #tpu.memory_space<vmem_shared>> -> memref<10240x128xf32, #tpu.memory_space<vmem_shared>>
          tpu.wait_indirect_dma semaphore(%run_scoped3A_750 : memref<!tpu.dma_semaphore, #tpu.memory_space<semaphore_mem>>) src(%dma_wait3A_764 : memref<128x128xf32, #tpu.memory_space<vmem>>) dst(%dma_wait3A_770 : memref<10240x128xf32, #tpu.memory_space<vmem_shared>>)
          tpu.yield
        }) : () -> ()
        %add3A_710 = arith.constant 1 : i32
        %add3A_711 = arith.addi %scan3A_159, %add3A_710 : i32
        %lt3A_712 = arith.constant 10 : i32
        %lt3A_713 = arith.cmpi slt, %add3A_711, %lt3A_712 : i32
        %convert_element_type3A_714 = arith.extui %lt3A_713 : i1 to i32
        %cond3A_715 = arith.constant 0 : i32
        %cond3A_716 = arith.cmpi ne, %convert_element_type3A_714, %cond3A_715 : i32
        scf.if %cond3A_716 {
          %dma_wait3A_750 = arith.constant 0 : i32
          %dma_wait3A_751 = arith.constant 0 : i32
          %dma_wait3A_752 = arith.constant 0 : i32
          %dma_wait3A_753 = arith.constant 0 : i32
          %dma_wait3A_754 = tpu.memref_slice %arg6[%dma_wait3A_750, %dma_wait3A_752, %dma_wait3A_753] : memref<2x8x128xi32, #tpu.memory_space<vmem>> -> memref<1x8x128xi32, #tpu.memory_space<vmem>>
          %dma_wait3A_755 = tpu.memref_squeeze %dma_wait3A_754 : memref<1x8x128xi32, #tpu.memory_space<vmem>> -> memref<8x128xi32, #tpu.memory_space<vmem>>
          %dma_wait3A_756 = arith.constant 0 : i32
          %dma_wait3A_757 = arith.constant 0 : i32
          %dma_wait3A_758 = tpu.memref_slice %arg3[%dma_wait3A_756, %dma_wait3A_757] : memref<2560x128xi32, #tpu.memory_space<hbm>> -> memref<8x128xi32, #tpu.memory_space<hbm>>
          %dma_wait3A_759 = tpu.memref_slice %arg11[%dma_wait3A_751] : memref<2x!tpu.dma_semaphore, #tpu.memory_space<semaphore_mem>> -> memref<1x!tpu.dma_semaphore, #tpu.memory_space<semaphore_mem>>
          %dma_wait3A_760 = tpu.memref_squeeze %dma_wait3A_759 : memref<1x!tpu.dma_semaphore, #tpu.memory_space<semaphore_mem>> -> memref<!tpu.dma_semaphore, #tpu.memory_space<semaphore_mem>>
          %dma_wait3A_761 = arith.constant 0 : i32
          %dma_wait3A_762 = arith.constant 0 : i32
          %dma_wait3A_763 = tpu.memref_slice %arg6[%dma_wait3A_750, %dma_wait3A_761, %dma_wait3A_762] : memref<2x8x128xi32, #tpu.memory_space<vmem>> -> memref<1x8x128xi32, #tpu.memory_space<vmem>>
          %dma_wait3A_764 = tpu.memref_squeeze %dma_wait3A_763 : memref<1x8x128xi32, #tpu.memory_space<vmem>> -> memref<8x128xi32, #tpu.memory_space<vmem>>
          %dma_wait3A_765 = arith.constant 0 : i32
          %dma_wait3A_766 = arith.constant 0 : i32
          %dma_wait3A_767 = tpu.memref_slice %arg3[%dma_wait3A_765, %dma_wait3A_766] : memref<2560x128xi32, #tpu.memory_space<hbm>> -> memref<8x128xi32, #tpu.memory_space<hbm>>
          tpu.wait_dma2 semaphore(%dma_wait3A_760 : memref<!tpu.dma_semaphore, #tpu.memory_space<semaphore_mem>>) src(%dma_wait3A_767 : memref<8x128xi32, #tpu.memory_space<hbm>>) dst(%dma_wait3A_764 : memref<8x128xi32, #tpu.memory_space<vmem>>)
          %dma_wait3A_768 = arith.constant 0 : i32
          %dma_wait3A_769 = arith.constant 0 : i32
          %dma_wait3A_770 = arith.constant 0 : i32
          %dma_wait3A_771 = arith.constant 0 : i32
          %dma_wait3A_772 = tpu.memref_slice %arg7[%dma_wait3A_768, %dma_wait3A_770, %dma_wait3A_771] : memref<2x8x128xi32, #tpu.memory_space<vmem>> -> memref<1x8x128xi32, #tpu.memory_space<vmem>>
          %dma_wait3A_773 = tpu.memref_squeeze %dma_wait3A_772 : memref<1x8x128xi32, #tpu.memory_space<vmem>> -> memref<8x128xi32, #tpu.memory_space<vmem>>
          %dma_wait3A_774 = arith.constant 0 : i32
          %dma_wait3A_775 = arith.constant 0 : i32
          %dma_wait3A_776 = tpu.memref_slice %arg4[%dma_wait3A_774, %dma_wait3A_775] : memref<2560x128xi32, #tpu.memory_space<hbm>> -> memref<8x128xi32, #tpu.memory_space<hbm>>
          %dma_wait3A_777 = tpu.memref_slice %arg11[%dma_wait3A_769] : memref<2x!tpu.dma_semaphore, #tpu.memory_space<semaphore_mem>> -> memref<1x!tpu.dma_semaphore, #tpu.memory_space<semaphore_mem>>
          %dma_wait3A_778 = tpu.memref_squeeze %dma_wait3A_777 : memref<1x!tpu.dma_semaphore, #tpu.memory_space<semaphore_mem>> -> memref<!tpu.dma_semaphore, #tpu.memory_space<semaphore_mem>>
          %dma_wait3A_779 = arith.constant 0 : i32
          %dma_wait3A_780 = arith.constant 0 : i32
          %dma_wait3A_781 = tpu.memref_slice %arg7[%dma_wait3A_768, %dma_wait3A_779, %dma_wait3A_780] : memref<2x8x128xi32, #tpu.memory_space<vmem>> -> memref<1x8x128xi32, #tpu.memory_space<vmem>>
          %dma_wait3A_782 = tpu.memref_squeeze %dma_wait3A_781 : memref<1x8x128xi32, #tpu.memory_space<vmem>> -> memref<8x128xi32, #tpu.memory_space<vmem>>
          %dma_wait3A_783 = arith.constant 0 : i32
          %dma_wait3A_784 = arith.constant 0 : i32
          %dma_wait3A_785 = tpu.memref_slice %arg4[%dma_wait3A_783, %dma_wait3A_784] : memref<2560x128xi32, #tpu.memory_space<hbm>> -> memref<8x128xi32, #tpu.memory_space<hbm>>
          tpu.wait_dma2 semaphore(%dma_wait3A_778 : memref<!tpu.dma_semaphore, #tpu.memory_space<semaphore_mem>>) src(%dma_wait3A_785 : memref<8x128xi32, #tpu.memory_space<hbm>>) dst(%dma_wait3A_782 : memref<8x128xi32, #tpu.memory_space<vmem>>)
          %dma_start3A_786 = arith.constant 0 : i32
          %dma_start3A_787 = arith.constant 0 : i32
          %dma_start3A_788 = arith.constant 0 : i32
          %dma_start3A_789 = arith.constant 0 : i32
          %dma_start3A_790 = arith.constant 0 : i32
          %dma_start3A_791 = arith.constant 0 : i32
          %dma_start3A_792 = tpu.memref_slice %arg8[%dma_start3A_788, %dma_start3A_790, %dma_start3A_791] : memref<2x128x128xf32, #tpu.memory_space<vmem>> -> memref<1x128x128xf32, #tpu.memory_space<vmem>>
          %dma_start3A_793 = tpu.memref_squeeze %dma_start3A_792 : memref<1x128x128xf32, #tpu.memory_space<vmem>> -> memref<128x128xf32, #tpu.memory_space<vmem>>
          %dma_start3A_794 = arith.constant 0 : i32
          %dma_start3A_795 = tpu.memref_slice %arg6[%dma_start3A_786, %dma_start3A_787, %dma_start3A_794] : memref<2x8x128xi32, #tpu.memory_space<vmem>> -> memref<1x1x128xi32, #tpu.memory_space<vmem>>
          %dma_start3A_796 = tpu.memref_squeeze %dma_start3A_795 : memref<1x1x128xi32, #tpu.memory_space<vmem>> -> memref<128xi32, #tpu.memory_space<vmem>>
          %dma_start3A_797 = arith.constant 0 : i32
          %dma_start3A_798 = arith.constant 0 : i32
          %dma_start3A_799 = tpu.memref_slice %arg2[%dma_start3A_797, %dma_start3A_798] : memref<10000x128xf32, #tpu.memory_space<hbm>> -> memref<10000x128xf32, #tpu.memory_space<hbm>>
          %dma_start3A_800 = tpu.memref_slice %arg10[%dma_start3A_789] : memref<2x!tpu.dma_semaphore, #tpu.memory_space<semaphore_mem>> -> memref<1x!tpu.dma_semaphore, #tpu.memory_space<semaphore_mem>>
          %dma_start3A_801 = tpu.memref_squeeze %dma_start3A_800 : memref<1x!tpu.dma_semaphore, #tpu.memory_space<semaphore_mem>> -> memref<!tpu.dma_semaphore, #tpu.memory_space<semaphore_mem>>
          tpu.enqueue_indirect_dma source(%dma_start3A_799 : memref<10000x128xf32, #tpu.memory_space<hbm>>) target(%dma_start3A_793 : memref<128x128xf32, #tpu.memory_space<vmem>>) offsets(%dma_start3A_796 : memref<128xi32, #tpu.memory_space<vmem>>) semaphore(%dma_start3A_801 : memref<!tpu.dma_semaphore, #tpu.memory_space<semaphore_mem>>)
        } else {
        }
        %dma_wait3A_717 = arith.constant 0 : i32
        %dma_wait3A_718 = arith.constant 0 : i32
        %dma_wait3A_719 = arith.constant 1 : i32
        %dma_wait3A_720 = arith.constant 1 : i32
        %dma_wait3A_721 = arith.constant 0 : i32
        %dma_wait3A_722 = arith.constant 0 : i32
        %dma_wait3A_723 = tpu.memref_slice %arg8[%dma_wait3A_719, %dma_wait3A_721, %dma_wait3A_722] : memref<2x128x128xf32, #tpu.memory_space<vmem>> -> memref<1x128x128xf32, #tpu.memory_space<vmem>>
        %dma_wait3A_724 = tpu.memref_squeeze %dma_wait3A_723 : memref<1x128x128xf32, #tpu.memory_space<vmem>> -> memref<128x128xf32, #tpu.memory_space<vmem>>
        %dma_wait3A_725 = arith.constant 0 : i32
        %dma_wait3A_726 = tpu.memref_slice %arg6[%dma_wait3A_717, %dma_wait3A_718, %dma_wait3A_725] : memref<2x8x128xi32, #tpu.memory_space<vmem>> -> memref<1x1x128xi32, #tpu.memory_space<vmem>>
        %dma_wait3A_727 = tpu.memref_squeeze %dma_wait3A_726 : memref<1x1x128xi32, #tpu.memory_space<vmem>> -> memref<128xi32, #tpu.memory_space<vmem>>
        %dma_wait3A_728 = arith.constant 0 : i32
        %dma_wait3A_729 = arith.constant 0 : i32
        %dma_wait3A_730 = tpu.memref_slice %arg2[%dma_wait3A_728, %dma_wait3A_729] : memref<10000x128xf32, #tpu.memory_space<hbm>> -> memref<10000x128xf32, #tpu.memory_space<hbm>>
        %dma_wait3A_731 = tpu.memref_slice %arg10[%dma_wait3A_720] : memref<2x!tpu.dma_semaphore, #tpu.memory_space<semaphore_mem>> -> memref<1x!tpu.dma_semaphore, #tpu.memory_space<semaphore_mem>>
        %dma_wait3A_732 = tpu.memref_squeeze %dma_wait3A_731 : memref<1x!tpu.dma_semaphore, #tpu.memory_space<semaphore_mem>> -> memref<!tpu.dma_semaphore, #tpu.memory_space<semaphore_mem>>
        tpu.wait_indirect_dma semaphore(%dma_wait3A_732 : memref<!tpu.dma_semaphore, #tpu.memory_space<semaphore_mem>>) src(%dma_wait3A_730 : memref<10000x128xf32, #tpu.memory_space<hbm>>) dst(%dma_wait3A_724 : memref<128x128xf32, #tpu.memory_space<vmem>>)
        %run_scoped3A_733 = arith.constant 1 : i32
        %run_scoped3A_734 = arith.constant 1 : i32
        %run_scoped3A_735 = arith.constant 7 : i32
        "tpu.region"() ({
          %run_scoped3A_750 = tpu.sem_alloc : memref<!tpu.dma_semaphore, #tpu.memory_space<semaphore_mem>>
          %dma_start3A_751 = arith.constant 0 : i32
          %dma_start3A_752 = arith.constant 0 : i32
          %dma_start3A_753 = tpu.memref_slice %arg8[%run_scoped3A_733, %dma_start3A_751, %dma_start3A_752] : memref<2x128x128xf32, #tpu.memory_space<vmem>> -> memref<1x128x128xf32, #tpu.memory_space<vmem>>
          %dma_start3A_754 = tpu.memref_squeeze %dma_start3A_753 : memref<1x128x128xf32, #tpu.memory_space<vmem>> -> memref<128x128xf32, #tpu.memory_space<vmem>>
          %dma_start3A_755 = arith.constant 0 : i32
          %dma_start3A_756 = tpu.memref_slice %arg7[%run_scoped3A_734, %run_scoped3A_735, %dma_start3A_755] : memref<2x8x128xi32, #tpu.memory_space<vmem>> -> memref<1x1x128xi32, #tpu.memory_space<vmem>>
          %dma_start3A_757 = tpu.memref_squeeze %dma_start3A_756 : memref<1x1x128xi32, #tpu.memory_space<vmem>> -> memref<128xi32, #tpu.memory_space<vmem>>
          %dma_start3A_758 = arith.constant 0 : i32
          %dma_start3A_759 = arith.constant 0 : i32
          %dma_start3A_760 = tpu.memref_slice %arg9[%dma_start3A_758, %dma_start3A_759] : memref<10240x128xf32, #tpu.memory_space<vmem_shared>> -> memref<10240x128xf32, #tpu.memory_space<vmem_shared>>
          tpu.enqueue_indirect_dma source(%dma_start3A_754 : memref<128x128xf32, #tpu.memory_space<vmem>>) target(%dma_start3A_760 : memref<10240x128xf32, #tpu.memory_space<vmem_shared>>) offsets(%dma_start3A_757 : memref<128xi32, #tpu.memory_space<vmem>>) semaphore(%run_scoped3A_750 : memref<!tpu.dma_semaphore, #tpu.memory_space<semaphore_mem>>) {add = true}
          %dma_wait3A_761 = arith.constant 0 : i32
          %dma_wait3A_762 = arith.constant 0 : i32
          %dma_wait3A_763 = tpu.memref_slice %arg8[%run_scoped3A_733, %dma_wait3A_761, %dma_wait3A_762] : memref<2x128x128xf32, #tpu.memory_space<vmem>> -> memref<1x128x128xf32, #tpu.memory_space<vmem>>
          %dma_wait3A_764 = tpu.memref_squeeze %dma_wait3A_763 : memref<1x128x128xf32, #tpu.memory_space<vmem>> -> memref<128x128xf32, #tpu.memory_space<vmem>>
          %dma_wait3A_765 = arith.constant 0 : i32
          %dma_wait3A_766 = tpu.memref_slice %arg7[%run_scoped3A_734, %run_scoped3A_735, %dma_wait3A_765] : memref<2x8x128xi32, #tpu.memory_space<vmem>> -> memref<1x1x128xi32, #tpu.memory_space<vmem>>
          %dma_wait3A_767 = tpu.memref_squeeze %dma_wait3A_766 : memref<1x1x128xi32, #tpu.memory_space<vmem>> -> memref<128xi32, #tpu.memory_space<vmem>>
          %dma_wait3A_768 = arith.constant 0 : i32
          %dma_wait3A_769 = arith.constant 0 : i32
          %dma_wait3A_770 = tpu.memref_slice %arg9[%dma_wait3A_768, %dma_wait3A_769] : memref<10240x128xf32, #tpu.memory_space<vmem_shared>> -> memref<10240x128xf32, #tpu.memory_space<vmem_shared>>
          tpu.wait_indirect_dma semaphore(%run_scoped3A_750 : memref<!tpu.dma_semaphore, #tpu.memory_space<semaphore_mem>>) src(%dma_wait3A_764 : memref<128x128xf32, #tpu.memory_space<vmem>>) dst(%dma_wait3A_770 : memref<10240x128xf32, #tpu.memory_space<vmem_shared>>)
          tpu.yield
        }) : () -> ()
        %add3A_736 = arith.constant 1 : i32
        %add3A_737 = arith.addi %scan3A_159, %add3A_736 : i32
        %lt3A_738 = arith.constant 10 : i32
        %lt3A_739 = arith.cmpi slt, %add3A_737, %lt3A_738 : i32
        %convert_element_type3A_740 = arith.extui %lt3A_739 : i1 to i32
        %cond3A_741 = arith.constant 0 : i32
        %cond3A_742 = arith.cmpi ne, %convert_element_type3A_740, %cond3A_741 : i32
        scf.if %cond3A_742 {
          %dma_start3A_750 = arith.constant 0 : i32
          %dma_start3A_751 = arith.constant 1 : i32
          %dma_start3A_752 = arith.constant 1 : i32
          %dma_start3A_753 = arith.constant 1 : i32
          %dma_start3A_754 = arith.constant 0 : i32
          %dma_start3A_755 = arith.constant 0 : i32
          %dma_start3A_756 = tpu.memref_slice %arg8[%dma_start3A_752, %dma_start3A_754, %dma_start3A_755] : memref<2x128x128xf32, #tpu.memory_space<vmem>> -> memref<1x128x128xf32, #tpu.memory_space<vmem>>
          %dma_start3A_757 = tpu.memref_squeeze %dma_start3A_756 : memref<1x128x128xf32, #tpu.memory_space<vmem>> -> memref<128x128xf32, #tpu.memory_space<vmem>>
          %dma_start3A_758 = arith.constant 0 : i32
          %dma_start3A_759 = tpu.memref_slice %arg6[%dma_start3A_750, %dma_start3A_751, %dma_start3A_758] : memref<2x8x128xi32, #tpu.memory_space<vmem>> -> memref<1x1x128xi32, #tpu.memory_space<vmem>>
          %dma_start3A_760 = tpu.memref_squeeze %dma_start3A_759 : memref<1x1x128xi32, #tpu.memory_space<vmem>> -> memref<128xi32, #tpu.memory_space<vmem>>
          %dma_start3A_761 = arith.constant 0 : i32
          %dma_start3A_762 = arith.constant 0 : i32
          %dma_start3A_763 = tpu.memref_slice %arg2[%dma_start3A_761, %dma_start3A_762] : memref<10000x128xf32, #tpu.memory_space<hbm>> -> memref<10000x128xf32, #tpu.memory_space<hbm>>
          %dma_start3A_764 = tpu.memref_slice %arg10[%dma_start3A_753] : memref<2x!tpu.dma_semaphore, #tpu.memory_space<semaphore_mem>> -> memref<1x!tpu.dma_semaphore, #tpu.memory_space<semaphore_mem>>
          %dma_start3A_765 = tpu.memref_squeeze %dma_start3A_764 : memref<1x!tpu.dma_semaphore, #tpu.memory_space<semaphore_mem>> -> memref<!tpu.dma_semaphore, #tpu.memory_space<semaphore_mem>>
          tpu.enqueue_indirect_dma source(%dma_start3A_763 : memref<10000x128xf32, #tpu.memory_space<hbm>>) target(%dma_start3A_757 : memref<128x128xf32, #tpu.memory_space<vmem>>) offsets(%dma_start3A_760 : memref<128xi32, #tpu.memory_space<vmem>>) semaphore(%dma_start3A_765 : memref<!tpu.dma_semaphore, #tpu.memory_space<semaphore_mem>>)
        } else {
        }
        %add3A_743 = arith.constant 1 : i32
        %add3A_744 = arith.addi %scan3A_159, %add3A_743 : i32
        %lt3A_745 = arith.constant 10 : i32
        %lt3A_746 = arith.cmpi slt, %add3A_744, %lt3A_745 : i32
        %convert_element_type3A_747 = arith.extui %lt3A_746 : i1 to i32
        %cond3A_748 = arith.constant 0 : i32
        %cond3A_749 = arith.cmpi ne, %convert_element_type3A_747, %cond3A_748 : i32
        scf.if %cond3A_749 {
          %add3A_750 = arith.constant 1 : i32
          %add3A_751 = arith.addi %scan3A_159, %add3A_750 : i32
          %mul3A_752 = arith.constant 2 : i32
          %mul3A_753 = arith.muli %mul3A_752, %add3A_751 : i32
          %add3A_754 = arith.constant 1 : i32
          %add3A_755 = arith.addi %mul3A_753, %add3A_754 : i32
          %mul3A_756 = arith.constant 8 : i32
          %mul3A_757 = arith.muli %add3A_755, %mul3A_756 : i32
          %add3A_758 = arith.addi %mul3A_19, %mul3A_757 : i32
          %dma_start3A_759 = arith.constant 1 : i32
          %dma_start3A_760 = arith.constant 1 : i32
          %dma_start3A_761 = arith.constant 0 : i32
          %dma_start3A_762 = arith.constant 0 : i32
          %dma_start3A_763 = tpu.memref_slice %arg6[%dma_start3A_759, %dma_start3A_761, %dma_start3A_762] : memref<2x8x128xi32, #tpu.memory_space<vmem>> -> memref<1x8x128xi32, #tpu.memory_space<vmem>>
          %dma_start3A_764 = tpu.memref_squeeze %dma_start3A_763 : memref<1x8x128xi32, #tpu.memory_space<vmem>> -> memref<8x128xi32, #tpu.memory_space<vmem>>
          %dma_start3A_765 = arith.constant 0 : i32
          %dma_start3A_766 = tpu.memref_slice %arg3[%add3A_758, %dma_start3A_765] : memref<2560x128xi32, #tpu.memory_space<hbm>> -> memref<8x128xi32, #tpu.memory_space<hbm>>
          %dma_start3A_767 = tpu.memref_slice %arg11[%dma_start3A_760] : memref<2x!tpu.dma_semaphore, #tpu.memory_space<semaphore_mem>> -> memref<1x!tpu.dma_semaphore, #tpu.memory_space<semaphore_mem>>
          %dma_start3A_768 = tpu.memref_squeeze %dma_start3A_767 : memref<1x!tpu.dma_semaphore, #tpu.memory_space<semaphore_mem>> -> memref<!tpu.dma_semaphore, #tpu.memory_space<semaphore_mem>>
          %dma_start3A_769 = arith.constant 0 : i32
          %dma_start3A_770 = arith.constant 0 : i32
          %dma_start3A_771 = tpu.memref_slice %arg6[%dma_start3A_759, %dma_start3A_769, %dma_start3A_770] : memref<2x8x128xi32, #tpu.memory_space<vmem>> -> memref<1x8x128xi32, #tpu.memory_space<vmem>>
          %dma_start3A_772 = tpu.memref_squeeze %dma_start3A_771 : memref<1x8x128xi32, #tpu.memory_space<vmem>> -> memref<8x128xi32, #tpu.memory_space<vmem>>
          %dma_start3A_773 = arith.constant 0 : i32
          %dma_start3A_774 = tpu.memref_slice %arg3[%add3A_758, %dma_start3A_773] : memref<2560x128xi32, #tpu.memory_space<hbm>> -> memref<8x128xi32, #tpu.memory_space<hbm>>
          tpu.enqueue_dma source(%dma_start3A_774 : memref<8x128xi32, #tpu.memory_space<hbm>>) target(%dma_start3A_772 : memref<8x128xi32, #tpu.memory_space<vmem>>) target_semaphore(%dma_start3A_768 : memref<!tpu.dma_semaphore, #tpu.memory_space<semaphore_mem>>)
          %dma_start3A_775 = arith.constant 1 : i32
          %dma_start3A_776 = arith.constant 1 : i32
          %dma_start3A_777 = arith.constant 0 : i32
          %dma_start3A_778 = arith.constant 0 : i32
          %dma_start3A_779 = tpu.memref_slice %arg7[%dma_start3A_775, %dma_start3A_777, %dma_start3A_778] : memref<2x8x128xi32, #tpu.memory_space<vmem>> -> memref<1x8x128xi32, #tpu.memory_space<vmem>>
          %dma_start3A_780 = tpu.memref_squeeze %dma_start3A_779 : memref<1x8x128xi32, #tpu.memory_space<vmem>> -> memref<8x128xi32, #tpu.memory_space<vmem>>
          %dma_start3A_781 = arith.constant 0 : i32
          %dma_start3A_782 = tpu.memref_slice %arg4[%add3A_758, %dma_start3A_781] : memref<2560x128xi32, #tpu.memory_space<hbm>> -> memref<8x128xi32, #tpu.memory_space<hbm>>
          %dma_start3A_783 = tpu.memref_slice %arg11[%dma_start3A_776] : memref<2x!tpu.dma_semaphore, #tpu.memory_space<semaphore_mem>> -> memref<1x!tpu.dma_semaphore, #tpu.memory_space<semaphore_mem>>
          %dma_start3A_784 = tpu.memref_squeeze %dma_start3A_783 : memref<1x!tpu.dma_semaphore, #tpu.memory_space<semaphore_mem>> -> memref<!tpu.dma_semaphore, #tpu.memory_space<semaphore_mem>>
          %dma_start3A_785 = arith.constant 0 : i32
          %dma_start3A_786 = arith.constant 0 : i32
          %dma_start3A_787 = tpu.memref_slice %arg7[%dma_start3A_775, %dma_start3A_785, %dma_start3A_786] : memref<2x8x128xi32, #tpu.memory_space<vmem>> -> memref<1x8x128xi32, #tpu.memory_space<vmem>>
          %dma_start3A_788 = tpu.memref_squeeze %dma_start3A_787 : memref<1x8x128xi32, #tpu.memory_space<vmem>> -> memref<8x128xi32, #tpu.memory_space<vmem>>
          %dma_start3A_789 = arith.constant 0 : i32
          %dma_start3A_790 = tpu.memref_slice %arg4[%add3A_758, %dma_start3A_789] : memref<2560x128xi32, #tpu.memory_space<hbm>> -> memref<8x128xi32, #tpu.memory_space<hbm>>
          tpu.enqueue_dma source(%dma_start3A_790 : memref<8x128xi32, #tpu.memory_space<hbm>>) target(%dma_start3A_788 : memref<8x128xi32, #tpu.memory_space<vmem>>) target_semaphore(%dma_start3A_784 : memref<!tpu.dma_semaphore, #tpu.memory_space<semaphore_mem>>)
        } else {
        }
      }
      %scan3A_158 = arith.constant 10 : i32
    } else {
    }
    %barrier3A_14 = arith.constant 0 : index
    tpu.barrier barrier_id(%barrier3A_14)
    %mul3A = arith.constant 640 : i32
    %mul3A_15 = arith.muli %arg1, %mul3A : i32
    %mul3A_16 = arith.constant 640 : i32
    %mul3A_17 = arith.muli %arg1, %mul3A_16 : i32
    "tpu.region"() ({
      %run_scoped3A = tpu.sem_alloc : memref<!tpu.dma_semaphore, #tpu.memory_space<semaphore_mem>>
      %dma_start3A = arith.constant 0 : i32
      %dma_start3A_18 = tpu.memref_slice %arg5[%arg0, %mul3A_17, %dma_start3A] : memref<2x10240x128xf32, #tpu.memory_space<hbm>> -> memref<1x640x128xf32, #tpu.memory_space<hbm>>
      %dma_start3A_19 = tpu.memref_squeeze %dma_start3A_18 : memref<1x640x128xf32, #tpu.memory_space<hbm>> -> memref<640x128xf32, #tpu.memory_space<hbm>>
      %dma_start3A_20 = arith.constant 0 : i32
      %dma_start3A_21 = tpu.memref_slice %arg9[%mul3A_15, %dma_start3A_20] : memref<10240x128xf32, #tpu.memory_space<vmem_shared>> -> memref<640x128xf32, #tpu.memory_space<vmem_shared>>
      tpu.enqueue_dma source(%dma_start3A_21 : memref<640x128xf32, #tpu.memory_space<vmem_shared>>) target(%dma_start3A_19 : memref<640x128xf32, #tpu.memory_space<hbm>>) target_semaphore(%run_scoped3A : memref<!tpu.dma_semaphore, #tpu.memory_space<semaphore_mem>>)
      %dma_wait3A = arith.constant 0 : i32
      %dma_wait3A_22 = tpu.memref_slice %arg5[%arg0, %mul3A_17, %dma_wait3A] : memref<2x10240x128xf32, #tpu.memory_space<hbm>> -> memref<1x640x128xf32, #tpu.memory_space<hbm>>
      %dma_wait3A_23 = tpu.memref_squeeze %dma_wait3A_22 : memref<1x640x128xf32, #tpu.memory_space<hbm>> -> memref<640x128xf32, #tpu.memory_space<hbm>>
      %dma_wait3A_24 = arith.constant 0 : i32
      %dma_wait3A_25 = tpu.memref_slice %arg9[%mul3A_15, %dma_wait3A_24] : memref<10240x128xf32, #tpu.memory_space<vmem_shared>> -> memref<640x128xf32, #tpu.memory_space<vmem_shared>>
      tpu.wait_dma2 semaphore(%run_scoped3A : memref<!tpu.dma_semaphore, #tpu.memory_space<semaphore_mem>>) src(%dma_wait3A_25 : memref<640x128xf32, #tpu.memory_space<vmem_shared>>) dst(%dma_wait3A_23 : memref<640x128xf32, #tpu.memory_space<hbm>>)
      tpu.yield
    }) : () -> ()
    return
  }
}

#map = affine_map<(d0, d1) -> (0, 0)>
#map1 = affine_map<(d0, d1) -> (0, 0, 0)>
module attributes {stable_mosaic.version = 14 : i64} {
  func.func @deg_kernel(%arg0: i32, %arg1: i32, %arg2: memref<2560x128xi32, #tpu.memory_space<hbm>>, %arg3: memref<2x10240x16xf32, #tpu.memory_space<hbm>>, %arg4: memref<80x128xi32, #tpu.memory_space<vmem>>, %arg5: memref<128x16xf32, #tpu.memory_space<vmem>>, %arg6: memref<64x16xf32, #tpu.memory_space<vmem>>, %arg7: memref<10240x16xf32, #tpu.memory_space<vmem_shared>>) attributes {dimension_semantics = [#tpu.dimension_semantics<core_parallel>, #tpu.dimension_semantics<subcore_parallel>], iteration_bounds = array<i64: 2, 16>, scalar_prefetch = 0 : i64, scratch_operands = 4 : i64, tpu.core_type = #tpu.core_type<sc_vector_subcore>, window_params = [{transform_indices = #map}, {transform_indices = #map1}]} {
    %mul3A = arith.constant 16 : i32
    %mul3A_0 = arith.muli %arg0, %mul3A : i32
    %add3A = arith.addi %mul3A_0, %arg1 : i32
    %iota3A = tpu.iota {dimensions = array<i32: 0>} : vector<16xi32>
    %eq3A = arith.constant 0 : i32
    %eq3A_1 = vector.broadcast %eq3A : i32 to vector<16xi32>
    %eq3A_2 = arith.cmpi eq, %iota3A, %eq3A_1 : vector<16xi32>
    %jit3A = arith.constant 1.000000e+00 : f32
    %jit3A_3 = arith.constant 0.000000e+00 : f32
    %broadcast_in_dim3A = vector.broadcast %jit3A : f32 to vector<16xf32>
    %broadcast_in_dim3A_4 = vector.broadcast %jit3A_3 : f32 to vector<16xf32>
    %select_n3A = arith.select %eq3A_2, %broadcast_in_dim3A, %broadcast_in_dim3A_4 : vector<16xi1>, vector<16xf32>
    %broadcast_in_dim3A_5 = arith.constant 0.000000e+00 : f32
    %broadcast_in_dim3A_6 = vector.broadcast %broadcast_in_dim3A_5 : f32 to vector<16xf32>
    %scan3A = arith.constant 0 : i32
    %scan3A_7 = arith.constant 0 : i32
    %scan3A_8 = arith.constant 128 : i32
    %scan3A_9 = arith.addi %scan3A_7, %scan3A_8 : i32
    %scan3A_10 = arith.constant 1 : i32
    scf.for %scan3A_37 = %scan3A_7 to %scan3A_9 step %scan3A_10  : i32 {
      %swap3A = arith.index_cast %scan3A_37 : i32 to index
      %swap3A_38 = arith.constant 0 : index
      %swap3A_39 = tpu.vector_load %arg5[%swap3A, %swap3A_38] {strides = array<i32>} : memref<128x16xf32, #tpu.memory_space<vmem>>, vector<1x16xf32>,
      %swap3A_40 = vector.shape_cast %swap3A_39 : vector<1x16xf32> to vector<16xf32>
      %swap3A_41 = vector.shape_cast %select_n3A : vector<16xf32> to vector<1x16xf32>
      tpu.vector_store %arg5[%swap3A, %swap3A_38], %swap3A_41 {strides = array<i32>} : memref<128x16xf32, #tpu.memory_space<vmem>>, vector<1x16xf32>,
    }
    %scan3A_11 = arith.constant 128 : i32
    %scan3A_12 = arith.constant 0 : i32
    %scan3A_13 = arith.constant 0 : i32
    %scan3A_14 = arith.constant 64 : i32
    %scan3A_15 = arith.addi %scan3A_13, %scan3A_14 : i32
    %scan3A_16 = arith.constant 1 : i32
    scf.for %scan3A_37 = %scan3A_13 to %scan3A_15 step %scan3A_16  : i32 {
      %swap3A = arith.index_cast %scan3A_37 : i32 to index
      %swap3A_38 = arith.constant 0 : index
      %swap3A_39 = tpu.vector_load %arg6[%swap3A, %swap3A_38] {strides = array<i32>} : memref<64x16xf32, #tpu.memory_space<vmem>>, vector<1x16xf32>,
      %swap3A_40 = vector.shape_cast %swap3A_39 : vector<1x16xf32> to vector<16xf32>
      %swap3A_41 = vector.shape_cast %broadcast_in_dim3A_6 : vector<16xf32> to vector<1x16xf32>
      tpu.vector_store %arg6[%swap3A, %swap3A_38], %swap3A_41 {strides = array<i32>} : memref<64x16xf32, #tpu.memory_space<vmem>>, vector<1x16xf32>,
    }
    %scan3A_17 = arith.constant 64 : i32
    %scan3A_18 = arith.constant 0 : i32
    %scan3A_19 = arith.constant 0 : i32
    %scan3A_20 = arith.constant 10 : i32
    %scan3A_21 = arith.addi %scan3A_19, %scan3A_20 : i32
    %scan3A_22 = arith.constant 1 : i32
    scf.for %scan3A_37 = %scan3A_19 to %scan3A_21 step %scan3A_22  : i32 {
      %mul3A_38 = arith.constant 640 : i32
      %mul3A_39 = arith.muli %arg1, %mul3A_38 : i32
      %mul3A_40 = arith.constant 64 : i32
      %mul3A_41 = arith.muli %scan3A_37, %mul3A_40 : i32
      %add3A_42 = arith.addi %mul3A_39, %mul3A_41 : i32
      "tpu.region"() ({
        %run_scoped3A = tpu.sem_alloc : memref<!tpu.dma_semaphore, #tpu.memory_space<semaphore_mem>>
        %dma_start3A = arith.constant 0 : i32
        %dma_start3A_43 = tpu.memref_slice %arg7[%add3A_42, %dma_start3A] : memref<10240x16xf32, #tpu.memory_space<vmem_shared>> -> memref<64x16xf32, #tpu.memory_space<vmem_shared>>
        %dma_start3A_44 = arith.constant 0 : i32
        %dma_start3A_45 = tpu.memref_slice %arg7[%add3A_42, %dma_start3A_44] : memref<10240x16xf32, #tpu.memory_space<vmem_shared>> -> memref<64x16xf32, #tpu.memory_space<vmem_shared>>
        tpu.enqueue_dma source(%arg6 : memref<64x16xf32, #tpu.memory_space<vmem>>) target(%dma_start3A_45 : memref<64x16xf32, #tpu.memory_space<vmem_shared>>) target_semaphore(%run_scoped3A : memref<!tpu.dma_semaphore, #tpu.memory_space<semaphore_mem>>)
        %dma_wait3A = arith.constant 0 : i32
        %dma_wait3A_46 = tpu.memref_slice %arg7[%add3A_42, %dma_wait3A] : memref<10240x16xf32, #tpu.memory_space<vmem_shared>> -> memref<64x16xf32, #tpu.memory_space<vmem_shared>>
        %dma_wait3A_47 = arith.constant 0 : i32
        %dma_wait3A_48 = tpu.memref_slice %arg7[%add3A_42, %dma_wait3A_47] : memref<10240x16xf32, #tpu.memory_space<vmem_shared>> -> memref<64x16xf32, #tpu.memory_space<vmem_shared>>
        tpu.wait_dma2 semaphore(%run_scoped3A : memref<!tpu.dma_semaphore, #tpu.memory_space<semaphore_mem>>) src(%arg6 : memref<64x16xf32, #tpu.memory_space<vmem>>) dst(%dma_wait3A_48 : memref<64x16xf32, #tpu.memory_space<vmem_shared>>)
        tpu.yield
      }) : () -> ()
    }
    %scan3A_23 = arith.constant 10 : i32
    %barrier3A = arith.constant 0 : index
    tpu.barrier barrier_id(%barrier3A)
    %mul3A_24 = arith.constant 80 : i32
    %mul3A_25 = arith.muli %add3A, %mul3A_24 : i32
    "tpu.region"() ({
      %run_scoped3A = tpu.sem_alloc : memref<!tpu.dma_semaphore, #tpu.memory_space<semaphore_mem>>
      %dma_start3A = arith.constant 0 : i32
      %dma_start3A_37 = tpu.memref_slice %arg2[%mul3A_25, %dma_start3A] : memref<2560x128xi32, #tpu.memory_space<hbm>> -> memref<80x128xi32, #tpu.memory_space<hbm>>
      %dma_start3A_38 = arith.constant 0 : i32
      %dma_start3A_39 = tpu.memref_slice %arg2[%mul3A_25, %dma_start3A_38] : memref<2560x128xi32, #tpu.memory_space<hbm>> -> memref<80x128xi32, #tpu.memory_space<hbm>>
      tpu.enqueue_dma source(%dma_start3A_39 : memref<80x128xi32, #tpu.memory_space<hbm>>) target(%arg4 : memref<80x128xi32, #tpu.memory_space<vmem>>) target_semaphore(%run_scoped3A : memref<!tpu.dma_semaphore, #tpu.memory_space<semaphore_mem>>)
      %dma_wait3A = arith.constant 0 : i32
      %dma_wait3A_40 = tpu.memref_slice %arg2[%mul3A_25, %dma_wait3A] : memref<2560x128xi32, #tpu.memory_space<hbm>> -> memref<80x128xi32, #tpu.memory_space<hbm>>
      %dma_wait3A_41 = arith.constant 0 : i32
      %dma_wait3A_42 = tpu.memref_slice %arg2[%mul3A_25, %dma_wait3A_41] : memref<2560x128xi32, #tpu.memory_space<hbm>> -> memref<80x128xi32, #tpu.memory_space<hbm>>
      tpu.wait_dma2 semaphore(%run_scoped3A : memref<!tpu.dma_semaphore, #tpu.memory_space<semaphore_mem>>) src(%dma_wait3A_42 : memref<80x128xi32, #tpu.memory_space<hbm>>) dst(%arg4 : memref<80x128xi32, #tpu.memory_space<vmem>>)
      tpu.yield
    }) : () -> ()
    %scan3A_26 = arith.constant 0 : i32
    %scan3A_27 = arith.constant 0 : i32
    %scan3A_28 = arith.constant 80 : i32
    %scan3A_29 = arith.addi %scan3A_27, %scan3A_28 : i32
    %scan3A_30 = arith.constant 1 : i32
    scf.for %scan3A_37 = %scan3A_27 to %scan3A_29 step %scan3A_30  : i32 {
      "tpu.region"() ({
        %run_scoped3A = tpu.sem_alloc : memref<!tpu.dma_semaphore, #tpu.memory_space<semaphore_mem>>
        %dma_start3A = arith.constant 0 : i32
        %dma_start3A_38 = tpu.memref_slice %arg4[%scan3A_37, %dma_start3A] : memref<80x128xi32, #tpu.memory_space<vmem>> -> memref<1x128xi32, #tpu.memory_space<vmem>>
        %dma_start3A_39 = tpu.memref_squeeze %dma_start3A_38 : memref<1x128xi32, #tpu.memory_space<vmem>> -> memref<128xi32, #tpu.memory_space<vmem>>
        %dma_start3A_40 = arith.constant 0 : i32
        %dma_start3A_41 = arith.constant 0 : i32
        %dma_start3A_42 = tpu.memref_slice %arg7[%dma_start3A_40, %dma_start3A_41] : memref<10240x16xf32, #tpu.memory_space<vmem_shared>> -> memref<10240x16xf32, #tpu.memory_space<vmem_shared>>
        tpu.enqueue_indirect_dma source(%arg5 : memref<128x16xf32, #tpu.memory_space<vmem>>) target(%dma_start3A_42 : memref<10240x16xf32, #tpu.memory_space<vmem_shared>>) offsets(%dma_start3A_39 : memref<128xi32, #tpu.memory_space<vmem>>) semaphore(%run_scoped3A : memref<!tpu.dma_semaphore, #tpu.memory_space<semaphore_mem>>) {add = true}
        %dma_wait3A = arith.constant 0 : i32
        %dma_wait3A_43 = tpu.memref_slice %arg4[%scan3A_37, %dma_wait3A] : memref<80x128xi32, #tpu.memory_space<vmem>> -> memref<1x128xi32, #tpu.memory_space<vmem>>
        %dma_wait3A_44 = tpu.memref_squeeze %dma_wait3A_43 : memref<1x128xi32, #tpu.memory_space<vmem>> -> memref<128xi32, #tpu.memory_space<vmem>>
        %dma_wait3A_45 = arith.constant 0 : i32
        %dma_wait3A_46 = arith.constant 0 : i32
        %dma_wait3A_47 = tpu.memref_slice %arg7[%dma_wait3A_45, %dma_wait3A_46] : memref<10240x16xf32, #tpu.memory_space<vmem_shared>> -> memref<10240x16xf32, #tpu.memory_space<vmem_shared>>
        tpu.wait_indirect_dma semaphore(%run_scoped3A : memref<!tpu.dma_semaphore, #tpu.memory_space<semaphore_mem>>) src(%arg5 : memref<128x16xf32, #tpu.memory_space<vmem>>) dst(%dma_wait3A_47 : memref<10240x16xf32, #tpu.memory_space<vmem_shared>>)
        tpu.yield
      }) : () -> ()
    }
    %scan3A_31 = arith.constant 80 : i32
    %barrier3A_32 = arith.constant 0 : index
    tpu.barrier barrier_id(%barrier3A_32)
    %mul3A_33 = arith.constant 640 : i32
    %mul3A_34 = arith.muli %arg1, %mul3A_33 : i32
    %mul3A_35 = arith.constant 640 : i32
    %mul3A_36 = arith.muli %arg1, %mul3A_35 : i32
    "tpu.region"() ({
      %run_scoped3A = tpu.sem_alloc : memref<!tpu.dma_semaphore, #tpu.memory_space<semaphore_mem>>
      %dma_start3A = arith.constant 0 : i32
      %dma_start3A_37 = tpu.memref_slice %arg3[%arg0, %mul3A_36, %dma_start3A] : memref<2x10240x16xf32, #tpu.memory_space<hbm>> -> memref<1x640x16xf32, #tpu.memory_space<hbm>>
      %dma_start3A_38 = tpu.memref_squeeze %dma_start3A_37 : memref<1x640x16xf32, #tpu.memory_space<hbm>> -> memref<640x16xf32, #tpu.memory_space<hbm>>
      %dma_start3A_39 = arith.constant 0 : i32
      %dma_start3A_40 = tpu.memref_slice %arg7[%mul3A_34, %dma_start3A_39] : memref<10240x16xf32, #tpu.memory_space<vmem_shared>> -> memref<640x16xf32, #tpu.memory_space<vmem_shared>>
      tpu.enqueue_dma source(%dma_start3A_40 : memref<640x16xf32, #tpu.memory_space<vmem_shared>>) target(%dma_start3A_38 : memref<640x16xf32, #tpu.memory_space<hbm>>) target_semaphore(%run_scoped3A : memref<!tpu.dma_semaphore, #tpu.memory_space<semaphore_mem>>)
      %dma_wait3A = arith.constant 0 : i32
      %dma_wait3A_41 = tpu.memref_slice %arg3[%arg0, %mul3A_36, %dma_wait3A] : memref<2x10240x16xf32, #tpu.memory_space<hbm>> -> memref<1x640x16xf32, #tpu.memory_space<hbm>>
      %dma_wait3A_42 = tpu.memref_squeeze %dma_wait3A_41 : memref<1x640x16xf32, #tpu.memory_space<hbm>> -> memref<640x16xf32, #tpu.memory_space<hbm>>
      %dma_wait3A_43 = arith.constant 0 : i32
      %dma_wait3A_44 = tpu.memref_slice %arg7[%mul3A_34, %dma_wait3A_43] : memref<10240x16xf32, #tpu.memory_space<vmem_shared>> -> memref<640x16xf32, #tpu.memory_space<vmem_shared>>
      tpu.wait_dma2 semaphore(%run_scoped3A : memref<!tpu.dma_semaphore, #tpu.memory_space<semaphore_mem>>) src(%dma_wait3A_44 : memref<640x16xf32, #tpu.memory_space<vmem_shared>>) dst(%dma_wait3A_42 : memref<640x16xf32, #tpu.memory_space<hbm>>)
      tpu.yield
    }) : () -> ()
    return
  }
}

#map = affine_map<(d0, d1) -> (0, 0)>
#map1 = affine_map<(d0, d1) -> (0, 0, 0)>
module attributes {stable_mosaic.version = 14 : i64} {
  func.func @agg_kernel(%arg0: i32, %arg1: i32, %arg2: memref<10000x128xf32, #tpu.memory_space<hbm>>, %arg3: memref<2560x128xi32, #tpu.memory_space<hbm>>, %arg4: memref<2560x128xi32, #tpu.memory_space<hbm>>, %arg5: memref<2x10240x128xf32, #tpu.memory_space<hbm>>, %arg6: memref<2x8x128xi32, #tpu.memory_space<vmem>>, %arg7: memref<2x8x128xi32, #tpu.memory_space<vmem>>, %arg8: memref<2x128x128xf32, #tpu.memory_space<vmem>>, %arg9: memref<10240x128xf32, #tpu.memory_space<vmem_shared>>, %arg10: memref<2x!tpu.dma_semaphore, #tpu.memory_space<semaphore_mem>>, %arg11: memref<2x!tpu.dma_semaphore, #tpu.memory_space<semaphore_mem>>) attributes {dimension_semantics = [#tpu.dimension_semantics<core_parallel>, #tpu.dimension_semantics<subcore_parallel>], iteration_bounds = array<i64: 2, 16>, scalar_prefetch = 0 : i64, scratch_operands = 6 : i64, tpu.core_type = #tpu.core_type<sc_vector_subcore>, window_params = [{transform_indices = #map}, {transform_indices = #map}, {transform_indices = #map}, {transform_indices = #map1}]} {
    %broadcast_in_dim3A = arith.constant 0.000000e+00 : f32
    %broadcast_in_dim3A_0 = vector.broadcast %broadcast_in_dim3A : f32 to vector<16xf32>
    %scan3A = arith.constant 0 : i32
    %scan3A_1 = arith.constant 0 : i32
    %scan3A_2 = arith.constant 128 : i32
    %scan3A_3 = arith.addi %scan3A_1, %scan3A_2 : i32
    %scan3A_4 = arith.constant 1 : i32
    scf.for %scan3A_18 = %scan3A_1 to %scan3A_3 step %scan3A_4  : i32 {
      %swap3A = arith.constant 0 : i32
      %swap3A_19 = arith.index_cast %swap3A : i32 to index
      %swap3A_20 = arith.index_cast %scan3A_18 : i32 to index
      %swap3A_21 = arith.constant 0 : index
      %swap3A_22 = tpu.vector_load %arg8[%swap3A_19, %swap3A_20, %swap3A_21] {strides = array<i32>} : memref<2x128x128xf32, #tpu.memory_space<vmem>>, vector<1x1x16xf32>,
      %swap3A_23 = vector.shape_cast %swap3A_22 : vector<1x1x16xf32> to vector<16xf32>
      %swap3A_24 = vector.shape_cast %broadcast_in_dim3A_0 : vector<16xf32> to vector<1x1x16xf32>
      tpu.vector_store %arg8[%swap3A_19, %swap3A_20, %swap3A_21], %swap3A_24 {strides = array<i32>} : memref<2x128x128xf32, #tpu.memory_space<vmem>>, vector<1x1x16xf32>,
      %swap3A_25 = arith.constant 0 : i32
      %swap3A_26 = arith.index_cast %swap3A_25 : i32 to index
      %swap3A_27 = arith.index_cast %scan3A_18 : i32 to index
      %swap3A_28 = arith.constant 16 : index
      %swap3A_29 = tpu.vector_load %arg8[%swap3A_26, %swap3A_27, %swap3A_28] {strides = array<i32>} : memref<2x128x128xf32, #tpu.memory_space<vmem>>, vector<1x1x16xf32>,
      %swap3A_30 = vector.shape_cast %swap3A_29 : vector<1x1x16xf32> to vector<16xf32>
      %swap3A_31 = vector.shape_cast %broadcast_in_dim3A_0 : vector<16xf32> to vector<1x1x16xf32>
      tpu.vector_store %arg8[%swap3A_26, %swap3A_27, %swap3A_28], %swap3A_31 {strides = array<i32>} : memref<2x128x128xf32, #tpu.memory_space<vmem>>, vector<1x1x16xf32>,
      %swap3A_32 = arith.constant 0 : i32
      %swap3A_33 = arith.index_cast %swap3A_32 : i32 to index
      %swap3A_34 = arith.index_cast %scan3A_18 : i32 to index
      %swap3A_35 = arith.constant 32 : index
      %swap3A_36 = tpu.vector_load %arg8[%swap3A_33, %swap3A_34, %swap3A_35] {strides = array<i32>} : memref<2x128x128xf32, #tpu.memory_space<vmem>>, vector<1x1x16xf32>,
      %swap3A_37 = vector.shape_cast %swap3A_36 : vector<1x1x16xf32> to vector<16xf32>
      %swap3A_38 = vector.shape_cast %broadcast_in_dim3A_0 : vector<16xf32> to vector<1x1x16xf32>
      tpu.vector_store %arg8[%swap3A_33, %swap3A_34, %swap3A_35], %swap3A_38 {strides = array<i32>} : memref<2x128x128xf32, #tpu.memory_space<vmem>>, vector<1x1x16xf32>,
      %swap3A_39 = arith.constant 0 : i32
      %swap3A_40 = arith.index_cast %swap3A_39 : i32 to index
      %swap3A_41 = arith.index_cast %scan3A_18 : i32 to index
      %swap3A_42 = arith.constant 48 : index
      %swap3A_43 = tpu.vector_load %arg8[%swap3A_40, %swap3A_41, %swap3A_42] {strides = array<i32>} : memref<2x128x128xf32, #tpu.memory_space<vmem>>, vector<1x1x16xf32>,
      %swap3A_44 = vector.shape_cast %swap3A_43 : vector<1x1x16xf32> to vector<16xf32>
      %swap3A_45 = vector.shape_cast %broadcast_in_dim3A_0 : vector<16xf32> to vector<1x1x16xf32>
      tpu.vector_store %arg8[%swap3A_40, %swap3A_41, %swap3A_42], %swap3A_45 {strides = array<i32>} : memref<2x128x128xf32, #tpu.memory_space<vmem>>, vector<1x1x16xf32>,
      %swap3A_46 = arith.constant 0 : i32
      %swap3A_47 = arith.index_cast %swap3A_46 : i32 to index
      %swap3A_48 = arith.index_cast %scan3A_18 : i32 to index
      %swap3A_49 = arith.constant 64 : index
      %swap3A_50 = tpu.vector_load %arg8[%swap3A_47, %swap3A_48, %swap3A_49] {strides = array<i32>} : memref<2x128x128xf32, #tpu.memory_space<vmem>>, vector<1x1x16xf32>,
      %swap3A_51 = vector.shape_cast %swap3A_50 : vector<1x1x16xf32> to vector<16xf32>
      %swap3A_52 = vector.shape_cast %broadcast_in_dim3A_0 : vector<16xf32> to vector<1x1x16xf32>
      tpu.vector_store %arg8[%swap3A_47, %swap3A_48, %swap3A_49], %swap3A_52 {strides = array<i32>} : memref<2x128x128xf32, #tpu.memory_space<vmem>>, vector<1x1x16xf32>,
      %swap3A_53 = arith.constant 0 : i32
      %swap3A_54 = arith.index_cast %swap3A_53 : i32 to index
      %swap3A_55 = arith.index_cast %scan3A_18 : i32 to index
      %swap3A_56 = arith.constant 80 : index
      %swap3A_57 = tpu.vector_load %arg8[%swap3A_54, %swap3A_55, %swap3A_56] {strides = array<i32>} : memref<2x128x128xf32, #tpu.memory_space<vmem>>, vector<1x1x16xf32>,
      %swap3A_58 = vector.shape_cast %swap3A_57 : vector<1x1x16xf32> to vector<16xf32>
      %swap3A_59 = vector.shape_cast %broadcast_in_dim3A_0 : vector<16xf32> to vector<1x1x16xf32>
      tpu.vector_store %arg8[%swap3A_54, %swap3A_55, %swap3A_56], %swap3A_59 {strides = array<i32>} : memref<2x128x128xf32, #tpu.memory_space<vmem>>, vector<1x1x16xf32>,
      %swap3A_60 = arith.constant 0 : i32
      %swap3A_61 = arith.index_cast %swap3A_60 : i32 to index
      %swap3A_62 = arith.index_cast %scan3A_18 : i32 to index
      %swap3A_63 = arith.constant 96 : index
      %swap3A_64 = tpu.vector_load %arg8[%swap3A_61, %swap3A_62, %swap3A_63] {strides = array<i32>} : memref<2x128x128xf32, #tpu.memory_space<vmem>>, vector<1x1x16xf32>,
      %swap3A_65 = vector.shape_cast %swap3A_64 : vector<1x1x16xf32> to vector<16xf32>
      %swap3A_66 = vector.shape_cast %broadcast_in_dim3A_0 : vector<16xf32> to vector<1x1x16xf32>
      tpu.vector_store %arg8[%swap3A_61, %swap3A_62, %swap3A_63], %swap3A_66 {strides = array<i32>} : memref<2x128x128xf32, #tpu.memory_space<vmem>>, vector<1x1x16xf32>,
      %swap3A_67 = arith.constant 0 : i32
      %swap3A_68 = arith.index_cast %swap3A_67 : i32 to index
      %swap3A_69 = arith.index_cast %scan3A_18 : i32 to index
      %swap3A_70 = arith.constant 112 : index
      %swap3A_71 = tpu.vector_load %arg8[%swap3A_68, %swap3A_69, %swap3A_70] {strides = array<i32>} : memref<2x128x128xf32, #tpu.memory_space<vmem>>, vector<1x1x16xf32>,
      %swap3A_72 = vector.shape_cast %swap3A_71 : vector<1x1x16xf32> to vector<16xf32>
      %swap3A_73 = vector.shape_cast %broadcast_in_dim3A_0 : vector<16xf32> to vector<1x1x16xf32>
      tpu.vector_store %arg8[%swap3A_68, %swap3A_69, %swap3A_70], %swap3A_73 {strides = array<i32>} : memref<2x128x128xf32, #tpu.memory_space<vmem>>, vector<1x1x16xf32>,
    }
    %scan3A_5 = arith.constant 128 : i32
    %scan3A_6 = arith.constant 0 : i32
    %scan3A_7 = arith.constant 0 : i32
    %scan3A_8 = arith.constant 5 : i32
    %scan3A_9 = arith.addi %scan3A_7, %scan3A_8 : i32
    %scan3A_10 = arith.constant 1 : i32
    scf.for %scan3A_18 = %scan3A_7 to %scan3A_9 step %scan3A_10  : i32 {
      %mul3A_19 = arith.constant 640 : i32
      %mul3A_20 = arith.muli %arg1, %mul3A_19 : i32
      %mul3A_21 = arith.constant 128 : i32
      %mul3A_22 = arith.muli %scan3A_18, %mul3A_21 : i32
      %add3A = arith.addi %mul3A_20, %mul3A_22 : i32
      %run_scoped3A = arith.constant 0 : i32
      "tpu.region"() ({
        %run_scoped3A_23 = tpu.sem_alloc : memref<!tpu.dma_semaphore, #tpu.memory_space<semaphore_mem>>
        %dma_start3A = arith.constant 0 : i32
        %dma_start3A_24 = arith.constant 0 : i32
        %dma_start3A_25 = tpu.memref_slice %arg8[%run_scoped3A, %dma_start3A, %dma_start3A_24] : memref<2x128x128xf32, #tpu.memory_space<vmem>> -> memref<1x128x128xf32, #tpu.memory_space<vmem>>
        %dma_start3A_26 = tpu.memref_squeeze %dma_start3A_25 : memref<1x128x128xf32, #tpu.memory_space<vmem>> -> memref<128x128xf32, #tpu.memory_space<vmem>>
        %dma_start3A_27 = arith.constant 0 : i32
        %dma_start3A_28 = tpu.memref_slice %arg9[%add3A, %dma_start3A_27] : memref<10240x128xf32, #tpu.memory_space<vmem_shared>> -> memref<128x128xf32, #tpu.memory_space<vmem_shared>>
        %dma_start3A_29 = arith.constant 0 : i32
        %dma_start3A_30 = tpu.memref_slice %arg9[%add3A, %dma_start3A_29] : memref<10240x128xf32, #tpu.memory_space<vmem_shared>> -> memref<128x128xf32, #tpu.memory_space<vmem_shared>>
        %dma_start3A_31 = arith.constant 0 : i32
        %dma_start3A_32 = arith.constant 0 : i32
        %dma_start3A_33 = tpu.memref_slice %arg8[%run_scoped3A, %dma_start3A_31, %dma_start3A_32] : memref<2x128x128xf32, #tpu.memory_space<vmem>> -> memref<1x128x128xf32, #tpu.memory_space<vmem>>
        %dma_start3A_34 = tpu.memref_squeeze %dma_start3A_33 : memref<1x128x128xf32, #tpu.memory_space<vmem>> -> memref<128x128xf32, #tpu.memory_space<vmem>>
        tpu.enqueue_dma source(%dma_start3A_34 : memref<128x128xf32, #tpu.memory_space<vmem>>) target(%dma_start3A_30 : memref<128x128xf32, #tpu.memory_space<vmem_shared>>) target_semaphore(%run_scoped3A_23 : memref<!tpu.dma_semaphore, #tpu.memory_space<semaphore_mem>>)
        %dma_wait3A = arith.constant 0 : i32
        %dma_wait3A_35 = arith.constant 0 : i32
        %dma_wait3A_36 = tpu.memref_slice %arg8[%run_scoped3A, %dma_wait3A, %dma_wait3A_35] : memref<2x128x128xf32, #tpu.memory_space<vmem>> -> memref<1x128x128xf32, #tpu.memory_space<vmem>>
        %dma_wait3A_37 = tpu.memref_squeeze %dma_wait3A_36 : memref<1x128x128xf32, #tpu.memory_space<vmem>> -> memref<128x128xf32, #tpu.memory_space<vmem>>
        %dma_wait3A_38 = arith.constant 0 : i32
        %dma_wait3A_39 = tpu.memref_slice %arg9[%add3A, %dma_wait3A_38] : memref<10240x128xf32, #tpu.memory_space<vmem_shared>> -> memref<128x128xf32, #tpu.memory_space<vmem_shared>>
        %dma_wait3A_40 = arith.constant 0 : i32
        %dma_wait3A_41 = tpu.memref_slice %arg9[%add3A, %dma_wait3A_40] : memref<10240x128xf32, #tpu.memory_space<vmem_shared>> -> memref<128x128xf32, #tpu.memory_space<vmem_shared>>
        %dma_wait3A_42 = arith.constant 0 : i32
        %dma_wait3A_43 = arith.constant 0 : i32
        %dma_wait3A_44 = tpu.memref_slice %arg8[%run_scoped3A, %dma_wait3A_42, %dma_wait3A_43] : memref<2x128x128xf32, #tpu.memory_space<vmem>> -> memref<1x128x128xf32, #tpu.memory_space<vmem>>
        %dma_wait3A_45 = tpu.memref_squeeze %dma_wait3A_44 : memref<1x128x128xf32, #tpu.memory_space<vmem>> -> memref<128x128xf32, #tpu.memory_space<vmem>>
        tpu.wait_dma2 semaphore(%run_scoped3A_23 : memref<!tpu.dma_semaphore, #tpu.memory_space<semaphore_mem>>) src(%dma_wait3A_45 : memref<128x128xf32, #tpu.memory_space<vmem>>) dst(%dma_wait3A_41 : memref<128x128xf32, #tpu.memory_space<vmem_shared>>)
        tpu.yield
      }) : () -> ()
    }
    %scan3A_11 = arith.constant 5 : i32
    %barrier3A = arith.constant 0 : index
    tpu.barrier barrier_id(%barrier3A)
    %eq3A = arith.constant 0 : i32
    %eq3A_12 = arith.cmpi eq, %arg0, %eq3A : i32
    %convert_element_type3A = arith.extui %eq3A_12 : i1 to i32
    %cond3A = arith.constant 0 : i32
    %cond3A_13 = arith.cmpi ne, %convert_element_type3A, %cond3A : i32
    scf.if %cond3A_13 {
      %mul3A_18 = arith.constant 160 : i32
      %mul3A_19 = arith.muli %arg1, %mul3A_18 : i32
      %add3A = arith.constant 0 : i32
      %add3A_20 = arith.addi %mul3A_19, %add3A : i32
      %dma_start3A = arith.constant 0 : i32
      %dma_start3A_21 = arith.constant 0 : i32
      %dma_start3A_22 = arith.constant 0 : i32
      %dma_start3A_23 = arith.constant 0 : i32
      %dma_start3A_24 = tpu.memref_slice %arg6[%dma_start3A, %dma_start3A_22, %dma_start3A_23] : memref<2x8x128xi32, #tpu.memory_space<vmem>> -> memref<1x8x128xi32, #tpu.memory_space<vmem>>
      %dma_start3A_25 = tpu.memref_squeeze %dma_start3A_24 : memref<1x8x128xi32, #tpu.memory_space<vmem>> -> memref<8x128xi32, #tpu.memory_space<vmem>>
      %dma_start3A_26 = arith.constant 0 : i32
      %dma_start3A_27 = tpu.memref_slice %arg3[%add3A_20, %dma_start3A_26] : memref<2560x128xi32, #tpu.memory_space<hbm>> -> memref<8x128xi32, #tpu.memory_space<hbm>>
      %dma_start3A_28 = tpu.memref_slice %arg11[%dma_start3A_21] : memref<2x!tpu.dma_semaphore, #tpu.memory_space<semaphore_mem>> -> memref<1x!tpu.dma_semaphore, #tpu.memory_space<semaphore_mem>>
      %dma_start3A_29 = tpu.memref_squeeze %dma_start3A_28 : memref<1x!tpu.dma_semaphore, #tpu.memory_space<semaphore_mem>> -> memref<!tpu.dma_semaphore, #tpu.memory_space<semaphore_mem>>
      %dma_start3A_30 = arith.constant 0 : i32
      %dma_start3A_31 = arith.constant 0 : i32
      %dma_start3A_32 = tpu.memref_slice %arg6[%dma_start3A, %dma_start3A_30, %dma_start3A_31] : memref<2x8x128xi32, #tpu.memory_space<vmem>> -> memref<1x8x128xi32, #tpu.memory_space<vmem>>
      %dma_start3A_33 = tpu.memref_squeeze %dma_start3A_32 : memref<1x8x128xi32, #tpu.memory_space<vmem>> -> memref<8x128xi32, #tpu.memory_space<vmem>>
      %dma_start3A_34 = arith.constant 0 : i32
      %dma_start3A_35 = tpu.memref_slice %arg3[%add3A_20, %dma_start3A_34] : memref<2560x128xi32, #tpu.memory_space<hbm>> -> memref<8x128xi32, #tpu.memory_space<hbm>>
      tpu.enqueue_dma source(%dma_start3A_35 : memref<8x128xi32, #tpu.memory_space<hbm>>) target(%dma_start3A_33 : memref<8x128xi32, #tpu.memory_space<vmem>>) target_semaphore(%dma_start3A_29 : memref<!tpu.dma_semaphore, #tpu.memory_space<semaphore_mem>>)
      %dma_start3A_36 = arith.constant 0 : i32
      %dma_start3A_37 = arith.constant 0 : i32
      %dma_start3A_38 = arith.constant 0 : i32
      %dma_start3A_39 = arith.constant 0 : i32
      %dma_start3A_40 = tpu.memref_slice %arg7[%dma_start3A_36, %dma_start3A_38, %dma_start3A_39] : memref<2x8x128xi32, #tpu.memory_space<vmem>> -> memref<1x8x128xi32, #tpu.memory_space<vmem>>
      %dma_start3A_41 = tpu.memref_squeeze %dma_start3A_40 : memref<1x8x128xi32, #tpu.memory_space<vmem>> -> memref<8x128xi32, #tpu.memory_space<vmem>>
      %dma_start3A_42 = arith.constant 0 : i32
      %dma_start3A_43 = tpu.memref_slice %arg4[%add3A_20, %dma_start3A_42] : memref<2560x128xi32, #tpu.memory_space<hbm>> -> memref<8x128xi32, #tpu.memory_space<hbm>>
      %dma_start3A_44 = tpu.memref_slice %arg11[%dma_start3A_37] : memref<2x!tpu.dma_semaphore, #tpu.memory_space<semaphore_mem>> -> memref<1x!tpu.dma_semaphore, #tpu.memory_space<semaphore_mem>>
      %dma_start3A_45 = tpu.memref_squeeze %dma_start3A_44 : memref<1x!tpu.dma_semaphore, #tpu.memory_space<semaphore_mem>> -> memref<!tpu.dma_semaphore, #tpu.memory_space<semaphore_mem>>
      %dma_start3A_46 = arith.constant 0 : i32
      %dma_start3A_47 = arith.constant 0 : i32
      %dma_start3A_48 = tpu.memref_slice %arg7[%dma_start3A_36, %dma_start3A_46, %dma_start3A_47] : memref<2x8x128xi32, #tpu.memory_space<vmem>> -> memref<1x8x128xi32, #tpu.memory_space<vmem>>
      %dma_start3A_49 = tpu.memref_squeeze %dma_start3A_48 : memref<1x8x128xi32, #tpu.memory_space<vmem>> -> memref<8x128xi32, #tpu.memory_space<vmem>>
      %dma_start3A_50 = arith.constant 0 : i32
      %dma_start3A_51 = tpu.memref_slice %arg4[%add3A_20, %dma_start3A_50] : memref<2560x128xi32, #tpu.memory_space<hbm>> -> memref<8x128xi32, #tpu.memory_space<hbm>>
      tpu.enqueue_dma source(%dma_start3A_51 : memref<8x128xi32, #tpu.memory_space<hbm>>) target(%dma_start3A_49 : memref<8x128xi32, #tpu.memory_space<vmem>>) target_semaphore(%dma_start3A_45 : memref<!tpu.dma_semaphore, #tpu.memory_space<semaphore_mem>>)
      %dma_wait3A = arith.constant 0 : i32
      %dma_wait3A_52 = arith.constant 0 : i32
      %dma_wait3A_53 = arith.constant 0 : i32
      %dma_wait3A_54 = arith.constant 0 : i32
      %dma_wait3A_55 = tpu.memref_slice %arg6[%dma_wait3A, %dma_wait3A_53, %dma_wait3A_54] : memref<2x8x128xi32, #tpu.memory_space<vmem>> -> memref<1x8x128xi32, #tpu.memory_space<vmem>>
      %dma_wait3A_56 = tpu.memref_squeeze %dma_wait3A_55 : memref<1x8x128xi32, #tpu.memory_space<vmem>> -> memref<8x128xi32, #tpu.memory_space<vmem>>
      %dma_wait3A_57 = arith.constant 0 : i32
      %dma_wait3A_58 = arith.constant 0 : i32
      %dma_wait3A_59 = tpu.memref_slice %arg3[%dma_wait3A_57, %dma_wait3A_58] : memref<2560x128xi32, #tpu.memory_space<hbm>> -> memref<8x128xi32, #tpu.memory_space<hbm>>
      %dma_wait3A_60 = tpu.memref_slice %arg11[%dma_wait3A_52] : memref<2x!tpu.dma_semaphore, #tpu.memory_space<semaphore_mem>> -> memref<1x!tpu.dma_semaphore, #tpu.memory_space<semaphore_mem>>
      %dma_wait3A_61 = tpu.memref_squeeze %dma_wait3A_60 : memref<1x!tpu.dma_semaphore, #tpu.memory_space<semaphore_mem>> -> memref<!tpu.dma_semaphore, #tpu.memory_space<semaphore_mem>>
      %dma_wait3A_62 = arith.constant 0 : i32
      %dma_wait3A_63 = arith.constant 0 : i32
      %dma_wait3A_64 = tpu.memref_slice %arg6[%dma_wait3A, %dma_wait3A_62, %dma_wait3A_63] : memref<2x8x128xi32, #tpu.memory_space<vmem>> -> memref<1x8x128xi32, #tpu.memory_space<vmem>>
      %dma_wait3A_65 = tpu.memref_squeeze %dma_wait3A_64 : memref<1x8x128xi32, #tpu.memory_space<vmem>> -> memref<8x128xi32, #tpu.memory_space<vmem>>
      %dma_wait3A_66 = arith.constant 0 : i32
      %dma_wait3A_67 = arith.constant 0 : i32
      %dma_wait3A_68 = tpu.memref_slice %arg3[%dma_wait3A_66, %dma_wait3A_67] : memref<2560x128xi32, #tpu.memory_space<hbm>> -> memref<8x128xi32, #tpu.memory_space<hbm>>
      tpu.wait_dma2 semaphore(%dma_wait3A_61 : memref<!tpu.dma_semaphore, #tpu.memory_space<semaphore_mem>>) src(%dma_wait3A_68 : memref<8x128xi32, #tpu.memory_space<hbm>>) dst(%dma_wait3A_65 : memref<8x128xi32, #tpu.memory_space<vmem>>)
      %dma_wait3A_69 = arith.constant 0 : i32
      %dma_wait3A_70 = arith.constant 0 : i32
      %dma_wait3A_71 = arith.constant 0 : i32
      %dma_wait3A_72 = arith.constant 0 : i32
      %dma_wait3A_73 = tpu.memref_slice %arg7[%dma_wait3A_69, %dma_wait3A_71, %dma_wait3A_72] : memref<2x8x128xi32, #tpu.memory_space<vmem>> -> memref<1x8x128xi32, #tpu.memory_space<vmem>>
      %dma_wait3A_74 = tpu.memref_squeeze %dma_wait3A_73 : memref<1x8x128xi32, #tpu.memory_space<vmem>> -> memref<8x128xi32, #tpu.memory_space<vmem>>
      %dma_wait3A_75 = arith.constant 0 : i32
      %dma_wait3A_76 = arith.constant 0 : i32
      %dma_wait3A_77 = tpu.memref_slice %arg4[%dma_wait3A_75, %dma_wait3A_76] : memref<2560x128xi32, #tpu.memory_space<hbm>> -> memref<8x128xi32, #tpu.memory_space<hbm>>
      %dma_wait3A_78 = tpu.memref_slice %arg11[%dma_wait3A_70] : memref<2x!tpu.dma_semaphore, #tpu.memory_space<semaphore_mem>> -> memref<1x!tpu.dma_semaphore, #tpu.memory_space<semaphore_mem>>
      %dma_wait3A_79 = tpu.memref_squeeze %dma_wait3A_78 : memref<1x!tpu.dma_semaphore, #tpu.memory_space<semaphore_mem>> -> memref<!tpu.dma_semaphore, #tpu.memory_space<semaphore_mem>>
      %dma_wait3A_80 = arith.constant 0 : i32
      %dma_wait3A_81 = arith.constant 0 : i32
      %dma_wait3A_82 = tpu.memref_slice %arg7[%dma_wait3A_69, %dma_wait3A_80, %dma_wait3A_81] : memref<2x8x128xi32, #tpu.memory_space<vmem>> -> memref<1x8x128xi32, #tpu.memory_space<vmem>>
      %dma_wait3A_83 = tpu.memref_squeeze %dma_wait3A_82 : memref<1x8x128xi32, #tpu.memory_space<vmem>> -> memref<8x128xi32, #tpu.memory_space<vmem>>
      %dma_wait3A_84 = arith.constant 0 : i32
      %dma_wait3A_85 = arith.constant 0 : i32
      %dma_wait3A_86 = tpu.memref_slice %arg4[%dma_wait3A_84, %dma_wait3A_85] : memref<2560x128xi32, #tpu.memory_space<hbm>> -> memref<8x128xi32, #tpu.memory_space<hbm>>
      tpu.wait_dma2 semaphore(%dma_wait3A_79 : memref<!tpu.dma_semaphore, #tpu.memory_space<semaphore_mem>>) src(%dma_wait3A_86 : memref<8x128xi32, #tpu.memory_space<hbm>>) dst(%dma_wait3A_83 : memref<8x128xi32, #tpu.memory_space<vmem>>)
      %add3A_87 = arith.constant 8 : i32
      %add3A_88 = arith.addi %mul3A_19, %add3A_87 : i32
      %dma_start3A_89 = arith.constant 1 : i32
      %dma_start3A_90 = arith.constant 1 : i32
      %dma_start3A_91 = arith.constant 0 : i32
      %dma_start3A_92 = arith.constant 0 : i32
      %dma_start3A_93 = tpu.memref_slice %arg6[%dma_start3A_89, %dma_start3A_91, %dma_start3A_92] : memref<2x8x128xi32, #tpu.memory_space<vmem>> -> memref<1x8x128xi32, #tpu.memory_space<vmem>>
      %dma_start3A_94 = tpu.memref_squeeze %dma_start3A_93 : memref<1x8x128xi32, #tpu.memory_space<vmem>> -> memref<8x128xi32, #tpu.memory_space<vmem>>
      %dma_start3A_95 = arith.constant 0 : i32
      %dma_start3A_96 = tpu.memref_slice %arg3[%add3A_88, %dma_start3A_95] : memref<2560x128xi32, #tpu.memory_space<hbm>> -> memref<8x128xi32, #tpu.memory_space<hbm>>
      %dma_start3A_97 = tpu.memref_slice %arg11[%dma_start3A_90] : memref<2x!tpu.dma_semaphore, #tpu.memory_space<semaphore_mem>> -> memref<1x!tpu.dma_semaphore, #tpu.memory_space<semaphore_mem>>
      %dma_start3A_98 = tpu.memref_squeeze %dma_start3A_97 : memref<1x!tpu.dma_semaphore, #tpu.memory_space<semaphore_mem>> -> memref<!tpu.dma_semaphore, #tpu.memory_space<semaphore_mem>>
      %dma_start3A_99 = arith.constant 0 : i32
      %dma_start3A_100 = arith.constant 0 : i32
      %dma_start3A_101 = tpu.memref_slice %arg6[%dma_start3A_89, %dma_start3A_99, %dma_start3A_100] : memref<2x8x128xi32, #tpu.memory_space<vmem>> -> memref<1x8x128xi32, #tpu.memory_space<vmem>>
      %dma_start3A_102 = tpu.memref_squeeze %dma_start3A_101 : memref<1x8x128xi32, #tpu.memory_space<vmem>> -> memref<8x128xi32, #tpu.memory_space<vmem>>
      %dma_start3A_103 = arith.constant 0 : i32
      %dma_start3A_104 = tpu.memref_slice %arg3[%add3A_88, %dma_start3A_103] : memref<2560x128xi32, #tpu.memory_space<hbm>> -> memref<8x128xi32, #tpu.memory_space<hbm>>
      tpu.enqueue_dma source(%dma_start3A_104 : memref<8x128xi32, #tpu.memory_space<hbm>>) target(%dma_start3A_102 : memref<8x128xi32, #tpu.memory_space<vmem>>) target_semaphore(%dma_start3A_98 : memref<!tpu.dma_semaphore, #tpu.memory_space<semaphore_mem>>)
      %dma_start3A_105 = arith.constant 1 : i32
      %dma_start3A_106 = arith.constant 1 : i32
      %dma_start3A_107 = arith.constant 0 : i32
      %dma_start3A_108 = arith.constant 0 : i32
      %dma_start3A_109 = tpu.memref_slice %arg7[%dma_start3A_105, %dma_start3A_107, %dma_start3A_108] : memref<2x8x128xi32, #tpu.memory_space<vmem>> -> memref<1x8x128xi32, #tpu.memory_space<vmem>>
      %dma_start3A_110 = tpu.memref_squeeze %dma_start3A_109 : memref<1x8x128xi32, #tpu.memory_space<vmem>> -> memref<8x128xi32, #tpu.memory_space<vmem>>
      %dma_start3A_111 = arith.constant 0 : i32
      %dma_start3A_112 = tpu.memref_slice %arg4[%add3A_88, %dma_start3A_111] : memref<2560x128xi32, #tpu.memory_space<hbm>> -> memref<8x128xi32, #tpu.memory_space<hbm>>
      %dma_start3A_113 = tpu.memref_slice %arg11[%dma_start3A_106] : memref<2x!tpu.dma_semaphore, #tpu.memory_space<semaphore_mem>> -> memref<1x!tpu.dma_semaphore, #tpu.memory_space<semaphore_mem>>
      %dma_start3A_114 = tpu.memref_squeeze %dma_start3A_113 : memref<1x!tpu.dma_semaphore, #tpu.memory_space<semaphore_mem>> -> memref<!tpu.dma_semaphore, #tpu.memory_space<semaphore_mem>>
      %dma_start3A_115 = arith.constant 0 : i32
      %dma_start3A_116 = arith.constant 0 : i32
      %dma_start3A_117 = tpu.memref_slice %arg7[%dma_start3A_105, %dma_start3A_115, %dma_start3A_116] : memref<2x8x128xi32, #tpu.memory_space<vmem>> -> memref<1x8x128xi32, #tpu.memory_space<vmem>>
      %dma_start3A_118 = tpu.memref_squeeze %dma_start3A_117 : memref<1x8x128xi32, #tpu.memory_space<vmem>> -> memref<8x128xi32, #tpu.memory_space<vmem>>
      %dma_start3A_119 = arith.constant 0 : i32
      %dma_start3A_120 = tpu.memref_slice %arg4[%add3A_88, %dma_start3A_119] : memref<2560x128xi32, #tpu.memory_space<hbm>> -> memref<8x128xi32, #tpu.memory_space<hbm>>
      tpu.enqueue_dma source(%dma_start3A_120 : memref<8x128xi32, #tpu.memory_space<hbm>>) target(%dma_start3A_118 : memref<8x128xi32, #tpu.memory_space<vmem>>) target_semaphore(%dma_start3A_114 : memref<!tpu.dma_semaphore, #tpu.memory_space<semaphore_mem>>)
      %dma_start3A_121 = arith.constant 0 : i32
      %dma_start3A_122 = arith.constant 0 : i32
      %dma_start3A_123 = arith.constant 0 : i32
      %dma_start3A_124 = arith.constant 0 : i32
      %dma_start3A_125 = arith.constant 0 : i32
      %dma_start3A_126 = arith.constant 0 : i32
      %dma_start3A_127 = tpu.memref_slice %arg8[%dma_start3A_123, %dma_start3A_125, %dma_start3A_126] : memref<2x128x128xf32, #tpu.memory_space<vmem>> -> memref<1x128x128xf32, #tpu.memory_space<vmem>>
      %dma_start3A_128 = tpu.memref_squeeze %dma_start3A_127 : memref<1x128x128xf32, #tpu.memory_space<vmem>> -> memref<128x128xf32, #tpu.memory_space<vmem>>
      %dma_start3A_129 = arith.constant 0 : i32
      %dma_start3A_130 = tpu.memref_slice %arg6[%dma_start3A_121, %dma_start3A_122, %dma_start3A_129] : memref<2x8x128xi32, #tpu.memory_space<vmem>> -> memref<1x1x128xi32, #tpu.memory_space<vmem>>
      %dma_start3A_131 = tpu.memref_squeeze %dma_start3A_130 : memref<1x1x128xi32, #tpu.memory_space<vmem>> -> memref<128xi32, #tpu.memory_space<vmem>>
      %dma_start3A_132 = arith.constant 0 : i32
      %dma_start3A_133 = arith.constant 0 : i32
      %dma_start3A_134 = tpu.memref_slice %arg2[%dma_start3A_132, %dma_start3A_133] : memref<10000x128xf32, #tpu.memory_space<hbm>> -> memref<10000x128xf32, #tpu.memory_space<hbm>>
      %dma_start3A_135 = tpu.memref_slice %arg10[%dma_start3A_124] : memref<2x!tpu.dma_semaphore, #tpu.memory_space<semaphore_mem>> -> memref<1x!tpu.dma_semaphore, #tpu.memory_space<semaphore_mem>>
      %dma_start3A_136 = tpu.memref_squeeze %dma_start3A_135 : memref<1x!tpu.dma_semaphore, #tpu.memory_space<semaphore_mem>> -> memref<!tpu.dma_semaphore, #tpu.memory_space<semaphore_mem>>
      tpu.enqueue_indirect_dma source(%dma_start3A_134 : memref<10000x128xf32, #tpu.memory_space<hbm>>) target(%dma_start3A_128 : memref<128x128xf32, #tpu.memory_space<vmem>>) offsets(%dma_start3A_131 : memref<128xi32, #tpu.memory_space<vmem>>) semaphore(%dma_start3A_136 : memref<!tpu.dma_semaphore, #tpu.memory_space<semaphore_mem>>)
      %dma_start3A_137 = arith.constant 0 : i32
      %dma_start3A_138 = arith.constant 1 : i32
      %dma_start3A_139 = arith.constant 1 : i32
      %dma_start3A_140 = arith.constant 1 : i32
      %dma_start3A_141 = arith.constant 0 : i32
      %dma_start3A_142 = arith.constant 0 : i32
      %dma_start3A_143 = tpu.memref_slice %arg8[%dma_start3A_139, %dma_start3A_141, %dma_start3A_142] : memref<2x128x128xf32, #tpu.memory_space<vmem>> -> memref<1x128x128xf32, #tpu.memory_space<vmem>>
      %dma_start3A_144 = tpu.memref_squeeze %dma_start3A_143 : memref<1x128x128xf32, #tpu.memory_space<vmem>> -> memref<128x128xf32, #tpu.memory_space<vmem>>
      %dma_start3A_145 = arith.constant 0 : i32
      %dma_start3A_146 = tpu.memref_slice %arg6[%dma_start3A_137, %dma_start3A_138, %dma_start3A_145] : memref<2x8x128xi32, #tpu.memory_space<vmem>> -> memref<1x1x128xi32, #tpu.memory_space<vmem>>
      %dma_start3A_147 = tpu.memref_squeeze %dma_start3A_146 : memref<1x1x128xi32, #tpu.memory_space<vmem>> -> memref<128xi32, #tpu.memory_space<vmem>>
      %dma_start3A_148 = arith.constant 0 : i32
      %dma_start3A_149 = arith.constant 0 : i32
      %dma_start3A_150 = tpu.memref_slice %arg2[%dma_start3A_148, %dma_start3A_149] : memref<10000x128xf32, #tpu.memory_space<hbm>> -> memref<10000x128xf32, #tpu.memory_space<hbm>>
      %dma_start3A_151 = tpu.memref_slice %arg10[%dma_start3A_140] : memref<2x!tpu.dma_semaphore, #tpu.memory_space<semaphore_mem>> -> memref<1x!tpu.dma_semaphore, #tpu.memory_space<semaphore_mem>>
      %dma_start3A_152 = tpu.memref_squeeze %dma_start3A_151 : memref<1x!tpu.dma_semaphore, #tpu.memory_space<semaphore_mem>> -> memref<!tpu.dma_semaphore, #tpu.memory_space<semaphore_mem>>
      tpu.enqueue_indirect_dma source(%dma_start3A_150 : memref<10000x128xf32, #tpu.memory_space<hbm>>) target(%dma_start3A_144 : memref<128x128xf32, #tpu.memory_space<vmem>>) offsets(%dma_start3A_147 : memref<128xi32, #tpu.memory_space<vmem>>) semaphore(%dma_start3A_152 : memref<!tpu.dma_semaphore, #tpu.memory_space<semaphore_mem>>)
      %scan3A_153 = arith.constant 0 : i32
      %scan3A_154 = arith.constant 0 : i32
      %scan3A_155 = arith.constant 10 : i32
      %scan3A_156 = arith.addi %scan3A_154, %scan3A_155 : i32
      %scan3A_157 = arith.constant 1 : i32
      scf.for %scan3A_159 = %scan3A_154 to %scan3A_156 step %scan3A_157  : i32 {
        %dma_wait3A_160 = arith.constant 0 : i32
        %dma_wait3A_161 = arith.constant 0 : i32
        %dma_wait3A_162 = arith.constant 0 : i32
        %dma_wait3A_163 = arith.constant 0 : i32
        %dma_wait3A_164 = arith.constant 0 : i32
        %dma_wait3A_165 = arith.constant 0 : i32
        %dma_wait3A_166 = tpu.memref_slice %arg8[%dma_wait3A_162, %dma_wait3A_164, %dma_wait3A_165] : memref<2x128x128xf32, #tpu.memory_space<vmem>> -> memref<1x128x128xf32, #tpu.memory_space<vmem>>
        %dma_wait3A_167 = tpu.memref_squeeze %dma_wait3A_166 : memref<1x128x128xf32, #tpu.memory_space<vmem>> -> memref<128x128xf32, #tpu.memory_space<vmem>>
        %dma_wait3A_168 = arith.constant 0 : i32
        %dma_wait3A_169 = tpu.memref_slice %arg6[%dma_wait3A_160, %dma_wait3A_161, %dma_wait3A_168] : memref<2x8x128xi32, #tpu.memory_space<vmem>> -> memref<1x1x128xi32, #tpu.memory_space<vmem>>
        %dma_wait3A_170 = tpu.memref_squeeze %dma_wait3A_169 : memref<1x1x128xi32, #tpu.memory_space<vmem>> -> memref<128xi32, #tpu.memory_space<vmem>>
        %dma_wait3A_171 = arith.constant 0 : i32
        %dma_wait3A_172 = arith.constant 0 : i32
        %dma_wait3A_173 = tpu.memref_slice %arg2[%dma_wait3A_171, %dma_wait3A_172] : memref<10000x128xf32, #tpu.memory_space<hbm>> -> memref<10000x128xf32, #tpu.memory_space<hbm>>
        %dma_wait3A_174 = tpu.memref_slice %arg10[%dma_wait3A_163] : memref<2x!tpu.dma_semaphore, #tpu.memory_space<semaphore_mem>> -> memref<1x!tpu.dma_semaphore, #tpu.memory_space<semaphore_mem>>
        %dma_wait3A_175 = tpu.memref_squeeze %dma_wait3A_174 : memref<1x!tpu.dma_semaphore, #tpu.memory_space<semaphore_mem>> -> memref<!tpu.dma_semaphore, #tpu.memory_space<semaphore_mem>>
        tpu.wait_indirect_dma semaphore(%dma_wait3A_175 : memref<!tpu.dma_semaphore, #tpu.memory_space<semaphore_mem>>) src(%dma_wait3A_173 : memref<10000x128xf32, #tpu.memory_space<hbm>>) dst(%dma_wait3A_167 : memref<128x128xf32, #tpu.memory_space<vmem>>)
        %run_scoped3A = arith.constant 0 : i32
        %run_scoped3A_176 = arith.constant 0 : i32
        %run_scoped3A_177 = arith.constant 0 : i32
        "tpu.region"() ({
          %run_scoped3A_750 = tpu.sem_alloc : memref<!tpu.dma_semaphore, #tpu.memory_space<semaphore_mem>>
          %dma_start3A_751 = arith.constant 0 : i32
          %dma_start3A_752 = arith.constant 0 : i32
          %dma_start3A_753 = tpu.memref_slice %arg8[%run_scoped3A, %dma_start3A_751, %dma_start3A_752] : memref<2x128x128xf32, #tpu.memory_space<vmem>> -> memref<1x128x128xf32, #tpu.memory_space<vmem>>
          %dma_start3A_754 = tpu.memref_squeeze %dma_start3A_753 : memref<1x128x128xf32, #tpu.memory_space<vmem>> -> memref<128x128xf32, #tpu.memory_space<vmem>>
          %dma_start3A_755 = arith.constant 0 : i32
          %dma_start3A_756 = tpu.memref_slice %arg7[%run_scoped3A_176, %run_scoped3A_177, %dma_start3A_755] : memref<2x8x128xi32, #tpu.memory_space<vmem>> -> memref<1x1x128xi32, #tpu.memory_space<vmem>>
          %dma_start3A_757 = tpu.memref_squeeze %dma_start3A_756 : memref<1x1x128xi32, #tpu.memory_space<vmem>> -> memref<128xi32, #tpu.memory_space<vmem>>
          %dma_start3A_758 = arith.constant 0 : i32
          %dma_start3A_759 = arith.constant 0 : i32
          %dma_start3A_760 = tpu.memref_slice %arg9[%dma_start3A_758, %dma_start3A_759] : memref<10240x128xf32, #tpu.memory_space<vmem_shared>> -> memref<10240x128xf32, #tpu.memory_space<vmem_shared>>
          tpu.enqueue_indirect_dma source(%dma_start3A_754 : memref<128x128xf32, #tpu.memory_space<vmem>>) target(%dma_start3A_760 : memref<10240x128xf32, #tpu.memory_space<vmem_shared>>) offsets(%dma_start3A_757 : memref<128xi32, #tpu.memory_space<vmem>>) semaphore(%run_scoped3A_750 : memref<!tpu.dma_semaphore, #tpu.memory_space<semaphore_mem>>) {add = true}
          %dma_wait3A_761 = arith.constant 0 : i32
          %dma_wait3A_762 = arith.constant 0 : i32
          %dma_wait3A_763 = tpu.memref_slice %arg8[%run_scoped3A, %dma_wait3A_761, %dma_wait3A_762] : memref<2x128x128xf32, #tpu.memory_space<vmem>> -> memref<1x128x128xf32, #tpu.memory_space<vmem>>
          %dma_wait3A_764 = tpu.memref_squeeze %dma_wait3A_763 : memref<1x128x128xf32, #tpu.memory_space<vmem>> -> memref<128x128xf32, #tpu.memory_space<vmem>>
          %dma_wait3A_765 = arith.constant 0 : i32
          %dma_wait3A_766 = tpu.memref_slice %arg7[%run_scoped3A_176, %run_scoped3A_177, %dma_wait3A_765] : memref<2x8x128xi32, #tpu.memory_space<vmem>> -> memref<1x1x128xi32, #tpu.memory_space<vmem>>
          %dma_wait3A_767 = tpu.memref_squeeze %dma_wait3A_766 : memref<1x1x128xi32, #tpu.memory_space<vmem>> -> memref<128xi32, #tpu.memory_space<vmem>>
          %dma_wait3A_768 = arith.constant 0 : i32
          %dma_wait3A_769 = arith.constant 0 : i32
          %dma_wait3A_770 = tpu.memref_slice %arg9[%dma_wait3A_768, %dma_wait3A_769] : memref<10240x128xf32, #tpu.memory_space<vmem_shared>> -> memref<10240x128xf32, #tpu.memory_space<vmem_shared>>
          tpu.wait_indirect_dma semaphore(%run_scoped3A_750 : memref<!tpu.dma_semaphore, #tpu.memory_space<semaphore_mem>>) src(%dma_wait3A_764 : memref<128x128xf32, #tpu.memory_space<vmem>>) dst(%dma_wait3A_770 : memref<10240x128xf32, #tpu.memory_space<vmem_shared>>)
          tpu.yield
        }) : () -> ()
        %dma_start3A_178 = arith.constant 0 : i32
        %dma_start3A_179 = arith.constant 2 : i32
        %dma_start3A_180 = arith.constant 0 : i32
        %dma_start3A_181 = arith.constant 0 : i32
        %dma_start3A_182 = arith.constant 0 : i32
        %dma_start3A_183 = arith.constant 0 : i32
        %dma_start3A_184 = tpu.memref_slice %arg8[%dma_start3A_180, %dma_start3A_182, %dma_start3A_183] : memref<2x128x128xf32, #tpu.memory_space<vmem>> -> memref<1x128x128xf32, #tpu.memory_space<vmem>>
        %dma_start3A_185 = tpu.memref_squeeze %dma_start3A_184 : memref<1x128x128xf32, #tpu.memory_space<vmem>> -> memref<128x128xf32, #tpu.memory_space<vmem>>
        %dma_start3A_186 = arith.constant 0 : i32
        %dma_start3A_187 = tpu.memref_slice %arg6[%dma_start3A_178, %dma_start3A_179, %dma_start3A_186] : memref<2x8x128xi32, #tpu.memory_space<vmem>> -> memref<1x1x128xi32, #tpu.memory_space<vmem>>
        %dma_start3A_188 = tpu.memref_squeeze %dma_start3A_187 : memref<1x1x128xi32, #tpu.memory_space<vmem>> -> memref<128xi32, #tpu.memory_space<vmem>>
        %dma_start3A_189 = arith.constant 0 : i32
        %dma_start3A_190 = arith.constant 0 : i32
        %dma_start3A_191 = tpu.memref_slice %arg2[%dma_start3A_189, %dma_start3A_190] : memref<10000x128xf32, #tpu.memory_space<hbm>> -> memref<10000x128xf32, #tpu.memory_space<hbm>>
        %dma_start3A_192 = tpu.memref_slice %arg10[%dma_start3A_181] : memref<2x!tpu.dma_semaphore, #tpu.memory_space<semaphore_mem>> -> memref<1x!tpu.dma_semaphore, #tpu.memory_space<semaphore_mem>>
        %dma_start3A_193 = tpu.memref_squeeze %dma_start3A_192 : memref<1x!tpu.dma_semaphore, #tpu.memory_space<semaphore_mem>> -> memref<!tpu.dma_semaphore, #tpu.memory_space<semaphore_mem>>
        tpu.enqueue_indirect_dma source(%dma_start3A_191 : memref<10000x128xf32, #tpu.memory_space<hbm>>) target(%dma_start3A_185 : memref<128x128xf32, #tpu.memory_space<vmem>>) offsets(%dma_start3A_188 : memref<128xi32, #tpu.memory_space<vmem>>) semaphore(%dma_start3A_193 : memref<!tpu.dma_semaphore, #tpu.memory_space<semaphore_mem>>)
        %dma_wait3A_194 = arith.constant 0 : i32
        %dma_wait3A_195 = arith.constant 0 : i32
        %dma_wait3A_196 = arith.constant 1 : i32
        %dma_wait3A_197 = arith.constant 1 : i32
        %dma_wait3A_198 = arith.constant 0 : i32
        %dma_wait3A_199 = arith.constant 0 : i32
        %dma_wait3A_200 = tpu.memref_slice %arg8[%dma_wait3A_196, %dma_wait3A_198, %dma_wait3A_199] : memref<2x128x128xf32, #tpu.memory_space<vmem>> -> memref<1x128x128xf32, #tpu.memory_space<vmem>>
        %dma_wait3A_201 = tpu.memref_squeeze %dma_wait3A_200 : memref<1x128x128xf32, #tpu.memory_space<vmem>> -> memref<128x128xf32, #tpu.memory_space<vmem>>
        %dma_wait3A_202 = arith.constant 0 : i32
        %dma_wait3A_203 = tpu.memref_slice %arg6[%dma_wait3A_194, %dma_wait3A_195, %dma_wait3A_202] : memref<2x8x128xi32, #tpu.memory_space<vmem>> -> memref<1x1x128xi32, #tpu.memory_space<vmem>>
        %dma_wait3A_204 = tpu.memref_squeeze %dma_wait3A_203 : memref<1x1x128xi32, #tpu.memory_space<vmem>> -> memref<128xi32, #tpu.memory_space<vmem>>
        %dma_wait3A_205 = arith.constant 0 : i32
        %dma_wait3A_206 = arith.constant 0 : i32
        %dma_wait3A_207 = tpu.memref_slice %arg2[%dma_wait3A_205, %dma_wait3A_206] : memref<10000x128xf32, #tpu.memory_space<hbm>> -> memref<10000x128xf32, #tpu.memory_space<hbm>>
        %dma_wait3A_208 = tpu.memref_slice %arg10[%dma_wait3A_197] : memref<2x!tpu.dma_semaphore, #tpu.memory_space<semaphore_mem>> -> memref<1x!tpu.dma_semaphore, #tpu.memory_space<semaphore_mem>>
        %dma_wait3A_209 = tpu.memref_squeeze %dma_wait3A_208 : memref<1x!tpu.dma_semaphore, #tpu.memory_space<semaphore_mem>> -> memref<!tpu.dma_semaphore, #tpu.memory_space<semaphore_mem>>
        tpu.wait_indirect_dma semaphore(%dma_wait3A_209 : memref<!tpu.dma_semaphore, #tpu.memory_space<semaphore_mem>>) src(%dma_wait3A_207 : memref<10000x128xf32, #tpu.memory_space<hbm>>) dst(%dma_wait3A_201 : memref<128x128xf32, #tpu.memory_space<vmem>>)
        %run_scoped3A_210 = arith.constant 1 : i32
        %run_scoped3A_211 = arith.constant 0 : i32
        %run_scoped3A_212 = arith.constant 1 : i32
        "tpu.region"() ({
          %run_scoped3A_750 = tpu.sem_alloc : memref<!tpu.dma_semaphore, #tpu.memory_space<semaphore_mem>>
          %dma_start3A_751 = arith.constant 0 : i32
          %dma_start3A_752 = arith.constant 0 : i32
          %dma_start3A_753 = tpu.memref_slice %arg8[%run_scoped3A_210, %dma_start3A_751, %dma_start3A_752] : memref<2x128x128xf32, #tpu.memory_space<vmem>> -> memref<1x128x128xf32, #tpu.memory_space<vmem>>
          %dma_start3A_754 = tpu.memref_squeeze %dma_start3A_753 : memref<1x128x128xf32, #tpu.memory_space<vmem>> -> memref<128x128xf32, #tpu.memory_space<vmem>>
          %dma_start3A_755 = arith.constant 0 : i32
          %dma_start3A_756 = tpu.memref_slice %arg7[%run_scoped3A_211, %run_scoped3A_212, %dma_start3A_755] : memref<2x8x128xi32, #tpu.memory_space<vmem>> -> memref<1x1x128xi32, #tpu.memory_space<vmem>>
          %dma_start3A_757 = tpu.memref_squeeze %dma_start3A_756 : memref<1x1x128xi32, #tpu.memory_space<vmem>> -> memref<128xi32, #tpu.memory_space<vmem>>
          %dma_start3A_758 = arith.constant 0 : i32
          %dma_start3A_759 = arith.constant 0 : i32
          %dma_start3A_760 = tpu.memref_slice %arg9[%dma_start3A_758, %dma_start3A_759] : memref<10240x128xf32, #tpu.memory_space<vmem_shared>> -> memref<10240x128xf32, #tpu.memory_space<vmem_shared>>
          tpu.enqueue_indirect_dma source(%dma_start3A_754 : memref<128x128xf32, #tpu.memory_space<vmem>>) target(%dma_start3A_760 : memref<10240x128xf32, #tpu.memory_space<vmem_shared>>) offsets(%dma_start3A_757 : memref<128xi32, #tpu.memory_space<vmem>>) semaphore(%run_scoped3A_750 : memref<!tpu.dma_semaphore, #tpu.memory_space<semaphore_mem>>) {add = true}
          %dma_wait3A_761 = arith.constant 0 : i32
          %dma_wait3A_762 = arith.constant 0 : i32
          %dma_wait3A_763 = tpu.memref_slice %arg8[%run_scoped3A_210, %dma_wait3A_761, %dma_wait3A_762] : memref<2x128x128xf32, #tpu.memory_space<vmem>> -> memref<1x128x128xf32, #tpu.memory_space<vmem>>
          %dma_wait3A_764 = tpu.memref_squeeze %dma_wait3A_763 : memref<1x128x128xf32, #tpu.memory_space<vmem>> -> memref<128x128xf32, #tpu.memory_space<vmem>>
          %dma_wait3A_765 = arith.constant 0 : i32
          %dma_wait3A_766 = tpu.memref_slice %arg7[%run_scoped3A_211, %run_scoped3A_212, %dma_wait3A_765] : memref<2x8x128xi32, #tpu.memory_space<vmem>> -> memref<1x1x128xi32, #tpu.memory_space<vmem>>
          %dma_wait3A_767 = tpu.memref_squeeze %dma_wait3A_766 : memref<1x1x128xi32, #tpu.memory_space<vmem>> -> memref<128xi32, #tpu.memory_space<vmem>>
          %dma_wait3A_768 = arith.constant 0 : i32
          %dma_wait3A_769 = arith.constant 0 : i32
          %dma_wait3A_770 = tpu.memref_slice %arg9[%dma_wait3A_768, %dma_wait3A_769] : memref<10240x128xf32, #tpu.memory_space<vmem_shared>> -> memref<10240x128xf32, #tpu.memory_space<vmem_shared>>
          tpu.wait_indirect_dma semaphore(%run_scoped3A_750 : memref<!tpu.dma_semaphore, #tpu.memory_space<semaphore_mem>>) src(%dma_wait3A_764 : memref<128x128xf32, #tpu.memory_space<vmem>>) dst(%dma_wait3A_770 : memref<10240x128xf32, #tpu.memory_space<vmem_shared>>)
          tpu.yield
        }) : () -> ()
        %dma_start3A_213 = arith.constant 0 : i32
        %dma_start3A_214 = arith.constant 3 : i32
        %dma_start3A_215 = arith.constant 1 : i32
        %dma_start3A_216 = arith.constant 1 : i32
        %dma_start3A_217 = arith.constant 0 : i32
        %dma_start3A_218 = arith.constant 0 : i32
        %dma_start3A_219 = tpu.memref_slice %arg8[%dma_start3A_215, %dma_start3A_217, %dma_start3A_218] : memref<2x128x128xf32, #tpu.memory_space<vmem>> -> memref<1x128x128xf32, #tpu.memory_space<vmem>>
        %dma_start3A_220 = tpu.memref_squeeze %dma_start3A_219 : memref<1x128x128xf32, #tpu.memory_space<vmem>> -> memref<128x128xf32, #tpu.memory_space<vmem>>
        %dma_start3A_221 = arith.constant 0 : i32
        %dma_start3A_222 = tpu.memref_slice %arg6[%dma_start3A_213, %dma_start3A_214, %dma_start3A_221] : memref<2x8x128xi32, #tpu.memory_space<vmem>> -> memref<1x1x128xi32, #tpu.memory_space<vmem>>
        %dma_start3A_223 = tpu.memref_squeeze %dma_start3A_222 : memref<1x1x128xi32, #tpu.memory_space<vmem>> -> memref<128xi32, #tpu.memory_space<vmem>>
        %dma_start3A_224 = arith.constant 0 : i32
        %dma_start3A_225 = arith.constant 0 : i32
        %dma_start3A_226 = tpu.memref_slice %arg2[%dma_start3A_224, %dma_start3A_225] : memref<10000x128xf32, #tpu.memory_space<hbm>> -> memref<10000x128xf32, #tpu.memory_space<hbm>>
        %dma_start3A_227 = tpu.memref_slice %arg10[%dma_start3A_216] : memref<2x!tpu.dma_semaphore, #tpu.memory_space<semaphore_mem>> -> memref<1x!tpu.dma_semaphore, #tpu.memory_space<semaphore_mem>>
        %dma_start3A_228 = tpu.memref_squeeze %dma_start3A_227 : memref<1x!tpu.dma_semaphore, #tpu.memory_space<semaphore_mem>> -> memref<!tpu.dma_semaphore, #tpu.memory_space<semaphore_mem>>
        tpu.enqueue_indirect_dma source(%dma_start3A_226 : memref<10000x128xf32, #tpu.memory_space<hbm>>) target(%dma_start3A_220 : memref<128x128xf32, #tpu.memory_space<vmem>>) offsets(%dma_start3A_223 : memref<128xi32, #tpu.memory_space<vmem>>) semaphore(%dma_start3A_228 : memref<!tpu.dma_semaphore, #tpu.memory_space<semaphore_mem>>)
        %dma_wait3A_229 = arith.constant 0 : i32
        %dma_wait3A_230 = arith.constant 0 : i32
        %dma_wait3A_231 = arith.constant 0 : i32
        %dma_wait3A_232 = arith.constant 0 : i32
        %dma_wait3A_233 = arith.constant 0 : i32
        %dma_wait3A_234 = arith.constant 0 : i32
        %dma_wait3A_235 = tpu.memref_slice %arg8[%dma_wait3A_231, %dma_wait3A_233, %dma_wait3A_234] : memref<2x128x128xf32, #tpu.memory_space<vmem>> -> memref<1x128x128xf32, #tpu.memory_space<vmem>>
        %dma_wait3A_236 = tpu.memref_squeeze %dma_wait3A_235 : memref<1x128x128xf32, #tpu.memory_space<vmem>> -> memref<128x128xf32, #tpu.memory_space<vmem>>
        %dma_wait3A_237 = arith.constant 0 : i32
        %dma_wait3A_238 = tpu.memref_slice %arg6[%dma_wait3A_229, %dma_wait3A_230, %dma_wait3A_237] : memref<2x8x128xi32, #tpu.memory_space<vmem>> -> memref<1x1x128xi32, #tpu.memory_space<vmem>>
        %dma_wait3A_239 = tpu.memref_squeeze %dma_wait3A_238 : memref<1x1x128xi32, #tpu.memory_space<vmem>> -> memref<128xi32, #tpu.memory_space<vmem>>
        %dma_wait3A_240 = arith.constant 0 : i32
        %dma_wait3A_241 = arith.constant 0 : i32
        %dma_wait3A_242 = tpu.memref_slice %arg2[%dma_wait3A_240, %dma_wait3A_241] : memref<10000x128xf32, #tpu.memory_space<hbm>> -> memref<10000x128xf32, #tpu.memory_space<hbm>>
        %dma_wait3A_243 = tpu.memref_slice %arg10[%dma_wait3A_232] : memref<2x!tpu.dma_semaphore, #tpu.memory_space<semaphore_mem>> -> memref<1x!tpu.dma_semaphore, #tpu.memory_space<semaphore_mem>>
        %dma_wait3A_244 = tpu.memref_squeeze %dma_wait3A_243 : memref<1x!tpu.dma_semaphore, #tpu.memory_space<semaphore_mem>> -> memref<!tpu.dma_semaphore, #tpu.memory_space<semaphore_mem>>
        tpu.wait_indirect_dma semaphore(%dma_wait3A_244 : memref<!tpu.dma_semaphore, #tpu.memory_space<semaphore_mem>>) src(%dma_wait3A_242 : memref<10000x128xf32, #tpu.memory_space<hbm>>) dst(%dma_wait3A_236 : memref<128x128xf32, #tpu.memory_space<vmem>>)
        %run_scoped3A_245 = arith.constant 0 : i32
        %run_scoped3A_246 = arith.constant 0 : i32
        %run_scoped3A_247 = arith.constant 2 : i32
        "tpu.region"() ({
          %run_scoped3A_750 = tpu.sem_alloc : memref<!tpu.dma_semaphore, #tpu.memory_space<semaphore_mem>>
          %dma_start3A_751 = arith.constant 0 : i32
          %dma_start3A_752 = arith.constant 0 : i32
          %dma_start3A_753 = tpu.memref_slice %arg8[%run_scoped3A_245, %dma_start3A_751, %dma_start3A_752] : memref<2x128x128xf32, #tpu.memory_space<vmem>> -> memref<1x128x128xf32, #tpu.memory_space<vmem>>
          %dma_start3A_754 = tpu.memref_squeeze %dma_start3A_753 : memref<1x128x128xf32, #tpu.memory_space<vmem>> -> memref<128x128xf32, #tpu.memory_space<vmem>>
          %dma_start3A_755 = arith.constant 0 : i32
          %dma_start3A_756 = tpu.memref_slice %arg7[%run_scoped3A_246, %run_scoped3A_247, %dma_start3A_755] : memref<2x8x128xi32, #tpu.memory_space<vmem>> -> memref<1x1x128xi32, #tpu.memory_space<vmem>>
          %dma_start3A_757 = tpu.memref_squeeze %dma_start3A_756 : memref<1x1x128xi32, #tpu.memory_space<vmem>> -> memref<128xi32, #tpu.memory_space<vmem>>
          %dma_start3A_758 = arith.constant 0 : i32
          %dma_start3A_759 = arith.constant 0 : i32
          %dma_start3A_760 = tpu.memref_slice %arg9[%dma_start3A_758, %dma_start3A_759] : memref<10240x128xf32, #tpu.memory_space<vmem_shared>> -> memref<10240x128xf32, #tpu.memory_space<vmem_shared>>
          tpu.enqueue_indirect_dma source(%dma_start3A_754 : memref<128x128xf32, #tpu.memory_space<vmem>>) target(%dma_start3A_760 : memref<10240x128xf32, #tpu.memory_space<vmem_shared>>) offsets(%dma_start3A_757 : memref<128xi32, #tpu.memory_space<vmem>>) semaphore(%run_scoped3A_750 : memref<!tpu.dma_semaphore, #tpu.memory_space<semaphore_mem>>) {add = true}
          %dma_wait3A_761 = arith.constant 0 : i32
          %dma_wait3A_762 = arith.constant 0 : i32
          %dma_wait3A_763 = tpu.memref_slice %arg8[%run_scoped3A_245, %dma_wait3A_761, %dma_wait3A_762] : memref<2x128x128xf32, #tpu.memory_space<vmem>> -> memref<1x128x128xf32, #tpu.memory_space<vmem>>
          %dma_wait3A_764 = tpu.memref_squeeze %dma_wait3A_763 : memref<1x128x128xf32, #tpu.memory_space<vmem>> -> memref<128x128xf32, #tpu.memory_space<vmem>>
          %dma_wait3A_765 = arith.constant 0 : i32
          %dma_wait3A_766 = tpu.memref_slice %arg7[%run_scoped3A_246, %run_scoped3A_247, %dma_wait3A_765] : memref<2x8x128xi32, #tpu.memory_space<vmem>> -> memref<1x1x128xi32, #tpu.memory_space<vmem>>
          %dma_wait3A_767 = tpu.memref_squeeze %dma_wait3A_766 : memref<1x1x128xi32, #tpu.memory_space<vmem>> -> memref<128xi32, #tpu.memory_space<vmem>>
          %dma_wait3A_768 = arith.constant 0 : i32
          %dma_wait3A_769 = arith.constant 0 : i32
          %dma_wait3A_770 = tpu.memref_slice %arg9[%dma_wait3A_768, %dma_wait3A_769] : memref<10240x128xf32, #tpu.memory_space<vmem_shared>> -> memref<10240x128xf32, #tpu.memory_space<vmem_shared>>
          tpu.wait_indirect_dma semaphore(%run_scoped3A_750 : memref<!tpu.dma_semaphore, #tpu.memory_space<semaphore_mem>>) src(%dma_wait3A_764 : memref<128x128xf32, #tpu.memory_space<vmem>>) dst(%dma_wait3A_770 : memref<10240x128xf32, #tpu.memory_space<vmem_shared>>)
          tpu.yield
        }) : () -> ()
        %dma_start3A_248 = arith.constant 0 : i32
        %dma_start3A_249 = arith.constant 4 : i32
        %dma_start3A_250 = arith.constant 0 : i32
        %dma_start3A_251 = arith.constant 0 : i32
        %dma_start3A_252 = arith.constant 0 : i32
        %dma_start3A_253 = arith.constant 0 : i32
        %dma_start3A_254 = tpu.memref_slice %arg8[%dma_start3A_250, %dma_start3A_252, %dma_start3A_253] : memref<2x128x128xf32, #tpu.memory_space<vmem>> -> memref<1x128x128xf32, #tpu.memory_space<vmem>>
        %dma_start3A_255 = tpu.memref_squeeze %dma_start3A_254 : memref<1x128x128xf32, #tpu.memory_space<vmem>> -> memref<128x128xf32, #tpu.memory_space<vmem>>
        %dma_start3A_256 = arith.constant 0 : i32
        %dma_start3A_257 = tpu.memref_slice %arg6[%dma_start3A_248, %dma_start3A_249, %dma_start3A_256] : memref<2x8x128xi32, #tpu.memory_space<vmem>> -> memref<1x1x128xi32, #tpu.memory_space<vmem>>
        %dma_start3A_258 = tpu.memref_squeeze %dma_start3A_257 : memref<1x1x128xi32, #tpu.memory_space<vmem>> -> memref<128xi32, #tpu.memory_space<vmem>>
        %dma_start3A_259 = arith.constant 0 : i32
        %dma_start3A_260 = arith.constant 0 : i32
        %dma_start3A_261 = tpu.memref_slice %arg2[%dma_start3A_259, %dma_start3A_260] : memref<10000x128xf32, #tpu.memory_space<hbm>> -> memref<10000x128xf32, #tpu.memory_space<hbm>>
        %dma_start3A_262 = tpu.memref_slice %arg10[%dma_start3A_251] : memref<2x!tpu.dma_semaphore, #tpu.memory_space<semaphore_mem>> -> memref<1x!tpu.dma_semaphore, #tpu.memory_space<semaphore_mem>>
        %dma_start3A_263 = tpu.memref_squeeze %dma_start3A_262 : memref<1x!tpu.dma_semaphore, #tpu.memory_space<semaphore_mem>> -> memref<!tpu.dma_semaphore, #tpu.memory_space<semaphore_mem>>
        tpu.enqueue_indirect_dma source(%dma_start3A_261 : memref<10000x128xf32, #tpu.memory_space<hbm>>) target(%dma_start3A_255 : memref<128x128xf32, #tpu.memory_space<vmem>>) offsets(%dma_start3A_258 : memref<128xi32, #tpu.memory_space<vmem>>) semaphore(%dma_start3A_263 : memref<!tpu.dma_semaphore, #tpu.memory_space<semaphore_mem>>)
        %dma_wait3A_264 = arith.constant 0 : i32
        %dma_wait3A_265 = arith.constant 0 : i32
        %dma_wait3A_266 = arith.constant 1 : i32
        %dma_wait3A_267 = arith.constant 1 : i32
        %dma_wait3A_268 = arith.constant 0 : i32
        %dma_wait3A_269 = arith.constant 0 : i32
        %dma_wait3A_270 = tpu.memref_slice %arg8[%dma_wait3A_266, %dma_wait3A_268, %dma_wait3A_269] : memref<2x128x128xf32, #tpu.memory_space<vmem>> -> memref<1x128x128xf32, #tpu.memory_space<vmem>>
        %dma_wait3A_271 = tpu.memref_squeeze %dma_wait3A_270 : memref<1x128x128xf32, #tpu.memory_space<vmem>> -> memref<128x128xf32, #tpu.memory_space<vmem>>
        %dma_wait3A_272 = arith.constant 0 : i32
        %dma_wait3A_273 = tpu.memref_slice %arg6[%dma_wait3A_264, %dma_wait3A_265, %dma_wait3A_272] : memref<2x8x128xi32, #tpu.memory_space<vmem>> -> memref<1x1x128xi32, #tpu.memory_space<vmem>>
        %dma_wait3A_274 = tpu.memref_squeeze %dma_wait3A_273 : memref<1x1x128xi32, #tpu.memory_space<vmem>> -> memref<128xi32, #tpu.memory_space<vmem>>
        %dma_wait3A_275 = arith.constant 0 : i32
        %dma_wait3A_276 = arith.constant 0 : i32
        %dma_wait3A_277 = tpu.memref_slice %arg2[%dma_wait3A_275, %dma_wait3A_276] : memref<10000x128xf32, #tpu.memory_space<hbm>> -> memref<10000x128xf32, #tpu.memory_space<hbm>>
        %dma_wait3A_278 = tpu.memref_slice %arg10[%dma_wait3A_267] : memref<2x!tpu.dma_semaphore, #tpu.memory_space<semaphore_mem>> -> memref<1x!tpu.dma_semaphore, #tpu.memory_space<semaphore_mem>>
        %dma_wait3A_279 = tpu.memref_squeeze %dma_wait3A_278 : memref<1x!tpu.dma_semaphore, #tpu.memory_space<semaphore_mem>> -> memref<!tpu.dma_semaphore, #tpu.memory_space<semaphore_mem>>
        tpu.wait_indirect_dma semaphore(%dma_wait3A_279 : memref<!tpu.dma_semaphore, #tpu.memory_space<semaphore_mem>>) src(%dma_wait3A_277 : memref<10000x128xf32, #tpu.memory_space<hbm>>) dst(%dma_wait3A_271 : memref<128x128xf32, #tpu.memory_space<vmem>>)
        %run_scoped3A_280 = arith.constant 1 : i32
        %run_scoped3A_281 = arith.constant 0 : i32
        %run_scoped3A_282 = arith.constant 3 : i32
        "tpu.region"() ({
          %run_scoped3A_750 = tpu.sem_alloc : memref<!tpu.dma_semaphore, #tpu.memory_space<semaphore_mem>>
          %dma_start3A_751 = arith.constant 0 : i32
          %dma_start3A_752 = arith.constant 0 : i32
          %dma_start3A_753 = tpu.memref_slice %arg8[%run_scoped3A_280, %dma_start3A_751, %dma_start3A_752] : memref<2x128x128xf32, #tpu.memory_space<vmem>> -> memref<1x128x128xf32, #tpu.memory_space<vmem>>
          %dma_start3A_754 = tpu.memref_squeeze %dma_start3A_753 : memref<1x128x128xf32, #tpu.memory_space<vmem>> -> memref<128x128xf32, #tpu.memory_space<vmem>>
          %dma_start3A_755 = arith.constant 0 : i32
          %dma_start3A_756 = tpu.memref_slice %arg7[%run_scoped3A_281, %run_scoped3A_282, %dma_start3A_755] : memref<2x8x128xi32, #tpu.memory_space<vmem>> -> memref<1x1x128xi32, #tpu.memory_space<vmem>>
          %dma_start3A_757 = tpu.memref_squeeze %dma_start3A_756 : memref<1x1x128xi32, #tpu.memory_space<vmem>> -> memref<128xi32, #tpu.memory_space<vmem>>
          %dma_start3A_758 = arith.constant 0 : i32
          %dma_start3A_759 = arith.constant 0 : i32
          %dma_start3A_760 = tpu.memref_slice %arg9[%dma_start3A_758, %dma_start3A_759] : memref<10240x128xf32, #tpu.memory_space<vmem_shared>> -> memref<10240x128xf32, #tpu.memory_space<vmem_shared>>
          tpu.enqueue_indirect_dma source(%dma_start3A_754 : memref<128x128xf32, #tpu.memory_space<vmem>>) target(%dma_start3A_760 : memref<10240x128xf32, #tpu.memory_space<vmem_shared>>) offsets(%dma_start3A_757 : memref<128xi32, #tpu.memory_space<vmem>>) semaphore(%run_scoped3A_750 : memref<!tpu.dma_semaphore, #tpu.memory_space<semaphore_mem>>) {add = true}
          %dma_wait3A_761 = arith.constant 0 : i32
          %dma_wait3A_762 = arith.constant 0 : i32
          %dma_wait3A_763 = tpu.memref_slice %arg8[%run_scoped3A_280, %dma_wait3A_761, %dma_wait3A_762] : memref<2x128x128xf32, #tpu.memory_space<vmem>> -> memref<1x128x128xf32, #tpu.memory_space<vmem>>
          %dma_wait3A_764 = tpu.memref_squeeze %dma_wait3A_763 : memref<1x128x128xf32, #tpu.memory_space<vmem>> -> memref<128x128xf32, #tpu.memory_space<vmem>>
          %dma_wait3A_765 = arith.constant 0 : i32
          %dma_wait3A_766 = tpu.memref_slice %arg7[%run_scoped3A_281, %run_scoped3A_282, %dma_wait3A_765] : memref<2x8x128xi32, #tpu.memory_space<vmem>> -> memref<1x1x128xi32, #tpu.memory_space<vmem>>
          %dma_wait3A_767 = tpu.memref_squeeze %dma_wait3A_766 : memref<1x1x128xi32, #tpu.memory_space<vmem>> -> memref<128xi32, #tpu.memory_space<vmem>>
          %dma_wait3A_768 = arith.constant 0 : i32
          %dma_wait3A_769 = arith.constant 0 : i32
          %dma_wait3A_770 = tpu.memref_slice %arg9[%dma_wait3A_768, %dma_wait3A_769] : memref<10240x128xf32, #tpu.memory_space<vmem_shared>> -> memref<10240x128xf32, #tpu.memory_space<vmem_shared>>
          tpu.wait_indirect_dma semaphore(%run_scoped3A_750 : memref<!tpu.dma_semaphore, #tpu.memory_space<semaphore_mem>>) src(%dma_wait3A_764 : memref<128x128xf32, #tpu.memory_space<vmem>>) dst(%dma_wait3A_770 : memref<10240x128xf32, #tpu.memory_space<vmem_shared>>)
          tpu.yield
        }) : () -> ()
        %dma_start3A_283 = arith.constant 0 : i32
        %dma_start3A_284 = arith.constant 5 : i32
        %dma_start3A_285 = arith.constant 1 : i32
        %dma_start3A_286 = arith.constant 1 : i32
        %dma_start3A_287 = arith.constant 0 : i32
        %dma_start3A_288 = arith.constant 0 : i32
        %dma_start3A_289 = tpu.memref_slice %arg8[%dma_start3A_285, %dma_start3A_287, %dma_start3A_288] : memref<2x128x128xf32, #tpu.memory_space<vmem>> -> memref<1x128x128xf32, #tpu.memory_space<vmem>>
        %dma_start3A_290 = tpu.memref_squeeze %dma_start3A_289 : memref<1x128x128xf32, #tpu.memory_space<vmem>> -> memref<128x128xf32, #tpu.memory_space<vmem>>
        %dma_start3A_291 = arith.constant 0 : i32
        %dma_start3A_292 = tpu.memref_slice %arg6[%dma_start3A_283, %dma_start3A_284, %dma_start3A_291] : memref<2x8x128xi32, #tpu.memory_space<vmem>> -> memref<1x1x128xi32, #tpu.memory_space<vmem>>
        %dma_start3A_293 = tpu.memref_squeeze %dma_start3A_292 : memref<1x1x128xi32, #tpu.memory_space<vmem>> -> memref<128xi32, #tpu.memory_space<vmem>>
        %dma_start3A_294 = arith.constant 0 : i32
        %dma_start3A_295 = arith.constant 0 : i32
        %dma_start3A_296 = tpu.memref_slice %arg2[%dma_start3A_294, %dma_start3A_295] : memref<10000x128xf32, #tpu.memory_space<hbm>> -> memref<10000x128xf32, #tpu.memory_space<hbm>>
        %dma_start3A_297 = tpu.memref_slice %arg10[%dma_start3A_286] : memref<2x!tpu.dma_semaphore, #tpu.memory_space<semaphore_mem>> -> memref<1x!tpu.dma_semaphore, #tpu.memory_space<semaphore_mem>>
        %dma_start3A_298 = tpu.memref_squeeze %dma_start3A_297 : memref<1x!tpu.dma_semaphore, #tpu.memory_space<semaphore_mem>> -> memref<!tpu.dma_semaphore, #tpu.memory_space<semaphore_mem>>
        tpu.enqueue_indirect_dma source(%dma_start3A_296 : memref<10000x128xf32, #tpu.memory_space<hbm>>) target(%dma_start3A_290 : memref<128x128xf32, #tpu.memory_space<vmem>>) offsets(%dma_start3A_293 : memref<128xi32, #tpu.memory_space<vmem>>) semaphore(%dma_start3A_298 : memref<!tpu.dma_semaphore, #tpu.memory_space<semaphore_mem>>)
        %dma_wait3A_299 = arith.constant 0 : i32
        %dma_wait3A_300 = arith.constant 0 : i32
        %dma_wait3A_301 = arith.constant 0 : i32
        %dma_wait3A_302 = arith.constant 0 : i32
        %dma_wait3A_303 = arith.constant 0 : i32
        %dma_wait3A_304 = arith.constant 0 : i32
        %dma_wait3A_305 = tpu.memref_slice %arg8[%dma_wait3A_301, %dma_wait3A_303, %dma_wait3A_304] : memref<2x128x128xf32, #tpu.memory_space<vmem>> -> memref<1x128x128xf32, #tpu.memory_space<vmem>>
        %dma_wait3A_306 = tpu.memref_squeeze %dma_wait3A_305 : memref<1x128x128xf32, #tpu.memory_space<vmem>> -> memref<128x128xf32, #tpu.memory_space<vmem>>
        %dma_wait3A_307 = arith.constant 0 : i32
        %dma_wait3A_308 = tpu.memref_slice %arg6[%dma_wait3A_299, %dma_wait3A_300, %dma_wait3A_307] : memref<2x8x128xi32, #tpu.memory_space<vmem>> -> memref<1x1x128xi32, #tpu.memory_space<vmem>>
        %dma_wait3A_309 = tpu.memref_squeeze %dma_wait3A_308 : memref<1x1x128xi32, #tpu.memory_space<vmem>> -> memref<128xi32, #tpu.memory_space<vmem>>
        %dma_wait3A_310 = arith.constant 0 : i32
        %dma_wait3A_311 = arith.constant 0 : i32
        %dma_wait3A_312 = tpu.memref_slice %arg2[%dma_wait3A_310, %dma_wait3A_311] : memref<10000x128xf32, #tpu.memory_space<hbm>> -> memref<10000x128xf32, #tpu.memory_space<hbm>>
        %dma_wait3A_313 = tpu.memref_slice %arg10[%dma_wait3A_302] : memref<2x!tpu.dma_semaphore, #tpu.memory_space<semaphore_mem>> -> memref<1x!tpu.dma_semaphore, #tpu.memory_space<semaphore_mem>>
        %dma_wait3A_314 = tpu.memref_squeeze %dma_wait3A_313 : memref<1x!tpu.dma_semaphore, #tpu.memory_space<semaphore_mem>> -> memref<!tpu.dma_semaphore, #tpu.memory_space<semaphore_mem>>
        tpu.wait_indirect_dma semaphore(%dma_wait3A_314 : memref<!tpu.dma_semaphore, #tpu.memory_space<semaphore_mem>>) src(%dma_wait3A_312 : memref<10000x128xf32, #tpu.memory_space<hbm>>) dst(%dma_wait3A_306 : memref<128x128xf32, #tpu.memory_space<vmem>>)
        %run_scoped3A_315 = arith.constant 0 : i32
        %run_scoped3A_316 = arith.constant 0 : i32
        %run_scoped3A_317 = arith.constant 4 : i32
        "tpu.region"() ({
          %run_scoped3A_750 = tpu.sem_alloc : memref<!tpu.dma_semaphore, #tpu.memory_space<semaphore_mem>>
          %dma_start3A_751 = arith.constant 0 : i32
          %dma_start3A_752 = arith.constant 0 : i32
          %dma_start3A_753 = tpu.memref_slice %arg8[%run_scoped3A_315, %dma_start3A_751, %dma_start3A_752] : memref<2x128x128xf32, #tpu.memory_space<vmem>> -> memref<1x128x128xf32, #tpu.memory_space<vmem>>
          %dma_start3A_754 = tpu.memref_squeeze %dma_start3A_753 : memref<1x128x128xf32, #tpu.memory_space<vmem>> -> memref<128x128xf32, #tpu.memory_space<vmem>>
          %dma_start3A_755 = arith.constant 0 : i32
          %dma_start3A_756 = tpu.memref_slice %arg7[%run_scoped3A_316, %run_scoped3A_317, %dma_start3A_755] : memref<2x8x128xi32, #tpu.memory_space<vmem>> -> memref<1x1x128xi32, #tpu.memory_space<vmem>>
          %dma_start3A_757 = tpu.memref_squeeze %dma_start3A_756 : memref<1x1x128xi32, #tpu.memory_space<vmem>> -> memref<128xi32, #tpu.memory_space<vmem>>
          %dma_start3A_758 = arith.constant 0 : i32
          %dma_start3A_759 = arith.constant 0 : i32
          %dma_start3A_760 = tpu.memref_slice %arg9[%dma_start3A_758, %dma_start3A_759] : memref<10240x128xf32, #tpu.memory_space<vmem_shared>> -> memref<10240x128xf32, #tpu.memory_space<vmem_shared>>
          tpu.enqueue_indirect_dma source(%dma_start3A_754 : memref<128x128xf32, #tpu.memory_space<vmem>>) target(%dma_start3A_760 : memref<10240x128xf32, #tpu.memory_space<vmem_shared>>) offsets(%dma_start3A_757 : memref<128xi32, #tpu.memory_space<vmem>>) semaphore(%run_scoped3A_750 : memref<!tpu.dma_semaphore, #tpu.memory_space<semaphore_mem>>) {add = true}
          %dma_wait3A_761 = arith.constant 0 : i32
          %dma_wait3A_762 = arith.constant 0 : i32
          %dma_wait3A_763 = tpu.memref_slice %arg8[%run_scoped3A_315, %dma_wait3A_761, %dma_wait3A_762] : memref<2x128x128xf32, #tpu.memory_space<vmem>> -> memref<1x128x128xf32, #tpu.memory_space<vmem>>
          %dma_wait3A_764 = tpu.memref_squeeze %dma_wait3A_763 : memref<1x128x128xf32, #tpu.memory_space<vmem>> -> memref<128x128xf32, #tpu.memory_space<vmem>>
          %dma_wait3A_765 = arith.constant 0 : i32
          %dma_wait3A_766 = tpu.memref_slice %arg7[%run_scoped3A_316, %run_scoped3A_317, %dma_wait3A_765] : memref<2x8x128xi32, #tpu.memory_space<vmem>> -> memref<1x1x128xi32, #tpu.memory_space<vmem>>
          %dma_wait3A_767 = tpu.memref_squeeze %dma_wait3A_766 : memref<1x1x128xi32, #tpu.memory_space<vmem>> -> memref<128xi32, #tpu.memory_space<vmem>>
          %dma_wait3A_768 = arith.constant 0 : i32
          %dma_wait3A_769 = arith.constant 0 : i32
          %dma_wait3A_770 = tpu.memref_slice %arg9[%dma_wait3A_768, %dma_wait3A_769] : memref<10240x128xf32, #tpu.memory_space<vmem_shared>> -> memref<10240x128xf32, #tpu.memory_space<vmem_shared>>
          tpu.wait_indirect_dma semaphore(%run_scoped3A_750 : memref<!tpu.dma_semaphore, #tpu.memory_space<semaphore_mem>>) src(%dma_wait3A_764 : memref<128x128xf32, #tpu.memory_space<vmem>>) dst(%dma_wait3A_770 : memref<10240x128xf32, #tpu.memory_space<vmem_shared>>)
          tpu.yield
        }) : () -> ()
        %dma_start3A_318 = arith.constant 0 : i32
        %dma_start3A_319 = arith.constant 6 : i32
        %dma_start3A_320 = arith.constant 0 : i32
        %dma_start3A_321 = arith.constant 0 : i32
        %dma_start3A_322 = arith.constant 0 : i32
        %dma_start3A_323 = arith.constant 0 : i32
        %dma_start3A_324 = tpu.memref_slice %arg8[%dma_start3A_320, %dma_start3A_322, %dma_start3A_323] : memref<2x128x128xf32, #tpu.memory_space<vmem>> -> memref<1x128x128xf32, #tpu.memory_space<vmem>>
        %dma_start3A_325 = tpu.memref_squeeze %dma_start3A_324 : memref<1x128x128xf32, #tpu.memory_space<vmem>> -> memref<128x128xf32, #tpu.memory_space<vmem>>
        %dma_start3A_326 = arith.constant 0 : i32
        %dma_start3A_327 = tpu.memref_slice %arg6[%dma_start3A_318, %dma_start3A_319, %dma_start3A_326] : memref<2x8x128xi32, #tpu.memory_space<vmem>> -> memref<1x1x128xi32, #tpu.memory_space<vmem>>
        %dma_start3A_328 = tpu.memref_squeeze %dma_start3A_327 : memref<1x1x128xi32, #tpu.memory_space<vmem>> -> memref<128xi32, #tpu.memory_space<vmem>>
        %dma_start3A_329 = arith.constant 0 : i32
        %dma_start3A_330 = arith.constant 0 : i32
        %dma_start3A_331 = tpu.memref_slice %arg2[%dma_start3A_329, %dma_start3A_330] : memref<10000x128xf32, #tpu.memory_space<hbm>> -> memref<10000x128xf32, #tpu.memory_space<hbm>>
        %dma_start3A_332 = tpu.memref_slice %arg10[%dma_start3A_321] : memref<2x!tpu.dma_semaphore, #tpu.memory_space<semaphore_mem>> -> memref<1x!tpu.dma_semaphore, #tpu.memory_space<semaphore_mem>>
        %dma_start3A_333 = tpu.memref_squeeze %dma_start3A_332 : memref<1x!tpu.dma_semaphore, #tpu.memory_space<semaphore_mem>> -> memref<!tpu.dma_semaphore, #tpu.memory_space<semaphore_mem>>
        tpu.enqueue_indirect_dma source(%dma_start3A_331 : memref<10000x128xf32, #tpu.memory_space<hbm>>) target(%dma_start3A_325 : memref<128x128xf32, #tpu.memory_space<vmem>>) offsets(%dma_start3A_328 : memref<128xi32, #tpu.memory_space<vmem>>) semaphore(%dma_start3A_333 : memref<!tpu.dma_semaphore, #tpu.memory_space<semaphore_mem>>)
        %dma_wait3A_334 = arith.constant 0 : i32
        %dma_wait3A_335 = arith.constant 0 : i32
        %dma_wait3A_336 = arith.constant 1 : i32
        %dma_wait3A_337 = arith.constant 1 : i32
        %dma_wait3A_338 = arith.constant 0 : i32
        %dma_wait3A_339 = arith.constant 0 : i32
        %dma_wait3A_340 = tpu.memref_slice %arg8[%dma_wait3A_336, %dma_wait3A_338, %dma_wait3A_339] : memref<2x128x128xf32, #tpu.memory_space<vmem>> -> memref<1x128x128xf32, #tpu.memory_space<vmem>>
        %dma_wait3A_341 = tpu.memref_squeeze %dma_wait3A_340 : memref<1x128x128xf32, #tpu.memory_space<vmem>> -> memref<128x128xf32, #tpu.memory_space<vmem>>
        %dma_wait3A_342 = arith.constant 0 : i32
        %dma_wait3A_343 = tpu.memref_slice %arg6[%dma_wait3A_334, %dma_wait3A_335, %dma_wait3A_342] : memref<2x8x128xi32, #tpu.memory_space<vmem>> -> memref<1x1x128xi32, #tpu.memory_space<vmem>>
        %dma_wait3A_344 = tpu.memref_squeeze %dma_wait3A_343 : memref<1x1x128xi32, #tpu.memory_space<vmem>> -> memref<128xi32, #tpu.memory_space<vmem>>
        %dma_wait3A_345 = arith.constant 0 : i32
        %dma_wait3A_346 = arith.constant 0 : i32
        %dma_wait3A_347 = tpu.memref_slice %arg2[%dma_wait3A_345, %dma_wait3A_346] : memref<10000x128xf32, #tpu.memory_space<hbm>> -> memref<10000x128xf32, #tpu.memory_space<hbm>>
        %dma_wait3A_348 = tpu.memref_slice %arg10[%dma_wait3A_337] : memref<2x!tpu.dma_semaphore, #tpu.memory_space<semaphore_mem>> -> memref<1x!tpu.dma_semaphore, #tpu.memory_space<semaphore_mem>>
        %dma_wait3A_349 = tpu.memref_squeeze %dma_wait3A_348 : memref<1x!tpu.dma_semaphore, #tpu.memory_space<semaphore_mem>> -> memref<!tpu.dma_semaphore, #tpu.memory_space<semaphore_mem>>
        tpu.wait_indirect_dma semaphore(%dma_wait3A_349 : memref<!tpu.dma_semaphore, #tpu.memory_space<semaphore_mem>>) src(%dma_wait3A_347 : memref<10000x128xf32, #tpu.memory_space<hbm>>) dst(%dma_wait3A_341 : memref<128x128xf32, #tpu.memory_space<vmem>>)
        %run_scoped3A_350 = arith.constant 1 : i32
        %run_scoped3A_351 = arith.constant 0 : i32
        %run_scoped3A_352 = arith.constant 5 : i32
        "tpu.region"() ({
          %run_scoped3A_750 = tpu.sem_alloc : memref<!tpu.dma_semaphore, #tpu.memory_space<semaphore_mem>>
          %dma_start3A_751 = arith.constant 0 : i32
          %dma_start3A_752 = arith.constant 0 : i32
          %dma_start3A_753 = tpu.memref_slice %arg8[%run_scoped3A_350, %dma_start3A_751, %dma_start3A_752] : memref<2x128x128xf32, #tpu.memory_space<vmem>> -> memref<1x128x128xf32, #tpu.memory_space<vmem>>
          %dma_start3A_754 = tpu.memref_squeeze %dma_start3A_753 : memref<1x128x128xf32, #tpu.memory_space<vmem>> -> memref<128x128xf32, #tpu.memory_space<vmem>>
          %dma_start3A_755 = arith.constant 0 : i32
          %dma_start3A_756 = tpu.memref_slice %arg7[%run_scoped3A_351, %run_scoped3A_352, %dma_start3A_755] : memref<2x8x128xi32, #tpu.memory_space<vmem>> -> memref<1x1x128xi32, #tpu.memory_space<vmem>>
          %dma_start3A_757 = tpu.memref_squeeze %dma_start3A_756 : memref<1x1x128xi32, #tpu.memory_space<vmem>> -> memref<128xi32, #tpu.memory_space<vmem>>
          %dma_start3A_758 = arith.constant 0 : i32
          %dma_start3A_759 = arith.constant 0 : i32
          %dma_start3A_760 = tpu.memref_slice %arg9[%dma_start3A_758, %dma_start3A_759] : memref<10240x128xf32, #tpu.memory_space<vmem_shared>> -> memref<10240x128xf32, #tpu.memory_space<vmem_shared>>
          tpu.enqueue_indirect_dma source(%dma_start3A_754 : memref<128x128xf32, #tpu.memory_space<vmem>>) target(%dma_start3A_760 : memref<10240x128xf32, #tpu.memory_space<vmem_shared>>) offsets(%dma_start3A_757 : memref<128xi32, #tpu.memory_space<vmem>>) semaphore(%run_scoped3A_750 : memref<!tpu.dma_semaphore, #tpu.memory_space<semaphore_mem>>) {add = true}
          %dma_wait3A_761 = arith.constant 0 : i32
          %dma_wait3A_762 = arith.constant 0 : i32
          %dma_wait3A_763 = tpu.memref_slice %arg8[%run_scoped3A_350, %dma_wait3A_761, %dma_wait3A_762] : memref<2x128x128xf32, #tpu.memory_space<vmem>> -> memref<1x128x128xf32, #tpu.memory_space<vmem>>
          %dma_wait3A_764 = tpu.memref_squeeze %dma_wait3A_763 : memref<1x128x128xf32, #tpu.memory_space<vmem>> -> memref<128x128xf32, #tpu.memory_space<vmem>>
          %dma_wait3A_765 = arith.constant 0 : i32
          %dma_wait3A_766 = tpu.memref_slice %arg7[%run_scoped3A_351, %run_scoped3A_352, %dma_wait3A_765] : memref<2x8x128xi32, #tpu.memory_space<vmem>> -> memref<1x1x128xi32, #tpu.memory_space<vmem>>
          %dma_wait3A_767 = tpu.memref_squeeze %dma_wait3A_766 : memref<1x1x128xi32, #tpu.memory_space<vmem>> -> memref<128xi32, #tpu.memory_space<vmem>>
          %dma_wait3A_768 = arith.constant 0 : i32
          %dma_wait3A_769 = arith.constant 0 : i32
          %dma_wait3A_770 = tpu.memref_slice %arg9[%dma_wait3A_768, %dma_wait3A_769] : memref<10240x128xf32, #tpu.memory_space<vmem_shared>> -> memref<10240x128xf32, #tpu.memory_space<vmem_shared>>
          tpu.wait_indirect_dma semaphore(%run_scoped3A_750 : memref<!tpu.dma_semaphore, #tpu.memory_space<semaphore_mem>>) src(%dma_wait3A_764 : memref<128x128xf32, #tpu.memory_space<vmem>>) dst(%dma_wait3A_770 : memref<10240x128xf32, #tpu.memory_space<vmem_shared>>)
          tpu.yield
        }) : () -> ()
        %dma_start3A_353 = arith.constant 0 : i32
        %dma_start3A_354 = arith.constant 7 : i32
        %dma_start3A_355 = arith.constant 1 : i32
        %dma_start3A_356 = arith.constant 1 : i32
        %dma_start3A_357 = arith.constant 0 : i32
        %dma_start3A_358 = arith.constant 0 : i32
        %dma_start3A_359 = tpu.memref_slice %arg8[%dma_start3A_355, %dma_start3A_357, %dma_start3A_358] : memref<2x128x128xf32, #tpu.memory_space<vmem>> -> memref<1x128x128xf32, #tpu.memory_space<vmem>>
        %dma_start3A_360 = tpu.memref_squeeze %dma_start3A_359 : memref<1x128x128xf32, #tpu.memory_space<vmem>> -> memref<128x128xf32, #tpu.memory_space<vmem>>
        %dma_start3A_361 = arith.constant 0 : i32
        %dma_start3A_362 = tpu.memref_slice %arg6[%dma_start3A_353, %dma_start3A_354, %dma_start3A_361] : memref<2x8x128xi32, #tpu.memory_space<vmem>> -> memref<1x1x128xi32, #tpu.memory_space<vmem>>
        %dma_start3A_363 = tpu.memref_squeeze %dma_start3A_362 : memref<1x1x128xi32, #tpu.memory_space<vmem>> -> memref<128xi32, #tpu.memory_space<vmem>>
        %dma_start3A_364 = arith.constant 0 : i32
        %dma_start3A_365 = arith.constant 0 : i32
        %dma_start3A_366 = tpu.memref_slice %arg2[%dma_start3A_364, %dma_start3A_365] : memref<10000x128xf32, #tpu.memory_space<hbm>> -> memref<10000x128xf32, #tpu.memory_space<hbm>>
        %dma_start3A_367 = tpu.memref_slice %arg10[%dma_start3A_356] : memref<2x!tpu.dma_semaphore, #tpu.memory_space<semaphore_mem>> -> memref<1x!tpu.dma_semaphore, #tpu.memory_space<semaphore_mem>>
        %dma_start3A_368 = tpu.memref_squeeze %dma_start3A_367 : memref<1x!tpu.dma_semaphore, #tpu.memory_space<semaphore_mem>> -> memref<!tpu.dma_semaphore, #tpu.memory_space<semaphore_mem>>
        tpu.enqueue_indirect_dma source(%dma_start3A_366 : memref<10000x128xf32, #tpu.memory_space<hbm>>) target(%dma_start3A_360 : memref<128x128xf32, #tpu.memory_space<vmem>>) offsets(%dma_start3A_363 : memref<128xi32, #tpu.memory_space<vmem>>) semaphore(%dma_start3A_368 : memref<!tpu.dma_semaphore, #tpu.memory_space<semaphore_mem>>)
        %dma_wait3A_369 = arith.constant 0 : i32
        %dma_wait3A_370 = arith.constant 0 : i32
        %dma_wait3A_371 = arith.constant 0 : i32
        %dma_wait3A_372 = arith.constant 0 : i32
        %dma_wait3A_373 = arith.constant 0 : i32
        %dma_wait3A_374 = arith.constant 0 : i32
        %dma_wait3A_375 = tpu.memref_slice %arg8[%dma_wait3A_371, %dma_wait3A_373, %dma_wait3A_374] : memref<2x128x128xf32, #tpu.memory_space<vmem>> -> memref<1x128x128xf32, #tpu.memory_space<vmem>>
        %dma_wait3A_376 = tpu.memref_squeeze %dma_wait3A_375 : memref<1x128x128xf32, #tpu.memory_space<vmem>> -> memref<128x128xf32, #tpu.memory_space<vmem>>
        %dma_wait3A_377 = arith.constant 0 : i32
        %dma_wait3A_378 = tpu.memref_slice %arg6[%dma_wait3A_369, %dma_wait3A_370, %dma_wait3A_377] : memref<2x8x128xi32, #tpu.memory_space<vmem>> -> memref<1x1x128xi32, #tpu.memory_space<vmem>>
        %dma_wait3A_379 = tpu.memref_squeeze %dma_wait3A_378 : memref<1x1x128xi32, #tpu.memory_space<vmem>> -> memref<128xi32, #tpu.memory_space<vmem>>
        %dma_wait3A_380 = arith.constant 0 : i32
        %dma_wait3A_381 = arith.constant 0 : i32
        %dma_wait3A_382 = tpu.memref_slice %arg2[%dma_wait3A_380, %dma_wait3A_381] : memref<10000x128xf32, #tpu.memory_space<hbm>> -> memref<10000x128xf32, #tpu.memory_space<hbm>>
        %dma_wait3A_383 = tpu.memref_slice %arg10[%dma_wait3A_372] : memref<2x!tpu.dma_semaphore, #tpu.memory_space<semaphore_mem>> -> memref<1x!tpu.dma_semaphore, #tpu.memory_space<semaphore_mem>>
        %dma_wait3A_384 = tpu.memref_squeeze %dma_wait3A_383 : memref<1x!tpu.dma_semaphore, #tpu.memory_space<semaphore_mem>> -> memref<!tpu.dma_semaphore, #tpu.memory_space<semaphore_mem>>
        tpu.wait_indirect_dma semaphore(%dma_wait3A_384 : memref<!tpu.dma_semaphore, #tpu.memory_space<semaphore_mem>>) src(%dma_wait3A_382 : memref<10000x128xf32, #tpu.memory_space<hbm>>) dst(%dma_wait3A_376 : memref<128x128xf32, #tpu.memory_space<vmem>>)
        %run_scoped3A_385 = arith.constant 0 : i32
        %run_scoped3A_386 = arith.constant 0 : i32
        %run_scoped3A_387 = arith.constant 6 : i32
        "tpu.region"() ({
          %run_scoped3A_750 = tpu.sem_alloc : memref<!tpu.dma_semaphore, #tpu.memory_space<semaphore_mem>>
          %dma_start3A_751 = arith.constant 0 : i32
          %dma_start3A_752 = arith.constant 0 : i32
          %dma_start3A_753 = tpu.memref_slice %arg8[%run_scoped3A_385, %dma_start3A_751, %dma_start3A_752] : memref<2x128x128xf32, #tpu.memory_space<vmem>> -> memref<1x128x128xf32, #tpu.memory_space<vmem>>
          %dma_start3A_754 = tpu.memref_squeeze %dma_start3A_753 : memref<1x128x128xf32, #tpu.memory_space<vmem>> -> memref<128x128xf32, #tpu.memory_space<vmem>>
          %dma_start3A_755 = arith.constant 0 : i32
          %dma_start3A_756 = tpu.memref_slice %arg7[%run_scoped3A_386, %run_scoped3A_387, %dma_start3A_755] : memref<2x8x128xi32, #tpu.memory_space<vmem>> -> memref<1x1x128xi32, #tpu.memory_space<vmem>>
          %dma_start3A_757 = tpu.memref_squeeze %dma_start3A_756 : memref<1x1x128xi32, #tpu.memory_space<vmem>> -> memref<128xi32, #tpu.memory_space<vmem>>
          %dma_start3A_758 = arith.constant 0 : i32
          %dma_start3A_759 = arith.constant 0 : i32
          %dma_start3A_760 = tpu.memref_slice %arg9[%dma_start3A_758, %dma_start3A_759] : memref<10240x128xf32, #tpu.memory_space<vmem_shared>> -> memref<10240x128xf32, #tpu.memory_space<vmem_shared>>
          tpu.enqueue_indirect_dma source(%dma_start3A_754 : memref<128x128xf32, #tpu.memory_space<vmem>>) target(%dma_start3A_760 : memref<10240x128xf32, #tpu.memory_space<vmem_shared>>) offsets(%dma_start3A_757 : memref<128xi32, #tpu.memory_space<vmem>>) semaphore(%run_scoped3A_750 : memref<!tpu.dma_semaphore, #tpu.memory_space<semaphore_mem>>) {add = true}
          %dma_wait3A_761 = arith.constant 0 : i32
          %dma_wait3A_762 = arith.constant 0 : i32
          %dma_wait3A_763 = tpu.memref_slice %arg8[%run_scoped3A_385, %dma_wait3A_761, %dma_wait3A_762] : memref<2x128x128xf32, #tpu.memory_space<vmem>> -> memref<1x128x128xf32, #tpu.memory_space<vmem>>
          %dma_wait3A_764 = tpu.memref_squeeze %dma_wait3A_763 : memref<1x128x128xf32, #tpu.memory_space<vmem>> -> memref<128x128xf32, #tpu.memory_space<vmem>>
          %dma_wait3A_765 = arith.constant 0 : i32
          %dma_wait3A_766 = tpu.memref_slice %arg7[%run_scoped3A_386, %run_scoped3A_387, %dma_wait3A_765] : memref<2x8x128xi32, #tpu.memory_space<vmem>> -> memref<1x1x128xi32, #tpu.memory_space<vmem>>
          %dma_wait3A_767 = tpu.memref_squeeze %dma_wait3A_766 : memref<1x1x128xi32, #tpu.memory_space<vmem>> -> memref<128xi32, #tpu.memory_space<vmem>>
          %dma_wait3A_768 = arith.constant 0 : i32
          %dma_wait3A_769 = arith.constant 0 : i32
          %dma_wait3A_770 = tpu.memref_slice %arg9[%dma_wait3A_768, %dma_wait3A_769] : memref<10240x128xf32, #tpu.memory_space<vmem_shared>> -> memref<10240x128xf32, #tpu.memory_space<vmem_shared>>
          tpu.wait_indirect_dma semaphore(%run_scoped3A_750 : memref<!tpu.dma_semaphore, #tpu.memory_space<semaphore_mem>>) src(%dma_wait3A_764 : memref<128x128xf32, #tpu.memory_space<vmem>>) dst(%dma_wait3A_770 : memref<10240x128xf32, #tpu.memory_space<vmem_shared>>)
          tpu.yield
        }) : () -> ()
        %dma_wait3A_388 = arith.constant 1 : i32
        %dma_wait3A_389 = arith.constant 1 : i32
        %dma_wait3A_390 = arith.constant 0 : i32
        %dma_wait3A_391 = arith.constant 0 : i32
        %dma_wait3A_392 = tpu.memref_slice %arg6[%dma_wait3A_388, %dma_wait3A_390, %dma_wait3A_391] : memref<2x8x128xi32, #tpu.memory_space<vmem>> -> memref<1x8x128xi32, #tpu.memory_space<vmem>>
        %dma_wait3A_393 = tpu.memref_squeeze %dma_wait3A_392 : memref<1x8x128xi32, #tpu.memory_space<vmem>> -> memref<8x128xi32, #tpu.memory_space<vmem>>
        %dma_wait3A_394 = arith.constant 0 : i32
        %dma_wait3A_395 = arith.constant 0 : i32
        %dma_wait3A_396 = tpu.memref_slice %arg3[%dma_wait3A_394, %dma_wait3A_395] : memref<2560x128xi32, #tpu.memory_space<hbm>> -> memref<8x128xi32, #tpu.memory_space<hbm>>
        %dma_wait3A_397 = tpu.memref_slice %arg11[%dma_wait3A_389] : memref<2x!tpu.dma_semaphore, #tpu.memory_space<semaphore_mem>> -> memref<1x!tpu.dma_semaphore, #tpu.memory_space<semaphore_mem>>
        %dma_wait3A_398 = tpu.memref_squeeze %dma_wait3A_397 : memref<1x!tpu.dma_semaphore, #tpu.memory_space<semaphore_mem>> -> memref<!tpu.dma_semaphore, #tpu.memory_space<semaphore_mem>>
        %dma_wait3A_399 = arith.constant 0 : i32
        %dma_wait3A_400 = arith.constant 0 : i32
        %dma_wait3A_401 = tpu.memref_slice %arg6[%dma_wait3A_388, %dma_wait3A_399, %dma_wait3A_400] : memref<2x8x128xi32, #tpu.memory_space<vmem>> -> memref<1x8x128xi32, #tpu.memory_space<vmem>>
        %dma_wait3A_402 = tpu.memref_squeeze %dma_wait3A_401 : memref<1x8x128xi32, #tpu.memory_space<vmem>> -> memref<8x128xi32, #tpu.memory_space<vmem>>
        %dma_wait3A_403 = arith.constant 0 : i32
        %dma_wait3A_404 = arith.constant 0 : i32
        %dma_wait3A_405 = tpu.memref_slice %arg3[%dma_wait3A_403, %dma_wait3A_404] : memref<2560x128xi32, #tpu.memory_space<hbm>> -> memref<8x128xi32, #tpu.memory_space<hbm>>
        tpu.wait_dma2 semaphore(%dma_wait3A_398 : memref<!tpu.dma_semaphore, #tpu.memory_space<semaphore_mem>>) src(%dma_wait3A_405 : memref<8x128xi32, #tpu.memory_space<hbm>>) dst(%dma_wait3A_402 : memref<8x128xi32, #tpu.memory_space<vmem>>)
        %dma_wait3A_406 = arith.constant 1 : i32
        %dma_wait3A_407 = arith.constant 1 : i32
        %dma_wait3A_408 = arith.constant 0 : i32
        %dma_wait3A_409 = arith.constant 0 : i32
        %dma_wait3A_410 = tpu.memref_slice %arg7[%dma_wait3A_406, %dma_wait3A_408, %dma_wait3A_409] : memref<2x8x128xi32, #tpu.memory_space<vmem>> -> memref<1x8x128xi32, #tpu.memory_space<vmem>>
        %dma_wait3A_411 = tpu.memref_squeeze %dma_wait3A_410 : memref<1x8x128xi32, #tpu.memory_space<vmem>> -> memref<8x128xi32, #tpu.memory_space<vmem>>
        %dma_wait3A_412 = arith.constant 0 : i32
        %dma_wait3A_413 = arith.constant 0 : i32
        %dma_wait3A_414 = tpu.memref_slice %arg4[%dma_wait3A_412, %dma_wait3A_413] : memref<2560x128xi32, #tpu.memory_space<hbm>> -> memref<8x128xi32, #tpu.memory_space<hbm>>
        %dma_wait3A_415 = tpu.memref_slice %arg11[%dma_wait3A_407] : memref<2x!tpu.dma_semaphore, #tpu.memory_space<semaphore_mem>> -> memref<1x!tpu.dma_semaphore, #tpu.memory_space<semaphore_mem>>
        %dma_wait3A_416 = tpu.memref_squeeze %dma_wait3A_415 : memref<1x!tpu.dma_semaphore, #tpu.memory_space<semaphore_mem>> -> memref<!tpu.dma_semaphore, #tpu.memory_space<semaphore_mem>>
        %dma_wait3A_417 = arith.constant 0 : i32
        %dma_wait3A_418 = arith.constant 0 : i32
        %dma_wait3A_419 = tpu.memref_slice %arg7[%dma_wait3A_406, %dma_wait3A_417, %dma_wait3A_418] : memref<2x8x128xi32, #tpu.memory_space<vmem>> -> memref<1x8x128xi32, #tpu.memory_space<vmem>>
        %dma_wait3A_420 = tpu.memref_squeeze %dma_wait3A_419 : memref<1x8x128xi32, #tpu.memory_space<vmem>> -> memref<8x128xi32, #tpu.memory_space<vmem>>
        %dma_wait3A_421 = arith.constant 0 : i32
        %dma_wait3A_422 = arith.constant 0 : i32
        %dma_wait3A_423 = tpu.memref_slice %arg4[%dma_wait3A_421, %dma_wait3A_422] : memref<2560x128xi32, #tpu.memory_space<hbm>> -> memref<8x128xi32, #tpu.memory_space<hbm>>
        tpu.wait_dma2 semaphore(%dma_wait3A_416 : memref<!tpu.dma_semaphore, #tpu.memory_space<semaphore_mem>>) src(%dma_wait3A_423 : memref<8x128xi32, #tpu.memory_space<hbm>>) dst(%dma_wait3A_420 : memref<8x128xi32, #tpu.memory_space<vmem>>)
        %dma_start3A_424 = arith.constant 1 : i32
        %dma_start3A_425 = arith.constant 0 : i32
        %dma_start3A_426 = arith.constant 0 : i32
        %dma_start3A_427 = arith.constant 0 : i32
        %dma_start3A_428 = arith.constant 0 : i32
        %dma_start3A_429 = arith.constant 0 : i32
        %dma_start3A_430 = tpu.memref_slice %arg8[%dma_start3A_426, %dma_start3A_428, %dma_start3A_429] : memref<2x128x128xf32, #tpu.memory_space<vmem>> -> memref<1x128x128xf32, #tpu.memory_space<vmem>>
        %dma_start3A_431 = tpu.memref_squeeze %dma_start3A_430 : memref<1x128x128xf32, #tpu.memory_space<vmem>> -> memref<128x128xf32, #tpu.memory_space<vmem>>
        %dma_start3A_432 = arith.constant 0 : i32
        %dma_start3A_433 = tpu.memref_slice %arg6[%dma_start3A_424, %dma_start3A_425, %dma_start3A_432] : memref<2x8x128xi32, #tpu.memory_space<vmem>> -> memref<1x1x128xi32, #tpu.memory_space<vmem>>
        %dma_start3A_434 = tpu.memref_squeeze %dma_start3A_433 : memref<1x1x128xi32, #tpu.memory_space<vmem>> -> memref<128xi32, #tpu.memory_space<vmem>>
        %dma_start3A_435 = arith.constant 0 : i32
        %dma_start3A_436 = arith.constant 0 : i32
        %dma_start3A_437 = tpu.memref_slice %arg2[%dma_start3A_435, %dma_start3A_436] : memref<10000x128xf32, #tpu.memory_space<hbm>> -> memref<10000x128xf32, #tpu.memory_space<hbm>>
        %dma_start3A_438 = tpu.memref_slice %arg10[%dma_start3A_427] : memref<2x!tpu.dma_semaphore, #tpu.memory_space<semaphore_mem>> -> memref<1x!tpu.dma_semaphore, #tpu.memory_space<semaphore_mem>>
        %dma_start3A_439 = tpu.memref_squeeze %dma_start3A_438 : memref<1x!tpu.dma_semaphore, #tpu.memory_space<semaphore_mem>> -> memref<!tpu.dma_semaphore, #tpu.memory_space<semaphore_mem>>
        tpu.enqueue_indirect_dma source(%dma_start3A_437 : memref<10000x128xf32, #tpu.memory_space<hbm>>) target(%dma_start3A_431 : memref<128x128xf32, #tpu.memory_space<vmem>>) offsets(%dma_start3A_434 : memref<128xi32, #tpu.memory_space<vmem>>) semaphore(%dma_start3A_439 : memref<!tpu.dma_semaphore, #tpu.memory_space<semaphore_mem>>)
        %dma_wait3A_440 = arith.constant 0 : i32
        %dma_wait3A_441 = arith.constant 0 : i32
        %dma_wait3A_442 = arith.constant 1 : i32
        %dma_wait3A_443 = arith.constant 1 : i32
        %dma_wait3A_444 = arith.constant 0 : i32
        %dma_wait3A_445 = arith.constant 0 : i32
        %dma_wait3A_446 = tpu.memref_slice %arg8[%dma_wait3A_442, %dma_wait3A_444, %dma_wait3A_445] : memref<2x128x128xf32, #tpu.memory_space<vmem>> -> memref<1x128x128xf32, #tpu.memory_space<vmem>>
        %dma_wait3A_447 = tpu.memref_squeeze %dma_wait3A_446 : memref<1x128x128xf32, #tpu.memory_space<vmem>> -> memref<128x128xf32, #tpu.memory_space<vmem>>
        %dma_wait3A_448 = arith.constant 0 : i32
        %dma_wait3A_449 = tpu.memref_slice %arg6[%dma_wait3A_440, %dma_wait3A_441, %dma_wait3A_448] : memref<2x8x128xi32, #tpu.memory_space<vmem>> -> memref<1x1x128xi32, #tpu.memory_space<vmem>>
        %dma_wait3A_450 = tpu.memref_squeeze %dma_wait3A_449 : memref<1x1x128xi32, #tpu.memory_space<vmem>> -> memref<128xi32, #tpu.memory_space<vmem>>
        %dma_wait3A_451 = arith.constant 0 : i32
        %dma_wait3A_452 = arith.constant 0 : i32
        %dma_wait3A_453 = tpu.memref_slice %arg2[%dma_wait3A_451, %dma_wait3A_452] : memref<10000x128xf32, #tpu.memory_space<hbm>> -> memref<10000x128xf32, #tpu.memory_space<hbm>>
        %dma_wait3A_454 = tpu.memref_slice %arg10[%dma_wait3A_443] : memref<2x!tpu.dma_semaphore, #tpu.memory_space<semaphore_mem>> -> memref<1x!tpu.dma_semaphore, #tpu.memory_space<semaphore_mem>>
        %dma_wait3A_455 = tpu.memref_squeeze %dma_wait3A_454 : memref<1x!tpu.dma_semaphore, #tpu.memory_space<semaphore_mem>> -> memref<!tpu.dma_semaphore, #tpu.memory_space<semaphore_mem>>
        tpu.wait_indirect_dma semaphore(%dma_wait3A_455 : memref<!tpu.dma_semaphore, #tpu.memory_space<semaphore_mem>>) src(%dma_wait3A_453 : memref<10000x128xf32, #tpu.memory_space<hbm>>) dst(%dma_wait3A_447 : memref<128x128xf32, #tpu.memory_space<vmem>>)
        %run_scoped3A_456 = arith.constant 1 : i32
        %run_scoped3A_457 = arith.constant 0 : i32
        %run_scoped3A_458 = arith.constant 7 : i32
        "tpu.region"() ({
          %run_scoped3A_750 = tpu.sem_alloc : memref<!tpu.dma_semaphore, #tpu.memory_space<semaphore_mem>>
          %dma_start3A_751 = arith.constant 0 : i32
          %dma_start3A_752 = arith.constant 0 : i32
          %dma_start3A_753 = tpu.memref_slice %arg8[%run_scoped3A_456, %dma_start3A_751, %dma_start3A_752] : memref<2x128x128xf32, #tpu.memory_space<vmem>> -> memref<1x128x128xf32, #tpu.memory_space<vmem>>
          %dma_start3A_754 = tpu.memref_squeeze %dma_start3A_753 : memref<1x128x128xf32, #tpu.memory_space<vmem>> -> memref<128x128xf32, #tpu.memory_space<vmem>>
          %dma_start3A_755 = arith.constant 0 : i32
          %dma_start3A_756 = tpu.memref_slice %arg7[%run_scoped3A_457, %run_scoped3A_458, %dma_start3A_755] : memref<2x8x128xi32, #tpu.memory_space<vmem>> -> memref<1x1x128xi32, #tpu.memory_space<vmem>>
          %dma_start3A_757 = tpu.memref_squeeze %dma_start3A_756 : memref<1x1x128xi32, #tpu.memory_space<vmem>> -> memref<128xi32, #tpu.memory_space<vmem>>
          %dma_start3A_758 = arith.constant 0 : i32
          %dma_start3A_759 = arith.constant 0 : i32
          %dma_start3A_760 = tpu.memref_slice %arg9[%dma_start3A_758, %dma_start3A_759] : memref<10240x128xf32, #tpu.memory_space<vmem_shared>> -> memref<10240x128xf32, #tpu.memory_space<vmem_shared>>
          tpu.enqueue_indirect_dma source(%dma_start3A_754 : memref<128x128xf32, #tpu.memory_space<vmem>>) target(%dma_start3A_760 : memref<10240x128xf32, #tpu.memory_space<vmem_shared>>) offsets(%dma_start3A_757 : memref<128xi32, #tpu.memory_space<vmem>>) semaphore(%run_scoped3A_750 : memref<!tpu.dma_semaphore, #tpu.memory_space<semaphore_mem>>) {add = true}
          %dma_wait3A_761 = arith.constant 0 : i32
          %dma_wait3A_762 = arith.constant 0 : i32
          %dma_wait3A_763 = tpu.memref_slice %arg8[%run_scoped3A_456, %dma_wait3A_761, %dma_wait3A_762] : memref<2x128x128xf32, #tpu.memory_space<vmem>> -> memref<1x128x128xf32, #tpu.memory_space<vmem>>
          %dma_wait3A_764 = tpu.memref_squeeze %dma_wait3A_763 : memref<1x128x128xf32, #tpu.memory_space<vmem>> -> memref<128x128xf32, #tpu.memory_space<vmem>>
          %dma_wait3A_765 = arith.constant 0 : i32
          %dma_wait3A_766 = tpu.memref_slice %arg7[%run_scoped3A_457, %run_scoped3A_458, %dma_wait3A_765] : memref<2x8x128xi32, #tpu.memory_space<vmem>> -> memref<1x1x128xi32, #tpu.memory_space<vmem>>
          %dma_wait3A_767 = tpu.memref_squeeze %dma_wait3A_766 : memref<1x1x128xi32, #tpu.memory_space<vmem>> -> memref<128xi32, #tpu.memory_space<vmem>>
          %dma_wait3A_768 = arith.constant 0 : i32
          %dma_wait3A_769 = arith.constant 0 : i32
          %dma_wait3A_770 = tpu.memref_slice %arg9[%dma_wait3A_768, %dma_wait3A_769] : memref<10240x128xf32, #tpu.memory_space<vmem_shared>> -> memref<10240x128xf32, #tpu.memory_space<vmem_shared>>
          tpu.wait_indirect_dma semaphore(%run_scoped3A_750 : memref<!tpu.dma_semaphore, #tpu.memory_space<semaphore_mem>>) src(%dma_wait3A_764 : memref<128x128xf32, #tpu.memory_space<vmem>>) dst(%dma_wait3A_770 : memref<10240x128xf32, #tpu.memory_space<vmem_shared>>)
          tpu.yield
        }) : () -> ()
        %add3A_459 = arith.constant 1 : i32
        %add3A_460 = arith.addi %scan3A_159, %add3A_459 : i32
        %lt3A = arith.constant 10 : i32
        %lt3A_461 = arith.cmpi slt, %add3A_460, %lt3A : i32
        %convert_element_type3A_462 = arith.extui %lt3A_461 : i1 to i32
        %cond3A_463 = arith.constant 0 : i32
        %cond3A_464 = arith.cmpi ne, %convert_element_type3A_462, %cond3A_463 : i32
        scf.if %cond3A_464 {
          %add3A_750 = arith.constant 1 : i32
          %add3A_751 = arith.addi %scan3A_159, %add3A_750 : i32
          %mul3A_752 = arith.constant 2 : i32
          %mul3A_753 = arith.muli %mul3A_752, %add3A_751 : i32
          %mul3A_754 = arith.constant 8 : i32
          %mul3A_755 = arith.muli %mul3A_753, %mul3A_754 : i32
          %add3A_756 = arith.addi %mul3A_19, %mul3A_755 : i32
          %dma_start3A_757 = arith.constant 0 : i32
          %dma_start3A_758 = arith.constant 0 : i32
          %dma_start3A_759 = arith.constant 0 : i32
          %dma_start3A_760 = arith.constant 0 : i32
          %dma_start3A_761 = tpu.memref_slice %arg6[%dma_start3A_757, %dma_start3A_759, %dma_start3A_760] : memref<2x8x128xi32, #tpu.memory_space<vmem>> -> memref<1x8x128xi32, #tpu.memory_space<vmem>>
          %dma_start3A_762 = tpu.memref_squeeze %dma_start3A_761 : memref<1x8x128xi32, #tpu.memory_space<vmem>> -> memref<8x128xi32, #tpu.memory_space<vmem>>
          %dma_start3A_763 = arith.constant 0 : i32
          %dma_start3A_764 = tpu.memref_slice %arg3[%add3A_756, %dma_start3A_763] : memref<2560x128xi32, #tpu.memory_space<hbm>> -> memref<8x128xi32, #tpu.memory_space<hbm>>
          %dma_start3A_765 = tpu.memref_slice %arg11[%dma_start3A_758] : memref<2x!tpu.dma_semaphore, #tpu.memory_space<semaphore_mem>> -> memref<1x!tpu.dma_semaphore, #tpu.memory_space<semaphore_mem>>
          %dma_start3A_766 = tpu.memref_squeeze %dma_start3A_765 : memref<1x!tpu.dma_semaphore, #tpu.memory_space<semaphore_mem>> -> memref<!tpu.dma_semaphore, #tpu.memory_space<semaphore_mem>>
          %dma_start3A_767 = arith.constant 0 : i32
          %dma_start3A_768 = arith.constant 0 : i32
          %dma_start3A_769 = tpu.memref_slice %arg6[%dma_start3A_757, %dma_start3A_767, %dma_start3A_768] : memref<2x8x128xi32, #tpu.memory_space<vmem>> -> memref<1x8x128xi32, #tpu.memory_space<vmem>>
          %dma_start3A_770 = tpu.memref_squeeze %dma_start3A_769 : memref<1x8x128xi32, #tpu.memory_space<vmem>> -> memref<8x128xi32, #tpu.memory_space<vmem>>
          %dma_start3A_771 = arith.constant 0 : i32
          %dma_start3A_772 = tpu.memref_slice %arg3[%add3A_756, %dma_start3A_771] : memref<2560x128xi32, #tpu.memory_space<hbm>> -> memref<8x128xi32, #tpu.memory_space<hbm>>
          tpu.enqueue_dma source(%dma_start3A_772 : memref<8x128xi32, #tpu.memory_space<hbm>>) target(%dma_start3A_770 : memref<8x128xi32, #tpu.memory_space<vmem>>) target_semaphore(%dma_start3A_766 : memref<!tpu.dma_semaphore, #tpu.memory_space<semaphore_mem>>)
          %dma_start3A_773 = arith.constant 0 : i32
          %dma_start3A_774 = arith.constant 0 : i32
          %dma_start3A_775 = arith.constant 0 : i32
          %dma_start3A_776 = arith.constant 0 : i32
          %dma_start3A_777 = tpu.memref_slice %arg7[%dma_start3A_773, %dma_start3A_775, %dma_start3A_776] : memref<2x8x128xi32, #tpu.memory_space<vmem>> -> memref<1x8x128xi32, #tpu.memory_space<vmem>>
          %dma_start3A_778 = tpu.memref_squeeze %dma_start3A_777 : memref<1x8x128xi32, #tpu.memory_space<vmem>> -> memref<8x128xi32, #tpu.memory_space<vmem>>
          %dma_start3A_779 = arith.constant 0 : i32
          %dma_start3A_780 = tpu.memref_slice %arg4[%add3A_756, %dma_start3A_779] : memref<2560x128xi32, #tpu.memory_space<hbm>> -> memref<8x128xi32, #tpu.memory_space<hbm>>
          %dma_start3A_781 = tpu.memref_slice %arg11[%dma_start3A_774] : memref<2x!tpu.dma_semaphore, #tpu.memory_space<semaphore_mem>> -> memref<1x!tpu.dma_semaphore, #tpu.memory_space<semaphore_mem>>
          %dma_start3A_782 = tpu.memref_squeeze %dma_start3A_781 : memref<1x!tpu.dma_semaphore, #tpu.memory_space<semaphore_mem>> -> memref<!tpu.dma_semaphore, #tpu.memory_space<semaphore_mem>>
          %dma_start3A_783 = arith.constant 0 : i32
          %dma_start3A_784 = arith.constant 0 : i32
          %dma_start3A_785 = tpu.memref_slice %arg7[%dma_start3A_773, %dma_start3A_783, %dma_start3A_784] : memref<2x8x128xi32, #tpu.memory_space<vmem>> -> memref<1x8x128xi32, #tpu.memory_space<vmem>>
          %dma_start3A_786 = tpu.memref_squeeze %dma_start3A_785 : memref<1x8x128xi32, #tpu.memory_space<vmem>> -> memref<8x128xi32, #tpu.memory_space<vmem>>
          %dma_start3A_787 = arith.constant 0 : i32
          %dma_start3A_788 = tpu.memref_slice %arg4[%add3A_756, %dma_start3A_787] : memref<2560x128xi32, #tpu.memory_space<hbm>> -> memref<8x128xi32, #tpu.memory_space<hbm>>
          tpu.enqueue_dma source(%dma_start3A_788 : memref<8x128xi32, #tpu.memory_space<hbm>>) target(%dma_start3A_786 : memref<8x128xi32, #tpu.memory_space<vmem>>) target_semaphore(%dma_start3A_782 : memref<!tpu.dma_semaphore, #tpu.memory_space<semaphore_mem>>)
        } else {
        }
        %dma_start3A_465 = arith.constant 1 : i32
        %dma_start3A_466 = arith.constant 1 : i32
        %dma_start3A_467 = arith.constant 1 : i32
        %dma_start3A_468 = arith.constant 1 : i32
        %dma_start3A_469 = arith.constant 0 : i32
        %dma_start3A_470 = arith.constant 0 : i32
        %dma_start3A_471 = tpu.memref_slice %arg8[%dma_start3A_467, %dma_start3A_469, %dma_start3A_470] : memref<2x128x128xf32, #tpu.memory_space<vmem>> -> memref<1x128x128xf32, #tpu.memory_space<vmem>>
        %dma_start3A_472 = tpu.memref_squeeze %dma_start3A_471 : memref<1x128x128xf32, #tpu.memory_space<vmem>> -> memref<128x128xf32, #tpu.memory_space<vmem>>
        %dma_start3A_473 = arith.constant 0 : i32
        %dma_start3A_474 = tpu.memref_slice %arg6[%dma_start3A_465, %dma_start3A_466, %dma_start3A_473] : memref<2x8x128xi32, #tpu.memory_space<vmem>> -> memref<1x1x128xi32, #tpu.memory_space<vmem>>
        %dma_start3A_475 = tpu.memref_squeeze %dma_start3A_474 : memref<1x1x128xi32, #tpu.memory_space<vmem>> -> memref<128xi32, #tpu.memory_space<vmem>>
        %dma_start3A_476 = arith.constant 0 : i32
        %dma_start3A_477 = arith.constant 0 : i32
        %dma_start3A_478 = tpu.memref_slice %arg2[%dma_start3A_476, %dma_start3A_477] : memref<10000x128xf32, #tpu.memory_space<hbm>> -> memref<10000x128xf32, #tpu.memory_space<hbm>>
        %dma_start3A_479 = tpu.memref_slice %arg10[%dma_start3A_468] : memref<2x!tpu.dma_semaphore, #tpu.memory_space<semaphore_mem>> -> memref<1x!tpu.dma_semaphore, #tpu.memory_space<semaphore_mem>>
        %dma_start3A_480 = tpu.memref_squeeze %dma_start3A_479 : memref<1x!tpu.dma_semaphore, #tpu.memory_space<semaphore_mem>> -> memref<!tpu.dma_semaphore, #tpu.memory_space<semaphore_mem>>
        tpu.enqueue_indirect_dma source(%dma_start3A_478 : memref<10000x128xf32, #tpu.memory_space<hbm>>) target(%dma_start3A_472 : memref<128x128xf32, #tpu.memory_space<vmem>>) offsets(%dma_start3A_475 : memref<128xi32, #tpu.memory_space<vmem>>) semaphore(%dma_start3A_480 : memref<!tpu.dma_semaphore, #tpu.memory_space<semaphore_mem>>)
        %dma_wait3A_481 = arith.constant 0 : i32
        %dma_wait3A_482 = arith.constant 0 : i32
        %dma_wait3A_483 = arith.constant 0 : i32
        %dma_wait3A_484 = arith.constant 0 : i32
        %dma_wait3A_485 = arith.constant 0 : i32
        %dma_wait3A_486 = arith.constant 0 : i32
        %dma_wait3A_487 = tpu.memref_slice %arg8[%dma_wait3A_483, %dma_wait3A_485, %dma_wait3A_486] : memref<2x128x128xf32, #tpu.memory_space<vmem>> -> memref<1x128x128xf32, #tpu.memory_space<vmem>>
        %dma_wait3A_488 = tpu.memref_squeeze %dma_wait3A_487 : memref<1x128x128xf32, #tpu.memory_space<vmem>> -> memref<128x128xf32, #tpu.memory_space<vmem>>
        %dma_wait3A_489 = arith.constant 0 : i32
        %dma_wait3A_490 = tpu.memref_slice %arg6[%dma_wait3A_481, %dma_wait3A_482, %dma_wait3A_489] : memref<2x8x128xi32, #tpu.memory_space<vmem>> -> memref<1x1x128xi32, #tpu.memory_space<vmem>>
        %dma_wait3A_491 = tpu.memref_squeeze %dma_wait3A_490 : memref<1x1x128xi32, #tpu.memory_space<vmem>> -> memref<128xi32, #tpu.memory_space<vmem>>
        %dma_wait3A_492 = arith.constant 0 : i32
        %dma_wait3A_493 = arith.constant 0 : i32
        %dma_wait3A_494 = tpu.memref_slice %arg2[%dma_wait3A_492, %dma_wait3A_493] : memref<10000x128xf32, #tpu.memory_space<hbm>> -> memref<10000x128xf32, #tpu.memory_space<hbm>>
        %dma_wait3A_495 = tpu.memref_slice %arg10[%dma_wait3A_484] : memref<2x!tpu.dma_semaphore, #tpu.memory_space<semaphore_mem>> -> memref<1x!tpu.dma_semaphore, #tpu.memory_space<semaphore_mem>>
        %dma_wait3A_496 = tpu.memref_squeeze %dma_wait3A_495 : memref<1x!tpu.dma_semaphore, #tpu.memory_space<semaphore_mem>> -> memref<!tpu.dma_semaphore, #tpu.memory_space<semaphore_mem>>
        tpu.wait_indirect_dma semaphore(%dma_wait3A_496 : memref<!tpu.dma_semaphore, #tpu.memory_space<semaphore_mem>>) src(%dma_wait3A_494 : memref<10000x128xf32, #tpu.memory_space<hbm>>) dst(%dma_wait3A_488 : memref<128x128xf32, #tpu.memory_space<vmem>>)
        %run_scoped3A_497 = arith.constant 0 : i32
        %run_scoped3A_498 = arith.constant 1 : i32
        %run_scoped3A_499 = arith.constant 0 : i32
        "tpu.region"() ({
          %run_scoped3A_750 = tpu.sem_alloc : memref<!tpu.dma_semaphore, #tpu.memory_space<semaphore_mem>>
          %dma_start3A_751 = arith.constant 0 : i32
          %dma_start3A_752 = arith.constant 0 : i32
          %dma_start3A_753 = tpu.memref_slice %arg8[%run_scoped3A_497, %dma_start3A_751, %dma_start3A_752] : memref<2x128x128xf32, #tpu.memory_space<vmem>> -> memref<1x128x128xf32, #tpu.memory_space<vmem>>
          %dma_start3A_754 = tpu.memref_squeeze %dma_start3A_753 : memref<1x128x128xf32, #tpu.memory_space<vmem>> -> memref<128x128xf32, #tpu.memory_space<vmem>>
          %dma_start3A_755 = arith.constant 0 : i32
          %dma_start3A_756 = tpu.memref_slice %arg7[%run_scoped3A_498, %run_scoped3A_499, %dma_start3A_755] : memref<2x8x128xi32, #tpu.memory_space<vmem>> -> memref<1x1x128xi32, #tpu.memory_space<vmem>>
          %dma_start3A_757 = tpu.memref_squeeze %dma_start3A_756 : memref<1x1x128xi32, #tpu.memory_space<vmem>> -> memref<128xi32, #tpu.memory_space<vmem>>
          %dma_start3A_758 = arith.constant 0 : i32
          %dma_start3A_759 = arith.constant 0 : i32
          %dma_start3A_760 = tpu.memref_slice %arg9[%dma_start3A_758, %dma_start3A_759] : memref<10240x128xf32, #tpu.memory_space<vmem_shared>> -> memref<10240x128xf32, #tpu.memory_space<vmem_shared>>
          tpu.enqueue_indirect_dma source(%dma_start3A_754 : memref<128x128xf32, #tpu.memory_space<vmem>>) target(%dma_start3A_760 : memref<10240x128xf32, #tpu.memory_space<vmem_shared>>) offsets(%dma_start3A_757 : memref<128xi32, #tpu.memory_space<vmem>>) semaphore(%run_scoped3A_750 : memref<!tpu.dma_semaphore, #tpu.memory_space<semaphore_mem>>) {add = true}
          %dma_wait3A_761 = arith.constant 0 : i32
          %dma_wait3A_762 = arith.constant 0 : i32
          %dma_wait3A_763 = tpu.memref_slice %arg8[%run_scoped3A_497, %dma_wait3A_761, %dma_wait3A_762] : memref<2x128x128xf32, #tpu.memory_space<vmem>> -> memref<1x128x128xf32, #tpu.memory_space<vmem>>
          %dma_wait3A_764 = tpu.memref_squeeze %dma_wait3A_763 : memref<1x128x128xf32, #tpu.memory_space<vmem>> -> memref<128x128xf32, #tpu.memory_space<vmem>>
          %dma_wait3A_765 = arith.constant 0 : i32
          %dma_wait3A_766 = tpu.memref_slice %arg7[%run_scoped3A_498, %run_scoped3A_499, %dma_wait3A_765] : memref<2x8x128xi32, #tpu.memory_space<vmem>> -> memref<1x1x128xi32, #tpu.memory_space<vmem>>
          %dma_wait3A_767 = tpu.memref_squeeze %dma_wait3A_766 : memref<1x1x128xi32, #tpu.memory_space<vmem>> -> memref<128xi32, #tpu.memory_space<vmem>>
          %dma_wait3A_768 = arith.constant 0 : i32
          %dma_wait3A_769 = arith.constant 0 : i32
          %dma_wait3A_770 = tpu.memref_slice %arg9[%dma_wait3A_768, %dma_wait3A_769] : memref<10240x128xf32, #tpu.memory_space<vmem_shared>> -> memref<10240x128xf32, #tpu.memory_space<vmem_shared>>
          tpu.wait_indirect_dma semaphore(%run_scoped3A_750 : memref<!tpu.dma_semaphore, #tpu.memory_space<semaphore_mem>>) src(%dma_wait3A_764 : memref<128x128xf32, #tpu.memory_space<vmem>>) dst(%dma_wait3A_770 : memref<10240x128xf32, #tpu.memory_space<vmem_shared>>)
          tpu.yield
        }) : () -> ()
        %dma_start3A_500 = arith.constant 1 : i32
        %dma_start3A_501 = arith.constant 2 : i32
        %dma_start3A_502 = arith.constant 0 : i32
        %dma_start3A_503 = arith.constant 0 : i32
        %dma_start3A_504 = arith.constant 0 : i32
        %dma_start3A_505 = arith.constant 0 : i32
        %dma_start3A_506 = tpu.memref_slice %arg8[%dma_start3A_502, %dma_start3A_504, %dma_start3A_505] : memref<2x128x128xf32, #tpu.memory_space<vmem>> -> memref<1x128x128xf32, #tpu.memory_space<vmem>>
        %dma_start3A_507 = tpu.memref_squeeze %dma_start3A_506 : memref<1x128x128xf32, #tpu.memory_space<vmem>> -> memref<128x128xf32, #tpu.memory_space<vmem>>
        %dma_start3A_508 = arith.constant 0 : i32
        %dma_start3A_509 = tpu.memref_slice %arg6[%dma_start3A_500, %dma_start3A_501, %dma_start3A_508] : memref<2x8x128xi32, #tpu.memory_space<vmem>> -> memref<1x1x128xi32, #tpu.memory_space<vmem>>
        %dma_start3A_510 = tpu.memref_squeeze %dma_start3A_509 : memref<1x1x128xi32, #tpu.memory_space<vmem>> -> memref<128xi32, #tpu.memory_space<vmem>>
        %dma_start3A_511 = arith.constant 0 : i32
        %dma_start3A_512 = arith.constant 0 : i32
        %dma_start3A_513 = tpu.memref_slice %arg2[%dma_start3A_511, %dma_start3A_512] : memref<10000x128xf32, #tpu.memory_space<hbm>> -> memref<10000x128xf32, #tpu.memory_space<hbm>>
        %dma_start3A_514 = tpu.memref_slice %arg10[%dma_start3A_503] : memref<2x!tpu.dma_semaphore, #tpu.memory_space<semaphore_mem>> -> memref<1x!tpu.dma_semaphore, #tpu.memory_space<semaphore_mem>>
        %dma_start3A_515 = tpu.memref_squeeze %dma_start3A_514 : memref<1x!tpu.dma_semaphore, #tpu.memory_space<semaphore_mem>> -> memref<!tpu.dma_semaphore, #tpu.memory_space<semaphore_mem>>
        tpu.enqueue_indirect_dma source(%dma_start3A_513 : memref<10000x128xf32, #tpu.memory_space<hbm>>) target(%dma_start3A_507 : memref<128x128xf32, #tpu.memory_space<vmem>>) offsets(%dma_start3A_510 : memref<128xi32, #tpu.memory_space<vmem>>) semaphore(%dma_start3A_515 : memref<!tpu.dma_semaphore, #tpu.memory_space<semaphore_mem>>)
        %dma_wait3A_516 = arith.constant 0 : i32
        %dma_wait3A_517 = arith.constant 0 : i32
        %dma_wait3A_518 = arith.constant 1 : i32
        %dma_wait3A_519 = arith.constant 1 : i32
        %dma_wait3A_520 = arith.constant 0 : i32
        %dma_wait3A_521 = arith.constant 0 : i32
        %dma_wait3A_522 = tpu.memref_slice %arg8[%dma_wait3A_518, %dma_wait3A_520, %dma_wait3A_521] : memref<2x128x128xf32, #tpu.memory_space<vmem>> -> memref<1x128x128xf32, #tpu.memory_space<vmem>>
        %dma_wait3A_523 = tpu.memref_squeeze %dma_wait3A_522 : memref<1x128x128xf32, #tpu.memory_space<vmem>> -> memref<128x128xf32, #tpu.memory_space<vmem>>
        %dma_wait3A_524 = arith.constant 0 : i32
        %dma_wait3A_525 = tpu.memref_slice %arg6[%dma_wait3A_516, %dma_wait3A_517, %dma_wait3A_524] : memref<2x8x128xi32, #tpu.memory_space<vmem>> -> memref<1x1x128xi32, #tpu.memory_space<vmem>>
        %dma_wait3A_526 = tpu.memref_squeeze %dma_wait3A_525 : memref<1x1x128xi32, #tpu.memory_space<vmem>> -> memref<128xi32, #tpu.memory_space<vmem>>
        %dma_wait3A_527 = arith.constant 0 : i32
        %dma_wait3A_528 = arith.constant 0 : i32
        %dma_wait3A_529 = tpu.memref_slice %arg2[%dma_wait3A_527, %dma_wait3A_528] : memref<10000x128xf32, #tpu.memory_space<hbm>> -> memref<10000x128xf32, #tpu.memory_space<hbm>>
        %dma_wait3A_530 = tpu.memref_slice %arg10[%dma_wait3A_519] : memref<2x!tpu.dma_semaphore, #tpu.memory_space<semaphore_mem>> -> memref<1x!tpu.dma_semaphore, #tpu.memory_space<semaphore_mem>>
        %dma_wait3A_531 = tpu.memref_squeeze %dma_wait3A_530 : memref<1x!tpu.dma_semaphore, #tpu.memory_space<semaphore_mem>> -> memref<!tpu.dma_semaphore, #tpu.memory_space<semaphore_mem>>
        tpu.wait_indirect_dma semaphore(%dma_wait3A_531 : memref<!tpu.dma_semaphore, #tpu.memory_space<semaphore_mem>>) src(%dma_wait3A_529 : memref<10000x128xf32, #tpu.memory_space<hbm>>) dst(%dma_wait3A_523 : memref<128x128xf32, #tpu.memory_space<vmem>>)
        %run_scoped3A_532 = arith.constant 1 : i32
        %run_scoped3A_533 = arith.constant 1 : i32
        %run_scoped3A_534 = arith.constant 1 : i32
        "tpu.region"() ({
          %run_scoped3A_750 = tpu.sem_alloc : memref<!tpu.dma_semaphore, #tpu.memory_space<semaphore_mem>>
          %dma_start3A_751 = arith.constant 0 : i32
          %dma_start3A_752 = arith.constant 0 : i32
          %dma_start3A_753 = tpu.memref_slice %arg8[%run_scoped3A_532, %dma_start3A_751, %dma_start3A_752] : memref<2x128x128xf32, #tpu.memory_space<vmem>> -> memref<1x128x128xf32, #tpu.memory_space<vmem>>
          %dma_start3A_754 = tpu.memref_squeeze %dma_start3A_753 : memref<1x128x128xf32, #tpu.memory_space<vmem>> -> memref<128x128xf32, #tpu.memory_space<vmem>>
          %dma_start3A_755 = arith.constant 0 : i32
          %dma_start3A_756 = tpu.memref_slice %arg7[%run_scoped3A_533, %run_scoped3A_534, %dma_start3A_755] : memref<2x8x128xi32, #tpu.memory_space<vmem>> -> memref<1x1x128xi32, #tpu.memory_space<vmem>>
          %dma_start3A_757 = tpu.memref_squeeze %dma_start3A_756 : memref<1x1x128xi32, #tpu.memory_space<vmem>> -> memref<128xi32, #tpu.memory_space<vmem>>
          %dma_start3A_758 = arith.constant 0 : i32
          %dma_start3A_759 = arith.constant 0 : i32
          %dma_start3A_760 = tpu.memref_slice %arg9[%dma_start3A_758, %dma_start3A_759] : memref<10240x128xf32, #tpu.memory_space<vmem_shared>> -> memref<10240x128xf32, #tpu.memory_space<vmem_shared>>
          tpu.enqueue_indirect_dma source(%dma_start3A_754 : memref<128x128xf32, #tpu.memory_space<vmem>>) target(%dma_start3A_760 : memref<10240x128xf32, #tpu.memory_space<vmem_shared>>) offsets(%dma_start3A_757 : memref<128xi32, #tpu.memory_space<vmem>>) semaphore(%run_scoped3A_750 : memref<!tpu.dma_semaphore, #tpu.memory_space<semaphore_mem>>) {add = true}
          %dma_wait3A_761 = arith.constant 0 : i32
          %dma_wait3A_762 = arith.constant 0 : i32
          %dma_wait3A_763 = tpu.memref_slice %arg8[%run_scoped3A_532, %dma_wait3A_761, %dma_wait3A_762] : memref<2x128x128xf32, #tpu.memory_space<vmem>> -> memref<1x128x128xf32, #tpu.memory_space<vmem>>
          %dma_wait3A_764 = tpu.memref_squeeze %dma_wait3A_763 : memref<1x128x128xf32, #tpu.memory_space<vmem>> -> memref<128x128xf32, #tpu.memory_space<vmem>>
          %dma_wait3A_765 = arith.constant 0 : i32
          %dma_wait3A_766 = tpu.memref_slice %arg7[%run_scoped3A_533, %run_scoped3A_534, %dma_wait3A_765] : memref<2x8x128xi32, #tpu.memory_space<vmem>> -> memref<1x1x128xi32, #tpu.memory_space<vmem>>
          %dma_wait3A_767 = tpu.memref_squeeze %dma_wait3A_766 : memref<1x1x128xi32, #tpu.memory_space<vmem>> -> memref<128xi32, #tpu.memory_space<vmem>>
          %dma_wait3A_768 = arith.constant 0 : i32
          %dma_wait3A_769 = arith.constant 0 : i32
          %dma_wait3A_770 = tpu.memref_slice %arg9[%dma_wait3A_768, %dma_wait3A_769] : memref<10240x128xf32, #tpu.memory_space<vmem_shared>> -> memref<10240x128xf32, #tpu.memory_space<vmem_shared>>
          tpu.wait_indirect_dma semaphore(%run_scoped3A_750 : memref<!tpu.dma_semaphore, #tpu.memory_space<semaphore_mem>>) src(%dma_wait3A_764 : memref<128x128xf32, #tpu.memory_space<vmem>>) dst(%dma_wait3A_770 : memref<10240x128xf32, #tpu.memory_space<vmem_shared>>)
          tpu.yield
        }) : () -> ()
        %dma_start3A_535 = arith.constant 1 : i32
        %dma_start3A_536 = arith.constant 3 : i32
        %dma_start3A_537 = arith.constant 1 : i32
        %dma_start3A_538 = arith.constant 1 : i32
        %dma_start3A_539 = arith.constant 0 : i32
        %dma_start3A_540 = arith.constant 0 : i32
        %dma_start3A_541 = tpu.memref_slice %arg8[%dma_start3A_537, %dma_start3A_539, %dma_start3A_540] : memref<2x128x128xf32, #tpu.memory_space<vmem>> -> memref<1x128x128xf32, #tpu.memory_space<vmem>>
        %dma_start3A_542 = tpu.memref_squeeze %dma_start3A_541 : memref<1x128x128xf32, #tpu.memory_space<vmem>> -> memref<128x128xf32, #tpu.memory_space<vmem>>
        %dma_start3A_543 = arith.constant 0 : i32
        %dma_start3A_544 = tpu.memref_slice %arg6[%dma_start3A_535, %dma_start3A_536, %dma_start3A_543] : memref<2x8x128xi32, #tpu.memory_space<vmem>> -> memref<1x1x128xi32, #tpu.memory_space<vmem>>
        %dma_start3A_545 = tpu.memref_squeeze %dma_start3A_544 : memref<1x1x128xi32, #tpu.memory_space<vmem>> -> memref<128xi32, #tpu.memory_space<vmem>>
        %dma_start3A_546 = arith.constant 0 : i32
        %dma_start3A_547 = arith.constant 0 : i32
        %dma_start3A_548 = tpu.memref_slice %arg2[%dma_start3A_546, %dma_start3A_547] : memref<10000x128xf32, #tpu.memory_space<hbm>> -> memref<10000x128xf32, #tpu.memory_space<hbm>>
        %dma_start3A_549 = tpu.memref_slice %arg10[%dma_start3A_538] : memref<2x!tpu.dma_semaphore, #tpu.memory_space<semaphore_mem>> -> memref<1x!tpu.dma_semaphore, #tpu.memory_space<semaphore_mem>>
        %dma_start3A_550 = tpu.memref_squeeze %dma_start3A_549 : memref<1x!tpu.dma_semaphore, #tpu.memory_space<semaphore_mem>> -> memref<!tpu.dma_semaphore, #tpu.memory_space<semaphore_mem>>
        tpu.enqueue_indirect_dma source(%dma_start3A_548 : memref<10000x128xf32, #tpu.memory_space<hbm>>) target(%dma_start3A_542 : memref<128x128xf32, #tpu.memory_space<vmem>>) offsets(%dma_start3A_545 : memref<128xi32, #tpu.memory_space<vmem>>) semaphore(%dma_start3A_550 : memref<!tpu.dma_semaphore, #tpu.memory_space<semaphore_mem>>)
        %dma_wait3A_551 = arith.constant 0 : i32
        %dma_wait3A_552 = arith.constant 0 : i32
        %dma_wait3A_553 = arith.constant 0 : i32
        %dma_wait3A_554 = arith.constant 0 : i32
        %dma_wait3A_555 = arith.constant 0 : i32
        %dma_wait3A_556 = arith.constant 0 : i32
        %dma_wait3A_557 = tpu.memref_slice %arg8[%dma_wait3A_553, %dma_wait3A_555, %dma_wait3A_556] : memref<2x128x128xf32, #tpu.memory_space<vmem>> -> memref<1x128x128xf32, #tpu.memory_space<vmem>>
        %dma_wait3A_558 = tpu.memref_squeeze %dma_wait3A_557 : memref<1x128x128xf32, #tpu.memory_space<vmem>> -> memref<128x128xf32, #tpu.memory_space<vmem>>
        %dma_wait3A_559 = arith.constant 0 : i32
        %dma_wait3A_560 = tpu.memref_slice %arg6[%dma_wait3A_551, %dma_wait3A_552, %dma_wait3A_559] : memref<2x8x128xi32, #tpu.memory_space<vmem>> -> memref<1x1x128xi32, #tpu.memory_space<vmem>>
        %dma_wait3A_561 = tpu.memref_squeeze %dma_wait3A_560 : memref<1x1x128xi32, #tpu.memory_space<vmem>> -> memref<128xi32, #tpu.memory_space<vmem>>
        %dma_wait3A_562 = arith.constant 0 : i32
        %dma_wait3A_563 = arith.constant 0 : i32
        %dma_wait3A_564 = tpu.memref_slice %arg2[%dma_wait3A_562, %dma_wait3A_563] : memref<10000x128xf32, #tpu.memory_space<hbm>> -> memref<10000x128xf32, #tpu.memory_space<hbm>>
        %dma_wait3A_565 = tpu.memref_slice %arg10[%dma_wait3A_554] : memref<2x!tpu.dma_semaphore, #tpu.memory_space<semaphore_mem>> -> memref<1x!tpu.dma_semaphore, #tpu.memory_space<semaphore_mem>>
        %dma_wait3A_566 = tpu.memref_squeeze %dma_wait3A_565 : memref<1x!tpu.dma_semaphore, #tpu.memory_space<semaphore_mem>> -> memref<!tpu.dma_semaphore, #tpu.memory_space<semaphore_mem>>
        tpu.wait_indirect_dma semaphore(%dma_wait3A_566 : memref<!tpu.dma_semaphore, #tpu.memory_space<semaphore_mem>>) src(%dma_wait3A_564 : memref<10000x128xf32, #tpu.memory_space<hbm>>) dst(%dma_wait3A_558 : memref<128x128xf32, #tpu.memory_space<vmem>>)
        %run_scoped3A_567 = arith.constant 0 : i32
        %run_scoped3A_568 = arith.constant 1 : i32
        %run_scoped3A_569 = arith.constant 2 : i32
        "tpu.region"() ({
          %run_scoped3A_750 = tpu.sem_alloc : memref<!tpu.dma_semaphore, #tpu.memory_space<semaphore_mem>>
          %dma_start3A_751 = arith.constant 0 : i32
          %dma_start3A_752 = arith.constant 0 : i32
          %dma_start3A_753 = tpu.memref_slice %arg8[%run_scoped3A_567, %dma_start3A_751, %dma_start3A_752] : memref<2x128x128xf32, #tpu.memory_space<vmem>> -> memref<1x128x128xf32, #tpu.memory_space<vmem>>
          %dma_start3A_754 = tpu.memref_squeeze %dma_start3A_753 : memref<1x128x128xf32, #tpu.memory_space<vmem>> -> memref<128x128xf32, #tpu.memory_space<vmem>>
          %dma_start3A_755 = arith.constant 0 : i32
          %dma_start3A_756 = tpu.memref_slice %arg7[%run_scoped3A_568, %run_scoped3A_569, %dma_start3A_755] : memref<2x8x128xi32, #tpu.memory_space<vmem>> -> memref<1x1x128xi32, #tpu.memory_space<vmem>>
          %dma_start3A_757 = tpu.memref_squeeze %dma_start3A_756 : memref<1x1x128xi32, #tpu.memory_space<vmem>> -> memref<128xi32, #tpu.memory_space<vmem>>
          %dma_start3A_758 = arith.constant 0 : i32
          %dma_start3A_759 = arith.constant 0 : i32
          %dma_start3A_760 = tpu.memref_slice %arg9[%dma_start3A_758, %dma_start3A_759] : memref<10240x128xf32, #tpu.memory_space<vmem_shared>> -> memref<10240x128xf32, #tpu.memory_space<vmem_shared>>
          tpu.enqueue_indirect_dma source(%dma_start3A_754 : memref<128x128xf32, #tpu.memory_space<vmem>>) target(%dma_start3A_760 : memref<10240x128xf32, #tpu.memory_space<vmem_shared>>) offsets(%dma_start3A_757 : memref<128xi32, #tpu.memory_space<vmem>>) semaphore(%run_scoped3A_750 : memref<!tpu.dma_semaphore, #tpu.memory_space<semaphore_mem>>) {add = true}
          %dma_wait3A_761 = arith.constant 0 : i32
          %dma_wait3A_762 = arith.constant 0 : i32
          %dma_wait3A_763 = tpu.memref_slice %arg8[%run_scoped3A_567, %dma_wait3A_761, %dma_wait3A_762] : memref<2x128x128xf32, #tpu.memory_space<vmem>> -> memref<1x128x128xf32, #tpu.memory_space<vmem>>
          %dma_wait3A_764 = tpu.memref_squeeze %dma_wait3A_763 : memref<1x128x128xf32, #tpu.memory_space<vmem>> -> memref<128x128xf32, #tpu.memory_space<vmem>>
          %dma_wait3A_765 = arith.constant 0 : i32
          %dma_wait3A_766 = tpu.memref_slice %arg7[%run_scoped3A_568, %run_scoped3A_569, %dma_wait3A_765] : memref<2x8x128xi32, #tpu.memory_space<vmem>> -> memref<1x1x128xi32, #tpu.memory_space<vmem>>
          %dma_wait3A_767 = tpu.memref_squeeze %dma_wait3A_766 : memref<1x1x128xi32, #tpu.memory_space<vmem>> -> memref<128xi32, #tpu.memory_space<vmem>>
          %dma_wait3A_768 = arith.constant 0 : i32
          %dma_wait3A_769 = arith.constant 0 : i32
          %dma_wait3A_770 = tpu.memref_slice %arg9[%dma_wait3A_768, %dma_wait3A_769] : memref<10240x128xf32, #tpu.memory_space<vmem_shared>> -> memref<10240x128xf32, #tpu.memory_space<vmem_shared>>
          tpu.wait_indirect_dma semaphore(%run_scoped3A_750 : memref<!tpu.dma_semaphore, #tpu.memory_space<semaphore_mem>>) src(%dma_wait3A_764 : memref<128x128xf32, #tpu.memory_space<vmem>>) dst(%dma_wait3A_770 : memref<10240x128xf32, #tpu.memory_space<vmem_shared>>)
          tpu.yield
        }) : () -> ()
        %dma_start3A_570 = arith.constant 1 : i32
        %dma_start3A_571 = arith.constant 4 : i32
        %dma_start3A_572 = arith.constant 0 : i32
        %dma_start3A_573 = arith.constant 0 : i32
        %dma_start3A_574 = arith.constant 0 : i32
        %dma_start3A_575 = arith.constant 0 : i32
        %dma_start3A_576 = tpu.memref_slice %arg8[%dma_start3A_572, %dma_start3A_574, %dma_start3A_575] : memref<2x128x128xf32, #tpu.memory_space<vmem>> -> memref<1x128x128xf32, #tpu.memory_space<vmem>>
        %dma_start3A_577 = tpu.memref_squeeze %dma_start3A_576 : memref<1x128x128xf32, #tpu.memory_space<vmem>> -> memref<128x128xf32, #tpu.memory_space<vmem>>
        %dma_start3A_578 = arith.constant 0 : i32
        %dma_start3A_579 = tpu.memref_slice %arg6[%dma_start3A_570, %dma_start3A_571, %dma_start3A_578] : memref<2x8x128xi32, #tpu.memory_space<vmem>> -> memref<1x1x128xi32, #tpu.memory_space<vmem>>
        %dma_start3A_580 = tpu.memref_squeeze %dma_start3A_579 : memref<1x1x128xi32, #tpu.memory_space<vmem>> -> memref<128xi32, #tpu.memory_space<vmem>>
        %dma_start3A_581 = arith.constant 0 : i32
        %dma_start3A_582 = arith.constant 0 : i32
        %dma_start3A_583 = tpu.memref_slice %arg2[%dma_start3A_581, %dma_start3A_582] : memref<10000x128xf32, #tpu.memory_space<hbm>> -> memref<10000x128xf32, #tpu.memory_space<hbm>>
        %dma_start3A_584 = tpu.memref_slice %arg10[%dma_start3A_573] : memref<2x!tpu.dma_semaphore, #tpu.memory_space<semaphore_mem>> -> memref<1x!tpu.dma_semaphore, #tpu.memory_space<semaphore_mem>>
        %dma_start3A_585 = tpu.memref_squeeze %dma_start3A_584 : memref<1x!tpu.dma_semaphore, #tpu.memory_space<semaphore_mem>> -> memref<!tpu.dma_semaphore, #tpu.memory_space<semaphore_mem>>
        tpu.enqueue_indirect_dma source(%dma_start3A_583 : memref<10000x128xf32, #tpu.memory_space<hbm>>) target(%dma_start3A_577 : memref<128x128xf32, #tpu.memory_space<vmem>>) offsets(%dma_start3A_580 : memref<128xi32, #tpu.memory_space<vmem>>) semaphore(%dma_start3A_585 : memref<!tpu.dma_semaphore, #tpu.memory_space<semaphore_mem>>)
        %dma_wait3A_586 = arith.constant 0 : i32
        %dma_wait3A_587 = arith.constant 0 : i32
        %dma_wait3A_588 = arith.constant 1 : i32
        %dma_wait3A_589 = arith.constant 1 : i32
        %dma_wait3A_590 = arith.constant 0 : i32
        %dma_wait3A_591 = arith.constant 0 : i32
        %dma_wait3A_592 = tpu.memref_slice %arg8[%dma_wait3A_588, %dma_wait3A_590, %dma_wait3A_591] : memref<2x128x128xf32, #tpu.memory_space<vmem>> -> memref<1x128x128xf32, #tpu.memory_space<vmem>>
        %dma_wait3A_593 = tpu.memref_squeeze %dma_wait3A_592 : memref<1x128x128xf32, #tpu.memory_space<vmem>> -> memref<128x128xf32, #tpu.memory_space<vmem>>
        %dma_wait3A_594 = arith.constant 0 : i32
        %dma_wait3A_595 = tpu.memref_slice %arg6[%dma_wait3A_586, %dma_wait3A_587, %dma_wait3A_594] : memref<2x8x128xi32, #tpu.memory_space<vmem>> -> memref<1x1x128xi32, #tpu.memory_space<vmem>>
        %dma_wait3A_596 = tpu.memref_squeeze %dma_wait3A_595 : memref<1x1x128xi32, #tpu.memory_space<vmem>> -> memref<128xi32, #tpu.memory_space<vmem>>
        %dma_wait3A_597 = arith.constant 0 : i32
        %dma_wait3A_598 = arith.constant 0 : i32
        %dma_wait3A_599 = tpu.memref_slice %arg2[%dma_wait3A_597, %dma_wait3A_598] : memref<10000x128xf32, #tpu.memory_space<hbm>> -> memref<10000x128xf32, #tpu.memory_space<hbm>>
        %dma_wait3A_600 = tpu.memref_slice %arg10[%dma_wait3A_589] : memref<2x!tpu.dma_semaphore, #tpu.memory_space<semaphore_mem>> -> memref<1x!tpu.dma_semaphore, #tpu.memory_space<semaphore_mem>>
        %dma_wait3A_601 = tpu.memref_squeeze %dma_wait3A_600 : memref<1x!tpu.dma_semaphore, #tpu.memory_space<semaphore_mem>> -> memref<!tpu.dma_semaphore, #tpu.memory_space<semaphore_mem>>
        tpu.wait_indirect_dma semaphore(%dma_wait3A_601 : memref<!tpu.dma_semaphore, #tpu.memory_space<semaphore_mem>>) src(%dma_wait3A_599 : memref<10000x128xf32, #tpu.memory_space<hbm>>) dst(%dma_wait3A_593 : memref<128x128xf32, #tpu.memory_space<vmem>>)
        %run_scoped3A_602 = arith.constant 1 : i32
        %run_scoped3A_603 = arith.constant 1 : i32
        %run_scoped3A_604 = arith.constant 3 : i32
        "tpu.region"() ({
          %run_scoped3A_750 = tpu.sem_alloc : memref<!tpu.dma_semaphore, #tpu.memory_space<semaphore_mem>>
          %dma_start3A_751 = arith.constant 0 : i32
          %dma_start3A_752 = arith.constant 0 : i32
          %dma_start3A_753 = tpu.memref_slice %arg8[%run_scoped3A_602, %dma_start3A_751, %dma_start3A_752] : memref<2x128x128xf32, #tpu.memory_space<vmem>> -> memref<1x128x128xf32, #tpu.memory_space<vmem>>
          %dma_start3A_754 = tpu.memref_squeeze %dma_start3A_753 : memref<1x128x128xf32, #tpu.memory_space<vmem>> -> memref<128x128xf32, #tpu.memory_space<vmem>>
          %dma_start3A_755 = arith.constant 0 : i32
          %dma_start3A_756 = tpu.memref_slice %arg7[%run_scoped3A_603, %run_scoped3A_604, %dma_start3A_755] : memref<2x8x128xi32, #tpu.memory_space<vmem>> -> memref<1x1x128xi32, #tpu.memory_space<vmem>>
          %dma_start3A_757 = tpu.memref_squeeze %dma_start3A_756 : memref<1x1x128xi32, #tpu.memory_space<vmem>> -> memref<128xi32, #tpu.memory_space<vmem>>
          %dma_start3A_758 = arith.constant 0 : i32
          %dma_start3A_759 = arith.constant 0 : i32
          %dma_start3A_760 = tpu.memref_slice %arg9[%dma_start3A_758, %dma_start3A_759] : memref<10240x128xf32, #tpu.memory_space<vmem_shared>> -> memref<10240x128xf32, #tpu.memory_space<vmem_shared>>
          tpu.enqueue_indirect_dma source(%dma_start3A_754 : memref<128x128xf32, #tpu.memory_space<vmem>>) target(%dma_start3A_760 : memref<10240x128xf32, #tpu.memory_space<vmem_shared>>) offsets(%dma_start3A_757 : memref<128xi32, #tpu.memory_space<vmem>>) semaphore(%run_scoped3A_750 : memref<!tpu.dma_semaphore, #tpu.memory_space<semaphore_mem>>) {add = true}
          %dma_wait3A_761 = arith.constant 0 : i32
          %dma_wait3A_762 = arith.constant 0 : i32
          %dma_wait3A_763 = tpu.memref_slice %arg8[%run_scoped3A_602, %dma_wait3A_761, %dma_wait3A_762] : memref<2x128x128xf32, #tpu.memory_space<vmem>> -> memref<1x128x128xf32, #tpu.memory_space<vmem>>
          %dma_wait3A_764 = tpu.memref_squeeze %dma_wait3A_763 : memref<1x128x128xf32, #tpu.memory_space<vmem>> -> memref<128x128xf32, #tpu.memory_space<vmem>>
          %dma_wait3A_765 = arith.constant 0 : i32
          %dma_wait3A_766 = tpu.memref_slice %arg7[%run_scoped3A_603, %run_scoped3A_604, %dma_wait3A_765] : memref<2x8x128xi32, #tpu.memory_space<vmem>> -> memref<1x1x128xi32, #tpu.memory_space<vmem>>
          %dma_wait3A_767 = tpu.memref_squeeze %dma_wait3A_766 : memref<1x1x128xi32, #tpu.memory_space<vmem>> -> memref<128xi32, #tpu.memory_space<vmem>>
          %dma_wait3A_768 = arith.constant 0 : i32
          %dma_wait3A_769 = arith.constant 0 : i32
          %dma_wait3A_770 = tpu.memref_slice %arg9[%dma_wait3A_768, %dma_wait3A_769] : memref<10240x128xf32, #tpu.memory_space<vmem_shared>> -> memref<10240x128xf32, #tpu.memory_space<vmem_shared>>
          tpu.wait_indirect_dma semaphore(%run_scoped3A_750 : memref<!tpu.dma_semaphore, #tpu.memory_space<semaphore_mem>>) src(%dma_wait3A_764 : memref<128x128xf32, #tpu.memory_space<vmem>>) dst(%dma_wait3A_770 : memref<10240x128xf32, #tpu.memory_space<vmem_shared>>)
          tpu.yield
        }) : () -> ()
        %dma_start3A_605 = arith.constant 1 : i32
        %dma_start3A_606 = arith.constant 5 : i32
        %dma_start3A_607 = arith.constant 1 : i32
        %dma_start3A_608 = arith.constant 1 : i32
        %dma_start3A_609 = arith.constant 0 : i32
        %dma_start3A_610 = arith.constant 0 : i32
        %dma_start3A_611 = tpu.memref_slice %arg8[%dma_start3A_607, %dma_start3A_609, %dma_start3A_610] : memref<2x128x128xf32, #tpu.memory_space<vmem>> -> memref<1x128x128xf32, #tpu.memory_space<vmem>>
        %dma_start3A_612 = tpu.memref_squeeze %dma_start3A_611 : memref<1x128x128xf32, #tpu.memory_space<vmem>> -> memref<128x128xf32, #tpu.memory_space<vmem>>
        %dma_start3A_613 = arith.constant 0 : i32
        %dma_start3A_614 = tpu.memref_slice %arg6[%dma_start3A_605, %dma_start3A_606, %dma_start3A_613] : memref<2x8x128xi32, #tpu.memory_space<vmem>> -> memref<1x1x128xi32, #tpu.memory_space<vmem>>
        %dma_start3A_615 = tpu.memref_squeeze %dma_start3A_614 : memref<1x1x128xi32, #tpu.memory_space<vmem>> -> memref<128xi32, #tpu.memory_space<vmem>>
        %dma_start3A_616 = arith.constant 0 : i32
        %dma_start3A_617 = arith.constant 0 : i32
        %dma_start3A_618 = tpu.memref_slice %arg2[%dma_start3A_616, %dma_start3A_617] : memref<10000x128xf32, #tpu.memory_space<hbm>> -> memref<10000x128xf32, #tpu.memory_space<hbm>>
        %dma_start3A_619 = tpu.memref_slice %arg10[%dma_start3A_608] : memref<2x!tpu.dma_semaphore, #tpu.memory_space<semaphore_mem>> -> memref<1x!tpu.dma_semaphore, #tpu.memory_space<semaphore_mem>>
        %dma_start3A_620 = tpu.memref_squeeze %dma_start3A_619 : memref<1x!tpu.dma_semaphore, #tpu.memory_space<semaphore_mem>> -> memref<!tpu.dma_semaphore, #tpu.memory_space<semaphore_mem>>
        tpu.enqueue_indirect_dma source(%dma_start3A_618 : memref<10000x128xf32, #tpu.memory_space<hbm>>) target(%dma_start3A_612 : memref<128x128xf32, #tpu.memory_space<vmem>>) offsets(%dma_start3A_615 : memref<128xi32, #tpu.memory_space<vmem>>) semaphore(%dma_start3A_620 : memref<!tpu.dma_semaphore, #tpu.memory_space<semaphore_mem>>)
        %dma_wait3A_621 = arith.constant 0 : i32
        %dma_wait3A_622 = arith.constant 0 : i32
        %dma_wait3A_623 = arith.constant 0 : i32
        %dma_wait3A_624 = arith.constant 0 : i32
        %dma_wait3A_625 = arith.constant 0 : i32
        %dma_wait3A_626 = arith.constant 0 : i32
        %dma_wait3A_627 = tpu.memref_slice %arg8[%dma_wait3A_623, %dma_wait3A_625, %dma_wait3A_626] : memref<2x128x128xf32, #tpu.memory_space<vmem>> -> memref<1x128x128xf32, #tpu.memory_space<vmem>>
        %dma_wait3A_628 = tpu.memref_squeeze %dma_wait3A_627 : memref<1x128x128xf32, #tpu.memory_space<vmem>> -> memref<128x128xf32, #tpu.memory_space<vmem>>
        %dma_wait3A_629 = arith.constant 0 : i32
        %dma_wait3A_630 = tpu.memref_slice %arg6[%dma_wait3A_621, %dma_wait3A_622, %dma_wait3A_629] : memref<2x8x128xi32, #tpu.memory_space<vmem>> -> memref<1x1x128xi32, #tpu.memory_space<vmem>>
        %dma_wait3A_631 = tpu.memref_squeeze %dma_wait3A_630 : memref<1x1x128xi32, #tpu.memory_space<vmem>> -> memref<128xi32, #tpu.memory_space<vmem>>
        %dma_wait3A_632 = arith.constant 0 : i32
        %dma_wait3A_633 = arith.constant 0 : i32
        %dma_wait3A_634 = tpu.memref_slice %arg2[%dma_wait3A_632, %dma_wait3A_633] : memref<10000x128xf32, #tpu.memory_space<hbm>> -> memref<10000x128xf32, #tpu.memory_space<hbm>>
        %dma_wait3A_635 = tpu.memref_slice %arg10[%dma_wait3A_624] : memref<2x!tpu.dma_semaphore, #tpu.memory_space<semaphore_mem>> -> memref<1x!tpu.dma_semaphore, #tpu.memory_space<semaphore_mem>>
        %dma_wait3A_636 = tpu.memref_squeeze %dma_wait3A_635 : memref<1x!tpu.dma_semaphore, #tpu.memory_space<semaphore_mem>> -> memref<!tpu.dma_semaphore, #tpu.memory_space<semaphore_mem>>
        tpu.wait_indirect_dma semaphore(%dma_wait3A_636 : memref<!tpu.dma_semaphore, #tpu.memory_space<semaphore_mem>>) src(%dma_wait3A_634 : memref<10000x128xf32, #tpu.memory_space<hbm>>) dst(%dma_wait3A_628 : memref<128x128xf32, #tpu.memory_space<vmem>>)
        %run_scoped3A_637 = arith.constant 0 : i32
        %run_scoped3A_638 = arith.constant 1 : i32
        %run_scoped3A_639 = arith.constant 4 : i32
        "tpu.region"() ({
          %run_scoped3A_750 = tpu.sem_alloc : memref<!tpu.dma_semaphore, #tpu.memory_space<semaphore_mem>>
          %dma_start3A_751 = arith.constant 0 : i32
          %dma_start3A_752 = arith.constant 0 : i32
          %dma_start3A_753 = tpu.memref_slice %arg8[%run_scoped3A_637, %dma_start3A_751, %dma_start3A_752] : memref<2x128x128xf32, #tpu.memory_space<vmem>> -> memref<1x128x128xf32, #tpu.memory_space<vmem>>
          %dma_start3A_754 = tpu.memref_squeeze %dma_start3A_753 : memref<1x128x128xf32, #tpu.memory_space<vmem>> -> memref<128x128xf32, #tpu.memory_space<vmem>>
          %dma_start3A_755 = arith.constant 0 : i32
          %dma_start3A_756 = tpu.memref_slice %arg7[%run_scoped3A_638, %run_scoped3A_639, %dma_start3A_755] : memref<2x8x128xi32, #tpu.memory_space<vmem>> -> memref<1x1x128xi32, #tpu.memory_space<vmem>>
          %dma_start3A_757 = tpu.memref_squeeze %dma_start3A_756 : memref<1x1x128xi32, #tpu.memory_space<vmem>> -> memref<128xi32, #tpu.memory_space<vmem>>
          %dma_start3A_758 = arith.constant 0 : i32
          %dma_start3A_759 = arith.constant 0 : i32
          %dma_start3A_760 = tpu.memref_slice %arg9[%dma_start3A_758, %dma_start3A_759] : memref<10240x128xf32, #tpu.memory_space<vmem_shared>> -> memref<10240x128xf32, #tpu.memory_space<vmem_shared>>
          tpu.enqueue_indirect_dma source(%dma_start3A_754 : memref<128x128xf32, #tpu.memory_space<vmem>>) target(%dma_start3A_760 : memref<10240x128xf32, #tpu.memory_space<vmem_shared>>) offsets(%dma_start3A_757 : memref<128xi32, #tpu.memory_space<vmem>>) semaphore(%run_scoped3A_750 : memref<!tpu.dma_semaphore, #tpu.memory_space<semaphore_mem>>) {add = true}
          %dma_wait3A_761 = arith.constant 0 : i32
          %dma_wait3A_762 = arith.constant 0 : i32
          %dma_wait3A_763 = tpu.memref_slice %arg8[%run_scoped3A_637, %dma_wait3A_761, %dma_wait3A_762] : memref<2x128x128xf32, #tpu.memory_space<vmem>> -> memref<1x128x128xf32, #tpu.memory_space<vmem>>
          %dma_wait3A_764 = tpu.memref_squeeze %dma_wait3A_763 : memref<1x128x128xf32, #tpu.memory_space<vmem>> -> memref<128x128xf32, #tpu.memory_space<vmem>>
          %dma_wait3A_765 = arith.constant 0 : i32
          %dma_wait3A_766 = tpu.memref_slice %arg7[%run_scoped3A_638, %run_scoped3A_639, %dma_wait3A_765] : memref<2x8x128xi32, #tpu.memory_space<vmem>> -> memref<1x1x128xi32, #tpu.memory_space<vmem>>
          %dma_wait3A_767 = tpu.memref_squeeze %dma_wait3A_766 : memref<1x1x128xi32, #tpu.memory_space<vmem>> -> memref<128xi32, #tpu.memory_space<vmem>>
          %dma_wait3A_768 = arith.constant 0 : i32
          %dma_wait3A_769 = arith.constant 0 : i32
          %dma_wait3A_770 = tpu.memref_slice %arg9[%dma_wait3A_768, %dma_wait3A_769] : memref<10240x128xf32, #tpu.memory_space<vmem_shared>> -> memref<10240x128xf32, #tpu.memory_space<vmem_shared>>
          tpu.wait_indirect_dma semaphore(%run_scoped3A_750 : memref<!tpu.dma_semaphore, #tpu.memory_space<semaphore_mem>>) src(%dma_wait3A_764 : memref<128x128xf32, #tpu.memory_space<vmem>>) dst(%dma_wait3A_770 : memref<10240x128xf32, #tpu.memory_space<vmem_shared>>)
          tpu.yield
        }) : () -> ()
        %dma_start3A_640 = arith.constant 1 : i32
        %dma_start3A_641 = arith.constant 6 : i32
        %dma_start3A_642 = arith.constant 0 : i32
        %dma_start3A_643 = arith.constant 0 : i32
        %dma_start3A_644 = arith.constant 0 : i32
        %dma_start3A_645 = arith.constant 0 : i32
        %dma_start3A_646 = tpu.memref_slice %arg8[%dma_start3A_642, %dma_start3A_644, %dma_start3A_645] : memref<2x128x128xf32, #tpu.memory_space<vmem>> -> memref<1x128x128xf32, #tpu.memory_space<vmem>>
        %dma_start3A_647 = tpu.memref_squeeze %dma_start3A_646 : memref<1x128x128xf32, #tpu.memory_space<vmem>> -> memref<128x128xf32, #tpu.memory_space<vmem>>
        %dma_start3A_648 = arith.constant 0 : i32
        %dma_start3A_649 = tpu.memref_slice %arg6[%dma_start3A_640, %dma_start3A_641, %dma_start3A_648] : memref<2x8x128xi32, #tpu.memory_space<vmem>> -> memref<1x1x128xi32, #tpu.memory_space<vmem>>
        %dma_start3A_650 = tpu.memref_squeeze %dma_start3A_649 : memref<1x1x128xi32, #tpu.memory_space<vmem>> -> memref<128xi32, #tpu.memory_space<vmem>>
        %dma_start3A_651 = arith.constant 0 : i32
        %dma_start3A_652 = arith.constant 0 : i32
        %dma_start3A_653 = tpu.memref_slice %arg2[%dma_start3A_651, %dma_start3A_652] : memref<10000x128xf32, #tpu.memory_space<hbm>> -> memref<10000x128xf32, #tpu.memory_space<hbm>>
        %dma_start3A_654 = tpu.memref_slice %arg10[%dma_start3A_643] : memref<2x!tpu.dma_semaphore, #tpu.memory_space<semaphore_mem>> -> memref<1x!tpu.dma_semaphore, #tpu.memory_space<semaphore_mem>>
        %dma_start3A_655 = tpu.memref_squeeze %dma_start3A_654 : memref<1x!tpu.dma_semaphore, #tpu.memory_space<semaphore_mem>> -> memref<!tpu.dma_semaphore, #tpu.memory_space<semaphore_mem>>
        tpu.enqueue_indirect_dma source(%dma_start3A_653 : memref<10000x128xf32, #tpu.memory_space<hbm>>) target(%dma_start3A_647 : memref<128x128xf32, #tpu.memory_space<vmem>>) offsets(%dma_start3A_650 : memref<128xi32, #tpu.memory_space<vmem>>) semaphore(%dma_start3A_655 : memref<!tpu.dma_semaphore, #tpu.memory_space<semaphore_mem>>)
        %dma_wait3A_656 = arith.constant 0 : i32
        %dma_wait3A_657 = arith.constant 0 : i32
        %dma_wait3A_658 = arith.constant 1 : i32
        %dma_wait3A_659 = arith.constant 1 : i32
        %dma_wait3A_660 = arith.constant 0 : i32
        %dma_wait3A_661 = arith.constant 0 : i32
        %dma_wait3A_662 = tpu.memref_slice %arg8[%dma_wait3A_658, %dma_wait3A_660, %dma_wait3A_661] : memref<2x128x128xf32, #tpu.memory_space<vmem>> -> memref<1x128x128xf32, #tpu.memory_space<vmem>>
        %dma_wait3A_663 = tpu.memref_squeeze %dma_wait3A_662 : memref<1x128x128xf32, #tpu.memory_space<vmem>> -> memref<128x128xf32, #tpu.memory_space<vmem>>
        %dma_wait3A_664 = arith.constant 0 : i32
        %dma_wait3A_665 = tpu.memref_slice %arg6[%dma_wait3A_656, %dma_wait3A_657, %dma_wait3A_664] : memref<2x8x128xi32, #tpu.memory_space<vmem>> -> memref<1x1x128xi32, #tpu.memory_space<vmem>>
        %dma_wait3A_666 = tpu.memref_squeeze %dma_wait3A_665 : memref<1x1x128xi32, #tpu.memory_space<vmem>> -> memref<128xi32, #tpu.memory_space<vmem>>
        %dma_wait3A_667 = arith.constant 0 : i32
        %dma_wait3A_668 = arith.constant 0 : i32
        %dma_wait3A_669 = tpu.memref_slice %arg2[%dma_wait3A_667, %dma_wait3A_668] : memref<10000x128xf32, #tpu.memory_space<hbm>> -> memref<10000x128xf32, #tpu.memory_space<hbm>>
        %dma_wait3A_670 = tpu.memref_slice %arg10[%dma_wait3A_659] : memref<2x!tpu.dma_semaphore, #tpu.memory_space<semaphore_mem>> -> memref<1x!tpu.dma_semaphore, #tpu.memory_space<semaphore_mem>>
        %dma_wait3A_671 = tpu.memref_squeeze %dma_wait3A_670 : memref<1x!tpu.dma_semaphore, #tpu.memory_space<semaphore_mem>> -> memref<!tpu.dma_semaphore, #tpu.memory_space<semaphore_mem>>
        tpu.wait_indirect_dma semaphore(%dma_wait3A_671 : memref<!tpu.dma_semaphore, #tpu.memory_space<semaphore_mem>>) src(%dma_wait3A_669 : memref<10000x128xf32, #tpu.memory_space<hbm>>) dst(%dma_wait3A_663 : memref<128x128xf32, #tpu.memory_space<vmem>>)
        %run_scoped3A_672 = arith.constant 1 : i32
        %run_scoped3A_673 = arith.constant 1 : i32
        %run_scoped3A_674 = arith.constant 5 : i32
        "tpu.region"() ({
          %run_scoped3A_750 = tpu.sem_alloc : memref<!tpu.dma_semaphore, #tpu.memory_space<semaphore_mem>>
          %dma_start3A_751 = arith.constant 0 : i32
          %dma_start3A_752 = arith.constant 0 : i32
          %dma_start3A_753 = tpu.memref_slice %arg8[%run_scoped3A_672, %dma_start3A_751, %dma_start3A_752] : memref<2x128x128xf32, #tpu.memory_space<vmem>> -> memref<1x128x128xf32, #tpu.memory_space<vmem>>
          %dma_start3A_754 = tpu.memref_squeeze %dma_start3A_753 : memref<1x128x128xf32, #tpu.memory_space<vmem>> -> memref<128x128xf32, #tpu.memory_space<vmem>>
          %dma_start3A_755 = arith.constant 0 : i32
          %dma_start3A_756 = tpu.memref_slice %arg7[%run_scoped3A_673, %run_scoped3A_674, %dma_start3A_755] : memref<2x8x128xi32, #tpu.memory_space<vmem>> -> memref<1x1x128xi32, #tpu.memory_space<vmem>>
          %dma_start3A_757 = tpu.memref_squeeze %dma_start3A_756 : memref<1x1x128xi32, #tpu.memory_space<vmem>> -> memref<128xi32, #tpu.memory_space<vmem>>
          %dma_start3A_758 = arith.constant 0 : i32
          %dma_start3A_759 = arith.constant 0 : i32
          %dma_start3A_760 = tpu.memref_slice %arg9[%dma_start3A_758, %dma_start3A_759] : memref<10240x128xf32, #tpu.memory_space<vmem_shared>> -> memref<10240x128xf32, #tpu.memory_space<vmem_shared>>
          tpu.enqueue_indirect_dma source(%dma_start3A_754 : memref<128x128xf32, #tpu.memory_space<vmem>>) target(%dma_start3A_760 : memref<10240x128xf32, #tpu.memory_space<vmem_shared>>) offsets(%dma_start3A_757 : memref<128xi32, #tpu.memory_space<vmem>>) semaphore(%run_scoped3A_750 : memref<!tpu.dma_semaphore, #tpu.memory_space<semaphore_mem>>) {add = true}
          %dma_wait3A_761 = arith.constant 0 : i32
          %dma_wait3A_762 = arith.constant 0 : i32
          %dma_wait3A_763 = tpu.memref_slice %arg8[%run_scoped3A_672, %dma_wait3A_761, %dma_wait3A_762] : memref<2x128x128xf32, #tpu.memory_space<vmem>> -> memref<1x128x128xf32, #tpu.memory_space<vmem>>
          %dma_wait3A_764 = tpu.memref_squeeze %dma_wait3A_763 : memref<1x128x128xf32, #tpu.memory_space<vmem>> -> memref<128x128xf32, #tpu.memory_space<vmem>>
          %dma_wait3A_765 = arith.constant 0 : i32
          %dma_wait3A_766 = tpu.memref_slice %arg7[%run_scoped3A_673, %run_scoped3A_674, %dma_wait3A_765] : memref<2x8x128xi32, #tpu.memory_space<vmem>> -> memref<1x1x128xi32, #tpu.memory_space<vmem>>
          %dma_wait3A_767 = tpu.memref_squeeze %dma_wait3A_766 : memref<1x1x128xi32, #tpu.memory_space<vmem>> -> memref<128xi32, #tpu.memory_space<vmem>>
          %dma_wait3A_768 = arith.constant 0 : i32
          %dma_wait3A_769 = arith.constant 0 : i32
          %dma_wait3A_770 = tpu.memref_slice %arg9[%dma_wait3A_768, %dma_wait3A_769] : memref<10240x128xf32, #tpu.memory_space<vmem_shared>> -> memref<10240x128xf32, #tpu.memory_space<vmem_shared>>
          tpu.wait_indirect_dma semaphore(%run_scoped3A_750 : memref<!tpu.dma_semaphore, #tpu.memory_space<semaphore_mem>>) src(%dma_wait3A_764 : memref<128x128xf32, #tpu.memory_space<vmem>>) dst(%dma_wait3A_770 : memref<10240x128xf32, #tpu.memory_space<vmem_shared>>)
          tpu.yield
        }) : () -> ()
        %dma_start3A_675 = arith.constant 1 : i32
        %dma_start3A_676 = arith.constant 7 : i32
        %dma_start3A_677 = arith.constant 1 : i32
        %dma_start3A_678 = arith.constant 1 : i32
        %dma_start3A_679 = arith.constant 0 : i32
        %dma_start3A_680 = arith.constant 0 : i32
        %dma_start3A_681 = tpu.memref_slice %arg8[%dma_start3A_677, %dma_start3A_679, %dma_start3A_680] : memref<2x128x128xf32, #tpu.memory_space<vmem>> -> memref<1x128x128xf32, #tpu.memory_space<vmem>>
        %dma_start3A_682 = tpu.memref_squeeze %dma_start3A_681 : memref<1x128x128xf32, #tpu.memory_space<vmem>> -> memref<128x128xf32, #tpu.memory_space<vmem>>
        %dma_start3A_683 = arith.constant 0 : i32
        %dma_start3A_684 = tpu.memref_slice %arg6[%dma_start3A_675, %dma_start3A_676, %dma_start3A_683] : memref<2x8x128xi32, #tpu.memory_space<vmem>> -> memref<1x1x128xi32, #tpu.memory_space<vmem>>
        %dma_start3A_685 = tpu.memref_squeeze %dma_start3A_684 : memref<1x1x128xi32, #tpu.memory_space<vmem>> -> memref<128xi32, #tpu.memory_space<vmem>>
        %dma_start3A_686 = arith.constant 0 : i32
        %dma_start3A_687 = arith.constant 0 : i32
        %dma_start3A_688 = tpu.memref_slice %arg2[%dma_start3A_686, %dma_start3A_687] : memref<10000x128xf32, #tpu.memory_space<hbm>> -> memref<10000x128xf32, #tpu.memory_space<hbm>>
        %dma_start3A_689 = tpu.memref_slice %arg10[%dma_start3A_678] : memref<2x!tpu.dma_semaphore, #tpu.memory_space<semaphore_mem>> -> memref<1x!tpu.dma_semaphore, #tpu.memory_space<semaphore_mem>>
        %dma_start3A_690 = tpu.memref_squeeze %dma_start3A_689 : memref<1x!tpu.dma_semaphore, #tpu.memory_space<semaphore_mem>> -> memref<!tpu.dma_semaphore, #tpu.memory_space<semaphore_mem>>
        tpu.enqueue_indirect_dma source(%dma_start3A_688 : memref<10000x128xf32, #tpu.memory_space<hbm>>) target(%dma_start3A_682 : memref<128x128xf32, #tpu.memory_space<vmem>>) offsets(%dma_start3A_685 : memref<128xi32, #tpu.memory_space<vmem>>) semaphore(%dma_start3A_690 : memref<!tpu.dma_semaphore, #tpu.memory_space<semaphore_mem>>)
        %dma_wait3A_691 = arith.constant 0 : i32
        %dma_wait3A_692 = arith.constant 0 : i32
        %dma_wait3A_693 = arith.constant 0 : i32
        %dma_wait3A_694 = arith.constant 0 : i32
        %dma_wait3A_695 = arith.constant 0 : i32
        %dma_wait3A_696 = arith.constant 0 : i32
        %dma_wait3A_697 = tpu.memref_slice %arg8[%dma_wait3A_693, %dma_wait3A_695, %dma_wait3A_696] : memref<2x128x128xf32, #tpu.memory_space<vmem>> -> memref<1x128x128xf32, #tpu.memory_space<vmem>>
        %dma_wait3A_698 = tpu.memref_squeeze %dma_wait3A_697 : memref<1x128x128xf32, #tpu.memory_space<vmem>> -> memref<128x128xf32, #tpu.memory_space<vmem>>
        %dma_wait3A_699 = arith.constant 0 : i32
        %dma_wait3A_700 = tpu.memref_slice %arg6[%dma_wait3A_691, %dma_wait3A_692, %dma_wait3A_699] : memref<2x8x128xi32, #tpu.memory_space<vmem>> -> memref<1x1x128xi32, #tpu.memory_space<vmem>>
        %dma_wait3A_701 = tpu.memref_squeeze %dma_wait3A_700 : memref<1x1x128xi32, #tpu.memory_space<vmem>> -> memref<128xi32, #tpu.memory_space<vmem>>
        %dma_wait3A_702 = arith.constant 0 : i32
        %dma_wait3A_703 = arith.constant 0 : i32
        %dma_wait3A_704 = tpu.memref_slice %arg2[%dma_wait3A_702, %dma_wait3A_703] : memref<10000x128xf32, #tpu.memory_space<hbm>> -> memref<10000x128xf32, #tpu.memory_space<hbm>>
        %dma_wait3A_705 = tpu.memref_slice %arg10[%dma_wait3A_694] : memref<2x!tpu.dma_semaphore, #tpu.memory_space<semaphore_mem>> -> memref<1x!tpu.dma_semaphore, #tpu.memory_space<semaphore_mem>>
        %dma_wait3A_706 = tpu.memref_squeeze %dma_wait3A_705 : memref<1x!tpu.dma_semaphore, #tpu.memory_space<semaphore_mem>> -> memref<!tpu.dma_semaphore, #tpu.memory_space<semaphore_mem>>
        tpu.wait_indirect_dma semaphore(%dma_wait3A_706 : memref<!tpu.dma_semaphore, #tpu.memory_space<semaphore_mem>>) src(%dma_wait3A_704 : memref<10000x128xf32, #tpu.memory_space<hbm>>) dst(%dma_wait3A_698 : memref<128x128xf32, #tpu.memory_space<vmem>>)
        %run_scoped3A_707 = arith.constant 0 : i32
        %run_scoped3A_708 = arith.constant 1 : i32
        %run_scoped3A_709 = arith.constant 6 : i32
        "tpu.region"() ({
          %run_scoped3A_750 = tpu.sem_alloc : memref<!tpu.dma_semaphore, #tpu.memory_space<semaphore_mem>>
          %dma_start3A_751 = arith.constant 0 : i32
          %dma_start3A_752 = arith.constant 0 : i32
          %dma_start3A_753 = tpu.memref_slice %arg8[%run_scoped3A_707, %dma_start3A_751, %dma_start3A_752] : memref<2x128x128xf32, #tpu.memory_space<vmem>> -> memref<1x128x128xf32, #tpu.memory_space<vmem>>
          %dma_start3A_754 = tpu.memref_squeeze %dma_start3A_753 : memref<1x128x128xf32, #tpu.memory_space<vmem>> -> memref<128x128xf32, #tpu.memory_space<vmem>>
          %dma_start3A_755 = arith.constant 0 : i32
          %dma_start3A_756 = tpu.memref_slice %arg7[%run_scoped3A_708, %run_scoped3A_709, %dma_start3A_755] : memref<2x8x128xi32, #tpu.memory_space<vmem>> -> memref<1x1x128xi32, #tpu.memory_space<vmem>>
          %dma_start3A_757 = tpu.memref_squeeze %dma_start3A_756 : memref<1x1x128xi32, #tpu.memory_space<vmem>> -> memref<128xi32, #tpu.memory_space<vmem>>
          %dma_start3A_758 = arith.constant 0 : i32
          %dma_start3A_759 = arith.constant 0 : i32
          %dma_start3A_760 = tpu.memref_slice %arg9[%dma_start3A_758, %dma_start3A_759] : memref<10240x128xf32, #tpu.memory_space<vmem_shared>> -> memref<10240x128xf32, #tpu.memory_space<vmem_shared>>
          tpu.enqueue_indirect_dma source(%dma_start3A_754 : memref<128x128xf32, #tpu.memory_space<vmem>>) target(%dma_start3A_760 : memref<10240x128xf32, #tpu.memory_space<vmem_shared>>) offsets(%dma_start3A_757 : memref<128xi32, #tpu.memory_space<vmem>>) semaphore(%run_scoped3A_750 : memref<!tpu.dma_semaphore, #tpu.memory_space<semaphore_mem>>) {add = true}
          %dma_wait3A_761 = arith.constant 0 : i32
          %dma_wait3A_762 = arith.constant 0 : i32
          %dma_wait3A_763 = tpu.memref_slice %arg8[%run_scoped3A_707, %dma_wait3A_761, %dma_wait3A_762] : memref<2x128x128xf32, #tpu.memory_space<vmem>> -> memref<1x128x128xf32, #tpu.memory_space<vmem>>
          %dma_wait3A_764 = tpu.memref_squeeze %dma_wait3A_763 : memref<1x128x128xf32, #tpu.memory_space<vmem>> -> memref<128x128xf32, #tpu.memory_space<vmem>>
          %dma_wait3A_765 = arith.constant 0 : i32
          %dma_wait3A_766 = tpu.memref_slice %arg7[%run_scoped3A_708, %run_scoped3A_709, %dma_wait3A_765] : memref<2x8x128xi32, #tpu.memory_space<vmem>> -> memref<1x1x128xi32, #tpu.memory_space<vmem>>
          %dma_wait3A_767 = tpu.memref_squeeze %dma_wait3A_766 : memref<1x1x128xi32, #tpu.memory_space<vmem>> -> memref<128xi32, #tpu.memory_space<vmem>>
          %dma_wait3A_768 = arith.constant 0 : i32
          %dma_wait3A_769 = arith.constant 0 : i32
          %dma_wait3A_770 = tpu.memref_slice %arg9[%dma_wait3A_768, %dma_wait3A_769] : memref<10240x128xf32, #tpu.memory_space<vmem_shared>> -> memref<10240x128xf32, #tpu.memory_space<vmem_shared>>
          tpu.wait_indirect_dma semaphore(%run_scoped3A_750 : memref<!tpu.dma_semaphore, #tpu.memory_space<semaphore_mem>>) src(%dma_wait3A_764 : memref<128x128xf32, #tpu.memory_space<vmem>>) dst(%dma_wait3A_770 : memref<10240x128xf32, #tpu.memory_space<vmem_shared>>)
          tpu.yield
        }) : () -> ()
        %add3A_710 = arith.constant 1 : i32
        %add3A_711 = arith.addi %scan3A_159, %add3A_710 : i32
        %lt3A_712 = arith.constant 10 : i32
        %lt3A_713 = arith.cmpi slt, %add3A_711, %lt3A_712 : i32
        %convert_element_type3A_714 = arith.extui %lt3A_713 : i1 to i32
        %cond3A_715 = arith.constant 0 : i32
        %cond3A_716 = arith.cmpi ne, %convert_element_type3A_714, %cond3A_715 : i32
        scf.if %cond3A_716 {
          %dma_wait3A_750 = arith.constant 0 : i32
          %dma_wait3A_751 = arith.constant 0 : i32
          %dma_wait3A_752 = arith.constant 0 : i32
          %dma_wait3A_753 = arith.constant 0 : i32
          %dma_wait3A_754 = tpu.memref_slice %arg6[%dma_wait3A_750, %dma_wait3A_752, %dma_wait3A_753] : memref<2x8x128xi32, #tpu.memory_space<vmem>> -> memref<1x8x128xi32, #tpu.memory_space<vmem>>
          %dma_wait3A_755 = tpu.memref_squeeze %dma_wait3A_754 : memref<1x8x128xi32, #tpu.memory_space<vmem>> -> memref<8x128xi32, #tpu.memory_space<vmem>>
          %dma_wait3A_756 = arith.constant 0 : i32
          %dma_wait3A_757 = arith.constant 0 : i32
          %dma_wait3A_758 = tpu.memref_slice %arg3[%dma_wait3A_756, %dma_wait3A_757] : memref<2560x128xi32, #tpu.memory_space<hbm>> -> memref<8x128xi32, #tpu.memory_space<hbm>>
          %dma_wait3A_759 = tpu.memref_slice %arg11[%dma_wait3A_751] : memref<2x!tpu.dma_semaphore, #tpu.memory_space<semaphore_mem>> -> memref<1x!tpu.dma_semaphore, #tpu.memory_space<semaphore_mem>>
          %dma_wait3A_760 = tpu.memref_squeeze %dma_wait3A_759 : memref<1x!tpu.dma_semaphore, #tpu.memory_space<semaphore_mem>> -> memref<!tpu.dma_semaphore, #tpu.memory_space<semaphore_mem>>
          %dma_wait3A_761 = arith.constant 0 : i32
          %dma_wait3A_762 = arith.constant 0 : i32
          %dma_wait3A_763 = tpu.memref_slice %arg6[%dma_wait3A_750, %dma_wait3A_761, %dma_wait3A_762] : memref<2x8x128xi32, #tpu.memory_space<vmem>> -> memref<1x8x128xi32, #tpu.memory_space<vmem>>
          %dma_wait3A_764 = tpu.memref_squeeze %dma_wait3A_763 : memref<1x8x128xi32, #tpu.memory_space<vmem>> -> memref<8x128xi32, #tpu.memory_space<vmem>>
          %dma_wait3A_765 = arith.constant 0 : i32
          %dma_wait3A_766 = arith.constant 0 : i32
          %dma_wait3A_767 = tpu.memref_slice %arg3[%dma_wait3A_765, %dma_wait3A_766] : memref<2560x128xi32, #tpu.memory_space<hbm>> -> memref<8x128xi32, #tpu.memory_space<hbm>>
          tpu.wait_dma2 semaphore(%dma_wait3A_760 : memref<!tpu.dma_semaphore, #tpu.memory_space<semaphore_mem>>) src(%dma_wait3A_767 : memref<8x128xi32, #tpu.memory_space<hbm>>) dst(%dma_wait3A_764 : memref<8x128xi32, #tpu.memory_space<vmem>>)
          %dma_wait3A_768 = arith.constant 0 : i32
          %dma_wait3A_769 = arith.constant 0 : i32
          %dma_wait3A_770 = arith.constant 0 : i32
          %dma_wait3A_771 = arith.constant 0 : i32
          %dma_wait3A_772 = tpu.memref_slice %arg7[%dma_wait3A_768, %dma_wait3A_770, %dma_wait3A_771] : memref<2x8x128xi32, #tpu.memory_space<vmem>> -> memref<1x8x128xi32, #tpu.memory_space<vmem>>
          %dma_wait3A_773 = tpu.memref_squeeze %dma_wait3A_772 : memref<1x8x128xi32, #tpu.memory_space<vmem>> -> memref<8x128xi32, #tpu.memory_space<vmem>>
          %dma_wait3A_774 = arith.constant 0 : i32
          %dma_wait3A_775 = arith.constant 0 : i32
          %dma_wait3A_776 = tpu.memref_slice %arg4[%dma_wait3A_774, %dma_wait3A_775] : memref<2560x128xi32, #tpu.memory_space<hbm>> -> memref<8x128xi32, #tpu.memory_space<hbm>>
          %dma_wait3A_777 = tpu.memref_slice %arg11[%dma_wait3A_769] : memref<2x!tpu.dma_semaphore, #tpu.memory_space<semaphore_mem>> -> memref<1x!tpu.dma_semaphore, #tpu.memory_space<semaphore_mem>>
          %dma_wait3A_778 = tpu.memref_squeeze %dma_wait3A_777 : memref<1x!tpu.dma_semaphore, #tpu.memory_space<semaphore_mem>> -> memref<!tpu.dma_semaphore, #tpu.memory_space<semaphore_mem>>
          %dma_wait3A_779 = arith.constant 0 : i32
          %dma_wait3A_780 = arith.constant 0 : i32
          %dma_wait3A_781 = tpu.memref_slice %arg7[%dma_wait3A_768, %dma_wait3A_779, %dma_wait3A_780] : memref<2x8x128xi32, #tpu.memory_space<vmem>> -> memref<1x8x128xi32, #tpu.memory_space<vmem>>
          %dma_wait3A_782 = tpu.memref_squeeze %dma_wait3A_781 : memref<1x8x128xi32, #tpu.memory_space<vmem>> -> memref<8x128xi32, #tpu.memory_space<vmem>>
          %dma_wait3A_783 = arith.constant 0 : i32
          %dma_wait3A_784 = arith.constant 0 : i32
          %dma_wait3A_785 = tpu.memref_slice %arg4[%dma_wait3A_783, %dma_wait3A_784] : memref<2560x128xi32, #tpu.memory_space<hbm>> -> memref<8x128xi32, #tpu.memory_space<hbm>>
          tpu.wait_dma2 semaphore(%dma_wait3A_778 : memref<!tpu.dma_semaphore, #tpu.memory_space<semaphore_mem>>) src(%dma_wait3A_785 : memref<8x128xi32, #tpu.memory_space<hbm>>) dst(%dma_wait3A_782 : memref<8x128xi32, #tpu.memory_space<vmem>>)
          %dma_start3A_786 = arith.constant 0 : i32
          %dma_start3A_787 = arith.constant 0 : i32
          %dma_start3A_788 = arith.constant 0 : i32
          %dma_start3A_789 = arith.constant 0 : i32
          %dma_start3A_790 = arith.constant 0 : i32
          %dma_start3A_791 = arith.constant 0 : i32
          %dma_start3A_792 = tpu.memref_slice %arg8[%dma_start3A_788, %dma_start3A_790, %dma_start3A_791] : memref<2x128x128xf32, #tpu.memory_space<vmem>> -> memref<1x128x128xf32, #tpu.memory_space<vmem>>
          %dma_start3A_793 = tpu.memref_squeeze %dma_start3A_792 : memref<1x128x128xf32, #tpu.memory_space<vmem>> -> memref<128x128xf32, #tpu.memory_space<vmem>>
          %dma_start3A_794 = arith.constant 0 : i32
          %dma_start3A_795 = tpu.memref_slice %arg6[%dma_start3A_786, %dma_start3A_787, %dma_start3A_794] : memref<2x8x128xi32, #tpu.memory_space<vmem>> -> memref<1x1x128xi32, #tpu.memory_space<vmem>>
          %dma_start3A_796 = tpu.memref_squeeze %dma_start3A_795 : memref<1x1x128xi32, #tpu.memory_space<vmem>> -> memref<128xi32, #tpu.memory_space<vmem>>
          %dma_start3A_797 = arith.constant 0 : i32
          %dma_start3A_798 = arith.constant 0 : i32
          %dma_start3A_799 = tpu.memref_slice %arg2[%dma_start3A_797, %dma_start3A_798] : memref<10000x128xf32, #tpu.memory_space<hbm>> -> memref<10000x128xf32, #tpu.memory_space<hbm>>
          %dma_start3A_800 = tpu.memref_slice %arg10[%dma_start3A_789] : memref<2x!tpu.dma_semaphore, #tpu.memory_space<semaphore_mem>> -> memref<1x!tpu.dma_semaphore, #tpu.memory_space<semaphore_mem>>
          %dma_start3A_801 = tpu.memref_squeeze %dma_start3A_800 : memref<1x!tpu.dma_semaphore, #tpu.memory_space<semaphore_mem>> -> memref<!tpu.dma_semaphore, #tpu.memory_space<semaphore_mem>>
          tpu.enqueue_indirect_dma source(%dma_start3A_799 : memref<10000x128xf32, #tpu.memory_space<hbm>>) target(%dma_start3A_793 : memref<128x128xf32, #tpu.memory_space<vmem>>) offsets(%dma_start3A_796 : memref<128xi32, #tpu.memory_space<vmem>>) semaphore(%dma_start3A_801 : memref<!tpu.dma_semaphore, #tpu.memory_space<semaphore_mem>>)
        } else {
        }
        %dma_wait3A_717 = arith.constant 0 : i32
        %dma_wait3A_718 = arith.constant 0 : i32
        %dma_wait3A_719 = arith.constant 1 : i32
        %dma_wait3A_720 = arith.constant 1 : i32
        %dma_wait3A_721 = arith.constant 0 : i32
        %dma_wait3A_722 = arith.constant 0 : i32
        %dma_wait3A_723 = tpu.memref_slice %arg8[%dma_wait3A_719, %dma_wait3A_721, %dma_wait3A_722] : memref<2x128x128xf32, #tpu.memory_space<vmem>> -> memref<1x128x128xf32, #tpu.memory_space<vmem>>
        %dma_wait3A_724 = tpu.memref_squeeze %dma_wait3A_723 : memref<1x128x128xf32, #tpu.memory_space<vmem>> -> memref<128x128xf32, #tpu.memory_space<vmem>>
        %dma_wait3A_725 = arith.constant 0 : i32
        %dma_wait3A_726 = tpu.memref_slice %arg6[%dma_wait3A_717, %dma_wait3A_718, %dma_wait3A_725] : memref<2x8x128xi32, #tpu.memory_space<vmem>> -> memref<1x1x128xi32, #tpu.memory_space<vmem>>
        %dma_wait3A_727 = tpu.memref_squeeze %dma_wait3A_726 : memref<1x1x128xi32, #tpu.memory_space<vmem>> -> memref<128xi32, #tpu.memory_space<vmem>>
        %dma_wait3A_728 = arith.constant 0 : i32
        %dma_wait3A_729 = arith.constant 0 : i32
        %dma_wait3A_730 = tpu.memref_slice %arg2[%dma_wait3A_728, %dma_wait3A_729] : memref<10000x128xf32, #tpu.memory_space<hbm>> -> memref<10000x128xf32, #tpu.memory_space<hbm>>
        %dma_wait3A_731 = tpu.memref_slice %arg10[%dma_wait3A_720] : memref<2x!tpu.dma_semaphore, #tpu.memory_space<semaphore_mem>> -> memref<1x!tpu.dma_semaphore, #tpu.memory_space<semaphore_mem>>
        %dma_wait3A_732 = tpu.memref_squeeze %dma_wait3A_731 : memref<1x!tpu.dma_semaphore, #tpu.memory_space<semaphore_mem>> -> memref<!tpu.dma_semaphore, #tpu.memory_space<semaphore_mem>>
        tpu.wait_indirect_dma semaphore(%dma_wait3A_732 : memref<!tpu.dma_semaphore, #tpu.memory_space<semaphore_mem>>) src(%dma_wait3A_730 : memref<10000x128xf32, #tpu.memory_space<hbm>>) dst(%dma_wait3A_724 : memref<128x128xf32, #tpu.memory_space<vmem>>)
        %run_scoped3A_733 = arith.constant 1 : i32
        %run_scoped3A_734 = arith.constant 1 : i32
        %run_scoped3A_735 = arith.constant 7 : i32
        "tpu.region"() ({
          %run_scoped3A_750 = tpu.sem_alloc : memref<!tpu.dma_semaphore, #tpu.memory_space<semaphore_mem>>
          %dma_start3A_751 = arith.constant 0 : i32
          %dma_start3A_752 = arith.constant 0 : i32
          %dma_start3A_753 = tpu.memref_slice %arg8[%run_scoped3A_733, %dma_start3A_751, %dma_start3A_752] : memref<2x128x128xf32, #tpu.memory_space<vmem>> -> memref<1x128x128xf32, #tpu.memory_space<vmem>>
          %dma_start3A_754 = tpu.memref_squeeze %dma_start3A_753 : memref<1x128x128xf32, #tpu.memory_space<vmem>> -> memref<128x128xf32, #tpu.memory_space<vmem>>
          %dma_start3A_755 = arith.constant 0 : i32
          %dma_start3A_756 = tpu.memref_slice %arg7[%run_scoped3A_734, %run_scoped3A_735, %dma_start3A_755] : memref<2x8x128xi32, #tpu.memory_space<vmem>> -> memref<1x1x128xi32, #tpu.memory_space<vmem>>
          %dma_start3A_757 = tpu.memref_squeeze %dma_start3A_756 : memref<1x1x128xi32, #tpu.memory_space<vmem>> -> memref<128xi32, #tpu.memory_space<vmem>>
          %dma_start3A_758 = arith.constant 0 : i32
          %dma_start3A_759 = arith.constant 0 : i32
          %dma_start3A_760 = tpu.memref_slice %arg9[%dma_start3A_758, %dma_start3A_759] : memref<10240x128xf32, #tpu.memory_space<vmem_shared>> -> memref<10240x128xf32, #tpu.memory_space<vmem_shared>>
          tpu.enqueue_indirect_dma source(%dma_start3A_754 : memref<128x128xf32, #tpu.memory_space<vmem>>) target(%dma_start3A_760 : memref<10240x128xf32, #tpu.memory_space<vmem_shared>>) offsets(%dma_start3A_757 : memref<128xi32, #tpu.memory_space<vmem>>) semaphore(%run_scoped3A_750 : memref<!tpu.dma_semaphore, #tpu.memory_space<semaphore_mem>>) {add = true}
          %dma_wait3A_761 = arith.constant 0 : i32
          %dma_wait3A_762 = arith.constant 0 : i32
          %dma_wait3A_763 = tpu.memref_slice %arg8[%run_scoped3A_733, %dma_wait3A_761, %dma_wait3A_762] : memref<2x128x128xf32, #tpu.memory_space<vmem>> -> memref<1x128x128xf32, #tpu.memory_space<vmem>>
          %dma_wait3A_764 = tpu.memref_squeeze %dma_wait3A_763 : memref<1x128x128xf32, #tpu.memory_space<vmem>> -> memref<128x128xf32, #tpu.memory_space<vmem>>
          %dma_wait3A_765 = arith.constant 0 : i32
          %dma_wait3A_766 = tpu.memref_slice %arg7[%run_scoped3A_734, %run_scoped3A_735, %dma_wait3A_765] : memref<2x8x128xi32, #tpu.memory_space<vmem>> -> memref<1x1x128xi32, #tpu.memory_space<vmem>>
          %dma_wait3A_767 = tpu.memref_squeeze %dma_wait3A_766 : memref<1x1x128xi32, #tpu.memory_space<vmem>> -> memref<128xi32, #tpu.memory_space<vmem>>
          %dma_wait3A_768 = arith.constant 0 : i32
          %dma_wait3A_769 = arith.constant 0 : i32
          %dma_wait3A_770 = tpu.memref_slice %arg9[%dma_wait3A_768, %dma_wait3A_769] : memref<10240x128xf32, #tpu.memory_space<vmem_shared>> -> memref<10240x128xf32, #tpu.memory_space<vmem_shared>>
          tpu.wait_indirect_dma semaphore(%run_scoped3A_750 : memref<!tpu.dma_semaphore, #tpu.memory_space<semaphore_mem>>) src(%dma_wait3A_764 : memref<128x128xf32, #tpu.memory_space<vmem>>) dst(%dma_wait3A_770 : memref<10240x128xf32, #tpu.memory_space<vmem_shared>>)
          tpu.yield
        }) : () -> ()
        %add3A_736 = arith.constant 1 : i32
        %add3A_737 = arith.addi %scan3A_159, %add3A_736 : i32
        %lt3A_738 = arith.constant 10 : i32
        %lt3A_739 = arith.cmpi slt, %add3A_737, %lt3A_738 : i32
        %convert_element_type3A_740 = arith.extui %lt3A_739 : i1 to i32
        %cond3A_741 = arith.constant 0 : i32
        %cond3A_742 = arith.cmpi ne, %convert_element_type3A_740, %cond3A_741 : i32
        scf.if %cond3A_742 {
          %dma_start3A_750 = arith.constant 0 : i32
          %dma_start3A_751 = arith.constant 1 : i32
          %dma_start3A_752 = arith.constant 1 : i32
          %dma_start3A_753 = arith.constant 1 : i32
          %dma_start3A_754 = arith.constant 0 : i32
          %dma_start3A_755 = arith.constant 0 : i32
          %dma_start3A_756 = tpu.memref_slice %arg8[%dma_start3A_752, %dma_start3A_754, %dma_start3A_755] : memref<2x128x128xf32, #tpu.memory_space<vmem>> -> memref<1x128x128xf32, #tpu.memory_space<vmem>>
          %dma_start3A_757 = tpu.memref_squeeze %dma_start3A_756 : memref<1x128x128xf32, #tpu.memory_space<vmem>> -> memref<128x128xf32, #tpu.memory_space<vmem>>
          %dma_start3A_758 = arith.constant 0 : i32
          %dma_start3A_759 = tpu.memref_slice %arg6[%dma_start3A_750, %dma_start3A_751, %dma_start3A_758] : memref<2x8x128xi32, #tpu.memory_space<vmem>> -> memref<1x1x128xi32, #tpu.memory_space<vmem>>
          %dma_start3A_760 = tpu.memref_squeeze %dma_start3A_759 : memref<1x1x128xi32, #tpu.memory_space<vmem>> -> memref<128xi32, #tpu.memory_space<vmem>>
          %dma_start3A_761 = arith.constant 0 : i32
          %dma_start3A_762 = arith.constant 0 : i32
          %dma_start3A_763 = tpu.memref_slice %arg2[%dma_start3A_761, %dma_start3A_762] : memref<10000x128xf32, #tpu.memory_space<hbm>> -> memref<10000x128xf32, #tpu.memory_space<hbm>>
          %dma_start3A_764 = tpu.memref_slice %arg10[%dma_start3A_753] : memref<2x!tpu.dma_semaphore, #tpu.memory_space<semaphore_mem>> -> memref<1x!tpu.dma_semaphore, #tpu.memory_space<semaphore_mem>>
          %dma_start3A_765 = tpu.memref_squeeze %dma_start3A_764 : memref<1x!tpu.dma_semaphore, #tpu.memory_space<semaphore_mem>> -> memref<!tpu.dma_semaphore, #tpu.memory_space<semaphore_mem>>
          tpu.enqueue_indirect_dma source(%dma_start3A_763 : memref<10000x128xf32, #tpu.memory_space<hbm>>) target(%dma_start3A_757 : memref<128x128xf32, #tpu.memory_space<vmem>>) offsets(%dma_start3A_760 : memref<128xi32, #tpu.memory_space<vmem>>) semaphore(%dma_start3A_765 : memref<!tpu.dma_semaphore, #tpu.memory_space<semaphore_mem>>)
        } else {
        }
        %add3A_743 = arith.constant 1 : i32
        %add3A_744 = arith.addi %scan3A_159, %add3A_743 : i32
        %lt3A_745 = arith.constant 10 : i32
        %lt3A_746 = arith.cmpi slt, %add3A_744, %lt3A_745 : i32
        %convert_element_type3A_747 = arith.extui %lt3A_746 : i1 to i32
        %cond3A_748 = arith.constant 0 : i32
        %cond3A_749 = arith.cmpi ne, %convert_element_type3A_747, %cond3A_748 : i32
        scf.if %cond3A_749 {
          %add3A_750 = arith.constant 1 : i32
          %add3A_751 = arith.addi %scan3A_159, %add3A_750 : i32
          %mul3A_752 = arith.constant 2 : i32
          %mul3A_753 = arith.muli %mul3A_752, %add3A_751 : i32
          %add3A_754 = arith.constant 1 : i32
          %add3A_755 = arith.addi %mul3A_753, %add3A_754 : i32
          %mul3A_756 = arith.constant 8 : i32
          %mul3A_757 = arith.muli %add3A_755, %mul3A_756 : i32
          %add3A_758 = arith.addi %mul3A_19, %mul3A_757 : i32
          %dma_start3A_759 = arith.constant 1 : i32
          %dma_start3A_760 = arith.constant 1 : i32
          %dma_start3A_761 = arith.constant 0 : i32
          %dma_start3A_762 = arith.constant 0 : i32
          %dma_start3A_763 = tpu.memref_slice %arg6[%dma_start3A_759, %dma_start3A_761, %dma_start3A_762] : memref<2x8x128xi32, #tpu.memory_space<vmem>> -> memref<1x8x128xi32, #tpu.memory_space<vmem>>
          %dma_start3A_764 = tpu.memref_squeeze %dma_start3A_763 : memref<1x8x128xi32, #tpu.memory_space<vmem>> -> memref<8x128xi32, #tpu.memory_space<vmem>>
          %dma_start3A_765 = arith.constant 0 : i32
          %dma_start3A_766 = tpu.memref_slice %arg3[%add3A_758, %dma_start3A_765] : memref<2560x128xi32, #tpu.memory_space<hbm>> -> memref<8x128xi32, #tpu.memory_space<hbm>>
          %dma_start3A_767 = tpu.memref_slice %arg11[%dma_start3A_760] : memref<2x!tpu.dma_semaphore, #tpu.memory_space<semaphore_mem>> -> memref<1x!tpu.dma_semaphore, #tpu.memory_space<semaphore_mem>>
          %dma_start3A_768 = tpu.memref_squeeze %dma_start3A_767 : memref<1x!tpu.dma_semaphore, #tpu.memory_space<semaphore_mem>> -> memref<!tpu.dma_semaphore, #tpu.memory_space<semaphore_mem>>
          %dma_start3A_769 = arith.constant 0 : i32
          %dma_start3A_770 = arith.constant 0 : i32
          %dma_start3A_771 = tpu.memref_slice %arg6[%dma_start3A_759, %dma_start3A_769, %dma_start3A_770] : memref<2x8x128xi32, #tpu.memory_space<vmem>> -> memref<1x8x128xi32, #tpu.memory_space<vmem>>
          %dma_start3A_772 = tpu.memref_squeeze %dma_start3A_771 : memref<1x8x128xi32, #tpu.memory_space<vmem>> -> memref<8x128xi32, #tpu.memory_space<vmem>>
          %dma_start3A_773 = arith.constant 0 : i32
          %dma_start3A_774 = tpu.memref_slice %arg3[%add3A_758, %dma_start3A_773] : memref<2560x128xi32, #tpu.memory_space<hbm>> -> memref<8x128xi32, #tpu.memory_space<hbm>>
          tpu.enqueue_dma source(%dma_start3A_774 : memref<8x128xi32, #tpu.memory_space<hbm>>) target(%dma_start3A_772 : memref<8x128xi32, #tpu.memory_space<vmem>>) target_semaphore(%dma_start3A_768 : memref<!tpu.dma_semaphore, #tpu.memory_space<semaphore_mem>>)
          %dma_start3A_775 = arith.constant 1 : i32
          %dma_start3A_776 = arith.constant 1 : i32
          %dma_start3A_777 = arith.constant 0 : i32
          %dma_start3A_778 = arith.constant 0 : i32
          %dma_start3A_779 = tpu.memref_slice %arg7[%dma_start3A_775, %dma_start3A_777, %dma_start3A_778] : memref<2x8x128xi32, #tpu.memory_space<vmem>> -> memref<1x8x128xi32, #tpu.memory_space<vmem>>
          %dma_start3A_780 = tpu.memref_squeeze %dma_start3A_779 : memref<1x8x128xi32, #tpu.memory_space<vmem>> -> memref<8x128xi32, #tpu.memory_space<vmem>>
          %dma_start3A_781 = arith.constant 0 : i32
          %dma_start3A_782 = tpu.memref_slice %arg4[%add3A_758, %dma_start3A_781] : memref<2560x128xi32, #tpu.memory_space<hbm>> -> memref<8x128xi32, #tpu.memory_space<hbm>>
          %dma_start3A_783 = tpu.memref_slice %arg11[%dma_start3A_776] : memref<2x!tpu.dma_semaphore, #tpu.memory_space<semaphore_mem>> -> memref<1x!tpu.dma_semaphore, #tpu.memory_space<semaphore_mem>>
          %dma_start3A_784 = tpu.memref_squeeze %dma_start3A_783 : memref<1x!tpu.dma_semaphore, #tpu.memory_space<semaphore_mem>> -> memref<!tpu.dma_semaphore, #tpu.memory_space<semaphore_mem>>
          %dma_start3A_785 = arith.constant 0 : i32
          %dma_start3A_786 = arith.constant 0 : i32
          %dma_start3A_787 = tpu.memref_slice %arg7[%dma_start3A_775, %dma_start3A_785, %dma_start3A_786] : memref<2x8x128xi32, #tpu.memory_space<vmem>> -> memref<1x8x128xi32, #tpu.memory_space<vmem>>
          %dma_start3A_788 = tpu.memref_squeeze %dma_start3A_787 : memref<1x8x128xi32, #tpu.memory_space<vmem>> -> memref<8x128xi32, #tpu.memory_space<vmem>>
          %dma_start3A_789 = arith.constant 0 : i32
          %dma_start3A_790 = tpu.memref_slice %arg4[%add3A_758, %dma_start3A_789] : memref<2560x128xi32, #tpu.memory_space<hbm>> -> memref<8x128xi32, #tpu.memory_space<hbm>>
          tpu.enqueue_dma source(%dma_start3A_790 : memref<8x128xi32, #tpu.memory_space<hbm>>) target(%dma_start3A_788 : memref<8x128xi32, #tpu.memory_space<vmem>>) target_semaphore(%dma_start3A_784 : memref<!tpu.dma_semaphore, #tpu.memory_space<semaphore_mem>>)
        } else {
        }
      }
      %scan3A_158 = arith.constant 10 : i32
    } else {
    }
    %barrier3A_14 = arith.constant 0 : index
    tpu.barrier barrier_id(%barrier3A_14)
    %mul3A = arith.constant 640 : i32
    %mul3A_15 = arith.muli %arg1, %mul3A : i32
    %mul3A_16 = arith.constant 640 : i32
    %mul3A_17 = arith.muli %arg1, %mul3A_16 : i32
    "tpu.region"() ({
      %run_scoped3A = tpu.sem_alloc : memref<!tpu.dma_semaphore, #tpu.memory_space<semaphore_mem>>
      %dma_start3A = arith.constant 0 : i32
      %dma_start3A_18 = tpu.memref_slice %arg5[%arg0, %mul3A_17, %dma_start3A] : memref<2x10240x128xf32, #tpu.memory_space<hbm>> -> memref<1x640x128xf32, #tpu.memory_space<hbm>>
      %dma_start3A_19 = tpu.memref_squeeze %dma_start3A_18 : memref<1x640x128xf32, #tpu.memory_space<hbm>> -> memref<640x128xf32, #tpu.memory_space<hbm>>
      %dma_start3A_20 = arith.constant 0 : i32
      %dma_start3A_21 = tpu.memref_slice %arg9[%mul3A_15, %dma_start3A_20] : memref<10240x128xf32, #tpu.memory_space<vmem_shared>> -> memref<640x128xf32, #tpu.memory_space<vmem_shared>>
      tpu.enqueue_dma source(%dma_start3A_21 : memref<640x128xf32, #tpu.memory_space<vmem_shared>>) target(%dma_start3A_19 : memref<640x128xf32, #tpu.memory_space<hbm>>) target_semaphore(%run_scoped3A : memref<!tpu.dma_semaphore, #tpu.memory_space<semaphore_mem>>)
      %dma_wait3A = arith.constant 0 : i32
      %dma_wait3A_22 = tpu.memref_slice %arg5[%arg0, %mul3A_17, %dma_wait3A] : memref<2x10240x128xf32, #tpu.memory_space<hbm>> -> memref<1x640x128xf32, #tpu.memory_space<hbm>>
      %dma_wait3A_23 = tpu.memref_squeeze %dma_wait3A_22 : memref<1x640x128xf32, #tpu.memory_space<hbm>> -> memref<640x128xf32, #tpu.memory_space<hbm>>
      %dma_wait3A_24 = arith.constant 0 : i32
      %dma_wait3A_25 = tpu.memref_slice %arg9[%mul3A_15, %dma_wait3A_24] : memref<10240x128xf32, #tpu.memory_space<vmem_shared>> -> memref<640x128xf32, #tpu.memory_space<vmem_shared>>
      tpu.wait_dma2 semaphore(%run_scoped3A : memref<!tpu.dma_semaphore, #tpu.memory_space<semaphore_mem>>) src(%dma_wait3A_25 : memref<640x128xf32, #tpu.memory_space<vmem_shared>>) dst(%dma_wait3A_23 : memref<640x128xf32, #tpu.memory_space<hbm>>)
      tpu.yield
    }) : () -> ()
    return
  }
}

module attributes {stable_mosaic.version = 14 : i64} {
  func.func @_tc1_body(%arg0: i32, %arg1: memref<1000x128xf32, #tpu.memory_space<vmem>>, %arg2: memref<128x128xf32, #tpu.memory_space<vmem>>, %arg3: memref<2x1000x16xf32, #tpu.memory_space<vmem>>, %arg4: memref<1000x128xf32, #tpu.memory_space<vmem>>) attributes {dimension_semantics = [#tpu.dimension_semantics<arbitrary>], iteration_bounds = array<i64: 10>, scalar_prefetch = 0 : i64, scratch_operands = 0 : i64, tpu.core_type = #tpu.core_type<tc>, window_params = [{transform_indices = @transform_0, window_bounds = array<i64: 1000, 128>}, {pipeline_mode = #tpu.pipeline_mode<synchronous>, transform_indices = @transform_1, window_bounds = array<i64: 128, 128>}, {transform_indices = @transform_2, window_bounds = array<i64: 2, 1000, 16>}, {transform_indices = @transform_3, window_bounds = array<i64: 1000, 128>}]} {
    %get3A = arith.constant 0 : index
    %get3A_0 = arith.constant 0 : index
    %get3A_1 = vector.load %arg1[%get3A, %get3A_0] : memref<1000x128xf32, #tpu.memory_space<vmem>>, vector<1000x128xf32>
    %get3A_2 = arith.constant 0 : index
    %get3A_3 = arith.constant 0 : index
    %get3A_4 = vector.load %arg2[%get3A_2, %get3A_3] : memref<128x128xf32, #tpu.memory_space<vmem>>, vector<128x128xf32>
    %dot_general3A = arith.constant dense<0.000000e+00> : vector<1000x128xf32>
    %dot_general3A_5 = tpu.matmul %get3A_1, %get3A_4, %dot_general3A {dimension_numbers = #tpu.dot_dimension_numbers<[1], [0], [0], [1], [0, 0, 1, 1], [], []>, transpose_lhs_hint = false} : vector<1000x128xf32>, vector<128x128xf32>, vector<1000x128xf32> -> vector<1000x128xf32>
    %get3A_6 = arith.constant 0 : index
    %get3A_7 = arith.constant 0 : index
    %get3A_8 = arith.constant 0 : index
    %get3A_9 = vector.load %arg3[%get3A_6, %get3A_7, %get3A_8] : memref<2x1000x16xf32, #tpu.memory_space<vmem>>, vector<1x1000x1xf32>
    %get3A_10 = vector.shape_cast %get3A_9 : vector<1x1000x1xf32> to vector<1000x1xf32>
    %get3A_11 = arith.constant 1 : index
    %get3A_12 = arith.constant 0 : index
    %get3A_13 = arith.constant 0 : index
    %get3A_14 = vector.load %arg3[%get3A_11, %get3A_12, %get3A_13] : memref<2x1000x16xf32, #tpu.memory_space<vmem>>, vector<1x1000x1xf32>
    %get3A_15 = vector.shape_cast %get3A_14 : vector<1x1000x1xf32> to vector<1000x1xf32>
    %add3A = arith.addf %get3A_10, %get3A_15 : vector<1000x1xf32>
    %add3A_16 = arith.constant 1.000000e+00 : f32
    %add3A_17 = vector.broadcast %add3A_16 : f32 to vector<1000x1xf32>
    %add3A_18 = arith.addf %add3A, %add3A_17 : vector<1000x1xf32>
    %rsqrt3A = math.rsqrt %add3A_18 : vector<1000x1xf32>
    %mul3A = vector.broadcast %rsqrt3A : vector<1000x1xf32> to vector<1000x128xf32>
    %mul3A_19 = arith.mulf %dot_general3A_5, %mul3A : vector<1000x128xf32>
    %swap3A = arith.constant 0 : index
    %swap3A_20 = arith.constant 0 : index
    %swap3A_21 = vector.load %arg4[%swap3A, %swap3A_20] : memref<1000x128xf32, #tpu.memory_space<vmem>>, vector<1000x128xf32>
    tpu.vector_store %arg4[%swap3A, %swap3A_20], %mul3A_19 {strides = array<i32>} : memref<1000x128xf32, #tpu.memory_space<vmem>>, vector<1000x128xf32>,
    return
  }
  func.func @transform_0(%arg0: i32) -> (i32, i32) {
    %c0_i32 = arith.constant 0 : i32
    %c0_i32_0 = arith.constant 0 : i32
    return %arg0, %c0_i32 : i32, i32
  }
  func.func @transform_1(%arg0: i32) -> (i32, i32) {
    %c0_i32 = arith.constant 0 : i32
    %c0_i32_0 = arith.constant 0 : i32
    %c0_i32_1 = arith.constant 0 : i32
    return %c0_i32, %c0_i32_0 : i32, i32
  }
  func.func @transform_2(%arg0: i32) -> (i32, i32, i32) {
    %c0_i32 = arith.constant 0 : i32
    %c0_i32_0 = arith.constant 0 : i32
    %c0_i32_1 = arith.constant 0 : i32
    return %c0_i32, %arg0, %c0_i32_0 : i32, i32, i32
  }
  func.func @transform_3(%arg0: i32) -> (i32, i32) {
    %c0_i32 = arith.constant 0 : i32
    %c0_i32_0 = arith.constant 0 : i32
    return %arg0, %c0_i32 : i32, i32
  }
}

module attributes {stable_mosaic.version = 14 : i64} {
  func.func @_tc2_body(%arg0: i32, %arg1: memref<2x1000x128xf32, #tpu.memory_space<vmem>>, %arg2: memref<1000x128xf32, #tpu.memory_space<vmem>>, %arg3: memref<2x1000x16xf32, #tpu.memory_space<vmem>>, %arg4: memref<1x128xf32, #tpu.memory_space<vmem>>, %arg5: memref<128x128xf32, #tpu.memory_space<vmem>>, %arg6: memref<1000x128xf32, #tpu.memory_space<vmem>>) attributes {dimension_semantics = [#tpu.dimension_semantics<arbitrary>], iteration_bounds = array<i64: 10>, scalar_prefetch = 0 : i64, scratch_operands = 0 : i64, tpu.core_type = #tpu.core_type<tc>, window_params = [{transform_indices = @transform_0, window_bounds = array<i64: 2, 1000, 128>}, {transform_indices = @transform_1, window_bounds = array<i64: 1000, 128>}, {transform_indices = @transform_2, window_bounds = array<i64: 2, 1000, 16>}, {pipeline_mode = #tpu.pipeline_mode<synchronous>, transform_indices = @transform_3, window_bounds = array<i64: 1, 128>}, {pipeline_mode = #tpu.pipeline_mode<synchronous>, transform_indices = @transform_4, window_bounds = array<i64: 128, 128>}, {transform_indices = @transform_5, window_bounds = array<i64: 1000, 128>}]} {
    %get3A = arith.constant 0 : index
    %get3A_0 = arith.constant 0 : index
    %get3A_1 = arith.constant 0 : index
    %get3A_2 = vector.load %arg3[%get3A, %get3A_0, %get3A_1] : memref<2x1000x16xf32, #tpu.memory_space<vmem>>, vector<1x1000x1xf32>
    %get3A_3 = vector.shape_cast %get3A_2 : vector<1x1000x1xf32> to vector<1000x1xf32>
    %get3A_4 = arith.constant 1 : index
    %get3A_5 = arith.constant 0 : index
    %get3A_6 = arith.constant 0 : index
    %get3A_7 = vector.load %arg3[%get3A_4, %get3A_5, %get3A_6] : memref<2x1000x16xf32, #tpu.memory_space<vmem>>, vector<1x1000x1xf32>
    %get3A_8 = vector.shape_cast %get3A_7 : vector<1x1000x1xf32> to vector<1000x1xf32>
    %add3A = arith.addf %get3A_3, %get3A_8 : vector<1000x1xf32>
    %add3A_9 = arith.constant 1.000000e+00 : f32
    %add3A_10 = vector.broadcast %add3A_9 : f32 to vector<1000x1xf32>
    %add3A_11 = arith.addf %add3A, %add3A_10 : vector<1000x1xf32>
    %rsqrt3A = math.rsqrt %add3A_11 : vector<1000x1xf32>
    %get3A_12 = arith.constant 0 : index
    %get3A_13 = arith.constant 0 : index
    %get3A_14 = arith.constant 0 : index
    %get3A_15 = vector.load %arg1[%get3A_12, %get3A_13, %get3A_14] : memref<2x1000x128xf32, #tpu.memory_space<vmem>>, vector<1x1000x128xf32>
    %get3A_16 = vector.shape_cast %get3A_15 : vector<1x1000x128xf32> to vector<1000x128xf32>
    %get3A_17 = arith.constant 1 : index
    %get3A_18 = arith.constant 0 : index
    %get3A_19 = arith.constant 0 : index
    %get3A_20 = vector.load %arg1[%get3A_17, %get3A_18, %get3A_19] : memref<2x1000x128xf32, #tpu.memory_space<vmem>>, vector<1x1000x128xf32>
    %get3A_21 = vector.shape_cast %get3A_20 : vector<1x1000x128xf32> to vector<1000x128xf32>
    %add3A_22 = arith.addf %get3A_16, %get3A_21 : vector<1000x128xf32>
    %get3A_23 = arith.constant 0 : index
    %get3A_24 = arith.constant 0 : index
    %get3A_25 = vector.load %arg2[%get3A_23, %get3A_24] : memref<1000x128xf32, #tpu.memory_space<vmem>>, vector<1000x128xf32>
    %add3A_26 = arith.addf %add3A_22, %get3A_25 : vector<1000x128xf32>
    %mul3A = vector.broadcast %rsqrt3A : vector<1000x1xf32> to vector<1000x128xf32>
    %mul3A_27 = arith.mulf %mul3A, %add3A_26 : vector<1000x128xf32>
    %get3A_28 = arith.constant 0 : index
    %get3A_29 = arith.constant 0 : index
    %get3A_30 = vector.load %arg4[%get3A_28, %get3A_29] : memref<1x128xf32, #tpu.memory_space<vmem>>, vector<1x128xf32>
    %add3A_31 = vector.broadcast %get3A_30 : vector<1x128xf32> to vector<1000x128xf32>
    %add3A_32 = arith.addf %mul3A_27, %add3A_31 : vector<1000x128xf32>
    %gt3A = arith.constant 0.000000e+00 : f32
    %gt3A_33 = vector.broadcast %gt3A : f32 to vector<1000x128xf32>
    %gt3A_34 = arith.cmpf ogt, %add3A_32, %gt3A_33 : vector<1000x128xf32>
    %exp3A = math.exp %add3A_32 : vector<1000x128xf32>
    %sub3A = arith.constant 1.000000e+00 : f32
    %sub3A_35 = vector.broadcast %sub3A : f32 to vector<1000x128xf32>
    %sub3A_36 = arith.subf %exp3A, %sub3A_35 : vector<1000x128xf32>
    %select_n3A = arith.select %gt3A_34, %add3A_32, %sub3A_36 : vector<1000x128xi1>, vector<1000x128xf32>
    %get3A_37 = arith.constant 0 : index
    %get3A_38 = arith.constant 0 : index
    %get3A_39 = vector.load %arg5[%get3A_37, %get3A_38] : memref<128x128xf32, #tpu.memory_space<vmem>>, vector<128x128xf32>
    %dot_general3A = arith.constant dense<0.000000e+00> : vector<1000x128xf32>
    %dot_general3A_40 = tpu.matmul %select_n3A, %get3A_39, %dot_general3A {dimension_numbers = #tpu.dot_dimension_numbers<[1], [0], [0], [1], [0, 0, 1, 1], [], []>, transpose_lhs_hint = false} : vector<1000x128xf32>, vector<128x128xf32>, vector<1000x128xf32> -> vector<1000x128xf32>
    %mul3A_41 = vector.broadcast %rsqrt3A : vector<1000x1xf32> to vector<1000x128xf32>
    %mul3A_42 = arith.mulf %dot_general3A_40, %mul3A_41 : vector<1000x128xf32>
    %swap3A = arith.constant 0 : index
    %swap3A_43 = arith.constant 0 : index
    %swap3A_44 = vector.load %arg6[%swap3A, %swap3A_43] : memref<1000x128xf32, #tpu.memory_space<vmem>>, vector<1000x128xf32>
    tpu.vector_store %arg6[%swap3A, %swap3A_43], %mul3A_42 {strides = array<i32>} : memref<1000x128xf32, #tpu.memory_space<vmem>>, vector<1000x128xf32>,
    return
  }
  func.func @transform_0(%arg0: i32) -> (i32, i32, i32) {
    %c0_i32 = arith.constant 0 : i32
    %c0_i32_0 = arith.constant 0 : i32
    %c0_i32_1 = arith.constant 0 : i32
    return %c0_i32, %arg0, %c0_i32_0 : i32, i32, i32
  }
  func.func @transform_1(%arg0: i32) -> (i32, i32) {
    %c0_i32 = arith.constant 0 : i32
    %c0_i32_0 = arith.constant 0 : i32
    return %arg0, %c0_i32 : i32, i32
  }
  func.func @transform_2(%arg0: i32) -> (i32, i32, i32) {
    %c0_i32 = arith.constant 0 : i32
    %c0_i32_0 = arith.constant 0 : i32
    %c0_i32_1 = arith.constant 0 : i32
    return %c0_i32, %arg0, %c0_i32_0 : i32, i32, i32
  }
  func.func @transform_3(%arg0: i32) -> (i32, i32) {
    %c0_i32 = arith.constant 0 : i32
    %c0_i32_0 = arith.constant 0 : i32
    %c0_i32_1 = arith.constant 0 : i32
    return %c0_i32, %c0_i32_0 : i32, i32
  }
  func.func @transform_4(%arg0: i32) -> (i32, i32) {
    %c0_i32 = arith.constant 0 : i32
    %c0_i32_0 = arith.constant 0 : i32
    %c0_i32_1 = arith.constant 0 : i32
    return %c0_i32, %c0_i32_0 : i32, i32
  }
  func.func @transform_5(%arg0: i32) -> (i32, i32) {
    %c0_i32 = arith.constant 0 : i32
    %c0_i32_0 = arith.constant 0 : i32
    return %arg0, %c0_i32 : i32, i32
  }
}

module attributes {stable_mosaic.version = 14 : i64} {
  func.func @_tc3_body(%arg0: i32, %arg1: memref<2x1000x128xf32, #tpu.memory_space<vmem>>, %arg2: memref<1000x128xf32, #tpu.memory_space<vmem>>, %arg3: memref<2x1000x16xf32, #tpu.memory_space<vmem>>, %arg4: memref<1x128xf32, #tpu.memory_space<vmem>>, %arg5: memref<1000x128xf32, #tpu.memory_space<vmem>>) attributes {dimension_semantics = [#tpu.dimension_semantics<arbitrary>], iteration_bounds = array<i64: 10>, scalar_prefetch = 0 : i64, scratch_operands = 0 : i64, tpu.core_type = #tpu.core_type<tc>, window_params = [{transform_indices = @transform_0, window_bounds = array<i64: 2, 1000, 128>}, {transform_indices = @transform_1, window_bounds = array<i64: 1000, 128>}, {transform_indices = @transform_2, window_bounds = array<i64: 2, 1000, 16>}, {pipeline_mode = #tpu.pipeline_mode<synchronous>, transform_indices = @transform_3, window_bounds = array<i64: 1, 128>}, {transform_indices = @transform_4, window_bounds = array<i64: 1000, 128>}]} {
    %get3A = arith.constant 0 : index
    %get3A_0 = arith.constant 0 : index
    %get3A_1 = arith.constant 0 : index
    %get3A_2 = vector.load %arg3[%get3A, %get3A_0, %get3A_1] : memref<2x1000x16xf32, #tpu.memory_space<vmem>>, vector<1x1000x1xf32>
    %get3A_3 = vector.shape_cast %get3A_2 : vector<1x1000x1xf32> to vector<1000x1xf32>
    %get3A_4 = arith.constant 1 : index
    %get3A_5 = arith.constant 0 : index
    %get3A_6 = arith.constant 0 : index
    %get3A_7 = vector.load %arg3[%get3A_4, %get3A_5, %get3A_6] : memref<2x1000x16xf32, #tpu.memory_space<vmem>>, vector<1x1000x1xf32>
    %get3A_8 = vector.shape_cast %get3A_7 : vector<1x1000x1xf32> to vector<1000x1xf32>
    %add3A = arith.addf %get3A_3, %get3A_8 : vector<1000x1xf32>
    %add3A_9 = arith.constant 1.000000e+00 : f32
    %add3A_10 = vector.broadcast %add3A_9 : f32 to vector<1000x1xf32>
    %add3A_11 = arith.addf %add3A, %add3A_10 : vector<1000x1xf32>
    %rsqrt3A = math.rsqrt %add3A_11 : vector<1000x1xf32>
    %get3A_12 = arith.constant 0 : index
    %get3A_13 = arith.constant 0 : index
    %get3A_14 = arith.constant 0 : index
    %get3A_15 = vector.load %arg1[%get3A_12, %get3A_13, %get3A_14] : memref<2x1000x128xf32, #tpu.memory_space<vmem>>, vector<1x1000x128xf32>
    %get3A_16 = vector.shape_cast %get3A_15 : vector<1x1000x128xf32> to vector<1000x128xf32>
    %get3A_17 = arith.constant 1 : index
    %get3A_18 = arith.constant 0 : index
    %get3A_19 = arith.constant 0 : index
    %get3A_20 = vector.load %arg1[%get3A_17, %get3A_18, %get3A_19] : memref<2x1000x128xf32, #tpu.memory_space<vmem>>, vector<1x1000x128xf32>
    %get3A_21 = vector.shape_cast %get3A_20 : vector<1x1000x128xf32> to vector<1000x128xf32>
    %add3A_22 = arith.addf %get3A_16, %get3A_21 : vector<1000x128xf32>
    %get3A_23 = arith.constant 0 : index
    %get3A_24 = arith.constant 0 : index
    %get3A_25 = vector.load %arg2[%get3A_23, %get3A_24] : memref<1000x128xf32, #tpu.memory_space<vmem>>, vector<1000x128xf32>
    %add3A_26 = arith.addf %add3A_22, %get3A_25 : vector<1000x128xf32>
    %mul3A = vector.broadcast %rsqrt3A : vector<1000x1xf32> to vector<1000x128xf32>
    %mul3A_27 = arith.mulf %mul3A, %add3A_26 : vector<1000x128xf32>
    %get3A_28 = arith.constant 0 : index
    %get3A_29 = arith.constant 0 : index
    %get3A_30 = vector.load %arg4[%get3A_28, %get3A_29] : memref<1x128xf32, #tpu.memory_space<vmem>>, vector<1x128xf32>
    %add3A_31 = vector.broadcast %get3A_30 : vector<1x128xf32> to vector<1000x128xf32>
    %add3A_32 = arith.addf %mul3A_27, %add3A_31 : vector<1000x128xf32>
    %gt3A = arith.constant 0.000000e+00 : f32
    %gt3A_33 = vector.broadcast %gt3A : f32 to vector<1000x128xf32>
    %gt3A_34 = arith.cmpf ogt, %add3A_32, %gt3A_33 : vector<1000x128xf32>
    %exp3A = math.exp %add3A_32 : vector<1000x128xf32>
    %sub3A = arith.constant 1.000000e+00 : f32
    %sub3A_35 = vector.broadcast %sub3A : f32 to vector<1000x128xf32>
    %sub3A_36 = arith.subf %exp3A, %sub3A_35 : vector<1000x128xf32>
    %select_n3A = arith.select %gt3A_34, %add3A_32, %sub3A_36 : vector<1000x128xi1>, vector<1000x128xf32>
    %swap3A = arith.constant 0 : index
    %swap3A_37 = arith.constant 0 : index
    %swap3A_38 = vector.load %arg5[%swap3A, %swap3A_37] : memref<1000x128xf32, #tpu.memory_space<vmem>>, vector<1000x128xf32>
    tpu.vector_store %arg5[%swap3A, %swap3A_37], %select_n3A {strides = array<i32>} : memref<1000x128xf32, #tpu.memory_space<vmem>>, vector<1000x128xf32>,
    return
  }
  func.func @transform_0(%arg0: i32) -> (i32, i32, i32) {
    %c0_i32 = arith.constant 0 : i32
    %c0_i32_0 = arith.constant 0 : i32
    %c0_i32_1 = arith.constant 0 : i32
    return %c0_i32, %arg0, %c0_i32_0 : i32, i32, i32
  }
  func.func @transform_1(%arg0: i32) -> (i32, i32) {
    %c0_i32 = arith.constant 0 : i32
    %c0_i32_0 = arith.constant 0 : i32
    return %arg0, %c0_i32 : i32, i32
  }
  func.func @transform_2(%arg0: i32) -> (i32, i32, i32) {
    %c0_i32 = arith.constant 0 : i32
    %c0_i32_0 = arith.constant 0 : i32
    %c0_i32_1 = arith.constant 0 : i32
    return %c0_i32, %arg0, %c0_i32_0 : i32, i32, i32
  }
  func.func @transform_3(%arg0: i32) -> (i32, i32) {
    %c0_i32 = arith.constant 0 : i32
    %c0_i32_0 = arith.constant 0 : i32
    %c0_i32_1 = arith.constant 0 : i32
    return %c0_i32, %c0_i32_0 : i32, i32
  }
  func.func @transform_4(%arg0: i32) -> (i32, i32) {
    %c0_i32 = arith.constant 0 : i32
    %c0_i32_0 = arith.constant 0 : i32
    return %arg0, %c0_i32 : i32, i32
  }
}

</mosaic_0001>

<sc_bundles>
// kernel: kernel.11.cloned.1.call-start
scs
__scs_entry_jumppad:
0x0: {  	(pc) =	sbr.rel $0x88, $3  }
0x1: {  	(tag) =	ssettag $0x0;
	lr =	simm.s32 $0x1  }
0x2: {  	[smem:$0x3F9B] =	sst lr;
	_ =	strace $0xD0000000  }
0x3: {  	_ = 	snop  }
0x4: {  	_ = 	snop  }
0x5: {  	_ = 	snop  }
0x6: {  	_ = 	snop  }
0x7: {  	_ = 	snop  }
__scs_overlays_trampoline_lowered:
0x8: {  	[smem:$0x3FAA] =	sst s0  }
0x9: {  	[smem:$0x3FAB] =	sst s1  }
0xa: {  	[smem:$0x3FAC] =	sst s2  }
0xb: {  	[smem:$0x3FAD] =	sst s3  }
0xc: {  	[smem:$0x3FAE] =	sst s4  }
0xd: {  	[smem:$0x3FAF] =	sst s5  }
0xe: {  	[smem:$0x3FB0] =	sst s6  }
0xf: {  	[smem:$0x3FB1] =	sst s7  }
0x10: {  	[smem:$0x3FB2] =	sst s8  }
0x11: {  	[smem:$0x3FB3] =	sst s9;
	s0 =	simm.s32 @!p0 $0x0  }
0x12: {  	s1 =	sld [smem:$0x3F99];
	s0 =	simm.s32 @p0 $0x1  }
0x13: {  	[smem:$0x3FB4] =	sst s0;
	s0 =	simm.s32 @!p1 $0x0  }
0x14: {  	s2 =	sld [smem:$0x3F98];
	s0 =	simm.s32 @p1 $0x1  }
0x15: {  	[smem:$0x3FB5] =	sst s0;
	s0 =	simm.s32 @!p2 $0x0  }
0x16: {  	s3 =	sld [smem:$0x3FDB];
	s0 =	simm.s32 @p2 $0x1  }
0x17: {  	s4 =	simm.s32 $0x1BF5;
	[smem:$0x3FB7] =	sst s0  }
0x18: {  	s0 =	sld [smem:$0x3F9A];
	_ =	swait.ge [sflag:s4], $0x0  }
0x19: {  	s7 =	sld [smem:$0x3F9B]  }
0x1a: {  	s8 =	sadd.s32 $0xFFFFE003, lr  }
0x1b: {  	s9 =	sadd.s32 $0xFFFFFEF7, lr;
	s5 =	simm.s32 $0xFFFFFFFF;
	p2 =	slt.u32 s8, $0xFFFFF086  }
0x1c: {  	p1 =	slt.u32 s9, $0xF7A;
	s5 =	simm.s32 @!p2 $0x0  }
0x1d: {  	s5 =	simm.s32 @p1 $0x1;
	p0 =	seq.s32 s7, s2  }
0x1e: {  	s7 =	smul.u32 @!p0 $0xF7A, s2;
	p2 =	seq.s32 @!p0 s5, $0x0  }
0x1f: {  	s9 =	smul.u32 $0xF7A, s1;
	s8 =	simm.s32 @!p0 $0x1BF5;
	p2 =	por !p2, p0  }
0x20: {  	[sflag:s8] =	ssyncset.s32 @!p0 $0xFFFFF086;
	s6 =	sadd.s32 @!p0 s3, s7;
	s7 =	simm.s32 @!p0 $0x108  }
0x21: {  	s3 =	sadd.s32 s3, s9;
	s6 =	sadd.s32 @!p0 $0x88, s6;
	s7 =	simm.s32 @p2 $0x1082  }
0x22: {  	[simem:s7], [sflag:s8] =	dma.local @!p0 [hbm:s6], $0xF7A  }
0x23: {  	s9 =	sor.u32 $0xD0000000, s2;
	s6 =	simm.s32 $0x108;
	_ =	swait.ge @!p0 [sflag:s8], $0x0  }
0x24: {  	s3 =	sadd.s32 $0x88, s3;
	s6 =	simm.s32 @!p1 $0x1082;
	[sflag:s4] =	ssyncset.s32 $0xFFFFF086  }
0x25: {  	[simem:s6], [sflag:s4] =	dma.local [hbm:s3], $0xF7A  }
0x26: {  	[smem:$0x3F9B] =	sst s1;
	(tag) =	ssettag s2;
	_ =	strace s9  }
0x27: {  	s1 =	sld [smem:$0x3FAB]  }
0x28: {  	s2 =	sld [smem:$0x3FAC]  }
0x29: {  	s4 =	sld [smem:$0x3FAE]  }
0x2a: {  	p0 =	seq.s32 s5, $0x0;
	s5 =	sld [smem:$0x3FAF]  }
0x2b: {  	s6 =	sld [smem:$0x3FB0]  }
0x2c: {  	s7 =	sld [smem:$0x3FB1]  }
0x2d: {  	s3 =	simm.s32 $0x108;
	s8 =	sld [smem:$0x3FB2]  }
0x2e: {  	s3 =	simm.s32 @!p0 $0x1082;
	s9 =	sld [smem:$0x3FB3]  }
0x2f: {  	lr =	sadd.s32 s0, s3;
	s0 =	sld [smem:$0x3FAA]  }
0x30: {  	s3 =	sld [smem:$0x3FAD]  }
0x31: {  	[smem:$0x3FB6] =	sst s10  }
0x32: {  	s10 =	sld [smem:$0x3FB4];
	_ =	sdelay $0x3  }
0x33: {  	p0 =	seq.s32 s10, $0x1;
	s10 =	sld [smem:$0x3FB6];
	_ =	sdelay $0x3  }
0x34: {  	[smem:$0x3FB6] =	sst s10  }
0x35: {  	s10 =	sld [smem:$0x3FB5];
	_ =	sdelay $0x3  }
0x36: {  	p1 =	seq.s32 s10, $0x1;
	s10 =	sld [smem:$0x3FB6];
	_ =	sdelay $0x3  }
0x37: {  	[smem:$0x3FB6] =	sst s10  }
0x38: {  	s10 =	sld [smem:$0x3FB7]  }
0x39: {  	_ = 	snop;
	(pc) =	sbr.ind lr, $3  }
0x3a: {  	_ = 	snop  }
0x3b: {  	_ = 	snop  }
0x3c: {  	p2 =	seq.s32 s10, $0x1;
	s10 =	sld [smem:$0x3FB6]  }
0x3d: {  	_ =	shalt  }
0x3e: {  	_ =	shalt  }
0x3f: {  	_ =	shalt  }
0x40: {  	_ =	shalt  }
0x41: {  	_ =	shalt  }
0x42: {  	_ =	shalt  }
0x43: {  	_ =	shalt  }
0x44: {  	_ =	shalt  }
0x45: {  	_ =	shalt  }
0x46: {  	_ =	shalt  }
0x47: {  	_ =	shalt  }
0x48: {  	_ =	shalt  }
0x49: {  	_ =	shalt  }
0x4a: {  	_ =	shalt  }
0x4b: {  	_ =	shalt  }
0x4c: {  	_ =	shalt  }
0x4d: {  	_ =	shalt  }
0x4e: {  	_ =	shalt  }
0x4f: {  	_ =	shalt  }
0x50: {  	_ =	shalt  }
0x51: {  	_ =	shalt  }
0x52: {  	_ =	shalt  }
0x53: {  	_ =	shalt  }
0x54: {  	_ =	shalt  }
0x55: {  	_ =	shalt  }
0x56: {  	_ =	shalt  }
0x57: {  	_ =	shalt  }
0x58: {  	_ =	shalt  }
0x59: {  	_ =	shalt  }
0x5a: {  	_ =	shalt  }
0x5b: {  	_ =	shalt  }
0x5c: {  	_ =	shalt  }
0x5d: {  	_ =	shalt  }
0x5e: {  	_ =	shalt  }
0x5f: {  	_ =	shalt  }
0x60: {  	_ =	shalt  }
0x61: {  	_ =	shalt  }
0x62: {  	_ =	shalt  }
0x63: {  	_ =	shalt  }
0x64: {  	_ =	shalt  }
0x65: {  	_ =	shalt  }
0x66: {  	_ =	shalt  }
0x67: {  	_ =	shalt  }
0x68: {  	_ =	shalt  }
0x69: {  	_ =	shalt  }
0x6a: {  	_ =	shalt  }
0x6b: {  	_ =	shalt  }
0x6c: {  	_ =	shalt  }
0x6d: {  	_ =	shalt  }
0x6e: {  	_ =	shalt  }
0x6f: {  	_ =	shalt  }
0x70: {  	_ =	shalt  }
0x71: {  	_ =	shalt  }
0x72: {  	_ =	shalt  }
0x73: {  	_ =	shalt  }
0x74: {  	_ =	shalt  }
0x75: {  	_ =	shalt  }
0x76: {  	_ =	shalt  }
0x77: {  	_ =	shalt  }
0x78: {  	_ =	shalt  }
0x79: {  	_ =	shalt  }
0x7a: {  	_ =	shalt  }
0x7b: {  	_ =	shalt  }
0x7c: {  	_ =	shalt  }
0x7d: {  	_ =	shalt  }
0x7e: {  	_ =	shalt  }
0x7f: {  	_ =	shalt  }
0x80: {  	_ =	shalt  }
0x81: {  	_ =	shalt  }
0x82: {  	_ =	shalt  }
0x83: {  	_ =	shalt  }
0x84: {  	_ =	shalt  }
0x85: {  	_ =	shalt  }
0x86: {  	_ =	shalt  }
0x87: {  	_ =	shalt  }
.Lfunc_end0:
.L_simem_size_0:
called_computation.1_lowered:
.L_overlay_start_0:
0x88: {  	s2 =	sld [smem:$0x3FD9]  }
0x89: {  	s3 =	sld [smem:$0x3FFE];
	_ =	sdelay $0x1  }
0x8a: {  	s1 =	srdreg.scid  }
0x8b: {  	s0 =	sand.u32 $0x1, s1  }
0x8c: {  	s17 =	sshll.u32 s0, $0xA;
	s2 =	sadd.s32 s3, s2  }
0x8d: {  	s2 =	sadd.s32 s2, s17  }
0x8e: {  	[smem:$0x3FC2] =	sst s2  }
0x8f: {  	_ = 	snop  }
0x90: {  	s2 =	sld [smem:$0x3FD0];
	(tm) =	ssettm $0x1  }
0x91: {  	s18 =	sld [smem:$0x3FFB];
	_ =	sdelay $0x3  }
0x92: {  	_ =	strace s18  }
0x93: {  	s3 =	sld [smem:$0x3FFC];
	_ =	sdelay $0x3  }
0x94: {  	_ =	strace s3  }
0x95: {  	s3 =	sld [smem:$0x3FFD];
	_ =	sdelay $0x3  }
0x96: {  	_ =	strace s3  }
0x97: {  	_ =	strace $0x8FFFFFFF  }
0x98: {  	s19 =	sld [smem:$0x3FDB];
	_ =	sdelay $0x1  }
0x99: {  	s4 =	simm.s32 $_scs_section_size  }
0x9a: {  	s5 =	simm.s32 $_size__tile_overlayer_lowered;
	s6 =	simm.s32 $_tile_overlayer_lowered  }
0x9b: {  	s22 =	simm.s32 $0x1BFF;
	s21 =	sshll.u32 s6, $0x1;
	s3 =	sadd.s32 s4, s19  }
0x9c: {  	s7 =	simm.s32 $0x0;
	s20 =	sshll.u32 s5, $0x1;
	s5 =	sadd.s32 s21, s3  }
0x9d: {  	[timem:s7], [sflag:s22] =	dma.local [hbm:s5], s20  }
0x9e: {  	_ =	swait.ge [sflag:s22], s20  }
0x9f: {  	s4 =	ssub.s32 $0x0, s20;
	[sflag:s22] =	ssyncset.done $0x0  }
0xa0: {  	[sflag:s22] =	ssyncadd.s32 s4;
	_ =	sdelay $0x1  }
0xa1: {  	s23 =	simm.s32 $0x1B8B  }
0xa2: {  	_ =	swait.ge [sflag:s23], $0x1  }
0xa3: {  	[sflag:s23] =	ssyncset.done $0x0  }
0xa4: {  	s25 =	simm.s32 $0x1B8E;
	s24 =	sld [smem:$0x3FFE];
	[sflag:s23] =	ssyncadd.s32 $0xFFFFFFFF  }
0xa5: {  	s26 =	simm.s32 $execute0_lowered;
	[smem:$0x3FD2] =	sst s25  }
0xa6: {  	s5 =	sshll.u32 s26, $0x1;
	_ =	strace $0x80000049;
	[dreg:$0x1] =	wrdreg $0xFFFFFFFF  }
0xa7: {  	s28 =	simm.s32 $_size_execute0_lowered;
	s3 =	sadd.s32 s3, s5;
	[dreg:$0x0] =	wrdreg $0x0  }
0xa8: {  	s5 =	sshll.u32 s28, $0x1;
	[dreg:$0x2] =	wrdreg s3  }
0xa9: {  	[dreg:$0x3] =	wrdreg s5  }
0xaa: {  	[dreg:$0x4] =	wrdreg $0xC0  }
0xab: {  	_ =	task [dreg:s7], $0x5FFFF  }
0xac: {  	[dreg:$0x1] =	wrdreg $0xFFFFFFFF  }
0xad: {  	[dreg:$0x0] =	wrdreg $0x60  }
0xae: {  	[dreg:$0x2] =	wrdreg s2  }
0xaf: {  	[dreg:$0x3] =	wrdreg s24  }
0xb0: {  	[dreg:$0x4] =	wrdreg $0x90000  }
0xb1: {  	[dreg:$0x5] =	wrdreg $0x9  }
0xb2: {  	_ =	task.clear_ibuf [dreg:s7], $0x6FFFF;
	_ =	strace $0x90000049  }
0xb3: {  	s29 =	simm.s32 $0x9;
	_ =	strace $0x8000004B  }
0xb4: {  	_ =	swait.ge [sflag:s29], $0x1  }
0xb5: {  	[sflag:s29] =	ssyncadd.s32 $0xFFFFFFFF  }
0xb6: {  	_ =	strace $0x9000004B  }
0xb7: {  	_ =	sfence  }
0xb8: {  	s30 =	sld [smem:$0x0];
	_ =	sdelay $0x2  }
0xb9: {  	s31 =	sshll.u32 s1, $0xD;
	s1 =	sshrl.u32 s1, $0x2  }
0xba: {  	s3 =	sand.u32 $0x4000, s31;
	s1 =	sadd.s32 s1, s30  }
0xbb: {  	s0 =	sor.u32 s3, s0;
	s1 =	sshll.u32 s1, $0x11  }
0xbc: {  	s0 =	sor.u32 s1, s0  }
0xbd: {  	s0 =	sadd.s32 $0x8F2B, s0  }
0xbe: {  	[sflag:s0] =	ssyncadd.remote.s32 $0x1  }
0xbf: {  	_ =	sfence.sel $0xFFFF  }
0xc0: {  	[dreg:$0x0] =	wrdreg $0xFFFFFFFF;
	(pc) =	sbr.abs _section_cstart, $3  }
0xc1: {  	[dreg:$0x1] =	wrdreg $0xFFFFFFFF  }
0xc2: {  	_ =	task.clear_ibuf [dreg:s7], $0x2FFFF;
	_ =	strace $0x9FFFFFFF  }
0xc3: {  	(tm) =	ssettm $0x7FFFFFFF  }
tec
execute0_lowered:
.L_overlay_start_1:
0x0: {  	(tag) =	ssettag $0x1  }
0x1: {  	s1 =	rddreg [dreg:$0x0]  }
0x2: {  	s0 =	rddreg [dreg:$0x1]  }
0x3: {  	s2 =	rddreg [dreg:$0x2];
	s3 =	srdreg.scid  }
0x4: {  	s4 =	simm.s32 $0x0;
	s11 =	stileid.u32;
	s16 =	simm.s32 $0x1000  }
0x5: {  	s13 =	simm.s32 $0x4;
	s28 =	simm.s32 $0x580;
	s29 =	simm.s32 $0xD00  }
0x6: {  	s30 =	simm.s32 $0x600;
	s31 =	simm.s32 $0xD80;
	s6 =	smul.u32 $0x14000, s11  }
0x7: {  	s12 =	simm.s32 $0x0;
	s3 =	sand.u32 $0x1, s3;
	s17 =	smul.u32 $0x50000, s11  }
0x8: {  	[smem:$0x7FF] =	sst s4;
	s8 =	sadd.s32 $0xCA00, s0;
	s11 =	smul.u32 $0xA00, s11  }
0x9: {  	s9 =	sadd.s32 $0x2A00, s0;
	s5 =	smul.u32 $0x140000, s3;
	_ =	strace $0x8000004A  }
0xa: {  	s7 =	ssub.s32 $0x2, s3;
	p0 =	sne.s32 s3, $0x0;
	s3 =	simm.s32 $0xE80  }
0xb: {  	s10 =	sshrl.u32 s7, $0x1;
	s19 =	sor.u32 $0x80, s11;
	s5 =	sadd.s32 s6, s5  }
0xc: {  	s6 =	sshrl.u32 s17, $0x2;
	s18 =	ssub.s32 s7, s10;
	s7 =	sadd.s32 s9, s11  }
0xd: {  	s20 =	sadd.s32 s9, s19;
	s17 =	simm.s32 $0x5;
	s9 =	simm.s32 $0x700  }
0xe: {  	s10 =	simm.s32 $0x780;
	s5 =	sshrl.u32 s5, $0x3;
	s25 =	sadd.s32 s6, s2  }
0xf: {  	s6 =	sadd.s32 s8, s11;
	s8 =	sadd.s32 s8, s19;
	[dreg:$0x6] =	wrdreg s20  }
0x10: {  	s21 =	smax.u32 s18, $0x1;
	s19 =	simm.s32 $0x3;
	[dreg:$0x5] =	wrdreg s8  }
0x11: {  	s20 =	simm.s32 $0x400;
	s11 =	simm.s32 $0xF00;
	[dreg:$0x8] =	wrdreg s21  }
0x12: {  	s18 =	simm.s32 $0xF80;
	s22 =	sadd.s32 $0x4000, s25;
	[dreg:$0x4] =	wrdreg s25  }
0x13: {  	s0 =	sadd.s32 s5, s0;
	s23 =	sadd.s32 $0x8000, s25;
	[dreg:$0x9] =	wrdreg s22  }
.Ltmp0:
0x14: {  	s24 =	sadd.s32 $0xC000, s25;
	[dreg:$0xa] =	wrdreg s23;
	(pc) =	sbr.rel .LBB2_1-.Ltmp0, $4  }
0x15: {  	s26 =	sadd.s32 $0x10000, s25;
	s21 =	simm.s32 $0xC00;
	[dreg:$0xb] =	wrdreg s24  }
0x16: {  	s8 =	simm.s32 $0xE00;
	s0 =	sadd.s32 $0x66A00, s0;
	[dreg:$0xc] =	wrdreg s26  }
0x17: {  	s22 =	simm.s32 $0x80;
	s23 =	simm.s32 $0x5000;
	s24 =	simm.s32 $0x1  }
0x18: {  	v0 =	vimm.f32 $0.0e+00;
	s26 =	simm.s32 $0x2;
	[dreg:$0x7] =	wrdreg s0;
	s0 =	simm.s32 $0x680  }
.LBB2_6:
0x19: {  	_ =	swait.ge [sflag:s26], $0x4000  }
0x1a: {  	[sflag:s26] =	ssyncset.done $0x0  }
0x1b: {  	[sflag:s26] =	ssyncadd.s32 $0xFFFFC000  }
0x1c: {  	[spmem:s2] =	stream.indirect.scatter.add.f32 [tilespmem:s23], [sflag:$0x5], $0x80, s18, s22, $0xb8;
	[tilespmem:$0x1D000] =	vst v63  }
0x1d: {  	_ =	swait.ge [sflag:s17], $0x4000  }
0x1e: {  	[sflag:s17] =	ssyncset.done $0x0  }
0x1f: {  	[sflag:s17] =	ssyncadd.s32 $0xFFFFC000  }
.LBB2_8:
0x20: {  	s5 =	stileid.u32;
	[bflag:$0x0] =	sbarrier.arrive $0xFFFF  }
0x21: {  	s5 =	sshll.u32 s5, $0x6;
	s25 =	rddreg [dreg:$0x4]  }
0x22: {  	s15 =	rddreg [dreg:$0x7];
	s5 =	sor.u32 $0x1C05, s5;
	s14 =	sshrl.u32 s25, $0x3  }
0x23: {  	[hbm:s15], [sflag:s5] =	dma.local [spmem:s14], $0x2800  }
0x24: {  	_ =	swait.ge [sflag:s17], $0x2800  }
0x25: {  	s12 =	sadd.s32 $0x1, s12;
	s15 =	rddreg [dreg:$0x8]  }
0x26: {  	p1 =	sne.s32 s12, s15  }
.Ltmp1:
0x27: {  	_ = 	snop;
	(pc) =	sbr.rel @!p1 .LBB2_9-.Ltmp1, $3  }
0x28: {  	_ =	sdelay $0x1  }
0x29: {  	[sflag:s17] =	ssyncset.done $0x0  }
0x2a: {  	[sflag:s17] =	ssyncadd.s32 $0xFFFFD800  }
.LBB2_1:
0x2b: {  	s14 =	simm.s32 $0x0;
	s15 =	simm.s32 $0x200  }
.LBB2_2:
0x2c: {  	p1 =	sne.s32 s15, $0xFE00;
	[tilespmem:s14+$0x1070] =	vst v0  }
0x2d: {  	[tilespmem:s14+$0x1000] =	vst v0  }
0x2e: {  	[tilespmem:s14+$0x1010] =	vst v0  }
.Ltmp2:
0x2f: {  	[tilespmem:s14+$0x1020] =	vst v0;
	(pc) =	sbr.rel @p1 .LBB2_2-.Ltmp2, $4  }
0x30: {  	[tilespmem:s14+$0x1030] =	vst v0  }
0x31: {  	[tilespmem:s14+$0x1040] =	vst v0  }
0x32: {  	[tilespmem:s14+$0x1050] =	vst v0  }
0x33: {  	[tilespmem:s14+$0x1060] =	vst v0;
	s14 =	sshra.s32 s15, $0x2;
	s15 =	sadd.s32 $0x200, s15  }
0x34: {  	[tilespmem:s14+$0x1070] =	vst v0  }
0x35: {  	[tilespmem:s14+$0x1000] =	vst v0  }
0x36: {  	[tilespmem:s14+$0x1010] =	vst v0  }
0x37: {  	[tilespmem:s14+$0x1020] =	vst v0  }
0x38: {  	[tilespmem:s14+$0x1030] =	vst v0  }
0x39: {  	[tilespmem:s14+$0x1040] =	vst v0  }
0x3a: {  	[tilespmem:s14+$0x1050] =	vst v0  }
0x3b: {  	[tilespmem:s14+$0x1060] =	vst v0  }
0x3c: {  	[spmem:s25] =	stream.linear.scatter [tilespmem:s16], [sflag:$0x5], $0x4000, $0x38;
	[tilespmem:$0x1D000] =	vst v63  }
0x3d: {  	_ =	swait.ge [sflag:s17], $0x4000  }
0x3e: {  	[sflag:s17] =	ssyncset.done $0x0  }
0x3f: {  	s5 =	rddreg [dreg:$0x9];
	[sflag:s17] =	ssyncadd.s32 $0xFFFFC000  }
0x40: {  	[spmem:s5] =	stream.linear.scatter [tilespmem:s16], [sflag:$0x5], $0x4000, $0x38;
	[tilespmem:$0x1D000] =	vst v63  }
0x41: {  	_ =	swait.ge [sflag:s17], $0x4000  }
0x42: {  	[sflag:s17] =	ssyncset.done $0x0  }
0x43: {  	s14 =	rddreg [dreg:$0xa];
	[sflag:s17] =	ssyncadd.s32 $0xFFFFC000  }
0x44: {  	[spmem:s14] =	stream.linear.scatter [tilespmem:s16], [sflag:$0x5], $0x4000, $0x38;
	[tilespmem:$0x1D000] =	vst v63  }
0x45: {  	_ =	swait.ge [sflag:s17], $0x4000  }
0x46: {  	[sflag:s17] =	ssyncset.done $0x0  }
0x47: {  	s15 =	rddreg [dreg:$0xb];
	[sflag:s17] =	ssyncadd.s32 $0xFFFFC000  }
0x48: {  	[spmem:s15] =	stream.linear.scatter [tilespmem:s16], [sflag:$0x5], $0x4000, $0x38;
	[tilespmem:$0x1D000] =	vst v63  }
0x49: {  	_ =	swait.ge [sflag:s17], $0x4000  }
0x4a: {  	[sflag:s17] =	ssyncset.done $0x0  }
0x4b: {  	s25 =	rddreg [dreg:$0xc];
	[sflag:s17] =	ssyncadd.s32 $0xFFFFC000  }
0x4c: {  	[spmem:s25] =	stream.linear.scatter [tilespmem:s16], [sflag:$0x5], $0x4000, $0x38;
	[tilespmem:$0x1D000] =	vst v63  }
.Ltmp3:
0x4d: {  	_ =	swait.ge [sflag:s17], $0x4000;
	(pc) =	sbr.rel @p0 .LBB2_8-.Ltmp3, $3  }
0x4e: {  	[sflag:s17] =	ssyncset.done $0x0  }
0x4f: {  	[sflag:s17] =	ssyncadd.s32 $0xFFFFC000  }
0x50: {  	[bflag:$0x0] =	sbarrier.arrive $0xFFFF;
	_ =	sdelay $0x1  }
0x51: {  	s14 =	simm.s32 $0x0  }
0x52: {  	[tilespmem:s14], [sflag:$0x3] =	stream.linear.gather [hbm4b:s6+s14], $0x400, $0x38;
	[tilespmem:$0x1D000] =	vst v63  }
0x53: {  	s5 =	simm.s32 $0x800  }
0x54: {  	[tilespmem:s5], [sflag:$0x3] =	stream.linear.gather [hbm4b:s7+s14], $0x400, $0x38;
	[tilespmem:$0x1D000] =	vst v63  }
0x55: {  	_ =	swait.ge [sflag:s19], $0x400  }
0x56: {  	[sflag:s19] =	ssyncset.done $0x0  }
0x57: {  	[sflag:s19] =	ssyncadd.s32 $0xFFFFFC00  }
0x58: {  	_ =	swait.ge [sflag:s19], $0x400  }
0x59: {  	[sflag:s19] =	ssyncset.done $0x0  }
0x5a: {  	s15 =	rddreg [dreg:$0x5];
	[sflag:s19] =	ssyncadd.s32 $0xFFFFFC00  }
0x5b: {  	[tilespmem:s20], [sflag:$0x4] =	stream.linear.gather [hbm4b:s15+s14], $0x400, $0x38;
	[tilespmem:$0x1D000] =	vst v63  }
0x5c: {  	s25 =	rddreg [dreg:$0x6]  }
0x5d: {  	[tilespmem:s21], [sflag:$0x4] =	stream.linear.gather [hbm4b:s25+s14], $0x400, $0x38;
	[tilespmem:$0x1D000] =	vst v63  }
0x5e: {  	_ = 	snop  }
0x5f: {  	[tilespmem:s16], [sflag:$0x1] =	stream.indirect.gather [hbm4b:s1+s22], $0x80, s14, s22, $0xb8;
	[tilespmem:$0x1D000] =	vst v63  }
0x60: {  	_ = 	snop  }
0x61: {  	[tilespmem:s23], [sflag:$0x2] =	stream.indirect.gather [hbm4b:s1+s22], $0x80, s22, s22, $0xb8;
	[tilespmem:$0x1D000] =	vst v63  }
.LBB2_5:
0x62: {  	_ =	swait.ge [sflag:s24], $0x4000  }
0x63: {  	[sflag:s24] =	ssyncset.done $0x0  }
0x64: {  	s5 =	simm.s32 $0x800;
	[sflag:s24] =	ssyncadd.s32 $0xFFFFC000  }
0x65: {  	[spmem:s2] =	stream.indirect.scatter.add.f32 [tilespmem:s16], [sflag:$0x5], $0x80, s5, s22, $0xb8;
	[tilespmem:$0x1D000] =	vst v63  }
0x66: {  	_ =	swait.ge [sflag:s17], $0x4000  }
0x67: {  	[sflag:s17] =	ssyncset.done $0x0  }
0x68: {  	s15 =	simm.s32 $0x100;
	[sflag:s17] =	ssyncadd.s32 $0xFFFFC000  }
0x69: {  	[tilespmem:s16], [sflag:$0x1] =	stream.indirect.gather [hbm4b:s1+s22], $0x80, s15, s22, $0xb8;
	[tilespmem:$0x1D000] =	vst v63  }
0x6a: {  	_ =	swait.ge [sflag:s26], $0x4000  }
0x6b: {  	[sflag:s26] =	ssyncset.done $0x0  }
0x6c: {  	s25 =	simm.s32 $0x880;
	[sflag:s26] =	ssyncadd.s32 $0xFFFFC000  }
0x6d: {  	[spmem:s2] =	stream.indirect.scatter.add.f32 [tilespmem:s23], [sflag:$0x5], $0x80, s25, s22, $0xb8;
	[tilespmem:$0x1D000] =	vst v63  }
0x6e: {  	_ =	swait.ge [sflag:s17], $0x4000  }
0x6f: {  	[sflag:s17] =	ssyncset.done $0x0  }
0x70: {  	s15 =	simm.s32 $0x180;
	[sflag:s17] =	ssyncadd.s32 $0xFFFFC000  }
0x71: {  	[tilespmem:s23], [sflag:$0x2] =	stream.indirect.gather [hbm4b:s1+s22], $0x80, s15, s22, $0xb8;
	[tilespmem:$0x1D000] =	vst v63  }
0x72: {  	_ =	swait.ge [sflag:s24], $0x4000  }
0x73: {  	[sflag:s24] =	ssyncset.done $0x0  }
0x74: {  	s25 =	simm.s32 $0x900;
	[sflag:s24] =	ssyncadd.s32 $0xFFFFC000  }
0x75: {  	[spmem:s2] =	stream.indirect.scatter.add.f32 [tilespmem:s16], [sflag:$0x5], $0x80, s25, s22, $0xb8;
	[tilespmem:$0x1D000] =	vst v63  }
0x76: {  	_ =	swait.ge [sflag:s17], $0x4000  }
0x77: {  	[sflag:s17] =	ssyncset.done $0x0  }
0x78: {  	s15 =	simm.s32 $0x200;
	[sflag:s17] =	ssyncadd.s32 $0xFFFFC000  }
0x79: {  	[tilespmem:s16], [sflag:$0x1] =	stream.indirect.gather [hbm4b:s1+s22], $0x80, s15, s22, $0xb8;
	[tilespmem:$0x1D000] =	vst v63  }
0x7a: {  	_ =	swait.ge [sflag:s26], $0x4000  }
0x7b: {  	[sflag:s26] =	ssyncset.done $0x0  }
0x7c: {  	s25 =	simm.s32 $0x980;
	[sflag:s26] =	ssyncadd.s32 $0xFFFFC000  }
0x7d: {  	[spmem:s2] =	stream.indirect.scatter.add.f32 [tilespmem:s23], [sflag:$0x5], $0x80, s25, s22, $0xb8;
	[tilespmem:$0x1D000] =	vst v63  }
0x7e: {  	_ =	swait.ge [sflag:s17], $0x4000  }
0x7f: {  	[sflag:s17] =	ssyncset.done $0x0  }
0x80: {  	s15 =	simm.s32 $0x280;
	[sflag:s17] =	ssyncadd.s32 $0xFFFFC000  }
0x81: {  	[tilespmem:s23], [sflag:$0x2] =	stream.indirect.gather [hbm4b:s1+s22], $0x80, s15, s22, $0xb8;
	[tilespmem:$0x1D000] =	vst v63  }
0x82: {  	_ =	swait.ge [sflag:s24], $0x4000  }
0x83: {  	[sflag:s24] =	ssyncset.done $0x0  }
0x84: {  	s25 =	simm.s32 $0xA00;
	[sflag:s24] =	ssyncadd.s32 $0xFFFFC000  }
0x85: {  	[spmem:s2] =	stream.indirect.scatter.add.f32 [tilespmem:s16], [sflag:$0x5], $0x80, s25, s22, $0xb8;
	[tilespmem:$0x1D000] =	vst v63  }
0x86: {  	_ =	swait.ge [sflag:s17], $0x4000  }
0x87: {  	[sflag:s17] =	ssyncset.done $0x0  }
0x88: {  	s15 =	simm.s32 $0x300;
	[sflag:s17] =	ssyncadd.s32 $0xFFFFC000  }
0x89: {  	[tilespmem:s16], [sflag:$0x1] =	stream.indirect.gather [hbm4b:s1+s22], $0x80, s15, s22, $0xb8;
	[tilespmem:$0x1D000] =	vst v63  }
0x8a: {  	_ =	swait.ge [sflag:s26], $0x4000  }
0x8b: {  	[sflag:s26] =	ssyncset.done $0x0  }
0x8c: {  	s25 =	simm.s32 $0xA80;
	[sflag:s26] =	ssyncadd.s32 $0xFFFFC000  }
0x8d: {  	[spmem:s2] =	stream.indirect.scatter.add.f32 [tilespmem:s23], [sflag:$0x5], $0x80, s25, s22, $0xb8;
	[tilespmem:$0x1D000] =	vst v63  }
0x8e: {  	_ =	swait.ge [sflag:s17], $0x4000  }
0x8f: {  	[sflag:s17] =	ssyncset.done $0x0  }
0x90: {  	s15 =	simm.s32 $0x380;
	[sflag:s17] =	ssyncadd.s32 $0xFFFFC000  }
0x91: {  	[tilespmem:s23], [sflag:$0x2] =	stream.indirect.gather [hbm4b:s1+s22], $0x80, s15, s22, $0xb8;
	[tilespmem:$0x1D000] =	vst v63  }
0x92: {  	_ =	swait.ge [sflag:s24], $0x4000  }
0x93: {  	[sflag:s24] =	ssyncset.done $0x0  }
0x94: {  	s25 =	simm.s32 $0xB00;
	[sflag:s24] =	ssyncadd.s32 $0xFFFFC000  }
0x95: {  	[spmem:s2] =	stream.indirect.scatter.add.f32 [tilespmem:s16], [sflag:$0x5], $0x80, s25, s22, $0xb8;
	[tilespmem:$0x1D000] =	vst v63  }
0x96: {  	_ =	swait.ge [sflag:s17], $0x4000  }
0x97: {  	[sflag:s17] =	ssyncset.done $0x0  }
0x98: {  	[sflag:s17] =	ssyncadd.s32 $0xFFFFC000  }
0x99: {  	_ =	swait.ge [sflag:s13], $0x400  }
0x9a: {  	[sflag:s13] =	ssyncset.done $0x0  }
0x9b: {  	[sflag:s13] =	ssyncadd.s32 $0xFFFFFC00  }
0x9c: {  	_ =	swait.ge [sflag:s13], $0x400  }
0x9d: {  	[sflag:s13] =	ssyncset.done $0x0  }
0x9e: {  	[sflag:s13] =	ssyncadd.s32 $0xFFFFFC00  }
0x9f: {  	[tilespmem:s16], [sflag:$0x1] =	stream.indirect.gather [hbm4b:s1+s22], $0x80, s20, s22, $0xb8;
	[tilespmem:$0x1D000] =	vst v63  }
0xa0: {  	_ =	swait.ge [sflag:s26], $0x4000  }
0xa1: {  	[sflag:s26] =	ssyncset.done $0x0  }
0xa2: {  	s15 =	simm.s32 $0xB80;
	[sflag:s26] =	ssyncadd.s32 $0xFFFFC000  }
0xa3: {  	[spmem:s2] =	stream.indirect.scatter.add.f32 [tilespmem:s23], [sflag:$0x5], $0x80, s15, s22, $0xb8;
	[tilespmem:$0x1D000] =	vst v63  }
0xa4: {  	p1 =	seq.s32 s14, $0x900;
	_ =	swait.ge [sflag:s17], $0x4000  }
0xa5: {  	s15 =	sadd.s32 @!p1 s14, s6;
	[sflag:s17] =	ssyncset.done $0x0  }
0xa6: {  	s5 =	simm.s32 @!p1 $0x0;
	s15 =	sadd.s32 @!p1 $0x100, s15;
	[sflag:s17] =	ssyncadd.s32 $0xFFFFC000  }
0xa7: {  	[tilespmem:s5], [sflag:$0x3] =	stream.linear.gather @!p1 [hbm4b:s15+s5], $0x400, $0x38;
	[tilespmem:$0x1D000] =	vst v63  }
0xa8: {  	s15 =	sadd.s32 @!p1 s14, s7  }
0xa9: {  	s25 =	simm.s32 @!p1 $0x800;
	s15 =	sadd.s32 @!p1 $0x100, s15  }
0xaa: {  	[tilespmem:s25], [sflag:$0x3] =	stream.linear.gather @!p1 [hbm4b:s15+s5], $0x400, $0x38;
	[tilespmem:$0x1D000] =	vst v63  }
0xab: {  	s25 =	simm.s32 $0x480  }
0xac: {  	[tilespmem:s23], [sflag:$0x2] =	stream.indirect.gather [hbm4b:s1+s22], $0x80, s25, s22, $0xb8;
	[tilespmem:$0x1D000] =	vst v63  }
0xad: {  	_ =	swait.ge [sflag:s24], $0x4000  }
0xae: {  	[sflag:s24] =	ssyncset.done $0x0  }
0xaf: {  	[sflag:s24] =	ssyncadd.s32 $0xFFFFC000  }
0xb0: {  	[spmem:s2] =	stream.indirect.scatter.add.f32 [tilespmem:s16], [sflag:$0x5], $0x80, s21, s22, $0xb8;
	[tilespmem:$0x1D000] =	vst v63  }
0xb1: {  	_ =	swait.ge [sflag:s17], $0x4000  }
0xb2: {  	[sflag:s17] =	ssyncset.done $0x0  }
0xb3: {  	s15 =	simm.s32 $0x500;
	[sflag:s17] =	ssyncadd.s32 $0xFFFFC000  }
0xb4: {  	[tilespmem:s16], [sflag:$0x1] =	stream.indirect.gather [hbm4b:s1+s22], $0x80, s15, s22, $0xb8;
	[tilespmem:$0x1D000] =	vst v63  }
0xb5: {  	_ =	swait.ge [sflag:s26], $0x4000  }
0xb6: {  	[sflag:s26] =	ssyncset.done $0x0  }
0xb7: {  	s25 =	simm.s32 $0xC80;
	[sflag:s26] =	ssyncadd.s32 $0xFFFFC000  }
0xb8: {  	[spmem:s2] =	stream.indirect.scatter.add.f32 [tilespmem:s23], [sflag:$0x5], $0x80, s25, s22, $0xb8;
	[tilespmem:$0x1D000] =	vst v63  }
0xb9: {  	_ =	swait.ge [sflag:s17], $0x4000  }
0xba: {  	[sflag:s17] =	ssyncset.done $0x0  }
0xbb: {  	[sflag:s17] =	ssyncadd.s32 $0xFFFFC000  }
0xbc: {  	[tilespmem:s23], [sflag:$0x2] =	stream.indirect.gather [hbm4b:s1+s22], $0x80, s28, s22, $0xb8;
	[tilespmem:$0x1D000] =	vst v63  }
0xbd: {  	_ =	swait.ge [sflag:s24], $0x4000  }
0xbe: {  	[sflag:s24] =	ssyncset.done $0x0  }
0xbf: {  	[sflag:s24] =	ssyncadd.s32 $0xFFFFC000  }
0xc0: {  	[spmem:s2] =	stream.indirect.scatter.add.f32 [tilespmem:s16], [sflag:$0x5], $0x80, s29, s22, $0xb8;
	[tilespmem:$0x1D000] =	vst v63  }
0xc1: {  	_ =	swait.ge [sflag:s17], $0x4000  }
0xc2: {  	[sflag:s17] =	ssyncset.done $0x0  }
0xc3: {  	[sflag:s17] =	ssyncadd.s32 $0xFFFFC000  }
0xc4: {  	[tilespmem:s16], [sflag:$0x1] =	stream.indirect.gather [hbm4b:s1+s22], $0x80, s30, s22, $0xb8;
	[tilespmem:$0x1D000] =	vst v63  }
0xc5: {  	_ =	swait.ge [sflag:s26], $0x4000  }
0xc6: {  	[sflag:s26] =	ssyncset.done $0x0  }
0xc7: {  	[sflag:s26] =	ssyncadd.s32 $0xFFFFC000  }
0xc8: {  	[spmem:s2] =	stream.indirect.scatter.add.f32 [tilespmem:s23], [sflag:$0x5], $0x80, s31, s22, $0xb8;
	[tilespmem:$0x1D000] =	vst v63  }
0xc9: {  	_ =	swait.ge [sflag:s17], $0x4000  }
0xca: {  	[sflag:s17] =	ssyncset.done $0x0  }
0xcb: {  	[sflag:s17] =	ssyncadd.s32 $0xFFFFC000  }
0xcc: {  	[tilespmem:s23], [sflag:$0x2] =	stream.indirect.gather [hbm4b:s1+s22], $0x80, s0, s22, $0xb8;
	[tilespmem:$0x1D000] =	vst v63  }
0xcd: {  	_ =	swait.ge [sflag:s24], $0x4000  }
0xce: {  	[sflag:s24] =	ssyncset.done $0x0  }
0xcf: {  	[sflag:s24] =	ssyncadd.s32 $0xFFFFC000  }
0xd0: {  	[spmem:s2] =	stream.indirect.scatter.add.f32 [tilespmem:s16], [sflag:$0x5], $0x80, s8, s22, $0xb8;
	[tilespmem:$0x1D000] =	vst v63  }
0xd1: {  	_ =	swait.ge [sflag:s17], $0x4000  }
0xd2: {  	[sflag:s17] =	ssyncset.done $0x0  }
0xd3: {  	[sflag:s17] =	ssyncadd.s32 $0xFFFFC000  }
0xd4: {  	[tilespmem:s16], [sflag:$0x1] =	stream.indirect.gather [hbm4b:s1+s22], $0x80, s9, s22, $0xb8;
	[tilespmem:$0x1D000] =	vst v63  }
0xd5: {  	_ =	swait.ge [sflag:s26], $0x4000  }
0xd6: {  	[sflag:s26] =	ssyncset.done $0x0  }
0xd7: {  	[sflag:s26] =	ssyncadd.s32 $0xFFFFC000  }
0xd8: {  	[spmem:s2] =	stream.indirect.scatter.add.f32 [tilespmem:s23], [sflag:$0x5], $0x80, s3, s22, $0xb8;
	[tilespmem:$0x1D000] =	vst v63  }
0xd9: {  	_ =	swait.ge [sflag:s17], $0x4000  }
0xda: {  	[sflag:s17] =	ssyncset.done $0x0  }
0xdb: {  	[sflag:s17] =	ssyncadd.s32 $0xFFFFC000  }
0xdc: {  	[tilespmem:s23], [sflag:$0x2] =	stream.indirect.gather [hbm4b:s1+s22], $0x80, s10, s22, $0xb8;
	[tilespmem:$0x1D000] =	vst v63  }
0xdd: {  	_ =	swait.ge [sflag:s24], $0x4000  }
0xde: {  	p1 =	sne.s32 s14, $0x900;
	[sflag:s24] =	ssyncset.done $0x0  }
.Ltmp4:
0xdf: {  	[sflag:s24] =	ssyncadd.s32 $0xFFFFC000;
	(pc) =	sbr.rel @!p1 .LBB2_6-.Ltmp4, $4  }
0xe0: {  	[spmem:s2] =	stream.indirect.scatter.add.f32 [tilespmem:s16], [sflag:$0x5], $0x80, s11, s22, $0xb8;
	[tilespmem:$0x1D000] =	vst v63  }
0xe1: {  	_ =	swait.ge [sflag:s17], $0x4000  }
0xe2: {  	[sflag:s17] =	ssyncset.done $0x0  }
0xe3: {  	[sflag:s17] =	ssyncadd.s32 $0xFFFFC000  }
0xe4: {  	_ =	swait.ge [sflag:s19], $0x400  }
0xe5: {  	[sflag:s19] =	ssyncset.done $0x0  }
0xe6: {  	[sflag:s19] =	ssyncadd.s32 $0xFFFFFC00  }
0xe7: {  	_ =	swait.ge [sflag:s19], $0x400  }
0xe8: {  	[sflag:s19] =	ssyncset.done $0x0  }
0xe9: {  	[sflag:s19] =	ssyncadd.s32 $0xFFFFFC00  }
0xea: {  	[tilespmem:s16], [sflag:$0x1] =	stream.indirect.gather [hbm4b:s1+s22], $0x80, s4, s22, $0xb8;
	[tilespmem:$0x1D000] =	vst v63  }
0xeb: {  	_ =	swait.ge [sflag:s26], $0x4000  }
0xec: {  	[sflag:s26] =	ssyncset.done $0x0  }
0xed: {  	[sflag:s26] =	ssyncadd.s32 $0xFFFFC000  }
0xee: {  	[spmem:s2] =	stream.indirect.scatter.add.f32 [tilespmem:s23], [sflag:$0x5], $0x80, s18, s22, $0xb8;
	[tilespmem:$0x1D000] =	vst v63  }
0xef: {  	s5 =	sadd.s32 s14, s6;
	_ =	swait.ge [sflag:s17], $0x4000  }
0xf0: {  	s25 =	sadd.s32 s14, s7;
	s14 =	sadd.s32 $0x100, s14;
	[sflag:s17] =	ssyncset.done $0x0  }
0xf1: {  	p1 =	sne.s32 s14, $0xA00;
	[sflag:s17] =	ssyncadd.s32 $0xFFFFC000  }
0xf2: {  	[tilespmem:s23], [sflag:$0x2] =	stream.indirect.gather [hbm4b:s1+s22], $0x80, s22, s22, $0xb8;
	[tilespmem:$0x1D000] =	vst v63  }
.Ltmp5:
0xf3: {  	_ = 	snop;
	(pc) =	sbr.rel @p1 .LBB2_5-.Ltmp5, $4  }
.Ltmp6:
0xf4: {  	s5 =	sadd.s32 $0x180, s5;
	(pc) =	sbr.rel @!p1 .LBB2_8-.Ltmp6, $4  }
0xf5: {  	[tilespmem:s20], [sflag:$0x4] =	stream.linear.gather [hbm4b:s5+s4], $0x400, $0x38;
	[tilespmem:$0x1D000] =	vst v63  }
0xf6: {  	s5 =	sadd.s32 $0x180, s25  }
0xf7: {  	[tilespmem:s21], [sflag:$0x4] =	stream.linear.gather [hbm4b:s5+s4], $0x400, $0x38;
	[tilespmem:$0x1D000] =	vst v63  }
0xf8: {  	_ = 	snop  }
.LBB2_9:
0xf9: {  	_ =	sfence.sel $0x180000  }
0xfa: {  	[bflag:$0x0] =	sbarrier.arrive $0xFFFF  }
0xfb: {  	_ =	strace $0x9000004A  }
0xfc: {  	s0 =	stileid.u32;
	[bflag:$0x2] =	sbarrier.arrive $0xFFFF  }
0xfd: {  	p0 =	sne.s32 s0, $0x0;
	s0 =	rddreg [dreg:$0x3]  }
0xfe: {  	s0 =	sadd.s32 @!p0 $0x100000, s0  }
0xff: {  	[sflag:s0] =	ssyncadd.tile.s32 @!p0 $0x1;
	_ =	shalt  }
.Lfunc_end2:
_tile_overlayer_lowered:
.L_overlay_start_2:
0x100: {  	(tag) =	ssettag $0x2  }
0x101: {  	s0 =	rddreg [dreg:$0x0];
	s2 =	stileid.u32  }
0x102: {  	s1 =	rddreg [dreg:$0x1];
	p0 =	sne.s32 s2, $0x0  }
0x103: {  	s3 =	rddreg [dreg:$0x2];
	[bflag:$0x3] =	sbarrier.arrive $0xFFFF;
	s2 =	simm.s32 @!p0 $0x1C05  }
0x104: {  	[timem:s3], [sflag:s2] =	dma.local @!p0 [hbm:s0], s1  }
0x105: {  	s0 =	simm.s32 @!p0 $0x5  }
0x106: {  	_ =	swait.ge @!p0 [sflag:s0], s1  }
0x107: {  	s1 =	ssub.s32 @!p0 $0x0, s1;
	[sflag:s0] =	ssyncset.done @!p0 $0x0  }
0x108: {  	[sflag:s0] =	ssyncadd.s32 @!p0 s1  }
0x109: {  	[bflag:$0x3] =	sbarrier.arrive $0xFFFF  }
0x10a: {  	_ =	shalt  }

// kernel: kernel.14.cloned.1.call-start
scs
__scs_entry_jumppad:
0x0: {  	(pc) =	sbr.rel $0x88, $3  }
0x1: {  	(tag) =	ssettag $0x0;
	lr =	simm.s32 $0x1  }
0x2: {  	[smem:$0x3F9B] =	sst lr;
	_ =	strace $0xD0000000  }
0x3: {  	_ = 	snop  }
0x4: {  	_ = 	snop  }
0x5: {  	_ = 	snop  }
0x6: {  	_ = 	snop  }
0x7: {  	_ = 	snop  }
__scs_overlays_trampoline_lowered:
0x8: {  	[smem:$0x3FAA] =	sst s0  }
0x9: {  	[smem:$0x3FAB] =	sst s1  }
0xa: {  	[smem:$0x3FAC] =	sst s2  }
0xb: {  	[smem:$0x3FAD] =	sst s3  }
0xc: {  	[smem:$0x3FAE] =	sst s4  }
0xd: {  	[smem:$0x3FAF] =	sst s5  }
0xe: {  	[smem:$0x3FB0] =	sst s6  }
0xf: {  	[smem:$0x3FB1] =	sst s7  }
0x10: {  	[smem:$0x3FB2] =	sst s8  }
0x11: {  	[smem:$0x3FB3] =	sst s9;
	s0 =	simm.s32 @!p0 $0x0  }
0x12: {  	s1 =	sld [smem:$0x3F99];
	s0 =	simm.s32 @p0 $0x1  }
0x13: {  	[smem:$0x3FB4] =	sst s0;
	s0 =	simm.s32 @!p1 $0x0  }
0x14: {  	s2 =	sld [smem:$0x3F98];
	s0 =	simm.s32 @p1 $0x1  }
0x15: {  	[smem:$0x3FB5] =	sst s0;
	s0 =	simm.s32 @!p2 $0x0  }
0x16: {  	s3 =	sld [smem:$0x3FDB];
	s0 =	simm.s32 @p2 $0x1  }
0x17: {  	s4 =	simm.s32 $0x1BF5;
	[smem:$0x3FB7] =	sst s0  }
0x18: {  	s0 =	sld [smem:$0x3F9A];
	_ =	swait.ge [sflag:s4], $0x0  }
0x19: {  	s7 =	sld [smem:$0x3F9B]  }
0x1a: {  	s8 =	sadd.s32 $0xFFFFE003, lr  }
0x1b: {  	s9 =	sadd.s32 $0xFFFFFEF7, lr;
	s5 =	simm.s32 $0xFFFFFFFF;
	p2 =	slt.u32 s8, $0xFFFFF086  }
0x1c: {  	p1 =	slt.u32 s9, $0xF7A;
	s5 =	simm.s32 @!p2 $0x0  }
0x1d: {  	s5 =	simm.s32 @p1 $0x1;
	p0 =	seq.s32 s7, s2  }
0x1e: {  	s7 =	smul.u32 @!p0 $0xF7A, s2;
	p2 =	seq.s32 @!p0 s5, $0x0  }
0x1f: {  	s9 =	smul.u32 $0xF7A, s1;
	s8 =	simm.s32 @!p0 $0x1BF5;
	p2 =	por !p2, p0  }
0x20: {  	[sflag:s8] =	ssyncset.s32 @!p0 $0xFFFFF086;
	s6 =	sadd.s32 @!p0 s3, s7;
	s7 =	simm.s32 @!p0 $0x108  }
0x21: {  	s3 =	sadd.s32 s3, s9;
	s6 =	sadd.s32 @!p0 $0x88, s6;
	s7 =	simm.s32 @p2 $0x1082  }
0x22: {  	[simem:s7], [sflag:s8] =	dma.local @!p0 [hbm:s6], $0xF7A  }
0x23: {  	s9 =	sor.u32 $0xD0000000, s2;
	s6 =	simm.s32 $0x108;
	_ =	swait.ge @!p0 [sflag:s8], $0x0  }
0x24: {  	s3 =	sadd.s32 $0x88, s3;
	s6 =	simm.s32 @!p1 $0x1082;
	[sflag:s4] =	ssyncset.s32 $0xFFFFF086  }
0x25: {  	[simem:s6], [sflag:s4] =	dma.local [hbm:s3], $0xF7A  }
0x26: {  	[smem:$0x3F9B] =	sst s1;
	(tag) =	ssettag s2;
	_ =	strace s9  }
0x27: {  	s1 =	sld [smem:$0x3FAB]  }
0x28: {  	s2 =	sld [smem:$0x3FAC]  }
0x29: {  	s4 =	sld [smem:$0x3FAE]  }
0x2a: {  	p0 =	seq.s32 s5, $0x0;
	s5 =	sld [smem:$0x3FAF]  }
0x2b: {  	s6 =	sld [smem:$0x3FB0]  }
0x2c: {  	s7 =	sld [smem:$0x3FB1]  }
0x2d: {  	s3 =	simm.s32 $0x108;
	s8 =	sld [smem:$0x3FB2]  }
0x2e: {  	s3 =	simm.s32 @!p0 $0x1082;
	s9 =	sld [smem:$0x3FB3]  }
0x2f: {  	lr =	sadd.s32 s0, s3;
	s0 =	sld [smem:$0x3FAA]  }
0x30: {  	s3 =	sld [smem:$0x3FAD]  }
0x31: {  	[smem:$0x3FB6] =	sst s10  }
0x32: {  	s10 =	sld [smem:$0x3FB4];
	_ =	sdelay $0x3  }
0x33: {  	p0 =	seq.s32 s10, $0x1;
	s10 =	sld [smem:$0x3FB6];
	_ =	sdelay $0x3  }
0x34: {  	[smem:$0x3FB6] =	sst s10  }
0x35: {  	s10 =	sld [smem:$0x3FB5];
	_ =	sdelay $0x3  }
0x36: {  	p1 =	seq.s32 s10, $0x1;
	s10 =	sld [smem:$0x3FB6];
	_ =	sdelay $0x3  }
0x37: {  	[smem:$0x3FB6] =	sst s10  }
0x38: {  	s10 =	sld [smem:$0x3FB7]  }
0x39: {  	_ = 	snop;
	(pc) =	sbr.ind lr, $3  }
0x3a: {  	_ = 	snop  }
0x3b: {  	_ = 	snop  }
0x3c: {  	p2 =	seq.s32 s10, $0x1;
	s10 =	sld [smem:$0x3FB6]  }
0x3d: {  	_ =	shalt  }
0x3e: {  	_ =	shalt  }
0x3f: {  	_ =	shalt  }
0x40: {  	_ =	shalt  }
0x41: {  	_ =	shalt  }
0x42: {  	_ =	shalt  }
0x43: {  	_ =	shalt  }
0x44: {  	_ =	shalt  }
0x45: {  	_ =	shalt  }
0x46: {  	_ =	shalt  }
0x47: {  	_ =	shalt  }
0x48: {  	_ =	shalt  }
0x49: {  	_ =	shalt  }
0x4a: {  	_ =	shalt  }
0x4b: {  	_ =	shalt  }
0x4c: {  	_ =	shalt  }
0x4d: {  	_ =	shalt  }
0x4e: {  	_ =	shalt  }
0x4f: {  	_ =	shalt  }
0x50: {  	_ =	shalt  }
0x51: {  	_ =	shalt  }
0x52: {  	_ =	shalt  }
0x53: {  	_ =	shalt  }
0x54: {  	_ =	shalt  }
0x55: {  	_ =	shalt  }
0x56: {  	_ =	shalt  }
0x57: {  	_ =	shalt  }
0x58: {  	_ =	shalt  }
0x59: {  	_ =	shalt  }
0x5a: {  	_ =	shalt  }
0x5b: {  	_ =	shalt  }
0x5c: {  	_ =	shalt  }
0x5d: {  	_ =	shalt  }
0x5e: {  	_ =	shalt  }
0x5f: {  	_ =	shalt  }
0x60: {  	_ =	shalt  }
0x61: {  	_ =	shalt  }
0x62: {  	_ =	shalt  }
0x63: {  	_ =	shalt  }
0x64: {  	_ =	shalt  }
0x65: {  	_ =	shalt  }
0x66: {  	_ =	shalt  }
0x67: {  	_ =	shalt  }
0x68: {  	_ =	shalt  }
0x69: {  	_ =	shalt  }
0x6a: {  	_ =	shalt  }
0x6b: {  	_ =	shalt  }
0x6c: {  	_ =	shalt  }
0x6d: {  	_ =	shalt  }
0x6e: {  	_ =	shalt  }
0x6f: {  	_ =	shalt  }
0x70: {  	_ =	shalt  }
0x71: {  	_ =	shalt  }
0x72: {  	_ =	shalt  }
0x73: {  	_ =	shalt  }
0x74: {  	_ =	shalt  }
0x75: {  	_ =	shalt  }
0x76: {  	_ =	shalt  }
0x77: {  	_ =	shalt  }
0x78: {  	_ =	shalt  }
0x79: {  	_ =	shalt  }
0x7a: {  	_ =	shalt  }
0x7b: {  	_ =	shalt  }
0x7c: {  	_ =	shalt  }
0x7d: {  	_ =	shalt  }
0x7e: {  	_ =	shalt  }
0x7f: {  	_ =	shalt  }
0x80: {  	_ =	shalt  }
0x81: {  	_ =	shalt  }
0x82: {  	_ =	shalt  }
0x83: {  	_ =	shalt  }
0x84: {  	_ =	shalt  }
0x85: {  	_ =	shalt  }
0x86: {  	_ =	shalt  }
0x87: {  	_ =	shalt  }
.Lfunc_end0:
.L_simem_size_0:
called_computation.2_lowered:
.L_overlay_start_0:
0x88: {  	s2 =	sld [smem:$0x3FD9]  }
0x89: {  	s3 =	sld [smem:$0x3FFE];
	_ =	sdelay $0x1  }
0x8a: {  	s1 =	srdreg.scid  }
0x8b: {  	s0 =	sand.u32 $0x1, s1  }
0x8c: {  	s17 =	sshll.u32 s0, $0xA;
	s2 =	sadd.s32 s3, s2  }
0x8d: {  	s2 =	sadd.s32 s2, s17  }
0x8e: {  	[smem:$0x3FC2] =	sst s2  }
0x8f: {  	_ = 	snop  }
0x90: {  	s2 =	sld [smem:$0x3FD0];
	(tm) =	ssettm $0x1  }
0x91: {  	s18 =	sld [smem:$0x3FFB];
	_ =	sdelay $0x3  }
0x92: {  	_ =	strace s18  }
0x93: {  	s3 =	sld [smem:$0x3FFC];
	_ =	sdelay $0x3  }
0x94: {  	_ =	strace s3  }
0x95: {  	s3 =	sld [smem:$0x3FFD];
	_ =	sdelay $0x3  }
0x96: {  	_ =	strace s3  }
0x97: {  	_ =	strace $0x8FFFFFFF  }
0x98: {  	s19 =	sld [smem:$0x3FDB];
	_ =	sdelay $0x1  }
0x99: {  	s4 =	simm.s32 $_scs_section_size  }
0x9a: {  	s5 =	simm.s32 $_size__tile_overlayer_lowered;
	s6 =	simm.s32 $_tile_overlayer_lowered  }
0x9b: {  	s22 =	simm.s32 $0x1BFF;
	s21 =	sshll.u32 s6, $0x1;
	s3 =	sadd.s32 s4, s19  }
0x9c: {  	s7 =	simm.s32 $0x0;
	s20 =	sshll.u32 s5, $0x1;
	s5 =	sadd.s32 s21, s3  }
0x9d: {  	[timem:s7], [sflag:s22] =	dma.local [hbm:s5], s20  }
0x9e: {  	_ =	swait.ge [sflag:s22], s20  }
0x9f: {  	s4 =	ssub.s32 $0x0, s20;
	[sflag:s22] =	ssyncset.done $0x0  }
0xa0: {  	[sflag:s22] =	ssyncadd.s32 s4;
	_ =	sdelay $0x1  }
0xa1: {  	s23 =	simm.s32 $0x1B8B  }
0xa2: {  	_ =	swait.ge [sflag:s23], $0x1  }
0xa3: {  	[sflag:s23] =	ssyncset.done $0x0  }
0xa4: {  	s25 =	simm.s32 $0x1B8E;
	s24 =	sld [smem:$0x3FFE];
	[sflag:s23] =	ssyncadd.s32 $0xFFFFFFFF  }
0xa5: {  	s26 =	simm.s32 $execute0_lowered;
	[smem:$0x3FD2] =	sst s25  }
0xa6: {  	s5 =	sshll.u32 s26, $0x1;
	_ =	strace $0x8000004C;
	[dreg:$0x1] =	wrdreg $0xFFFFFFFF  }
0xa7: {  	s28 =	simm.s32 $_size_execute0_lowered;
	s3 =	sadd.s32 s3, s5;
	[dreg:$0x0] =	wrdreg $0x0  }
0xa8: {  	s5 =	sshll.u32 s28, $0x1;
	[dreg:$0x2] =	wrdreg s3  }
0xa9: {  	[dreg:$0x3] =	wrdreg s5  }
0xaa: {  	[dreg:$0x4] =	wrdreg $0xC0  }
0xab: {  	_ =	task [dreg:s7], $0x5FFFF  }
0xac: {  	[dreg:$0x1] =	wrdreg $0xFFFFFFFF  }
0xad: {  	[dreg:$0x0] =	wrdreg $0x60  }
0xae: {  	[dreg:$0x2] =	wrdreg s2  }
0xaf: {  	[dreg:$0x3] =	wrdreg s24  }
0xb0: {  	[dreg:$0x4] =	wrdreg $0x90000  }
0xb1: {  	[dreg:$0x5] =	wrdreg $0x9  }
0xb2: {  	_ =	task.clear_ibuf [dreg:s7], $0x6FFFF;
	_ =	strace $0x9000004C  }
0xb3: {  	s29 =	simm.s32 $0x9;
	_ =	strace $0x8000004E  }
0xb4: {  	_ =	swait.ge [sflag:s29], $0x1  }
0xb5: {  	[sflag:s29] =	ssyncadd.s32 $0xFFFFFFFF  }
0xb6: {  	_ =	strace $0x9000004E  }
0xb7: {  	_ =	sfence  }
0xb8: {  	s30 =	sld [smem:$0x0];
	_ =	sdelay $0x2  }
0xb9: {  	s31 =	sshll.u32 s1, $0xD;
	s1 =	sshrl.u32 s1, $0x2  }
0xba: {  	s3 =	sand.u32 $0x4000, s31;
	s1 =	sadd.s32 s1, s30  }
0xbb: {  	s0 =	sor.u32 s3, s0;
	s1 =	sshll.u32 s1, $0x11  }
0xbc: {  	s0 =	sor.u32 s1, s0  }
0xbd: {  	s0 =	sadd.s32 $0x8F2B, s0  }
0xbe: {  	[sflag:s0] =	ssyncadd.remote.s32 $0x1  }
0xbf: {  	_ =	sfence.sel $0xFFFF  }
0xc0: {  	[dreg:$0x0] =	wrdreg $0xFFFFFFFF;
	(pc) =	sbr.abs _section_cstart, $3  }
0xc1: {  	[dreg:$0x1] =	wrdreg $0xFFFFFFFF  }
0xc2: {  	_ =	task.clear_ibuf [dreg:s7], $0x2FFFF;
	_ =	strace $0x9FFFFFFF  }
0xc3: {  	(tm) =	ssettm $0x7FFFFFFF  }
tec
execute0_lowered:
.L_overlay_start_1:
0x0: {  	(tag) =	ssettag $0x1  }
0x1: {  	s1 =	rddreg [dreg:$0x0]  }
0x2: {  	s0 =	rddreg [dreg:$0x1]  }
0x3: {  	s2 =	rddreg [dreg:$0x2];
	s3 =	srdreg.scid  }
0x4: {  	s4 =	simm.s32 $0x0;
	s11 =	stileid.u32;
	s16 =	simm.s32 $0x1000  }
0x5: {  	s13 =	simm.s32 $0x4;
	s28 =	simm.s32 $0x580;
	s29 =	simm.s32 $0xD00  }
0x6: {  	s30 =	simm.s32 $0x600;
	s31 =	simm.s32 $0xD80;
	s6 =	smul.u32 $0x14000, s11  }
0x7: {  	s12 =	simm.s32 $0x0;
	s3 =	sand.u32 $0x1, s3;
	s17 =	smul.u32 $0x50000, s11  }
0x8: {  	[smem:$0x7FF] =	sst s4;
	s8 =	sadd.s32 $0xCA00, s0;
	s11 =	smul.u32 $0xA00, s11  }
0x9: {  	s9 =	sadd.s32 $0x2A00, s0;
	s5 =	smul.u32 $0x140000, s3;
	_ =	strace $0x8000004D  }
0xa: {  	s7 =	ssub.s32 $0x2, s3;
	p0 =	sne.s32 s3, $0x0;
	s3 =	simm.s32 $0xE80  }
0xb: {  	s10 =	sshrl.u32 s7, $0x1;
	s19 =	sor.u32 $0x80, s11;
	s5 =	sadd.s32 s6, s5  }
0xc: {  	s6 =	sshrl.u32 s17, $0x2;
	s18 =	ssub.s32 s7, s10;
	s7 =	sadd.s32 s9, s11  }
0xd: {  	s20 =	sadd.s32 s9, s19;
	s17 =	simm.s32 $0x5;
	s9 =	simm.s32 $0x700  }
0xe: {  	s10 =	simm.s32 $0x780;
	s5 =	sshrl.u32 s5, $0x3;
	s25 =	sadd.s32 s6, s2  }
0xf: {  	s6 =	sadd.s32 s8, s11;
	s8 =	sadd.s32 s8, s19;
	[dreg:$0x6] =	wrdreg s20  }
0x10: {  	s21 =	smax.u32 s18, $0x1;
	s19 =	simm.s32 $0x3;
	[dreg:$0x5] =	wrdreg s8  }
0x11: {  	s20 =	simm.s32 $0x400;
	s11 =	simm.s32 $0xF00;
	[dreg:$0x8] =	wrdreg s21  }
0x12: {  	s18 =	simm.s32 $0xF80;
	s22 =	sadd.s32 $0x4000, s25;
	[dreg:$0x4] =	wrdreg s25  }
0x13: {  	s0 =	sadd.s32 s5, s0;
	s23 =	sadd.s32 $0x8000, s25;
	[dreg:$0x9] =	wrdreg s22  }
.Ltmp0:
0x14: {  	s24 =	sadd.s32 $0xC000, s25;
	[dreg:$0xa] =	wrdreg s23;
	(pc) =	sbr.rel .LBB2_1-.Ltmp0, $4  }
0x15: {  	s26 =	sadd.s32 $0x10000, s25;
	s21 =	simm.s32 $0xC00;
	[dreg:$0xb] =	wrdreg s24  }
0x16: {  	s8 =	simm.s32 $0xE00;
	s0 =	sadd.s32 $0x66A00, s0;
	[dreg:$0xc] =	wrdreg s26  }
0x17: {  	s22 =	simm.s32 $0x80;
	s23 =	simm.s32 $0x5000;
	s24 =	simm.s32 $0x1  }
0x18: {  	v0 =	vimm.f32 $0.0e+00;
	s26 =	simm.s32 $0x2;
	[dreg:$0x7] =	wrdreg s0;
	s0 =	simm.s32 $0x680  }
.LBB2_6:
0x19: {  	_ =	swait.ge [sflag:s26], $0x4000  }
0x1a: {  	[sflag:s26] =	ssyncset.done $0x0  }
0x1b: {  	[sflag:s26] =	ssyncadd.s32 $0xFFFFC000  }
0x1c: {  	[spmem:s2] =	stream.indirect.scatter.add.f32 [tilespmem:s23], [sflag:$0x5], $0x80, s18, s22, $0xb8;
	[tilespmem:$0x1D000] =	vst v63  }
0x1d: {  	_ =	swait.ge [sflag:s17], $0x4000  }
0x1e: {  	[sflag:s17] =	ssyncset.done $0x0  }
0x1f: {  	[sflag:s17] =	ssyncadd.s32 $0xFFFFC000  }
.LBB2_8:
0x20: {  	s5 =	stileid.u32;
	[bflag:$0x0] =	sbarrier.arrive $0xFFFF  }
0x21: {  	s5 =	sshll.u32 s5, $0x6;
	s25 =	rddreg [dreg:$0x4]  }
0x22: {  	s15 =	rddreg [dreg:$0x7];
	s5 =	sor.u32 $0x1C05, s5;
	s14 =	sshrl.u32 s25, $0x3  }
0x23: {  	[hbm:s15], [sflag:s5] =	dma.local [spmem:s14], $0x2800  }
0x24: {  	_ =	swait.ge [sflag:s17], $0x2800  }
0x25: {  	s12 =	sadd.s32 $0x1, s12;
	s15 =	rddreg [dreg:$0x8]  }
0x26: {  	p1 =	sne.s32 s12, s15  }
.Ltmp1:
0x27: {  	_ = 	snop;
	(pc) =	sbr.rel @!p1 .LBB2_9-.Ltmp1, $3  }
0x28: {  	_ =	sdelay $0x1  }
0x29: {  	[sflag:s17] =	ssyncset.done $0x0  }
0x2a: {  	[sflag:s17] =	ssyncadd.s32 $0xFFFFD800  }
.LBB2_1:
0x2b: {  	s14 =	simm.s32 $0x0;
	s15 =	simm.s32 $0x200  }
.LBB2_2:
0x2c: {  	p1 =	sne.s32 s15, $0xFE00;
	[tilespmem:s14+$0x1070] =	vst v0  }
0x2d: {  	[tilespmem:s14+$0x1000] =	vst v0  }
0x2e: {  	[tilespmem:s14+$0x1010] =	vst v0  }
.Ltmp2:
0x2f: {  	[tilespmem:s14+$0x1020] =	vst v0;
	(pc) =	sbr.rel @p1 .LBB2_2-.Ltmp2, $4  }
0x30: {  	[tilespmem:s14+$0x1030] =	vst v0  }
0x31: {  	[tilespmem:s14+$0x1040] =	vst v0  }
0x32: {  	[tilespmem:s14+$0x1050] =	vst v0  }
0x33: {  	[tilespmem:s14+$0x1060] =	vst v0;
	s14 =	sshra.s32 s15, $0x2;
	s15 =	sadd.s32 $0x200, s15  }
0x34: {  	[tilespmem:s14+$0x1070] =	vst v0  }
0x35: {  	[tilespmem:s14+$0x1000] =	vst v0  }
0x36: {  	[tilespmem:s14+$0x1010] =	vst v0  }
0x37: {  	[tilespmem:s14+$0x1020] =	vst v0  }
0x38: {  	[tilespmem:s14+$0x1030] =	vst v0  }
0x39: {  	[tilespmem:s14+$0x1040] =	vst v0  }
0x3a: {  	[tilespmem:s14+$0x1050] =	vst v0  }
0x3b: {  	[tilespmem:s14+$0x1060] =	vst v0  }
0x3c: {  	[spmem:s25] =	stream.linear.scatter [tilespmem:s16], [sflag:$0x5], $0x4000, $0x38;
	[tilespmem:$0x1D000] =	vst v63  }
0x3d: {  	_ =	swait.ge [sflag:s17], $0x4000  }
0x3e: {  	[sflag:s17] =	ssyncset.done $0x0  }
0x3f: {  	s5 =	rddreg [dreg:$0x9];
	[sflag:s17] =	ssyncadd.s32 $0xFFFFC000  }
0x40: {  	[spmem:s5] =	stream.linear.scatter [tilespmem:s16], [sflag:$0x5], $0x4000, $0x38;
	[tilespmem:$0x1D000] =	vst v63  }
0x41: {  	_ =	swait.ge [sflag:s17], $0x4000  }
0x42: {  	[sflag:s17] =	ssyncset.done $0x0  }
0x43: {  	s14 =	rddreg [dreg:$0xa];
	[sflag:s17] =	ssyncadd.s32 $0xFFFFC000  }
0x44: {  	[spmem:s14] =	stream.linear.scatter [tilespmem:s16], [sflag:$0x5], $0x4000, $0x38;
	[tilespmem:$0x1D000] =	vst v63  }
0x45: {  	_ =	swait.ge [sflag:s17], $0x4000  }
0x46: {  	[sflag:s17] =	ssyncset.done $0x0  }
0x47: {  	s15 =	rddreg [dreg:$0xb];
	[sflag:s17] =	ssyncadd.s32 $0xFFFFC000  }
0x48: {  	[spmem:s15] =	stream.linear.scatter [tilespmem:s16], [sflag:$0x5], $0x4000, $0x38;
	[tilespmem:$0x1D000] =	vst v63  }
0x49: {  	_ =	swait.ge [sflag:s17], $0x4000  }
0x4a: {  	[sflag:s17] =	ssyncset.done $0x0  }
0x4b: {  	s25 =	rddreg [dreg:$0xc];
	[sflag:s17] =	ssyncadd.s32 $0xFFFFC000  }
0x4c: {  	[spmem:s25] =	stream.linear.scatter [tilespmem:s16], [sflag:$0x5], $0x4000, $0x38;
	[tilespmem:$0x1D000] =	vst v63  }
.Ltmp3:
0x4d: {  	_ =	swait.ge [sflag:s17], $0x4000;
	(pc) =	sbr.rel @p0 .LBB2_8-.Ltmp3, $3  }
0x4e: {  	[sflag:s17] =	ssyncset.done $0x0  }
0x4f: {  	[sflag:s17] =	ssyncadd.s32 $0xFFFFC000  }
0x50: {  	[bflag:$0x0] =	sbarrier.arrive $0xFFFF;
	_ =	sdelay $0x1  }
0x51: {  	s14 =	simm.s32 $0x0  }
0x52: {  	[tilespmem:s14], [sflag:$0x3] =	stream.linear.gather [hbm4b:s6+s14], $0x400, $0x38;
	[tilespmem:$0x1D000] =	vst v63  }
0x53: {  	s5 =	simm.s32 $0x800  }
0x54: {  	[tilespmem:s5], [sflag:$0x3] =	stream.linear.gather [hbm4b:s7+s14], $0x400, $0x38;
	[tilespmem:$0x1D000] =	vst v63  }
0x55: {  	_ =	swait.ge [sflag:s19], $0x400  }
0x56: {  	[sflag:s19] =	ssyncset.done $0x0  }
0x57: {  	[sflag:s19] =	ssyncadd.s32 $0xFFFFFC00  }
0x58: {  	_ =	swait.ge [sflag:s19], $0x400  }
0x59: {  	[sflag:s19] =	ssyncset.done $0x0  }
0x5a: {  	s15 =	rddreg [dreg:$0x5];
	[sflag:s19] =	ssyncadd.s32 $0xFFFFFC00  }
0x5b: {  	[tilespmem:s20], [sflag:$0x4] =	stream.linear.gather [hbm4b:s15+s14], $0x400, $0x38;
	[tilespmem:$0x1D000] =	vst v63  }
0x5c: {  	s25 =	rddreg [dreg:$0x6]  }
0x5d: {  	[tilespmem:s21], [sflag:$0x4] =	stream.linear.gather [hbm4b:s25+s14], $0x400, $0x38;
	[tilespmem:$0x1D000] =	vst v63  }
0x5e: {  	_ = 	snop  }
0x5f: {  	[tilespmem:s16], [sflag:$0x1] =	stream.indirect.gather [hbm4b:s1+s22], $0x80, s14, s22, $0xb8;
	[tilespmem:$0x1D000] =	vst v63  }
0x60: {  	_ = 	snop  }
0x61: {  	[tilespmem:s23], [sflag:$0x2] =	stream.indirect.gather [hbm4b:s1+s22], $0x80, s22, s22, $0xb8;
	[tilespmem:$0x1D000] =	vst v63  }
.LBB2_5:
0x62: {  	_ =	swait.ge [sflag:s24], $0x4000  }
0x63: {  	[sflag:s24] =	ssyncset.done $0x0  }
0x64: {  	s5 =	simm.s32 $0x800;
	[sflag:s24] =	ssyncadd.s32 $0xFFFFC000  }
0x65: {  	[spmem:s2] =	stream.indirect.scatter.add.f32 [tilespmem:s16], [sflag:$0x5], $0x80, s5, s22, $0xb8;
	[tilespmem:$0x1D000] =	vst v63  }
0x66: {  	_ =	swait.ge [sflag:s17], $0x4000  }
0x67: {  	[sflag:s17] =	ssyncset.done $0x0  }
0x68: {  	s15 =	simm.s32 $0x100;
	[sflag:s17] =	ssyncadd.s32 $0xFFFFC000  }
0x69: {  	[tilespmem:s16], [sflag:$0x1] =	stream.indirect.gather [hbm4b:s1+s22], $0x80, s15, s22, $0xb8;
	[tilespmem:$0x1D000] =	vst v63  }
0x6a: {  	_ =	swait.ge [sflag:s26], $0x4000  }
0x6b: {  	[sflag:s26] =	ssyncset.done $0x0  }
0x6c: {  	s25 =	simm.s32 $0x880;
	[sflag:s26] =	ssyncadd.s32 $0xFFFFC000  }
0x6d: {  	[spmem:s2] =	stream.indirect.scatter.add.f32 [tilespmem:s23], [sflag:$0x5], $0x80, s25, s22, $0xb8;
	[tilespmem:$0x1D000] =	vst v63  }
0x6e: {  	_ =	swait.ge [sflag:s17], $0x4000  }
0x6f: {  	[sflag:s17] =	ssyncset.done $0x0  }
0x70: {  	s15 =	simm.s32 $0x180;
	[sflag:s17] =	ssyncadd.s32 $0xFFFFC000  }
0x71: {  	[tilespmem:s23], [sflag:$0x2] =	stream.indirect.gather [hbm4b:s1+s22], $0x80, s15, s22, $0xb8;
	[tilespmem:$0x1D000] =	vst v63  }
0x72: {  	_ =	swait.ge [sflag:s24], $0x4000  }
0x73: {  	[sflag:s24] =	ssyncset.done $0x0  }
0x74: {  	s25 =	simm.s32 $0x900;
	[sflag:s24] =	ssyncadd.s32 $0xFFFFC000  }
0x75: {  	[spmem:s2] =	stream.indirect.scatter.add.f32 [tilespmem:s16], [sflag:$0x5], $0x80, s25, s22, $0xb8;
	[tilespmem:$0x1D000] =	vst v63  }
0x76: {  	_ =	swait.ge [sflag:s17], $0x4000  }
0x77: {  	[sflag:s17] =	ssyncset.done $0x0  }
0x78: {  	s15 =	simm.s32 $0x200;
	[sflag:s17] =	ssyncadd.s32 $0xFFFFC000  }
0x79: {  	[tilespmem:s16], [sflag:$0x1] =	stream.indirect.gather [hbm4b:s1+s22], $0x80, s15, s22, $0xb8;
	[tilespmem:$0x1D000] =	vst v63  }
0x7a: {  	_ =	swait.ge [sflag:s26], $0x4000  }
0x7b: {  	[sflag:s26] =	ssyncset.done $0x0  }
0x7c: {  	s25 =	simm.s32 $0x980;
	[sflag:s26] =	ssyncadd.s32 $0xFFFFC000  }
0x7d: {  	[spmem:s2] =	stream.indirect.scatter.add.f32 [tilespmem:s23], [sflag:$0x5], $0x80, s25, s22, $0xb8;
	[tilespmem:$0x1D000] =	vst v63  }
0x7e: {  	_ =	swait.ge [sflag:s17], $0x4000  }
0x7f: {  	[sflag:s17] =	ssyncset.done $0x0  }
0x80: {  	s15 =	simm.s32 $0x280;
	[sflag:s17] =	ssyncadd.s32 $0xFFFFC000  }
0x81: {  	[tilespmem:s23], [sflag:$0x2] =	stream.indirect.gather [hbm4b:s1+s22], $0x80, s15, s22, $0xb8;
	[tilespmem:$0x1D000] =	vst v63  }
0x82: {  	_ =	swait.ge [sflag:s24], $0x4000  }
0x83: {  	[sflag:s24] =	ssyncset.done $0x0  }
0x84: {  	s25 =	simm.s32 $0xA00;
	[sflag:s24] =	ssyncadd.s32 $0xFFFFC000  }
0x85: {  	[spmem:s2] =	stream.indirect.scatter.add.f32 [tilespmem:s16], [sflag:$0x5], $0x80, s25, s22, $0xb8;
	[tilespmem:$0x1D000] =	vst v63  }
0x86: {  	_ =	swait.ge [sflag:s17], $0x4000  }
0x87: {  	[sflag:s17] =	ssyncset.done $0x0  }
0x88: {  	s15 =	simm.s32 $0x300;
	[sflag:s17] =	ssyncadd.s32 $0xFFFFC000  }
0x89: {  	[tilespmem:s16], [sflag:$0x1] =	stream.indirect.gather [hbm4b:s1+s22], $0x80, s15, s22, $0xb8;
	[tilespmem:$0x1D000] =	vst v63  }
0x8a: {  	_ =	swait.ge [sflag:s26], $0x4000  }
0x8b: {  	[sflag:s26] =	ssyncset.done $0x0  }
0x8c: {  	s25 =	simm.s32 $0xA80;
	[sflag:s26] =	ssyncadd.s32 $0xFFFFC000  }
0x8d: {  	[spmem:s2] =	stream.indirect.scatter.add.f32 [tilespmem:s23], [sflag:$0x5], $0x80, s25, s22, $0xb8;
	[tilespmem:$0x1D000] =	vst v63  }
0x8e: {  	_ =	swait.ge [sflag:s17], $0x4000  }
0x8f: {  	[sflag:s17] =	ssyncset.done $0x0  }
0x90: {  	s15 =	simm.s32 $0x380;
	[sflag:s17] =	ssyncadd.s32 $0xFFFFC000  }
0x91: {  	[tilespmem:s23], [sflag:$0x2] =	stream.indirect.gather [hbm4b:s1+s22], $0x80, s15, s22, $0xb8;
	[tilespmem:$0x1D000] =	vst v63  }
0x92: {  	_ =	swait.ge [sflag:s24], $0x4000  }
0x93: {  	[sflag:s24] =	ssyncset.done $0x0  }
0x94: {  	s25 =	simm.s32 $0xB00;
	[sflag:s24] =	ssyncadd.s32 $0xFFFFC000  }
0x95: {  	[spmem:s2] =	stream.indirect.scatter.add.f32 [tilespmem:s16], [sflag:$0x5], $0x80, s25, s22, $0xb8;
	[tilespmem:$0x1D000] =	vst v63  }
0x96: {  	_ =	swait.ge [sflag:s17], $0x4000  }
0x97: {  	[sflag:s17] =	ssyncset.done $0x0  }
0x98: {  	[sflag:s17] =	ssyncadd.s32 $0xFFFFC000  }
0x99: {  	_ =	swait.ge [sflag:s13], $0x400  }
0x9a: {  	[sflag:s13] =	ssyncset.done $0x0  }
0x9b: {  	[sflag:s13] =	ssyncadd.s32 $0xFFFFFC00  }
0x9c: {  	_ =	swait.ge [sflag:s13], $0x400  }
0x9d: {  	[sflag:s13] =	ssyncset.done $0x0  }
0x9e: {  	[sflag:s13] =	ssyncadd.s32 $0xFFFFFC00  }
0x9f: {  	[tilespmem:s16], [sflag:$0x1] =	stream.indirect.gather [hbm4b:s1+s22], $0x80, s20, s22, $0xb8;
	[tilespmem:$0x1D000] =	vst v63  }
0xa0: {  	_ =	swait.ge [sflag:s26], $0x4000  }
0xa1: {  	[sflag:s26] =	ssyncset.done $0x0  }
0xa2: {  	s15 =	simm.s32 $0xB80;
	[sflag:s26] =	ssyncadd.s32 $0xFFFFC000  }
0xa3: {  	[spmem:s2] =	stream.indirect.scatter.add.f32 [tilespmem:s23], [sflag:$0x5], $0x80, s15, s22, $0xb8;
	[tilespmem:$0x1D000] =	vst v63  }
0xa4: {  	p1 =	seq.s32 s14, $0x900;
	_ =	swait.ge [sflag:s17], $0x4000  }
0xa5: {  	s15 =	sadd.s32 @!p1 s14, s6;
	[sflag:s17] =	ssyncset.done $0x0  }
0xa6: {  	s5 =	simm.s32 @!p1 $0x0;
	s15 =	sadd.s32 @!p1 $0x100, s15;
	[sflag:s17] =	ssyncadd.s32 $0xFFFFC000  }
0xa7: {  	[tilespmem:s5], [sflag:$0x3] =	stream.linear.gather @!p1 [hbm4b:s15+s5], $0x400, $0x38;
	[tilespmem:$0x1D000] =	vst v63  }
0xa8: {  	s15 =	sadd.s32 @!p1 s14, s7  }
0xa9: {  	s25 =	simm.s32 @!p1 $0x800;
	s15 =	sadd.s32 @!p1 $0x100, s15  }
0xaa: {  	[tilespmem:s25], [sflag:$0x3] =	stream.linear.gather @!p1 [hbm4b:s15+s5], $0x400, $0x38;
	[tilespmem:$0x1D000] =	vst v63  }
0xab: {  	s25 =	simm.s32 $0x480  }
0xac: {  	[tilespmem:s23], [sflag:$0x2] =	stream.indirect.gather [hbm4b:s1+s22], $0x80, s25, s22, $0xb8;
	[tilespmem:$0x1D000] =	vst v63  }
0xad: {  	_ =	swait.ge [sflag:s24], $0x4000  }
0xae: {  	[sflag:s24] =	ssyncset.done $0x0  }
0xaf: {  	[sflag:s24] =	ssyncadd.s32 $0xFFFFC000  }
0xb0: {  	[spmem:s2] =	stream.indirect.scatter.add.f32 [tilespmem:s16], [sflag:$0x5], $0x80, s21, s22, $0xb8;
	[tilespmem:$0x1D000] =	vst v63  }
0xb1: {  	_ =	swait.ge [sflag:s17], $0x4000  }
0xb2: {  	[sflag:s17] =	ssyncset.done $0x0  }
0xb3: {  	s15 =	simm.s32 $0x500;
	[sflag:s17] =	ssyncadd.s32 $0xFFFFC000  }
0xb4: {  	[tilespmem:s16], [sflag:$0x1] =	stream.indirect.gather [hbm4b:s1+s22], $0x80, s15, s22, $0xb8;
	[tilespmem:$0x1D000] =	vst v63  }
0xb5: {  	_ =	swait.ge [sflag:s26], $0x4000  }
0xb6: {  	[sflag:s26] =	ssyncset.done $0x0  }
0xb7: {  	s25 =	simm.s32 $0xC80;
	[sflag:s26] =	ssyncadd.s32 $0xFFFFC000  }
0xb8: {  	[spmem:s2] =	stream.indirect.scatter.add.f32 [tilespmem:s23], [sflag:$0x5], $0x80, s25, s22, $0xb8;
	[tilespmem:$0x1D000] =	vst v63  }
0xb9: {  	_ =	swait.ge [sflag:s17], $0x4000  }
0xba: {  	[sflag:s17] =	ssyncset.done $0x0  }
0xbb: {  	[sflag:s17] =	ssyncadd.s32 $0xFFFFC000  }
0xbc: {  	[tilespmem:s23], [sflag:$0x2] =	stream.indirect.gather [hbm4b:s1+s22], $0x80, s28, s22, $0xb8;
	[tilespmem:$0x1D000] =	vst v63  }
0xbd: {  	_ =	swait.ge [sflag:s24], $0x4000  }
0xbe: {  	[sflag:s24] =	ssyncset.done $0x0  }
0xbf: {  	[sflag:s24] =	ssyncadd.s32 $0xFFFFC000  }
0xc0: {  	[spmem:s2] =	stream.indirect.scatter.add.f32 [tilespmem:s16], [sflag:$0x5], $0x80, s29, s22, $0xb8;
	[tilespmem:$0x1D000] =	vst v63  }
0xc1: {  	_ =	swait.ge [sflag:s17], $0x4000  }
0xc2: {  	[sflag:s17] =	ssyncset.done $0x0  }
0xc3: {  	[sflag:s17] =	ssyncadd.s32 $0xFFFFC000  }
0xc4: {  	[tilespmem:s16], [sflag:$0x1] =	stream.indirect.gather [hbm4b:s1+s22], $0x80, s30, s22, $0xb8;
	[tilespmem:$0x1D000] =	vst v63  }
0xc5: {  	_ =	swait.ge [sflag:s26], $0x4000  }
0xc6: {  	[sflag:s26] =	ssyncset.done $0x0  }
0xc7: {  	[sflag:s26] =	ssyncadd.s32 $0xFFFFC000  }
0xc8: {  	[spmem:s2] =	stream.indirect.scatter.add.f32 [tilespmem:s23], [sflag:$0x5], $0x80, s31, s22, $0xb8;
	[tilespmem:$0x1D000] =	vst v63  }
0xc9: {  	_ =	swait.ge [sflag:s17], $0x4000  }
0xca: {  	[sflag:s17] =	ssyncset.done $0x0  }
0xcb: {  	[sflag:s17] =	ssyncadd.s32 $0xFFFFC000  }
0xcc: {  	[tilespmem:s23], [sflag:$0x2] =	stream.indirect.gather [hbm4b:s1+s22], $0x80, s0, s22, $0xb8;
	[tilespmem:$0x1D000] =	vst v63  }
0xcd: {  	_ =	swait.ge [sflag:s24], $0x4000  }
0xce: {  	[sflag:s24] =	ssyncset.done $0x0  }
0xcf: {  	[sflag:s24] =	ssyncadd.s32 $0xFFFFC000  }
0xd0: {  	[spmem:s2] =	stream.indirect.scatter.add.f32 [tilespmem:s16], [sflag:$0x5], $0x80, s8, s22, $0xb8;
	[tilespmem:$0x1D000] =	vst v63  }
0xd1: {  	_ =	swait.ge [sflag:s17], $0x4000  }
0xd2: {  	[sflag:s17] =	ssyncset.done $0x0  }
0xd3: {  	[sflag:s17] =	ssyncadd.s32 $0xFFFFC000  }
0xd4: {  	[tilespmem:s16], [sflag:$0x1] =	stream.indirect.gather [hbm4b:s1+s22], $0x80, s9, s22, $0xb8;
	[tilespmem:$0x1D000] =	vst v63  }
0xd5: {  	_ =	swait.ge [sflag:s26], $0x4000  }
0xd6: {  	[sflag:s26] =	ssyncset.done $0x0  }
0xd7: {  	[sflag:s26] =	ssyncadd.s32 $0xFFFFC000  }
0xd8: {  	[spmem:s2] =	stream.indirect.scatter.add.f32 [tilespmem:s23], [sflag:$0x5], $0x80, s3, s22, $0xb8;
	[tilespmem:$0x1D000] =	vst v63  }
0xd9: {  	_ =	swait.ge [sflag:s17], $0x4000  }
0xda: {  	[sflag:s17] =	ssyncset.done $0x0  }
0xdb: {  	[sflag:s17] =	ssyncadd.s32 $0xFFFFC000  }
0xdc: {  	[tilespmem:s23], [sflag:$0x2] =	stream.indirect.gather [hbm4b:s1+s22], $0x80, s10, s22, $0xb8;
	[tilespmem:$0x1D000] =	vst v63  }
0xdd: {  	_ =	swait.ge [sflag:s24], $0x4000  }
0xde: {  	p1 =	sne.s32 s14, $0x900;
	[sflag:s24] =	ssyncset.done $0x0  }
.Ltmp4:
0xdf: {  	[sflag:s24] =	ssyncadd.s32 $0xFFFFC000;
	(pc) =	sbr.rel @!p1 .LBB2_6-.Ltmp4, $4  }
0xe0: {  	[spmem:s2] =	stream.indirect.scatter.add.f32 [tilespmem:s16], [sflag:$0x5], $0x80, s11, s22, $0xb8;
	[tilespmem:$0x1D000] =	vst v63  }
0xe1: {  	_ =	swait.ge [sflag:s17], $0x4000  }
0xe2: {  	[sflag:s17] =	ssyncset.done $0x0  }
0xe3: {  	[sflag:s17] =	ssyncadd.s32 $0xFFFFC000  }
0xe4: {  	_ =	swait.ge [sflag:s19], $0x400  }
0xe5: {  	[sflag:s19] =	ssyncset.done $0x0  }
0xe6: {  	[sflag:s19] =	ssyncadd.s32 $0xFFFFFC00  }
0xe7: {  	_ =	swait.ge [sflag:s19], $0x400  }
0xe8: {  	[sflag:s19] =	ssyncset.done $0x0  }
0xe9: {  	[sflag:s19] =	ssyncadd.s32 $0xFFFFFC00  }
0xea: {  	[tilespmem:s16], [sflag:$0x1] =	stream.indirect.gather [hbm4b:s1+s22], $0x80, s4, s22, $0xb8;
	[tilespmem:$0x1D000] =	vst v63  }
0xeb: {  	_ =	swait.ge [sflag:s26], $0x4000  }
0xec: {  	[sflag:s26] =	ssyncset.done $0x0  }
0xed: {  	[sflag:s26] =	ssyncadd.s32 $0xFFFFC000  }
0xee: {  	[spmem:s2] =	stream.indirect.scatter.add.f32 [tilespmem:s23], [sflag:$0x5], $0x80, s18, s22, $0xb8;
	[tilespmem:$0x1D000] =	vst v63  }
0xef: {  	s5 =	sadd.s32 s14, s6;
	_ =	swait.ge [sflag:s17], $0x4000  }
0xf0: {  	s25 =	sadd.s32 s14, s7;
	s14 =	sadd.s32 $0x100, s14;
	[sflag:s17] =	ssyncset.done $0x0  }
0xf1: {  	p1 =	sne.s32 s14, $0xA00;
	[sflag:s17] =	ssyncadd.s32 $0xFFFFC000  }
0xf2: {  	[tilespmem:s23], [sflag:$0x2] =	stream.indirect.gather [hbm4b:s1+s22], $0x80, s22, s22, $0xb8;
	[tilespmem:$0x1D000] =	vst v63  }
.Ltmp5:
0xf3: {  	_ = 	snop;
	(pc) =	sbr.rel @p1 .LBB2_5-.Ltmp5, $4  }
.Ltmp6:
0xf4: {  	s5 =	sadd.s32 $0x180, s5;
	(pc) =	sbr.rel @!p1 .LBB2_8-.Ltmp6, $4  }
0xf5: {  	[tilespmem:s20], [sflag:$0x4] =	stream.linear.gather [hbm4b:s5+s4], $0x400, $0x38;
	[tilespmem:$0x1D000] =	vst v63  }
0xf6: {  	s5 =	sadd.s32 $0x180, s25  }
0xf7: {  	[tilespmem:s21], [sflag:$0x4] =	stream.linear.gather [hbm4b:s5+s4], $0x400, $0x38;
	[tilespmem:$0x1D000] =	vst v63  }
0xf8: {  	_ = 	snop  }
.LBB2_9:
0xf9: {  	_ =	sfence.sel $0x180000  }
0xfa: {  	[bflag:$0x0] =	sbarrier.arrive $0xFFFF  }
0xfb: {  	_ =	strace $0x9000004D  }
0xfc: {  	s0 =	stileid.u32;
	[bflag:$0x2] =	sbarrier.arrive $0xFFFF  }
0xfd: {  	p0 =	sne.s32 s0, $0x0;
	s0 =	rddreg [dreg:$0x3]  }
0xfe: {  	s0 =	sadd.s32 @!p0 $0x100000, s0  }
0xff: {  	[sflag:s0] =	ssyncadd.tile.s32 @!p0 $0x1;
	_ =	shalt  }
.Lfunc_end2:
_tile_overlayer_lowered:
.L_overlay_start_2:
0x100: {  	(tag) =	ssettag $0x2  }
0x101: {  	s0 =	rddreg [dreg:$0x0];
	s2 =	stileid.u32  }
0x102: {  	s1 =	rddreg [dreg:$0x1];
	p0 =	sne.s32 s2, $0x0  }
0x103: {  	s3 =	rddreg [dreg:$0x2];
	[bflag:$0x3] =	sbarrier.arrive $0xFFFF;
	s2 =	simm.s32 @!p0 $0x1C05  }
0x104: {  	[timem:s3], [sflag:s2] =	dma.local @!p0 [hbm:s0], s1  }
0x105: {  	s0 =	simm.s32 @!p0 $0x5  }
0x106: {  	_ =	swait.ge @!p0 [sflag:s0], s1  }
0x107: {  	s1 =	ssub.s32 @!p0 $0x0, s1;
	[sflag:s0] =	ssyncset.done @!p0 $0x0  }
0x108: {  	[sflag:s0] =	ssyncadd.s32 @!p0 s1  }
0x109: {  	[bflag:$0x3] =	sbarrier.arrive $0xFFFF  }
0x10a: {  	_ =	shalt  }

// kernel: kernel.8.cloned.1.call-start
scs
__scs_entry_jumppad:
0x0: {  	(pc) =	sbr.rel $0x88, $3  }
0x1: {  	(tag) =	ssettag $0x0;
	lr =	simm.s32 $0x1  }
0x2: {  	[smem:$0x3F9B] =	sst lr;
	_ =	strace $0xD0000000  }
0x3: {  	_ = 	snop  }
0x4: {  	_ = 	snop  }
0x5: {  	_ = 	snop  }
0x6: {  	_ = 	snop  }
0x7: {  	_ = 	snop  }
__scs_overlays_trampoline_lowered:
0x8: {  	[smem:$0x3FAA] =	sst s0  }
0x9: {  	[smem:$0x3FAB] =	sst s1  }
0xa: {  	[smem:$0x3FAC] =	sst s2  }
0xb: {  	[smem:$0x3FAD] =	sst s3  }
0xc: {  	[smem:$0x3FAE] =	sst s4  }
0xd: {  	[smem:$0x3FAF] =	sst s5  }
0xe: {  	[smem:$0x3FB0] =	sst s6  }
0xf: {  	[smem:$0x3FB1] =	sst s7  }
0x10: {  	[smem:$0x3FB2] =	sst s8  }
0x11: {  	[smem:$0x3FB3] =	sst s9;
	s0 =	simm.s32 @!p0 $0x0  }
0x12: {  	s1 =	sld [smem:$0x3F99];
	s0 =	simm.s32 @p0 $0x1  }
0x13: {  	[smem:$0x3FB4] =	sst s0;
	s0 =	simm.s32 @!p1 $0x0  }
0x14: {  	s2 =	sld [smem:$0x3F98];
	s0 =	simm.s32 @p1 $0x1  }
0x15: {  	[smem:$0x3FB5] =	sst s0;
	s0 =	simm.s32 @!p2 $0x0  }
0x16: {  	s3 =	sld [smem:$0x3FDB];
	s0 =	simm.s32 @p2 $0x1  }
0x17: {  	s4 =	simm.s32 $0x1BF5;
	[smem:$0x3FB7] =	sst s0  }
0x18: {  	s0 =	sld [smem:$0x3F9A];
	_ =	swait.ge [sflag:s4], $0x0  }
0x19: {  	s7 =	sld [smem:$0x3F9B]  }
0x1a: {  	s8 =	sadd.s32 $0xFFFFE003, lr  }
0x1b: {  	s9 =	sadd.s32 $0xFFFFFEF7, lr;
	s5 =	simm.s32 $0xFFFFFFFF;
	p2 =	slt.u32 s8, $0xFFFFF086  }
0x1c: {  	p1 =	slt.u32 s9, $0xF7A;
	s5 =	simm.s32 @!p2 $0x0  }
0x1d: {  	s5 =	simm.s32 @p1 $0x1;
	p0 =	seq.s32 s7, s2  }
0x1e: {  	s7 =	smul.u32 @!p0 $0xF7A, s2;
	p2 =	seq.s32 @!p0 s5, $0x0  }
0x1f: {  	s9 =	smul.u32 $0xF7A, s1;
	s8 =	simm.s32 @!p0 $0x1BF5;
	p2 =	por !p2, p0  }
0x20: {  	[sflag:s8] =	ssyncset.s32 @!p0 $0xFFFFF086;
	s6 =	sadd.s32 @!p0 s3, s7;
	s7 =	simm.s32 @!p0 $0x108  }
0x21: {  	s3 =	sadd.s32 s3, s9;
	s6 =	sadd.s32 @!p0 $0x88, s6;
	s7 =	simm.s32 @p2 $0x1082  }
0x22: {  	[simem:s7], [sflag:s8] =	dma.local @!p0 [hbm:s6], $0xF7A  }
0x23: {  	s9 =	sor.u32 $0xD0000000, s2;
	s6 =	simm.s32 $0x108;
	_ =	swait.ge @!p0 [sflag:s8], $0x0  }
0x24: {  	s3 =	sadd.s32 $0x88, s3;
	s6 =	simm.s32 @!p1 $0x1082;
	[sflag:s4] =	ssyncset.s32 $0xFFFFF086  }
0x25: {  	[simem:s6], [sflag:s4] =	dma.local [hbm:s3], $0xF7A  }
0x26: {  	[smem:$0x3F9B] =	sst s1;
	(tag) =	ssettag s2;
	_ =	strace s9  }
0x27: {  	s1 =	sld [smem:$0x3FAB]  }
0x28: {  	s2 =	sld [smem:$0x3FAC]  }
0x29: {  	s4 =	sld [smem:$0x3FAE]  }
0x2a: {  	p0 =	seq.s32 s5, $0x0;
	s5 =	sld [smem:$0x3FAF]  }
0x2b: {  	s6 =	sld [smem:$0x3FB0]  }
0x2c: {  	s7 =	sld [smem:$0x3FB1]  }
0x2d: {  	s3 =	simm.s32 $0x108;
	s8 =	sld [smem:$0x3FB2]  }
0x2e: {  	s3 =	simm.s32 @!p0 $0x1082;
	s9 =	sld [smem:$0x3FB3]  }
0x2f: {  	lr =	sadd.s32 s0, s3;
	s0 =	sld [smem:$0x3FAA]  }
0x30: {  	s3 =	sld [smem:$0x3FAD]  }
0x31: {  	[smem:$0x3FB6] =	sst s10  }
0x32: {  	s10 =	sld [smem:$0x3FB4];
	_ =	sdelay $0x3  }
0x33: {  	p0 =	seq.s32 s10, $0x1;
	s10 =	sld [smem:$0x3FB6];
	_ =	sdelay $0x3  }
0x34: {  	[smem:$0x3FB6] =	sst s10  }
0x35: {  	s10 =	sld [smem:$0x3FB5];
	_ =	sdelay $0x3  }
0x36: {  	p1 =	seq.s32 s10, $0x1;
	s10 =	sld [smem:$0x3FB6];
	_ =	sdelay $0x3  }
0x37: {  	[smem:$0x3FB6] =	sst s10  }
0x38: {  	s10 =	sld [smem:$0x3FB7]  }
0x39: {  	_ = 	snop;
	(pc) =	sbr.ind lr, $3  }
0x3a: {  	_ = 	snop  }
0x3b: {  	_ = 	snop  }
0x3c: {  	p2 =	seq.s32 s10, $0x1;
	s10 =	sld [smem:$0x3FB6]  }
0x3d: {  	_ =	shalt  }
0x3e: {  	_ =	shalt  }
0x3f: {  	_ =	shalt  }
0x40: {  	_ =	shalt  }
0x41: {  	_ =	shalt  }
0x42: {  	_ =	shalt  }
0x43: {  	_ =	shalt  }
0x44: {  	_ =	shalt  }
0x45: {  	_ =	shalt  }
0x46: {  	_ =	shalt  }
0x47: {  	_ =	shalt  }
0x48: {  	_ =	shalt  }
0x49: {  	_ =	shalt  }
0x4a: {  	_ =	shalt  }
0x4b: {  	_ =	shalt  }
0x4c: {  	_ =	shalt  }
0x4d: {  	_ =	shalt  }
0x4e: {  	_ =	shalt  }
0x4f: {  	_ =	shalt  }
0x50: {  	_ =	shalt  }
0x51: {  	_ =	shalt  }
0x52: {  	_ =	shalt  }
0x53: {  	_ =	shalt  }
0x54: {  	_ =	shalt  }
0x55: {  	_ =	shalt  }
0x56: {  	_ =	shalt  }
0x57: {  	_ =	shalt  }
0x58: {  	_ =	shalt  }
0x59: {  	_ =	shalt  }
0x5a: {  	_ =	shalt  }
0x5b: {  	_ =	shalt  }
0x5c: {  	_ =	shalt  }
0x5d: {  	_ =	shalt  }
0x5e: {  	_ =	shalt  }
0x5f: {  	_ =	shalt  }
0x60: {  	_ =	shalt  }
0x61: {  	_ =	shalt  }
0x62: {  	_ =	shalt  }
0x63: {  	_ =	shalt  }
0x64: {  	_ =	shalt  }
0x65: {  	_ =	shalt  }
0x66: {  	_ =	shalt  }
0x67: {  	_ =	shalt  }
0x68: {  	_ =	shalt  }
0x69: {  	_ =	shalt  }
0x6a: {  	_ =	shalt  }
0x6b: {  	_ =	shalt  }
0x6c: {  	_ =	shalt  }
0x6d: {  	_ =	shalt  }
0x6e: {  	_ =	shalt  }
0x6f: {  	_ =	shalt  }
0x70: {  	_ =	shalt  }
0x71: {  	_ =	shalt  }
0x72: {  	_ =	shalt  }
0x73: {  	_ =	shalt  }
0x74: {  	_ =	shalt  }
0x75: {  	_ =	shalt  }
0x76: {  	_ =	shalt  }
0x77: {  	_ =	shalt  }
0x78: {  	_ =	shalt  }
0x79: {  	_ =	shalt  }
0x7a: {  	_ =	shalt  }
0x7b: {  	_ =	shalt  }
0x7c: {  	_ =	shalt  }
0x7d: {  	_ =	shalt  }
0x7e: {  	_ =	shalt  }
0x7f: {  	_ =	shalt  }
0x80: {  	_ =	shalt  }
0x81: {  	_ =	shalt  }
0x82: {  	_ =	shalt  }
0x83: {  	_ =	shalt  }
0x84: {  	_ =	shalt  }
0x85: {  	_ =	shalt  }
0x86: {  	_ =	shalt  }
0x87: {  	_ =	shalt  }
.Lfunc_end0:
.L_simem_size_0:
called_computation_lowered:
.L_overlay_start_0:
0x88: {  	s2 =	sld [smem:$0x3FD9]  }
0x89: {  	s3 =	sld [smem:$0x3FFE];
	_ =	sdelay $0x1  }
0x8a: {  	s1 =	srdreg.scid  }
0x8b: {  	s0 =	sand.u32 $0x1, s1  }
0x8c: {  	s16 =	sshll.u32 s0, $0xA;
	s2 =	sadd.s32 s3, s2  }
0x8d: {  	s2 =	sadd.s32 s2, s16  }
0x8e: {  	[smem:$0x3FC2] =	sst s2  }
0x8f: {  	_ = 	snop  }
0x90: {  	(tm) =	ssettm $0x1  }
0x91: {  	s17 =	sld [smem:$0x3FFB];
	_ =	sdelay $0x3  }
0x92: {  	_ =	strace s17  }
0x93: {  	s2 =	sld [smem:$0x3FFC];
	_ =	sdelay $0x3  }
0x94: {  	_ =	strace s2  }
0x95: {  	s2 =	sld [smem:$0x3FFD];
	_ =	sdelay $0x3  }
0x96: {  	_ =	strace s2  }
0x97: {  	_ =	strace $0x8FFFFFFF  }
0x98: {  	s18 =	sld [smem:$0x3FDB];
	_ =	sdelay $0x1  }
0x99: {  	s19 =	simm.s32 $_scs_section_size  }
0x9a: {  	s4 =	simm.s32 $_size__tile_overlayer_lowered;
	s5 =	simm.s32 $_tile_overlayer_lowered  }
0x9b: {  	s22 =	simm.s32 $0x1BFF;
	s21 =	sshll.u32 s5, $0x1;
	s2 =	sadd.s32 s19, s18  }
0x9c: {  	s6 =	simm.s32 $0x0;
	s20 =	sshll.u32 s4, $0x1;
	s4 =	sadd.s32 s21, s2  }
0x9d: {  	[timem:s6], [sflag:s22] =	dma.local [hbm:s4], s20  }
0x9e: {  	_ =	swait.ge [sflag:s22], s20  }
0x9f: {  	s3 =	ssub.s32 $0x0, s20;
	[sflag:s22] =	ssyncset.done $0x0  }
0xa0: {  	[sflag:s22] =	ssyncadd.s32 s3;
	_ =	sdelay $0x1  }
0xa1: {  	s23 =	simm.s32 $0x1B8B  }
0xa2: {  	_ =	swait.ge [sflag:s23], $0x1  }
0xa3: {  	[sflag:s23] =	ssyncset.done $0x0  }
0xa4: {  	s25 =	simm.s32 $0x1B8E;
	s24 =	sld [smem:$0x3FFE];
	[sflag:s23] =	ssyncadd.s32 $0xFFFFFFFF  }
0xa5: {  	s26 =	simm.s32 $execute0_lowered;
	[smem:$0x3FD2] =	sst s25  }
0xa6: {  	s4 =	sshll.u32 s26, $0x1;
	_ =	strace $0x80000046;
	[dreg:$0x1] =	wrdreg $0xFFFFFFFF  }
0xa7: {  	s28 =	simm.s32 $_size_execute0_lowered;
	s2 =	sadd.s32 s2, s4;
	[dreg:$0x0] =	wrdreg $0x0  }
0xa8: {  	s4 =	sshll.u32 s28, $0x1;
	[dreg:$0x2] =	wrdreg s2  }
0xa9: {  	[dreg:$0x3] =	wrdreg s4  }
0xaa: {  	[dreg:$0x4] =	wrdreg $0xC0  }
0xab: {  	_ =	task [dreg:s6], $0x5FFFF  }
0xac: {  	[dreg:$0x1] =	wrdreg $0xFFFFFFFF  }
0xad: {  	[dreg:$0x0] =	wrdreg $0x60  }
0xae: {  	[dreg:$0x2] =	wrdreg s24  }
0xaf: {  	[dreg:$0x3] =	wrdreg $0x88000  }
0xb0: {  	[dreg:$0x4] =	wrdreg $0x9  }
0xb1: {  	_ =	task.clear_ibuf [dreg:s6], $0x5FFFF;
	_ =	strace $0x90000046  }
0xb2: {  	s29 =	simm.s32 $0x9;
	_ =	strace $0x80000048  }
0xb3: {  	_ =	swait.ge [sflag:s29], $0x1  }
0xb4: {  	[sflag:s29] =	ssyncadd.s32 $0xFFFFFFFF  }
0xb5: {  	_ =	strace $0x90000048  }
0xb6: {  	_ =	sfence  }
0xb7: {  	s30 =	sld [smem:$0x0];
	_ =	sdelay $0x2  }
0xb8: {  	s31 =	sshll.u32 s1, $0xD;
	s1 =	sshrl.u32 s1, $0x2  }
0xb9: {  	s3 =	sand.u32 $0x4000, s31;
	s1 =	sadd.s32 s1, s30  }
0xba: {  	s0 =	sor.u32 s3, s0;
	s1 =	sshll.u32 s1, $0x11  }
0xbb: {  	s0 =	sor.u32 s1, s0  }
0xbc: {  	s0 =	sadd.s32 $0x8F2B, s0  }
0xbd: {  	[sflag:s0] =	ssyncadd.remote.s32 $0x1  }
0xbe: {  	_ =	sfence.sel $0xFFFF  }
0xbf: {  	[dreg:$0x0] =	wrdreg $0xFFFFFFFF;
	(pc) =	sbr.abs _section_cstart, $3  }
0xc0: {  	[dreg:$0x1] =	wrdreg $0xFFFFFFFF  }
0xc1: {  	_ =	task.clear_ibuf [dreg:s6], $0x2FFFF;
	_ =	strace $0x9FFFFFFF  }
0xc2: {  	(tm) =	ssettm $0x7FFFFFFF  }
0xc3: {  	_ =	shalt  }
tec
execute0_lowered:
.L_overlay_start_1:
0x0: {  	(tag) =	ssettag $0x1  }
0x1: {  	s4 =	rddreg [dreg:$0x0]  }
0x2: {  	s2 =	rddreg [dreg:$0x1]  }
0x3: {  	s1 =	srdreg.scid;
	s0 =	rddreg [dreg:$0x2]  }
0x4: {  	s3 =	simm.s32 $0x0;
	s17 =	simm.s32 $0x6800;
	s18 =	simm.s32 $0x1  }
0x5: {  	s19 =	simm.s32 $0x80;
	s5 =	sand.u32 $0x1, s1;
	s1 =	stileid.u32  }
0x6: {  	s20 =	simm.s32 $0x2800;
	[smem:$0x7FF] =	sst s3;
	s7 =	smul.u32 $0x140000, s5  }
0x7: {  	s6 =	sshll.u32 s5, $0x4;
	s8 =	smul.u32 $0x14000, s1;
	_ =	strace $0x80000047  }
0x8: {  	s30 =	smul.u32 $0x50000, s1;
	s5 =	ssub.s32 $0x2, s5;
	s6 =	sor.u32 s1, s6  }
0x9: {  	s31 =	sshrl.u32 s5, $0x1;
	s6 =	smul.u32 $0x500, s6;
	s7 =	sadd.s32 s8, s7  }
0xa: {  	s8 =	sshrl.u32 s30, $0x2;
	s9 =	ssub.s32 s5, s31;
	s7 =	sshrl.u32 s7, $0x3  }
0xb: {  	s6 =	sadd.s32 s6, s4;
	s7 =	sadd.s32 s7, s4;
	s4 =	sadd.s32 s8, s2  }
0xc: {  	s5 =	sadd.s32 $0x2A00, s6;
	s6 =	sadd.s32 $0x16A00, s7;
	s7 =	smax.u32 s9, $0x1  }
0xd: {  	s8 =	sadd.s32 $0x2000, s4;
	s9 =	sadd.s32 $0x4000, s4;
	s10 =	sadd.s32 $0x6000, s4  }
0xe: {  	v0 =	vimm.f32 $0.0e+00;
	vm0 =	vcmask $0x300;
	s11 =	sadd.s32 $0x8000, s4;
	s12 =	sadd.s32 $0xA000, s4;
	s13 =	sadd.s32 $0xC000, s4  }
0xf: {  	v1 =	vsel vm0, $0x3F800000, v0;
	s14 =	sadd.s32 $0xE000, s4;
	s15 =	sadd.s32 $0x10000, s4;
	s16 =	sadd.s32 $0x12000, s4  }
.LBB2_1:
0x10: {  	s21 =	simm.s32 $0x0  }
.LBB2_2:
0x11: {  	p0 =	sne.s32 s21, $0xFE00  }
.Ltmp0:
0x12: {  	_ = 	snop;
	(pc) =	sbr.rel @p0 .LBB2_2-.Ltmp0, $3  }
0x13: {  	_ =	sdelay $0x1  }
0x14: {  	s22 =	sshra.s32 s21, $0x2  }
0x15: {  	s21 =	sadd.s32 $0x200, s21;
	[tilespmem:s22+$0x2800] =	vst v1  }
0x16: {  	s21 =	simm.s32 $0x200;
	s22 =	simm.s32 $0x0  }
.LBB2_4:
0x17: {  	p0 =	sne.s32 s21, $0x7E00;
	[tilespmem:s22+$0x6800] =	vst v0;
	s22 =	smov.u32 s21;
	s21 =	sadd.s32 $0x200, s21  }
.Ltmp1:
0x18: {  	(pc) =	sbr.rel @p0 .LBB2_4-.Ltmp1, $2  }
0x19: {  	_ =	sdelay $0x2  }
0x1a: {  	s22 =	sshra.s32 s22, $0x2  }
0x1b: {  	[tilespmem:s22+$0x6800] =	vst v0  }
0x1c: {  	[spmem:s4] =	stream.linear.scatter [tilespmem:s17], [sflag:$0x1], $0x2000, $0x38;
	[tilespmem:$0xB000] =	vst v63  }
0x1d: {  	_ =	swait.ge [sflag:s18], $0x2000  }
0x1e: {  	[sflag:s18] =	ssyncset.done $0x0  }
0x1f: {  	[sflag:s18] =	ssyncadd.s32 $0xFFFFE000  }
0x20: {  	[spmem:s8] =	stream.linear.scatter [tilespmem:s17], [sflag:$0x1], $0x2000, $0x38;
	[tilespmem:$0xB000] =	vst v63  }
0x21: {  	_ =	swait.ge [sflag:s18], $0x2000  }
0x22: {  	[sflag:s18] =	ssyncset.done $0x0  }
0x23: {  	[sflag:s18] =	ssyncadd.s32 $0xFFFFE000  }
0x24: {  	[spmem:s9] =	stream.linear.scatter [tilespmem:s17], [sflag:$0x1], $0x2000, $0x38;
	[tilespmem:$0xB000] =	vst v63  }
0x25: {  	_ =	swait.ge [sflag:s18], $0x2000  }
0x26: {  	[sflag:s18] =	ssyncset.done $0x0  }
0x27: {  	[sflag:s18] =	ssyncadd.s32 $0xFFFFE000  }
0x28: {  	[spmem:s10] =	stream.linear.scatter [tilespmem:s17], [sflag:$0x1], $0x2000, $0x38;
	[tilespmem:$0xB000] =	vst v63  }
0x29: {  	_ =	swait.ge [sflag:s18], $0x2000  }
0x2a: {  	[sflag:s18] =	ssyncset.done $0x0  }
0x2b: {  	[sflag:s18] =	ssyncadd.s32 $0xFFFFE000  }
0x2c: {  	[spmem:s11] =	stream.linear.scatter [tilespmem:s17], [sflag:$0x1], $0x2000, $0x38;
	[tilespmem:$0xB000] =	vst v63  }
0x2d: {  	_ =	swait.ge [sflag:s18], $0x2000  }
0x2e: {  	[sflag:s18] =	ssyncset.done $0x0  }
0x2f: {  	[sflag:s18] =	ssyncadd.s32 $0xFFFFE000  }
0x30: {  	[spmem:s12] =	stream.linear.scatter [tilespmem:s17], [sflag:$0x1], $0x2000, $0x38;
	[tilespmem:$0xB000] =	vst v63  }
0x31: {  	_ =	swait.ge [sflag:s18], $0x2000  }
0x32: {  	[sflag:s18] =	ssyncset.done $0x0  }
0x33: {  	[sflag:s18] =	ssyncadd.s32 $0xFFFFE000  }
0x34: {  	[spmem:s13] =	stream.linear.scatter [tilespmem:s17], [sflag:$0x1], $0x2000, $0x38;
	[tilespmem:$0xB000] =	vst v63  }
0x35: {  	_ =	swait.ge [sflag:s18], $0x2000  }
0x36: {  	[sflag:s18] =	ssyncset.done $0x0  }
0x37: {  	[sflag:s18] =	ssyncadd.s32 $0xFFFFE000  }
0x38: {  	[spmem:s14] =	stream.linear.scatter [tilespmem:s17], [sflag:$0x1], $0x2000, $0x38;
	[tilespmem:$0xB000] =	vst v63  }
0x39: {  	_ =	swait.ge [sflag:s18], $0x2000  }
0x3a: {  	[sflag:s18] =	ssyncset.done $0x0  }
0x3b: {  	[sflag:s18] =	ssyncadd.s32 $0xFFFFE000  }
0x3c: {  	[spmem:s15] =	stream.linear.scatter [tilespmem:s17], [sflag:$0x1], $0x2000, $0x38;
	[tilespmem:$0xB000] =	vst v63  }
0x3d: {  	_ =	swait.ge [sflag:s18], $0x2000  }
0x3e: {  	[sflag:s18] =	ssyncset.done $0x0  }
0x3f: {  	[sflag:s18] =	ssyncadd.s32 $0xFFFFE000  }
0x40: {  	[spmem:s16] =	stream.linear.scatter [tilespmem:s17], [sflag:$0x1], $0x2000, $0x38;
	[tilespmem:$0xB000] =	vst v63  }
0x41: {  	_ =	swait.ge [sflag:s18], $0x2000  }
0x42: {  	[sflag:s18] =	ssyncset.done $0x0  }
0x43: {  	[sflag:s18] =	ssyncadd.s32 $0xFFFFE000  }
0x44: {  	s21 =	simm.s32 $0x0;
	[bflag:$0x0] =	sbarrier.arrive $0xFFFF  }
0x45: {  	[tilespmem:s21], [sflag:$0x1] =	stream.linear.gather [hbm4b:s5+s21], $0x2800, $0x38;
	[tilespmem:$0xB000] =	vst v63  }
0x46: {  	_ =	swait.ge [sflag:s18], $0x2800  }
0x47: {  	[sflag:s18] =	ssyncset.done $0x0  }
0x48: {  	s31 =	simm.s32 $0x0;
	[sflag:s18] =	ssyncadd.s32 $0xFFFFD800  }
0x49: {  	[spmem:s2] =	stream.indirect.scatter.add.f32 [tilespmem:s20], [sflag:$0x1], $0x10, s31, s19, $0xb8;
	[tilespmem:$0xB000] =	vst v63  }
0x4a: {  	_ =	swait.ge [sflag:s18], $0x800  }
0x4b: {  	s21 =	simm.s32 $0x200;
	[sflag:s18] =	ssyncset.done $0x0  }
.LBB2_6:
0x4c: {  	s22 =	sshra.s32 s21, $0x2;
	[sflag:s18] =	ssyncadd.s32 $0xFFFFF800;
	p0 =	sne.s32 s21, $0x9E00  }
0x4d: {  	[spmem:s2] =	stream.indirect.scatter.add.f32 [tilespmem:s20], [sflag:$0x1], $0x10, s22, s19, $0xb8;
	[tilespmem:$0xB000] =	vst v63  }
.Ltmp2:
0x4e: {  	_ = 	snop;
	(pc) =	sbr.rel @p0 .LBB2_6-.Ltmp2, $4  }
0x4f: {  	_ = 	snop  }
0x50: {  	s21 =	sadd.s32 $0x200, s21  }
0x51: {  	_ =	swait.ge [sflag:s18], $0x800  }
0x52: {  	[sflag:s18] =	ssyncset.done $0x0  }
0x53: {  	[sflag:s18] =	ssyncadd.s32 $0xFFFFF800;
	s3 =	sadd.s32 $0x1, s3  }
0x54: {  	s21 =	sshll.u32 s1, $0x6;
	s22 =	sshrl.u32 s4, $0x3;
	p0 =	sne.s32 s3, s7  }
.Ltmp3:
0x55: {  	[bflag:$0x0] =	sbarrier.arrive $0xFFFF;
	s21 =	sor.u32 $0x1C01, s21;
	(pc) =	sbr.rel @p0 .LBB2_1-.Ltmp3, $4  }
0x56: {  	[hbm:s6], [sflag:s21] =	dma.local [spmem:s22], $0x2800  }
0x57: {  	_ =	swait.ge [sflag:s18], $0x2800  }
0x58: {  	[sflag:s18] =	ssyncset.done $0x0  }
0x59: {  	[sflag:s18] =	ssyncadd.s32 $0xFFFFD800  }
0x5a: {  	_ =	sfence.sel $0x180000  }
0x5b: {  	[bflag:$0x0] =	sbarrier.arrive $0xFFFF  }
0x5c: {  	p0 =	sne.s32 s1, $0x0;
	_ =	strace $0x90000047  }
0x5d: {  	s0 =	sadd.s32 @!p0 $0x100000, s0;
	[bflag:$0x2] =	sbarrier.arrive $0xFFFF  }
0x5e: {  	[sflag:s0] =	ssyncadd.tile.s32 @!p0 $0x1;
	_ =	shalt  }
.Lfunc_end2:
_tile_overlayer_lowered:
.L_overlay_start_2:
0x5f: {  	(tag) =	ssettag $0x2  }
0x60: {  	s0 =	rddreg [dreg:$0x0];
	s2 =	stileid.u32  }
0x61: {  	s1 =	rddreg [dreg:$0x1];
	p0 =	sne.s32 s2, $0x0  }
0x62: {  	s3 =	rddreg [dreg:$0x2];
	[bflag:$0x3] =	sbarrier.arrive $0xFFFF;
	s2 =	simm.s32 @!p0 $0x1C01  }
0x63: {  	[timem:s3], [sflag:s2] =	dma.local @!p0 [hbm:s0], s1  }
0x64: {  	s0 =	simm.s32 @!p0 $0x1  }
0x65: {  	_ =	swait.ge @!p0 [sflag:s0], s1  }
0x66: {  	s1 =	ssub.s32 @!p0 $0x0, s1;
	[sflag:s0] =	ssyncset.done @!p0 $0x0  }
0x67: {  	[sflag:s0] =	ssyncadd.s32 @!p0 s1  }
0x68: {  	[bflag:$0x3] =	sbarrier.arrive $0xFFFF  }
0x69: {  	_ =	shalt  }

</sc_bundles>
